<compile_context>
chip_gen: v7x
topology: tpu7x:2x2x1
jax: 0.10.2.dev20260603
libtpu: 0.0.44.dev20260713+nightly
codegen_flags: <defaults>
</compile_context>

<pallas_src>
import jax
import jax.numpy as jnp
from jax import lax
from jax.experimental import pallas as pl
from jax.experimental.pallas import tpu as pltpu
from jax.experimental.pallas import tpu_sc as plsc

N_NODES = 10000
N_EDGES = 320000
EH = N_EDGES // 2
D = 128
DW = D // 2
DE = 16
LANES = 16

NC = 2
NS = 16
NW = NC * NS
EPR = EH // NW
CH = 40
NCH = EPR // CH

_SC_MESH = plsc.VectorSubcoreMesh(
    core_axis_name="c", subcore_axis_name="s", num_cores=NC, num_subcores=NS)


def _pack_bf16_halves(y):
    yb = y.astype(jnp.bfloat16)
    lo = lax.bitcast_convert_type(yb[:, :DW], jnp.uint16).astype(jnp.uint32)
    hi = lax.bitcast_convert_type(yb[:, DW:], jnp.uint16).astype(jnp.uint32)
    return lax.bitcast_convert_type(lo | (hi << 16), jnp.int32)


def _tables_body(x_ref, ws_ref, wr_ref, xs_ref, xr_ref):
    xs_ref[...] = _pack_bf16_halves(
        jnp.dot(x_ref[...], ws_ref[...], preferred_element_type=jnp.float32))
    xr_ref[...] = _pack_bf16_halves(
        jnp.dot(x_ref[...], wr_ref[...], preferred_element_type=jnp.float32))


def _combine_body(g_ref, ea_ref, we_ref, b_ref, o_ref):
    mm = (jnp.dot(ea_ref[...], we_ref[...], preferred_element_type=jnp.float32)
          + b_ref[...])
    g = g_ref[...]

    @pl.when(pl.program_id(1) == 0)
    def _():
        o_ref[...] = lax.bitcast_convert_type(
            lax.shift_left(g, 16), jnp.float32) + mm

    @pl.when(pl.program_id(1) == 1)
    def _():
        o_ref[...] = lax.bitcast_convert_type(
            g & jnp.int32(-65536), jnp.float32) + mm


def _gather_sum_body(xs_hbm, xr_hbm, sidx_hbm, ridx_hbm, out_hbm,
                     sidx_v, ridx_v,
                     al0, al1, bl0, bl1, o0, o1,
                     sg0, sg1, so0, so1):
    wid = lax.axis_index("s") * NC + lax.axis_index("c")
    base = wid * EPR
    pltpu.sync_copy(sidx_hbm.at[0, wid], sidx_v.at[:, pl.ds(0, CH)])
    pltpu.sync_copy(sidx_hbm.at[1, wid], sidx_v.at[:, pl.ds(CH, CH)])
    pltpu.sync_copy(ridx_hbm.at[0, wid], ridx_v.at[:, pl.ds(0, CH)])
    pltpu.sync_copy(ridx_hbm.at[1, wid], ridx_v.at[:, pl.ds(CH, CH)])

    a = (al0, al1)
    b = (bl0, bl1)
    o = (o0, o1)
    sg = (sg0, sg1)
    so = (so0, so1)

    def gather(c, k):
        pltpu.async_copy(xs_hbm.at[sidx_v.at[c]], a[k], sg[k])
        pltpu.async_copy(xr_hbm.at[ridx_v.at[c]], b[k], sg[k])

    def wait_gather(k):
        pltpu.make_async_copy(xs_hbm.at[pl.ds(0, 2 * CH)], a[k], sg[k]).wait()
        pltpu.make_async_copy(xr_hbm.at[pl.ds(0, 2 * CH)], b[k], sg[k]).wait()

    def wait_write(k):
        pltpu.make_async_copy(o[k], out_hbm.at[pl.ds(0, CH)], so[k]).wait()

    gather(0, 0)
    gather(1, 1)

    def process(c, k):
        wait_gather(k)

        @pl.when(c >= 2)
        def _():
            wait_write(k)

        def row_body(i, carry2):
            for j in range(DW // LANES):
                sl = pl.ds(j * LANES, LANES)
                a0 = plsc.unpack(plsc.bitcast(a[k][i, sl], jnp.bfloat16),
                                 format=plsc.PackFormat.INTERLEAVED)
                b0 = plsc.unpack(plsc.bitcast(b[k][i, sl], jnp.bfloat16),
                                 format=plsc.PackFormat.INTERLEAVED)
                a1 = plsc.unpack(plsc.bitcast(a[k][CH + i, sl], jnp.bfloat16),
                                 format=plsc.PackFormat.INTERLEAVED)
                b1 = plsc.unpack(plsc.bitcast(b[k][CH + i, sl], jnp.bfloat16),
                                 format=plsc.PackFormat.INTERLEAVED)
                lo0 = a0[0] + b0[0]
                hi0 = a0[1] + b0[1]
                lo1 = a1[0] + b1[0]
                hi1 = a1[1] + b1[1]
                wlo = plsc.bitcast(
                    plsc.pack(lo0, lo1, format=plsc.PackFormat.INTERLEAVED),
                    jnp.int32)
                whi = plsc.bitcast(
                    plsc.pack(hi0, hi1, format=plsc.PackFormat.INTERLEAVED),
                    jnp.int32)
                o[k][i, sl] = wlo
                o[k][i, pl.ds(DW + j * LANES, LANES)] = whi
            return carry2

        lax.fori_loop(0, CH, row_body, 0, unroll=4)

        pltpu.async_copy(o[k], out_hbm.at[pl.ds(base + c * CH, CH)], so[k])

        @pl.when(c + 2 < NCH)
        def _():
            gather(c + 2, k)

    def pair_body(p, carry):
        process(p * 2, 0)
        process(p * 2 + 1, 1)
        return carry

    lax.fori_loop(0, NCH // 2, pair_body, 0)
    process(jnp.int32(NCH - 1), 0)
    wait_write(0)
    wait_write(1)


_gather_sum = pl.kernel(
    _gather_sum_body,
    out_type=jax.ShapeDtypeStruct((EH, D), jnp.int32),
    mesh=_SC_MESH,
    compiler_params=pltpu.CompilerParams(use_tc_tiling_on_sc=False,
                                         needs_layout_passes=False),
    scratch_types=[
        pltpu.VMEM((NCH, 2 * CH), jnp.int32),
        pltpu.VMEM((NCH, 2 * CH), jnp.int32),
        pltpu.VMEM((2 * CH, DW), jnp.int32),
        pltpu.VMEM((2 * CH, DW), jnp.int32),
        pltpu.VMEM((2 * CH, DW), jnp.int32),
        pltpu.VMEM((2 * CH, DW), jnp.int32),
        pltpu.VMEM((CH, D), jnp.int32),
        pltpu.VMEM((CH, D), jnp.int32),
        pltpu.SemaphoreType.DMA,
        pltpu.SemaphoreType.DMA,
        pltpu.SemaphoreType.DMA,
        pltpu.SemaphoreType.DMA,
    ],
)

_EBH = 6400
_NBH = EH // _EBH


def kernel(x, edge_index, edge_attr, W, b):
    s_idx = edge_index[0].astype(jnp.int32).reshape(2, NW, NCH, CH)
    r_idx = edge_index[1].astype(jnp.int32).reshape(2, NW, NCH, CH)
    ws = W[:D]
    wr = W[D:2 * D]
    we = W[2 * D:]
    b2 = b.reshape(1, D)

    xs, xr = pl.pallas_call(
        _tables_body,
        out_shape=[jax.ShapeDtypeStruct((N_NODES, DW), jnp.int32)] * 2,
    )(x, ws, wr)

    g = _gather_sum(xs, xr, s_idx, r_idx)

    out = pl.pallas_call(
        _combine_body,
        grid=(_NBH, 2),
        in_specs=[
            pl.BlockSpec((_EBH, D), lambda i, j: (i, 0)),
            pl.BlockSpec((_EBH, DE), lambda i, j: (i + j * _NBH, 0)),
            pl.BlockSpec((DE, D), lambda i, j: (0, 0)),
            pl.BlockSpec((1, D), lambda i, j: (0, 0)),
        ],
        out_specs=pl.BlockSpec((_EBH, D), lambda i, j: (i + j * _NBH, 0)),
        out_shape=jax.ShapeDtypeStruct((N_EDGES, D), jnp.float32),
    )(g, edge_attr, we, b2)

    return (x, edge_index, out)

# --- scband reference (transcript-rebuilt; emitter-appended) ---
"""Pipeline reference for scband-edge-processor-module-39298950758849 (READ-ONLY COPY).

The authoritative reference and input builder live on the scoring server;
editing this copy changes nothing except your own understanding.
"""

import jax, jax.numpy as jnp
import numpy as np

N = 10000
E = 320000
D = 128
DE = 16
D_IN = 2 * D + DE
D_OUT = D


def setup_inputs(seed: int = 0) -> dict:
    key = jax.random.key(seed)
    k1, k2, k3, k4, k5 = jax.random.split(key, 5)
    x = jax.random.normal(k1, (N, D), dtype=jnp.float32)
    edge_index = jax.random.randint(k2, (2, E), 0, N).astype(jnp.int64)
    edge_attr = jax.random.normal(k3, (E, DE), dtype=jnp.float32)
    # learned params for self.net (Linear(2*d_feat + d_edge -> d_feat))
    W = jax.random.normal(k4, (D_IN, D_OUT), dtype=jnp.float32) * (1.0 / np.sqrt(D_IN))
    b = jax.random.normal(k5, (D_OUT,), dtype=jnp.float32) * 0.01
    return {"x": x, "edge_index": edge_index, "edge_attr": edge_attr, "W": W, "b": b}


def reference(x, edge_index, edge_attr, W, b):
    senders_idx = edge_index[0]
    receivers_idx = edge_index[1]
    senders_attr = jnp.take(x, senders_idx, axis=0)
    receivers_attr = jnp.take(x, receivers_idx, axis=0)
    collected_edges = jnp.concatenate([senders_attr, receivers_attr, edge_attr], axis=1)
    edge_attr_ = collected_edges @ W + b
    # Data(x=node_attr, edge_index=edge_index, edge_attr=edge_attr_) -> return new tensors
    return (x, edge_index, edge_attr_)

if __name__ == "__main__":
    import jax
    _d = setup_inputs()
    print(jax.jit(kernel)(*tuple(_d.values())))

</pallas_src>

<mosaic_0001>
#map = affine_map<(d0, d1) -> (0, 0)>
#map1 = affine_map<(d0, d1) -> (0, 0, 0, 0)>
module attributes {stable_mosaic.version = 14 : i64} {
  func.func @_gather_sum_body(%arg0: i32, %arg1: i32, %arg2: memref<10000x64xi32, #tpu.memory_space<hbm>>, %arg3: memref<10000x64xi32, #tpu.memory_space<hbm>>, %arg4: memref<2x32x125x40xi32, #tpu.memory_space<hbm>>, %arg5: memref<2x32x125x40xi32, #tpu.memory_space<hbm>>, %arg6: memref<160000x128xi32, #tpu.memory_space<hbm>>, %arg7: memref<125x80xi32, #tpu.memory_space<vmem>>, %arg8: memref<125x80xi32, #tpu.memory_space<vmem>>, %arg9: memref<80x64xi32, #tpu.memory_space<vmem>>, %arg10: memref<80x64xi32, #tpu.memory_space<vmem>>, %arg11: memref<80x64xi32, #tpu.memory_space<vmem>>, %arg12: memref<80x64xi32, #tpu.memory_space<vmem>>, %arg13: memref<40x128xi32, #tpu.memory_space<vmem>>, %arg14: memref<40x128xi32, #tpu.memory_space<vmem>>, %arg15: memref<!tpu.dma_semaphore, #tpu.memory_space<semaphore_mem>>, %arg16: memref<!tpu.dma_semaphore, #tpu.memory_space<semaphore_mem>>, %arg17: memref<!tpu.dma_semaphore, #tpu.memory_space<semaphore_mem>>, %arg18: memref<!tpu.dma_semaphore, #tpu.memory_space<semaphore_mem>>) attributes {dimension_semantics = [#tpu.dimension_semantics<core_parallel>, #tpu.dimension_semantics<subcore_parallel>], iteration_bounds = array<i64: 2, 16>, scalar_prefetch = 0 : i64, scratch_operands = 12 : i64, tpu.core_type = #tpu.core_type<sc_vector_subcore>, window_params = [{transform_indices = #map}, {transform_indices = #map}, {transform_indices = #map1}, {transform_indices = #map1}, {transform_indices = #map}]} {
    %mul3A = arith.constant 2 : i32
    %mul3A_0 = arith.muli %arg1, %mul3A : i32
    %add3A = arith.addi %mul3A_0, %arg0 : i32
    %mul3A_1 = arith.constant 5000 : i32
    %mul3A_2 = arith.muli %add3A, %mul3A_1 : i32
    %run_scoped3A = arith.constant 0 : i32
    "tpu.region"() ({
      %run_scoped3A_86 = tpu.sem_alloc : memref<!tpu.dma_semaphore, #tpu.memory_space<semaphore_mem>>
      %dma_start3A_87 = arith.constant 0 : i32
      %dma_start3A_88 = arith.constant 0 : i32
      %dma_start3A_89 = tpu.memref_slice %arg7[%dma_start3A_87, %dma_start3A_88] : memref<125x80xi32, #tpu.memory_space<vmem>> -> memref<125x40xi32, #tpu.memory_space<vmem>>
      %dma_start3A_90 = arith.constant 0 : i32
      %dma_start3A_91 = arith.constant 0 : i32
      %dma_start3A_92 = tpu.memref_slice %arg4[%run_scoped3A, %add3A, %dma_start3A_90, %dma_start3A_91] : memref<2x32x125x40xi32, #tpu.memory_space<hbm>> -> memref<1x1x125x40xi32, #tpu.memory_space<hbm>>
      %dma_start3A_93 = tpu.memref_squeeze %dma_start3A_92 : memref<1x1x125x40xi32, #tpu.memory_space<hbm>> -> memref<125x40xi32, #tpu.memory_space<hbm>>
      %dma_start3A_94 = arith.constant 0 : i32
      %dma_start3A_95 = arith.constant 0 : i32
      %dma_start3A_96 = tpu.memref_slice %arg7[%dma_start3A_94, %dma_start3A_95] : memref<125x80xi32, #tpu.memory_space<vmem>> -> memref<125x40xi32, #tpu.memory_space<vmem>>
      %dma_start3A_97 = arith.constant 0 : i32
      %dma_start3A_98 = arith.constant 0 : i32
      %dma_start3A_99 = tpu.memref_slice %arg4[%run_scoped3A, %add3A, %dma_start3A_97, %dma_start3A_98] : memref<2x32x125x40xi32, #tpu.memory_space<hbm>> -> memref<1x1x125x40xi32, #tpu.memory_space<hbm>>
      %dma_start3A_100 = tpu.memref_squeeze %dma_start3A_99 : memref<1x1x125x40xi32, #tpu.memory_space<hbm>> -> memref<125x40xi32, #tpu.memory_space<hbm>>
      tpu.enqueue_dma source(%dma_start3A_100 : memref<125x40xi32, #tpu.memory_space<hbm>>) target(%dma_start3A_96 : memref<125x40xi32, #tpu.memory_space<vmem>>) target_semaphore(%run_scoped3A_86 : memref<!tpu.dma_semaphore, #tpu.memory_space<semaphore_mem>>)
      %dma_wait3A_101 = arith.constant 0 : i32
      %dma_wait3A_102 = arith.constant 0 : i32
      %dma_wait3A_103 = tpu.memref_slice %arg7[%dma_wait3A_101, %dma_wait3A_102] : memref<125x80xi32, #tpu.memory_space<vmem>> -> memref<125x40xi32, #tpu.memory_space<vmem>>
      %dma_wait3A_104 = arith.constant 0 : i32
      %dma_wait3A_105 = arith.constant 0 : i32
      %dma_wait3A_106 = tpu.memref_slice %arg4[%run_scoped3A, %add3A, %dma_wait3A_104, %dma_wait3A_105] : memref<2x32x125x40xi32, #tpu.memory_space<hbm>> -> memref<1x1x125x40xi32, #tpu.memory_space<hbm>>
      %dma_wait3A_107 = tpu.memref_squeeze %dma_wait3A_106 : memref<1x1x125x40xi32, #tpu.memory_space<hbm>> -> memref<125x40xi32, #tpu.memory_space<hbm>>
      %dma_wait3A_108 = arith.constant 0 : i32
      %dma_wait3A_109 = arith.constant 0 : i32
      %dma_wait3A_110 = tpu.memref_slice %arg7[%dma_wait3A_108, %dma_wait3A_109] : memref<125x80xi32, #tpu.memory_space<vmem>> -> memref<125x40xi32, #tpu.memory_space<vmem>>
      %dma_wait3A_111 = arith.constant 0 : i32
      %dma_wait3A_112 = arith.constant 0 : i32
      %dma_wait3A_113 = tpu.memref_slice %arg4[%run_scoped3A, %add3A, %dma_wait3A_111, %dma_wait3A_112] : memref<2x32x125x40xi32, #tpu.memory_space<hbm>> -> memref<1x1x125x40xi32, #tpu.memory_space<hbm>>
      %dma_wait3A_114 = tpu.memref_squeeze %dma_wait3A_113 : memref<1x1x125x40xi32, #tpu.memory_space<hbm>> -> memref<125x40xi32, #tpu.memory_space<hbm>>
      tpu.wait_dma2 semaphore(%run_scoped3A_86 : memref<!tpu.dma_semaphore, #tpu.memory_space<semaphore_mem>>) src(%dma_wait3A_114 : memref<125x40xi32, #tpu.memory_space<hbm>>) dst(%dma_wait3A_110 : memref<125x40xi32, #tpu.memory_space<vmem>>)
      tpu.yield
    }) : () -> ()
    %run_scoped3A_3 = arith.constant 1 : i32
    "tpu.region"() ({
      %run_scoped3A_86 = tpu.sem_alloc : memref<!tpu.dma_semaphore, #tpu.memory_space<semaphore_mem>>
      %dma_start3A_87 = arith.constant 0 : i32
      %dma_start3A_88 = arith.constant 40 : i32
      %dma_start3A_89 = tpu.memref_slice %arg7[%dma_start3A_87, %dma_start3A_88] : memref<125x80xi32, #tpu.memory_space<vmem>> -> memref<125x40xi32, #tpu.memory_space<vmem>>
      %dma_start3A_90 = arith.constant 0 : i32
      %dma_start3A_91 = arith.constant 0 : i32
      %dma_start3A_92 = tpu.memref_slice %arg4[%run_scoped3A_3, %add3A, %dma_start3A_90, %dma_start3A_91] : memref<2x32x125x40xi32, #tpu.memory_space<hbm>> -> memref<1x1x125x40xi32, #tpu.memory_space<hbm>>
      %dma_start3A_93 = tpu.memref_squeeze %dma_start3A_92 : memref<1x1x125x40xi32, #tpu.memory_space<hbm>> -> memref<125x40xi32, #tpu.memory_space<hbm>>
      %dma_start3A_94 = arith.constant 0 : i32
      %dma_start3A_95 = arith.constant 40 : i32
      %dma_start3A_96 = tpu.memref_slice %arg7[%dma_start3A_94, %dma_start3A_95] : memref<125x80xi32, #tpu.memory_space<vmem>> -> memref<125x40xi32, #tpu.memory_space<vmem>>
      %dma_start3A_97 = arith.constant 0 : i32
      %dma_start3A_98 = arith.constant 0 : i32
      %dma_start3A_99 = tpu.memref_slice %arg4[%run_scoped3A_3, %add3A, %dma_start3A_97, %dma_start3A_98] : memref<2x32x125x40xi32, #tpu.memory_space<hbm>> -> memref<1x1x125x40xi32, #tpu.memory_space<hbm>>
      %dma_start3A_100 = tpu.memref_squeeze %dma_start3A_99 : memref<1x1x125x40xi32, #tpu.memory_space<hbm>> -> memref<125x40xi32, #tpu.memory_space<hbm>>
      tpu.enqueue_dma source(%dma_start3A_100 : memref<125x40xi32, #tpu.memory_space<hbm>>) target(%dma_start3A_96 : memref<125x40xi32, #tpu.memory_space<vmem>>) target_semaphore(%run_scoped3A_86 : memref<!tpu.dma_semaphore, #tpu.memory_space<semaphore_mem>>)
      %dma_wait3A_101 = arith.constant 0 : i32
      %dma_wait3A_102 = arith.constant 40 : i32
      %dma_wait3A_103 = tpu.memref_slice %arg7[%dma_wait3A_101, %dma_wait3A_102] : memref<125x80xi32, #tpu.memory_space<vmem>> -> memref<125x40xi32, #tpu.memory_space<vmem>>
      %dma_wait3A_104 = arith.constant 0 : i32
      %dma_wait3A_105 = arith.constant 0 : i32
      %dma_wait3A_106 = tpu.memref_slice %arg4[%run_scoped3A_3, %add3A, %dma_wait3A_104, %dma_wait3A_105] : memref<2x32x125x40xi32, #tpu.memory_space<hbm>> -> memref<1x1x125x40xi32, #tpu.memory_space<hbm>>
      %dma_wait3A_107 = tpu.memref_squeeze %dma_wait3A_106 : memref<1x1x125x40xi32, #tpu.memory_space<hbm>> -> memref<125x40xi32, #tpu.memory_space<hbm>>
      %dma_wait3A_108 = arith.constant 0 : i32
      %dma_wait3A_109 = arith.constant 40 : i32
      %dma_wait3A_110 = tpu.memref_slice %arg7[%dma_wait3A_108, %dma_wait3A_109] : memref<125x80xi32, #tpu.memory_space<vmem>> -> memref<125x40xi32, #tpu.memory_space<vmem>>
      %dma_wait3A_111 = arith.constant 0 : i32
      %dma_wait3A_112 = arith.constant 0 : i32
      %dma_wait3A_113 = tpu.memref_slice %arg4[%run_scoped3A_3, %add3A, %dma_wait3A_111, %dma_wait3A_112] : memref<2x32x125x40xi32, #tpu.memory_space<hbm>> -> memref<1x1x125x40xi32, #tpu.memory_space<hbm>>
      %dma_wait3A_114 = tpu.memref_squeeze %dma_wait3A_113 : memref<1x1x125x40xi32, #tpu.memory_space<hbm>> -> memref<125x40xi32, #tpu.memory_space<hbm>>
      tpu.wait_dma2 semaphore(%run_scoped3A_86 : memref<!tpu.dma_semaphore, #tpu.memory_space<semaphore_mem>>) src(%dma_wait3A_114 : memref<125x40xi32, #tpu.memory_space<hbm>>) dst(%dma_wait3A_110 : memref<125x40xi32, #tpu.memory_space<vmem>>)
      tpu.yield
    }) : () -> ()
    %run_scoped3A_4 = arith.constant 0 : i32
    "tpu.region"() ({
      %run_scoped3A_86 = tpu.sem_alloc : memref<!tpu.dma_semaphore, #tpu.memory_space<semaphore_mem>>
      %dma_start3A_87 = arith.constant 0 : i32
      %dma_start3A_88 = arith.constant 0 : i32
      %dma_start3A_89 = tpu.memref_slice %arg8[%dma_start3A_87, %dma_start3A_88] : memref<125x80xi32, #tpu.memory_space<vmem>> -> memref<125x40xi32, #tpu.memory_space<vmem>>
      %dma_start3A_90 = arith.constant 0 : i32
      %dma_start3A_91 = arith.constant 0 : i32
      %dma_start3A_92 = tpu.memref_slice %arg5[%run_scoped3A_4, %add3A, %dma_start3A_90, %dma_start3A_91] : memref<2x32x125x40xi32, #tpu.memory_space<hbm>> -> memref<1x1x125x40xi32, #tpu.memory_space<hbm>>
      %dma_start3A_93 = tpu.memref_squeeze %dma_start3A_92 : memref<1x1x125x40xi32, #tpu.memory_space<hbm>> -> memref<125x40xi32, #tpu.memory_space<hbm>>
      %dma_start3A_94 = arith.constant 0 : i32
      %dma_start3A_95 = arith.constant 0 : i32
      %dma_start3A_96 = tpu.memref_slice %arg8[%dma_start3A_94, %dma_start3A_95] : memref<125x80xi32, #tpu.memory_space<vmem>> -> memref<125x40xi32, #tpu.memory_space<vmem>>
      %dma_start3A_97 = arith.constant 0 : i32
      %dma_start3A_98 = arith.constant 0 : i32
      %dma_start3A_99 = tpu.memref_slice %arg5[%run_scoped3A_4, %add3A, %dma_start3A_97, %dma_start3A_98] : memref<2x32x125x40xi32, #tpu.memory_space<hbm>> -> memref<1x1x125x40xi32, #tpu.memory_space<hbm>>
      %dma_start3A_100 = tpu.memref_squeeze %dma_start3A_99 : memref<1x1x125x40xi32, #tpu.memory_space<hbm>> -> memref<125x40xi32, #tpu.memory_space<hbm>>
      tpu.enqueue_dma source(%dma_start3A_100 : memref<125x40xi32, #tpu.memory_space<hbm>>) target(%dma_start3A_96 : memref<125x40xi32, #tpu.memory_space<vmem>>) target_semaphore(%run_scoped3A_86 : memref<!tpu.dma_semaphore, #tpu.memory_space<semaphore_mem>>)
      %dma_wait3A_101 = arith.constant 0 : i32
      %dma_wait3A_102 = arith.constant 0 : i32
      %dma_wait3A_103 = tpu.memref_slice %arg8[%dma_wait3A_101, %dma_wait3A_102] : memref<125x80xi32, #tpu.memory_space<vmem>> -> memref<125x40xi32, #tpu.memory_space<vmem>>
      %dma_wait3A_104 = arith.constant 0 : i32
      %dma_wait3A_105 = arith.constant 0 : i32
      %dma_wait3A_106 = tpu.memref_slice %arg5[%run_scoped3A_4, %add3A, %dma_wait3A_104, %dma_wait3A_105] : memref<2x32x125x40xi32, #tpu.memory_space<hbm>> -> memref<1x1x125x40xi32, #tpu.memory_space<hbm>>
      %dma_wait3A_107 = tpu.memref_squeeze %dma_wait3A_106 : memref<1x1x125x40xi32, #tpu.memory_space<hbm>> -> memref<125x40xi32, #tpu.memory_space<hbm>>
      %dma_wait3A_108 = arith.constant 0 : i32
      %dma_wait3A_109 = arith.constant 0 : i32
      %dma_wait3A_110 = tpu.memref_slice %arg8[%dma_wait3A_108, %dma_wait3A_109] : memref<125x80xi32, #tpu.memory_space<vmem>> -> memref<125x40xi32, #tpu.memory_space<vmem>>
      %dma_wait3A_111 = arith.constant 0 : i32
      %dma_wait3A_112 = arith.constant 0 : i32
      %dma_wait3A_113 = tpu.memref_slice %arg5[%run_scoped3A_4, %add3A, %dma_wait3A_111, %dma_wait3A_112] : memref<2x32x125x40xi32, #tpu.memory_space<hbm>> -> memref<1x1x125x40xi32, #tpu.memory_space<hbm>>
      %dma_wait3A_114 = tpu.memref_squeeze %dma_wait3A_113 : memref<1x1x125x40xi32, #tpu.memory_space<hbm>> -> memref<125x40xi32, #tpu.memory_space<hbm>>
      tpu.wait_dma2 semaphore(%run_scoped3A_86 : memref<!tpu.dma_semaphore, #tpu.memory_space<semaphore_mem>>) src(%dma_wait3A_114 : memref<125x40xi32, #tpu.memory_space<hbm>>) dst(%dma_wait3A_110 : memref<125x40xi32, #tpu.memory_space<vmem>>)
      tpu.yield
    }) : () -> ()
    %run_scoped3A_5 = arith.constant 1 : i32
    "tpu.region"() ({
      %run_scoped3A_86 = tpu.sem_alloc : memref<!tpu.dma_semaphore, #tpu.memory_space<semaphore_mem>>
      %dma_start3A_87 = arith.constant 0 : i32
      %dma_start3A_88 = arith.constant 40 : i32
      %dma_start3A_89 = tpu.memref_slice %arg8[%dma_start3A_87, %dma_start3A_88] : memref<125x80xi32, #tpu.memory_space<vmem>> -> memref<125x40xi32, #tpu.memory_space<vmem>>
      %dma_start3A_90 = arith.constant 0 : i32
      %dma_start3A_91 = arith.constant 0 : i32
      %dma_start3A_92 = tpu.memref_slice %arg5[%run_scoped3A_5, %add3A, %dma_start3A_90, %dma_start3A_91] : memref<2x32x125x40xi32, #tpu.memory_space<hbm>> -> memref<1x1x125x40xi32, #tpu.memory_space<hbm>>
      %dma_start3A_93 = tpu.memref_squeeze %dma_start3A_92 : memref<1x1x125x40xi32, #tpu.memory_space<hbm>> -> memref<125x40xi32, #tpu.memory_space<hbm>>
      %dma_start3A_94 = arith.constant 0 : i32
      %dma_start3A_95 = arith.constant 40 : i32
      %dma_start3A_96 = tpu.memref_slice %arg8[%dma_start3A_94, %dma_start3A_95] : memref<125x80xi32, #tpu.memory_space<vmem>> -> memref<125x40xi32, #tpu.memory_space<vmem>>
      %dma_start3A_97 = arith.constant 0 : i32
      %dma_start3A_98 = arith.constant 0 : i32
      %dma_start3A_99 = tpu.memref_slice %arg5[%run_scoped3A_5, %add3A, %dma_start3A_97, %dma_start3A_98] : memref<2x32x125x40xi32, #tpu.memory_space<hbm>> -> memref<1x1x125x40xi32, #tpu.memory_space<hbm>>
      %dma_start3A_100 = tpu.memref_squeeze %dma_start3A_99 : memref<1x1x125x40xi32, #tpu.memory_space<hbm>> -> memref<125x40xi32, #tpu.memory_space<hbm>>
      tpu.enqueue_dma source(%dma_start3A_100 : memref<125x40xi32, #tpu.memory_space<hbm>>) target(%dma_start3A_96 : memref<125x40xi32, #tpu.memory_space<vmem>>) target_semaphore(%run_scoped3A_86 : memref<!tpu.dma_semaphore, #tpu.memory_space<semaphore_mem>>)
      %dma_wait3A_101 = arith.constant 0 : i32
      %dma_wait3A_102 = arith.constant 40 : i32
      %dma_wait3A_103 = tpu.memref_slice %arg8[%dma_wait3A_101, %dma_wait3A_102] : memref<125x80xi32, #tpu.memory_space<vmem>> -> memref<125x40xi32, #tpu.memory_space<vmem>>
      %dma_wait3A_104 = arith.constant 0 : i32
      %dma_wait3A_105 = arith.constant 0 : i32
      %dma_wait3A_106 = tpu.memref_slice %arg5[%run_scoped3A_5, %add3A, %dma_wait3A_104, %dma_wait3A_105] : memref<2x32x125x40xi32, #tpu.memory_space<hbm>> -> memref<1x1x125x40xi32, #tpu.memory_space<hbm>>
      %dma_wait3A_107 = tpu.memref_squeeze %dma_wait3A_106 : memref<1x1x125x40xi32, #tpu.memory_space<hbm>> -> memref<125x40xi32, #tpu.memory_space<hbm>>
      %dma_wait3A_108 = arith.constant 0 : i32
      %dma_wait3A_109 = arith.constant 40 : i32
      %dma_wait3A_110 = tpu.memref_slice %arg8[%dma_wait3A_108, %dma_wait3A_109] : memref<125x80xi32, #tpu.memory_space<vmem>> -> memref<125x40xi32, #tpu.memory_space<vmem>>
      %dma_wait3A_111 = arith.constant 0 : i32
      %dma_wait3A_112 = arith.constant 0 : i32
      %dma_wait3A_113 = tpu.memref_slice %arg5[%run_scoped3A_5, %add3A, %dma_wait3A_111, %dma_wait3A_112] : memref<2x32x125x40xi32, #tpu.memory_space<hbm>> -> memref<1x1x125x40xi32, #tpu.memory_space<hbm>>
      %dma_wait3A_114 = tpu.memref_squeeze %dma_wait3A_113 : memref<1x1x125x40xi32, #tpu.memory_space<hbm>> -> memref<125x40xi32, #tpu.memory_space<hbm>>
      tpu.wait_dma2 semaphore(%run_scoped3A_86 : memref<!tpu.dma_semaphore, #tpu.memory_space<semaphore_mem>>) src(%dma_wait3A_114 : memref<125x40xi32, #tpu.memory_space<hbm>>) dst(%dma_wait3A_110 : memref<125x40xi32, #tpu.memory_space<vmem>>)
      tpu.yield
    }) : () -> ()
    %dma_start3A = arith.constant 0 : i32
    %dma_start3A_6 = arith.constant 0 : i32
    %dma_start3A_7 = tpu.memref_slice %arg7[%dma_start3A, %dma_start3A_6] : memref<125x80xi32, #tpu.memory_space<vmem>> -> memref<1x80xi32, #tpu.memory_space<vmem>>
    %dma_start3A_8 = tpu.memref_squeeze %dma_start3A_7 : memref<1x80xi32, #tpu.memory_space<vmem>> -> memref<80xi32, #tpu.memory_space<vmem>>
    %dma_start3A_9 = arith.constant 0 : i32
    %dma_start3A_10 = arith.constant 0 : i32
    %dma_start3A_11 = tpu.memref_slice %arg2[%dma_start3A_9, %dma_start3A_10] : memref<10000x64xi32, #tpu.memory_space<hbm>> -> memref<10000x64xi32, #tpu.memory_space<hbm>>
    tpu.enqueue_indirect_dma source(%dma_start3A_11 : memref<10000x64xi32, #tpu.memory_space<hbm>>) target(%arg9 : memref<80x64xi32, #tpu.memory_space<vmem>>) offsets(%dma_start3A_8 : memref<80xi32, #tpu.memory_space<vmem>>) semaphore(%arg15 : memref<!tpu.dma_semaphore, #tpu.memory_space<semaphore_mem>>)
    %dma_start3A_12 = arith.constant 0 : i32
    %dma_start3A_13 = arith.constant 0 : i32
    %dma_start3A_14 = tpu.memref_slice %arg8[%dma_start3A_12, %dma_start3A_13] : memref<125x80xi32, #tpu.memory_space<vmem>> -> memref<1x80xi32, #tpu.memory_space<vmem>>
    %dma_start3A_15 = tpu.memref_squeeze %dma_start3A_14 : memref<1x80xi32, #tpu.memory_space<vmem>> -> memref<80xi32, #tpu.memory_space<vmem>>
    %dma_start3A_16 = arith.constant 0 : i32
    %dma_start3A_17 = arith.constant 0 : i32
    %dma_start3A_18 = tpu.memref_slice %arg3[%dma_start3A_16, %dma_start3A_17] : memref<10000x64xi32, #tpu.memory_space<hbm>> -> memref<10000x64xi32, #tpu.memory_space<hbm>>
    tpu.enqueue_indirect_dma source(%dma_start3A_18 : memref<10000x64xi32, #tpu.memory_space<hbm>>) target(%arg11 : memref<80x64xi32, #tpu.memory_space<vmem>>) offsets(%dma_start3A_15 : memref<80xi32, #tpu.memory_space<vmem>>) semaphore(%arg15 : memref<!tpu.dma_semaphore, #tpu.memory_space<semaphore_mem>>)
    %dma_start3A_19 = arith.constant 1 : i32
    %dma_start3A_20 = arith.constant 0 : i32
    %dma_start3A_21 = tpu.memref_slice %arg7[%dma_start3A_19, %dma_start3A_20] : memref<125x80xi32, #tpu.memory_space<vmem>> -> memref<1x80xi32, #tpu.memory_space<vmem>>
    %dma_start3A_22 = tpu.memref_squeeze %dma_start3A_21 : memref<1x80xi32, #tpu.memory_space<vmem>> -> memref<80xi32, #tpu.memory_space<vmem>>
    %dma_start3A_23 = arith.constant 0 : i32
    %dma_start3A_24 = arith.constant 0 : i32
    %dma_start3A_25 = tpu.memref_slice %arg2[%dma_start3A_23, %dma_start3A_24] : memref<10000x64xi32, #tpu.memory_space<hbm>> -> memref<10000x64xi32, #tpu.memory_space<hbm>>
    tpu.enqueue_indirect_dma source(%dma_start3A_25 : memref<10000x64xi32, #tpu.memory_space<hbm>>) target(%arg10 : memref<80x64xi32, #tpu.memory_space<vmem>>) offsets(%dma_start3A_22 : memref<80xi32, #tpu.memory_space<vmem>>) semaphore(%arg16 : memref<!tpu.dma_semaphore, #tpu.memory_space<semaphore_mem>>)
    %dma_start3A_26 = arith.constant 1 : i32
    %dma_start3A_27 = arith.constant 0 : i32
    %dma_start3A_28 = tpu.memref_slice %arg8[%dma_start3A_26, %dma_start3A_27] : memref<125x80xi32, #tpu.memory_space<vmem>> -> memref<1x80xi32, #tpu.memory_space<vmem>>
    %dma_start3A_29 = tpu.memref_squeeze %dma_start3A_28 : memref<1x80xi32, #tpu.memory_space<vmem>> -> memref<80xi32, #tpu.memory_space<vmem>>
    %dma_start3A_30 = arith.constant 0 : i32
    %dma_start3A_31 = arith.constant 0 : i32
    %dma_start3A_32 = tpu.memref_slice %arg3[%dma_start3A_30, %dma_start3A_31] : memref<10000x64xi32, #tpu.memory_space<hbm>> -> memref<10000x64xi32, #tpu.memory_space<hbm>>
    tpu.enqueue_indirect_dma source(%dma_start3A_32 : memref<10000x64xi32, #tpu.memory_space<hbm>>) target(%arg12 : memref<80x64xi32, #tpu.memory_space<vmem>>) offsets(%dma_start3A_29 : memref<80xi32, #tpu.memory_space<vmem>>) semaphore(%arg16 : memref<!tpu.dma_semaphore, #tpu.memory_space<semaphore_mem>>)
    %scan3A = arith.constant 0 : i32
    %scan3A_33 = arith.constant 0 : i32
    %scan3A_34 = arith.constant 62 : i32
    %scan3A_35 = arith.addi %scan3A_33, %scan3A_34 : i32
    %scan3A_36 = arith.constant 1 : i32
    scf.for %scan3A_86 = %scan3A_33 to %scan3A_35 step %scan3A_36  : i32 {
      %mul3A_87 = arith.constant 2 : i32
      %mul3A_88 = arith.muli %scan3A_86, %mul3A_87 : i32
      %dma_wait3A_89 = arith.constant 0 : i32
      %dma_wait3A_90 = arith.constant 0 : i32
      %dma_wait3A_91 = tpu.memref_slice %arg2[%dma_wait3A_89, %dma_wait3A_90] : memref<10000x64xi32, #tpu.memory_space<hbm>> -> memref<80x64xi32, #tpu.memory_space<hbm>>
      %dma_wait3A_92 = arith.constant 0 : i32
      %dma_wait3A_93 = arith.constant 0 : i32
      %dma_wait3A_94 = tpu.memref_slice %arg2[%dma_wait3A_92, %dma_wait3A_93] : memref<10000x64xi32, #tpu.memory_space<hbm>> -> memref<80x64xi32, #tpu.memory_space<hbm>>
      tpu.wait_dma2 semaphore(%arg15 : memref<!tpu.dma_semaphore, #tpu.memory_space<semaphore_mem>>) src(%dma_wait3A_94 : memref<80x64xi32, #tpu.memory_space<hbm>>) dst(%arg9 : memref<80x64xi32, #tpu.memory_space<vmem>>)
      %dma_wait3A_95 = arith.constant 0 : i32
      %dma_wait3A_96 = arith.constant 0 : i32
      %dma_wait3A_97 = tpu.memref_slice %arg3[%dma_wait3A_95, %dma_wait3A_96] : memref<10000x64xi32, #tpu.memory_space<hbm>> -> memref<80x64xi32, #tpu.memory_space<hbm>>
      %dma_wait3A_98 = arith.constant 0 : i32
      %dma_wait3A_99 = arith.constant 0 : i32
      %dma_wait3A_100 = tpu.memref_slice %arg3[%dma_wait3A_98, %dma_wait3A_99] : memref<10000x64xi32, #tpu.memory_space<hbm>> -> memref<80x64xi32, #tpu.memory_space<hbm>>
      tpu.wait_dma2 semaphore(%arg15 : memref<!tpu.dma_semaphore, #tpu.memory_space<semaphore_mem>>) src(%dma_wait3A_100 : memref<80x64xi32, #tpu.memory_space<hbm>>) dst(%arg11 : memref<80x64xi32, #tpu.memory_space<vmem>>)
      %ge3A_101 = arith.constant 2 : i32
      %ge3A_102 = arith.cmpi sge, %mul3A_88, %ge3A_101 : i32
      %convert_element_type3A_103 = arith.extui %ge3A_102 : i1 to i32
      %cond3A_104 = arith.constant 0 : i32
      %cond3A_105 = arith.cmpi ne, %convert_element_type3A_103, %cond3A_104 : i32
      scf.if %cond3A_105 {
        %dma_wait3A_167 = arith.constant 0 : i32
        %dma_wait3A_168 = arith.constant 0 : i32
        %dma_wait3A_169 = tpu.memref_slice %arg6[%dma_wait3A_167, %dma_wait3A_168] : memref<160000x128xi32, #tpu.memory_space<hbm>> -> memref<40x128xi32, #tpu.memory_space<hbm>>
        %dma_wait3A_170 = arith.constant 0 : i32
        %dma_wait3A_171 = arith.constant 0 : i32
        %dma_wait3A_172 = tpu.memref_slice %arg6[%dma_wait3A_170, %dma_wait3A_171] : memref<160000x128xi32, #tpu.memory_space<hbm>> -> memref<40x128xi32, #tpu.memory_space<hbm>>
        tpu.wait_dma2 semaphore(%arg17 : memref<!tpu.dma_semaphore, #tpu.memory_space<semaphore_mem>>) src(%arg13 : memref<40x128xi32, #tpu.memory_space<vmem>>) dst(%dma_wait3A_172 : memref<40x128xi32, #tpu.memory_space<hbm>>)
      } else {
      }
      %scan3A_106 = arith.constant 0 : i32
      %scan3A_107 = arith.constant 0 : i32
      %scan3A_108 = arith.constant 40 : i32
      %scan3A_109 = arith.addi %scan3A_107, %scan3A_108 : i32
      %scan3A_110 = arith.constant 4 : i32
      scf.for %scan3A_167 = %scan3A_107 to %scan3A_109 step %scan3A_110  : i32 {
        %get3A = arith.index_cast %scan3A_167 : i32 to index
        %get3A_168 = arith.constant 0 : index
        %get3A_169 = tpu.vector_load %arg9[%get3A, %get3A_168] {strides = array<i32>} : memref<80x64xi32, #tpu.memory_space<vmem>>, vector<16xi32>,
        %bitcast3A = vector.bitcast %get3A_169 : vector<16xi32> to vector<32xbf16>
        %unpack3A = tpu.unpack_subelements %bitcast3A, 0 {pack_format = #tpu.pack_format<interleaved>} : vector<32xbf16> -> vector<16xf32>
        %unpack3A_170 = tpu.unpack_subelements %bitcast3A, 1 {pack_format = #tpu.pack_format<interleaved>} : vector<32xbf16> -> vector<16xf32>
        %get3A_171 = arith.index_cast %scan3A_167 : i32 to index
        %get3A_172 = arith.constant 0 : index
        %get3A_173 = tpu.vector_load %arg11[%get3A_171, %get3A_172] {strides = array<i32>} : memref<80x64xi32, #tpu.memory_space<vmem>>, vector<16xi32>,
        %bitcast3A_174 = vector.bitcast %get3A_173 : vector<16xi32> to vector<32xbf16>
        %unpack3A_175 = tpu.unpack_subelements %bitcast3A_174, 0 {pack_format = #tpu.pack_format<interleaved>} : vector<32xbf16> -> vector<16xf32>
        %unpack3A_176 = tpu.unpack_subelements %bitcast3A_174, 1 {pack_format = #tpu.pack_format<interleaved>} : vector<32xbf16> -> vector<16xf32>
        %add3A_177 = arith.constant 40 : i32
        %add3A_178 = arith.addi %add3A_177, %scan3A_167 : i32
        %get3A_179 = arith.index_cast %add3A_178 : i32 to index
        %get3A_180 = arith.constant 0 : index
        %get3A_181 = tpu.vector_load %arg9[%get3A_179, %get3A_180] {strides = array<i32>} : memref<80x64xi32, #tpu.memory_space<vmem>>, vector<16xi32>,
        %bitcast3A_182 = vector.bitcast %get3A_181 : vector<16xi32> to vector<32xbf16>
        %unpack3A_183 = tpu.unpack_subelements %bitcast3A_182, 0 {pack_format = #tpu.pack_format<interleaved>} : vector<32xbf16> -> vector<16xf32>
        %unpack3A_184 = tpu.unpack_subelements %bitcast3A_182, 1 {pack_format = #tpu.pack_format<interleaved>} : vector<32xbf16> -> vector<16xf32>
        %add3A_185 = arith.constant 40 : i32
        %add3A_186 = arith.addi %add3A_185, %scan3A_167 : i32
        %get3A_187 = arith.index_cast %add3A_186 : i32 to index
        %get3A_188 = arith.constant 0 : index
        %get3A_189 = tpu.vector_load %arg11[%get3A_187, %get3A_188] {strides = array<i32>} : memref<80x64xi32, #tpu.memory_space<vmem>>, vector<16xi32>,
        %bitcast3A_190 = vector.bitcast %get3A_189 : vector<16xi32> to vector<32xbf16>
        %unpack3A_191 = tpu.unpack_subelements %bitcast3A_190, 0 {pack_format = #tpu.pack_format<interleaved>} : vector<32xbf16> -> vector<16xf32>
        %unpack3A_192 = tpu.unpack_subelements %bitcast3A_190, 1 {pack_format = #tpu.pack_format<interleaved>} : vector<32xbf16> -> vector<16xf32>
        %add3A_193 = arith.addf %unpack3A, %unpack3A_175 : vector<16xf32>
        %add3A_194 = arith.addf %unpack3A_170, %unpack3A_176 : vector<16xf32>
        %add3A_195 = arith.addf %unpack3A_183, %unpack3A_191 : vector<16xf32>
        %add3A_196 = arith.addf %unpack3A_184, %unpack3A_192 : vector<16xf32>
        %pack3A = tpu.pack_subelements %add3A_193, %add3A_195 {pack_format = #tpu.pack_format<interleaved>, positions = array<i32: 0, 1>} : vector<16xf32>, vector<16xf32> -> vector<32xbf16>
        %bitcast3A_197 = vector.bitcast %pack3A : vector<32xbf16> to vector<16xi32>
        %pack3A_198 = tpu.pack_subelements %add3A_194, %add3A_196 {pack_format = #tpu.pack_format<interleaved>, positions = array<i32: 0, 1>} : vector<16xf32>, vector<16xf32> -> vector<32xbf16>
        %bitcast3A_199 = vector.bitcast %pack3A_198 : vector<32xbf16> to vector<16xi32>
        %swap3A = arith.index_cast %scan3A_167 : i32 to index
        %swap3A_200 = arith.constant 0 : index
        %swap3A_201 = tpu.vector_load %arg13[%swap3A, %swap3A_200] {strides = array<i32>} : memref<40x128xi32, #tpu.memory_space<vmem>>, vector<16xi32>,
        tpu.vector_store %arg13[%swap3A, %swap3A_200], %bitcast3A_197 {strides = array<i32>} : memref<40x128xi32, #tpu.memory_space<vmem>>, vector<16xi32>,
        %swap3A_202 = arith.index_cast %scan3A_167 : i32 to index
        %swap3A_203 = arith.constant 64 : index
        %swap3A_204 = tpu.vector_load %arg13[%swap3A_202, %swap3A_203] {strides = array<i32>} : memref<40x128xi32, #tpu.memory_space<vmem>>, vector<16xi32>,
        tpu.vector_store %arg13[%swap3A_202, %swap3A_203], %bitcast3A_199 {strides = array<i32>} : memref<40x128xi32, #tpu.memory_space<vmem>>, vector<16xi32>,
        %get3A_205 = arith.index_cast %scan3A_167 : i32 to index
        %get3A_206 = arith.constant 16 : index
        %get3A_207 = tpu.vector_load %arg9[%get3A_205, %get3A_206] {strides = array<i32>} : memref<80x64xi32, #tpu.memory_space<vmem>>, vector<16xi32>,
        %bitcast3A_208 = vector.bitcast %get3A_207 : vector<16xi32> to vector<32xbf16>
        %unpack3A_209 = tpu.unpack_subelements %bitcast3A_208, 0 {pack_format = #tpu.pack_format<interleaved>} : vector<32xbf16> -> vector<16xf32>
        %unpack3A_210 = tpu.unpack_subelements %bitcast3A_208, 1 {pack_format = #tpu.pack_format<interleaved>} : vector<32xbf16> -> vector<16xf32>
        %get3A_211 = arith.index_cast %scan3A_167 : i32 to index
        %get3A_212 = arith.constant 16 : index
        %get3A_213 = tpu.vector_load %arg11[%get3A_211, %get3A_212] {strides = array<i32>} : memref<80x64xi32, #tpu.memory_space<vmem>>, vector<16xi32>,
        %bitcast3A_214 = vector.bitcast %get3A_213 : vector<16xi32> to vector<32xbf16>
        %unpack3A_215 = tpu.unpack_subelements %bitcast3A_214, 0 {pack_format = #tpu.pack_format<interleaved>} : vector<32xbf16> -> vector<16xf32>
        %unpack3A_216 = tpu.unpack_subelements %bitcast3A_214, 1 {pack_format = #tpu.pack_format<interleaved>} : vector<32xbf16> -> vector<16xf32>
        %add3A_217 = arith.constant 40 : i32
        %add3A_218 = arith.addi %add3A_217, %scan3A_167 : i32
        %get3A_219 = arith.index_cast %add3A_218 : i32 to index
        %get3A_220 = arith.constant 16 : index
        %get3A_221 = tpu.vector_load %arg9[%get3A_219, %get3A_220] {strides = array<i32>} : memref<80x64xi32, #tpu.memory_space<vmem>>, vector<16xi32>,
        %bitcast3A_222 = vector.bitcast %get3A_221 : vector<16xi32> to vector<32xbf16>
        %unpack3A_223 = tpu.unpack_subelements %bitcast3A_222, 0 {pack_format = #tpu.pack_format<interleaved>} : vector<32xbf16> -> vector<16xf32>
        %unpack3A_224 = tpu.unpack_subelements %bitcast3A_222, 1 {pack_format = #tpu.pack_format<interleaved>} : vector<32xbf16> -> vector<16xf32>
        %add3A_225 = arith.constant 40 : i32
        %add3A_226 = arith.addi %add3A_225, %scan3A_167 : i32
        %get3A_227 = arith.index_cast %add3A_226 : i32 to index
        %get3A_228 = arith.constant 16 : index
        %get3A_229 = tpu.vector_load %arg11[%get3A_227, %get3A_228] {strides = array<i32>} : memref<80x64xi32, #tpu.memory_space<vmem>>, vector<16xi32>,
        %bitcast3A_230 = vector.bitcast %get3A_229 : vector<16xi32> to vector<32xbf16>
        %unpack3A_231 = tpu.unpack_subelements %bitcast3A_230, 0 {pack_format = #tpu.pack_format<interleaved>} : vector<32xbf16> -> vector<16xf32>
        %unpack3A_232 = tpu.unpack_subelements %bitcast3A_230, 1 {pack_format = #tpu.pack_format<interleaved>} : vector<32xbf16> -> vector<16xf32>
        %add3A_233 = arith.addf %unpack3A_209, %unpack3A_215 : vector<16xf32>
        %add3A_234 = arith.addf %unpack3A_210, %unpack3A_216 : vector<16xf32>
        %add3A_235 = arith.addf %unpack3A_223, %unpack3A_231 : vector<16xf32>
        %add3A_236 = arith.addf %unpack3A_224, %unpack3A_232 : vector<16xf32>
        %pack3A_237 = tpu.pack_subelements %add3A_233, %add3A_235 {pack_format = #tpu.pack_format<interleaved>, positions = array<i32: 0, 1>} : vector<16xf32>, vector<16xf32> -> vector<32xbf16>
        %bitcast3A_238 = vector.bitcast %pack3A_237 : vector<32xbf16> to vector<16xi32>
        %pack3A_239 = tpu.pack_subelements %add3A_234, %add3A_236 {pack_format = #tpu.pack_format<interleaved>, positions = array<i32: 0, 1>} : vector<16xf32>, vector<16xf32> -> vector<32xbf16>
        %bitcast3A_240 = vector.bitcast %pack3A_239 : vector<32xbf16> to vector<16xi32>
        %swap3A_241 = arith.index_cast %scan3A_167 : i32 to index
        %swap3A_242 = arith.constant 16 : index
        %swap3A_243 = tpu.vector_load %arg13[%swap3A_241, %swap3A_242] {strides = array<i32>} : memref<40x128xi32, #tpu.memory_space<vmem>>, vector<16xi32>,
        tpu.vector_store %arg13[%swap3A_241, %swap3A_242], %bitcast3A_238 {strides = array<i32>} : memref<40x128xi32, #tpu.memory_space<vmem>>, vector<16xi32>,
        %swap3A_244 = arith.index_cast %scan3A_167 : i32 to index
        %swap3A_245 = arith.constant 80 : index
        %swap3A_246 = tpu.vector_load %arg13[%swap3A_244, %swap3A_245] {strides = array<i32>} : memref<40x128xi32, #tpu.memory_space<vmem>>, vector<16xi32>,
        tpu.vector_store %arg13[%swap3A_244, %swap3A_245], %bitcast3A_240 {strides = array<i32>} : memref<40x128xi32, #tpu.memory_space<vmem>>, vector<16xi32>,
        %get3A_247 = arith.index_cast %scan3A_167 : i32 to index
        %get3A_248 = arith.constant 32 : index
        %get3A_249 = tpu.vector_load %arg9[%get3A_247, %get3A_248] {strides = array<i32>} : memref<80x64xi32, #tpu.memory_space<vmem>>, vector<16xi32>,
        %bitcast3A_250 = vector.bitcast %get3A_249 : vector<16xi32> to vector<32xbf16>
        %unpack3A_251 = tpu.unpack_subelements %bitcast3A_250, 0 {pack_format = #tpu.pack_format<interleaved>} : vector<32xbf16> -> vector<16xf32>
        %unpack3A_252 = tpu.unpack_subelements %bitcast3A_250, 1 {pack_format = #tpu.pack_format<interleaved>} : vector<32xbf16> -> vector<16xf32>
        %get3A_253 = arith.index_cast %scan3A_167 : i32 to index
        %get3A_254 = arith.constant 32 : index
        %get3A_255 = tpu.vector_load %arg11[%get3A_253, %get3A_254] {strides = array<i32>} : memref<80x64xi32, #tpu.memory_space<vmem>>, vector<16xi32>,
        %bitcast3A_256 = vector.bitcast %get3A_255 : vector<16xi32> to vector<32xbf16>
        %unpack3A_257 = tpu.unpack_subelements %bitcast3A_256, 0 {pack_format = #tpu.pack_format<interleaved>} : vector<32xbf16> -> vector<16xf32>
        %unpack3A_258 = tpu.unpack_subelements %bitcast3A_256, 1 {pack_format = #tpu.pack_format<interleaved>} : vector<32xbf16> -> vector<16xf32>
        %add3A_259 = arith.constant 40 : i32
        %add3A_260 = arith.addi %add3A_259, %scan3A_167 : i32
        %get3A_261 = arith.index_cast %add3A_260 : i32 to index
        %get3A_262 = arith.constant 32 : index
        %get3A_263 = tpu.vector_load %arg9[%get3A_261, %get3A_262] {strides = array<i32>} : memref<80x64xi32, #tpu.memory_space<vmem>>, vector<16xi32>,
        %bitcast3A_264 = vector.bitcast %get3A_263 : vector<16xi32> to vector<32xbf16>
        %unpack3A_265 = tpu.unpack_subelements %bitcast3A_264, 0 {pack_format = #tpu.pack_format<interleaved>} : vector<32xbf16> -> vector<16xf32>
        %unpack3A_266 = tpu.unpack_subelements %bitcast3A_264, 1 {pack_format = #tpu.pack_format<interleaved>} : vector<32xbf16> -> vector<16xf32>
        %add3A_267 = arith.constant 40 : i32
        %add3A_268 = arith.addi %add3A_267, %scan3A_167 : i32
        %get3A_269 = arith.index_cast %add3A_268 : i32 to index
        %get3A_270 = arith.constant 32 : index
        %get3A_271 = tpu.vector_load %arg11[%get3A_269, %get3A_270] {strides = array<i32>} : memref<80x64xi32, #tpu.memory_space<vmem>>, vector<16xi32>,
        %bitcast3A_272 = vector.bitcast %get3A_271 : vector<16xi32> to vector<32xbf16>
        %unpack3A_273 = tpu.unpack_subelements %bitcast3A_272, 0 {pack_format = #tpu.pack_format<interleaved>} : vector<32xbf16> -> vector<16xf32>
        %unpack3A_274 = tpu.unpack_subelements %bitcast3A_272, 1 {pack_format = #tpu.pack_format<interleaved>} : vector<32xbf16> -> vector<16xf32>
        %add3A_275 = arith.addf %unpack3A_251, %unpack3A_257 : vector<16xf32>
        %add3A_276 = arith.addf %unpack3A_252, %unpack3A_258 : vector<16xf32>
        %add3A_277 = arith.addf %unpack3A_265, %unpack3A_273 : vector<16xf32>
        %add3A_278 = arith.addf %unpack3A_266, %unpack3A_274 : vector<16xf32>
        %pack3A_279 = tpu.pack_subelements %add3A_275, %add3A_277 {pack_format = #tpu.pack_format<interleaved>, positions = array<i32: 0, 1>} : vector<16xf32>, vector<16xf32> -> vector<32xbf16>
        %bitcast3A_280 = vector.bitcast %pack3A_279 : vector<32xbf16> to vector<16xi32>
        %pack3A_281 = tpu.pack_subelements %add3A_276, %add3A_278 {pack_format = #tpu.pack_format<interleaved>, positions = array<i32: 0, 1>} : vector<16xf32>, vector<16xf32> -> vector<32xbf16>
        %bitcast3A_282 = vector.bitcast %pack3A_281 : vector<32xbf16> to vector<16xi32>
        %swap3A_283 = arith.index_cast %scan3A_167 : i32 to index
        %swap3A_284 = arith.constant 32 : index
        %swap3A_285 = tpu.vector_load %arg13[%swap3A_283, %swap3A_284] {strides = array<i32>} : memref<40x128xi32, #tpu.memory_space<vmem>>, vector<16xi32>,
        tpu.vector_store %arg13[%swap3A_283, %swap3A_284], %bitcast3A_280 {strides = array<i32>} : memref<40x128xi32, #tpu.memory_space<vmem>>, vector<16xi32>,
        %swap3A_286 = arith.index_cast %scan3A_167 : i32 to index
        %swap3A_287 = arith.constant 96 : index
        %swap3A_288 = tpu.vector_load %arg13[%swap3A_286, %swap3A_287] {strides = array<i32>} : memref<40x128xi32, #tpu.memory_space<vmem>>, vector<16xi32>,
        tpu.vector_store %arg13[%swap3A_286, %swap3A_287], %bitcast3A_282 {strides = array<i32>} : memref<40x128xi32, #tpu.memory_space<vmem>>, vector<16xi32>,
        %get3A_289 = arith.index_cast %scan3A_167 : i32 to index
        %get3A_290 = arith.constant 48 : index
        %get3A_291 = tpu.vector_load %arg9[%get3A_289, %get3A_290] {strides = array<i32>} : memref<80x64xi32, #tpu.memory_space<vmem>>, vector<16xi32>,
        %bitcast3A_292 = vector.bitcast %get3A_291 : vector<16xi32> to vector<32xbf16>
        %unpack3A_293 = tpu.unpack_subelements %bitcast3A_292, 0 {pack_format = #tpu.pack_format<interleaved>} : vector<32xbf16> -> vector<16xf32>
        %unpack3A_294 = tpu.unpack_subelements %bitcast3A_292, 1 {pack_format = #tpu.pack_format<interleaved>} : vector<32xbf16> -> vector<16xf32>
        %get3A_295 = arith.index_cast %scan3A_167 : i32 to index
        %get3A_296 = arith.constant 48 : index
        %get3A_297 = tpu.vector_load %arg11[%get3A_295, %get3A_296] {strides = array<i32>} : memref<80x64xi32, #tpu.memory_space<vmem>>, vector<16xi32>,
        %bitcast3A_298 = vector.bitcast %get3A_297 : vector<16xi32> to vector<32xbf16>
        %unpack3A_299 = tpu.unpack_subelements %bitcast3A_298, 0 {pack_format = #tpu.pack_format<interleaved>} : vector<32xbf16> -> vector<16xf32>
        %unpack3A_300 = tpu.unpack_subelements %bitcast3A_298, 1 {pack_format = #tpu.pack_format<interleaved>} : vector<32xbf16> -> vector<16xf32>
        %add3A_301 = arith.constant 40 : i32
        %add3A_302 = arith.addi %add3A_301, %scan3A_167 : i32
        %get3A_303 = arith.index_cast %add3A_302 : i32 to index
        %get3A_304 = arith.constant 48 : index
        %get3A_305 = tpu.vector_load %arg9[%get3A_303, %get3A_304] {strides = array<i32>} : memref<80x64xi32, #tpu.memory_space<vmem>>, vector<16xi32>,
        %bitcast3A_306 = vector.bitcast %get3A_305 : vector<16xi32> to vector<32xbf16>
        %unpack3A_307 = tpu.unpack_subelements %bitcast3A_306, 0 {pack_format = #tpu.pack_format<interleaved>} : vector<32xbf16> -> vector<16xf32>
        %unpack3A_308 = tpu.unpack_subelements %bitcast3A_306, 1 {pack_format = #tpu.pack_format<interleaved>} : vector<32xbf16> -> vector<16xf32>
        %add3A_309 = arith.constant 40 : i32
        %add3A_310 = arith.addi %add3A_309, %scan3A_167 : i32
        %get3A_311 = arith.index_cast %add3A_310 : i32 to index
        %get3A_312 = arith.constant 48 : index
        %get3A_313 = tpu.vector_load %arg11[%get3A_311, %get3A_312] {strides = array<i32>} : memref<80x64xi32, #tpu.memory_space<vmem>>, vector<16xi32>,
        %bitcast3A_314 = vector.bitcast %get3A_313 : vector<16xi32> to vector<32xbf16>
        %unpack3A_315 = tpu.unpack_subelements %bitcast3A_314, 0 {pack_format = #tpu.pack_format<interleaved>} : vector<32xbf16> -> vector<16xf32>
        %unpack3A_316 = tpu.unpack_subelements %bitcast3A_314, 1 {pack_format = #tpu.pack_format<interleaved>} : vector<32xbf16> -> vector<16xf32>
        %add3A_317 = arith.addf %unpack3A_293, %unpack3A_299 : vector<16xf32>
        %add3A_318 = arith.addf %unpack3A_294, %unpack3A_300 : vector<16xf32>
        %add3A_319 = arith.addf %unpack3A_307, %unpack3A_315 : vector<16xf32>
        %add3A_320 = arith.addf %unpack3A_308, %unpack3A_316 : vector<16xf32>
        %pack3A_321 = tpu.pack_subelements %add3A_317, %add3A_319 {pack_format = #tpu.pack_format<interleaved>, positions = array<i32: 0, 1>} : vector<16xf32>, vector<16xf32> -> vector<32xbf16>
        %bitcast3A_322 = vector.bitcast %pack3A_321 : vector<32xbf16> to vector<16xi32>
        %pack3A_323 = tpu.pack_subelements %add3A_318, %add3A_320 {pack_format = #tpu.pack_format<interleaved>, positions = array<i32: 0, 1>} : vector<16xf32>, vector<16xf32> -> vector<32xbf16>
        %bitcast3A_324 = vector.bitcast %pack3A_323 : vector<32xbf16> to vector<16xi32>
        %swap3A_325 = arith.index_cast %scan3A_167 : i32 to index
        %swap3A_326 = arith.constant 48 : index
        %swap3A_327 = tpu.vector_load %arg13[%swap3A_325, %swap3A_326] {strides = array<i32>} : memref<40x128xi32, #tpu.memory_space<vmem>>, vector<16xi32>,
        tpu.vector_store %arg13[%swap3A_325, %swap3A_326], %bitcast3A_322 {strides = array<i32>} : memref<40x128xi32, #tpu.memory_space<vmem>>, vector<16xi32>,
        %swap3A_328 = arith.index_cast %scan3A_167 : i32 to index
        %swap3A_329 = arith.constant 112 : index
        %swap3A_330 = tpu.vector_load %arg13[%swap3A_328, %swap3A_329] {strides = array<i32>} : memref<40x128xi32, #tpu.memory_space<vmem>>, vector<16xi32>,
        tpu.vector_store %arg13[%swap3A_328, %swap3A_329], %bitcast3A_324 {strides = array<i32>} : memref<40x128xi32, #tpu.memory_space<vmem>>, vector<16xi32>,
        %scan3A_331 = arith.constant 1 : i32
        %scan3A_332 = arith.addi %scan3A_167, %scan3A_331 : i32
        %get3A_333 = arith.index_cast %scan3A_332 : i32 to index
        %get3A_334 = arith.constant 0 : index
        %get3A_335 = tpu.vector_load %arg9[%get3A_333, %get3A_334] {strides = array<i32>} : memref<80x64xi32, #tpu.memory_space<vmem>>, vector<16xi32>,
        %bitcast3A_336 = vector.bitcast %get3A_335 : vector<16xi32> to vector<32xbf16>
        %unpack3A_337 = tpu.unpack_subelements %bitcast3A_336, 0 {pack_format = #tpu.pack_format<interleaved>} : vector<32xbf16> -> vector<16xf32>
        %unpack3A_338 = tpu.unpack_subelements %bitcast3A_336, 1 {pack_format = #tpu.pack_format<interleaved>} : vector<32xbf16> -> vector<16xf32>
        %get3A_339 = arith.index_cast %scan3A_332 : i32 to index
        %get3A_340 = arith.constant 0 : index
        %get3A_341 = tpu.vector_load %arg11[%get3A_339, %get3A_340] {strides = array<i32>} : memref<80x64xi32, #tpu.memory_space<vmem>>, vector<16xi32>,
        %bitcast3A_342 = vector.bitcast %get3A_341 : vector<16xi32> to vector<32xbf16>
        %unpack3A_343 = tpu.unpack_subelements %bitcast3A_342, 0 {pack_format = #tpu.pack_format<interleaved>} : vector<32xbf16> -> vector<16xf32>
        %unpack3A_344 = tpu.unpack_subelements %bitcast3A_342, 1 {pack_format = #tpu.pack_format<interleaved>} : vector<32xbf16> -> vector<16xf32>
        %add3A_345 = arith.constant 40 : i32
        %add3A_346 = arith.addi %add3A_345, %scan3A_332 : i32
        %get3A_347 = arith.index_cast %add3A_346 : i32 to index
        %get3A_348 = arith.constant 0 : index
        %get3A_349 = tpu.vector_load %arg9[%get3A_347, %get3A_348] {strides = array<i32>} : memref<80x64xi32, #tpu.memory_space<vmem>>, vector<16xi32>,
        %bitcast3A_350 = vector.bitcast %get3A_349 : vector<16xi32> to vector<32xbf16>
        %unpack3A_351 = tpu.unpack_subelements %bitcast3A_350, 0 {pack_format = #tpu.pack_format<interleaved>} : vector<32xbf16> -> vector<16xf32>
        %unpack3A_352 = tpu.unpack_subelements %bitcast3A_350, 1 {pack_format = #tpu.pack_format<interleaved>} : vector<32xbf16> -> vector<16xf32>
        %add3A_353 = arith.constant 40 : i32
        %add3A_354 = arith.addi %add3A_353, %scan3A_332 : i32
        %get3A_355 = arith.index_cast %add3A_354 : i32 to index
        %get3A_356 = arith.constant 0 : index
        %get3A_357 = tpu.vector_load %arg11[%get3A_355, %get3A_356] {strides = array<i32>} : memref<80x64xi32, #tpu.memory_space<vmem>>, vector<16xi32>,
        %bitcast3A_358 = vector.bitcast %get3A_357 : vector<16xi32> to vector<32xbf16>
        %unpack3A_359 = tpu.unpack_subelements %bitcast3A_358, 0 {pack_format = #tpu.pack_format<interleaved>} : vector<32xbf16> -> vector<16xf32>
        %unpack3A_360 = tpu.unpack_subelements %bitcast3A_358, 1 {pack_format = #tpu.pack_format<interleaved>} : vector<32xbf16> -> vector<16xf32>
        %add3A_361 = arith.addf %unpack3A_337, %unpack3A_343 : vector<16xf32>
        %add3A_362 = arith.addf %unpack3A_338, %unpack3A_344 : vector<16xf32>
        %add3A_363 = arith.addf %unpack3A_351, %unpack3A_359 : vector<16xf32>
        %add3A_364 = arith.addf %unpack3A_352, %unpack3A_360 : vector<16xf32>
        %pack3A_365 = tpu.pack_subelements %add3A_361, %add3A_363 {pack_format = #tpu.pack_format<interleaved>, positions = array<i32: 0, 1>} : vector<16xf32>, vector<16xf32> -> vector<32xbf16>
        %bitcast3A_366 = vector.bitcast %pack3A_365 : vector<32xbf16> to vector<16xi32>
        %pack3A_367 = tpu.pack_subelements %add3A_362, %add3A_364 {pack_format = #tpu.pack_format<interleaved>, positions = array<i32: 0, 1>} : vector<16xf32>, vector<16xf32> -> vector<32xbf16>
        %bitcast3A_368 = vector.bitcast %pack3A_367 : vector<32xbf16> to vector<16xi32>
        %swap3A_369 = arith.index_cast %scan3A_332 : i32 to index
        %swap3A_370 = arith.constant 0 : index
        %swap3A_371 = tpu.vector_load %arg13[%swap3A_369, %swap3A_370] {strides = array<i32>} : memref<40x128xi32, #tpu.memory_space<vmem>>, vector<16xi32>,
        tpu.vector_store %arg13[%swap3A_369, %swap3A_370], %bitcast3A_366 {strides = array<i32>} : memref<40x128xi32, #tpu.memory_space<vmem>>, vector<16xi32>,
        %swap3A_372 = arith.index_cast %scan3A_332 : i32 to index
        %swap3A_373 = arith.constant 64 : index
        %swap3A_374 = tpu.vector_load %arg13[%swap3A_372, %swap3A_373] {strides = array<i32>} : memref<40x128xi32, #tpu.memory_space<vmem>>, vector<16xi32>,
        tpu.vector_store %arg13[%swap3A_372, %swap3A_373], %bitcast3A_368 {strides = array<i32>} : memref<40x128xi32, #tpu.memory_space<vmem>>, vector<16xi32>,
        %get3A_375 = arith.index_cast %scan3A_332 : i32 to index
        %get3A_376 = arith.constant 16 : index
        %get3A_377 = tpu.vector_load %arg9[%get3A_375, %get3A_376] {strides = array<i32>} : memref<80x64xi32, #tpu.memory_space<vmem>>, vector<16xi32>,
        %bitcast3A_378 = vector.bitcast %get3A_377 : vector<16xi32> to vector<32xbf16>
        %unpack3A_379 = tpu.unpack_subelements %bitcast3A_378, 0 {pack_format = #tpu.pack_format<interleaved>} : vector<32xbf16> -> vector<16xf32>
        %unpack3A_380 = tpu.unpack_subelements %bitcast3A_378, 1 {pack_format = #tpu.pack_format<interleaved>} : vector<32xbf16> -> vector<16xf32>
        %get3A_381 = arith.index_cast %scan3A_332 : i32 to index
        %get3A_382 = arith.constant 16 : index
        %get3A_383 = tpu.vector_load %arg11[%get3A_381, %get3A_382] {strides = array<i32>} : memref<80x64xi32, #tpu.memory_space<vmem>>, vector<16xi32>,
        %bitcast3A_384 = vector.bitcast %get3A_383 : vector<16xi32> to vector<32xbf16>
        %unpack3A_385 = tpu.unpack_subelements %bitcast3A_384, 0 {pack_format = #tpu.pack_format<interleaved>} : vector<32xbf16> -> vector<16xf32>
        %unpack3A_386 = tpu.unpack_subelements %bitcast3A_384, 1 {pack_format = #tpu.pack_format<interleaved>} : vector<32xbf16> -> vector<16xf32>
        %add3A_387 = arith.constant 40 : i32
        %add3A_388 = arith.addi %add3A_387, %scan3A_332 : i32
        %get3A_389 = arith.index_cast %add3A_388 : i32 to index
        %get3A_390 = arith.constant 16 : index
        %get3A_391 = tpu.vector_load %arg9[%get3A_389, %get3A_390] {strides = array<i32>} : memref<80x64xi32, #tpu.memory_space<vmem>>, vector<16xi32>,
        %bitcast3A_392 = vector.bitcast %get3A_391 : vector<16xi32> to vector<32xbf16>
        %unpack3A_393 = tpu.unpack_subelements %bitcast3A_392, 0 {pack_format = #tpu.pack_format<interleaved>} : vector<32xbf16> -> vector<16xf32>
        %unpack3A_394 = tpu.unpack_subelements %bitcast3A_392, 1 {pack_format = #tpu.pack_format<interleaved>} : vector<32xbf16> -> vector<16xf32>
        %add3A_395 = arith.constant 40 : i32
        %add3A_396 = arith.addi %add3A_395, %scan3A_332 : i32
        %get3A_397 = arith.index_cast %add3A_396 : i32 to index
        %get3A_398 = arith.constant 16 : index
        %get3A_399 = tpu.vector_load %arg11[%get3A_397, %get3A_398] {strides = array<i32>} : memref<80x64xi32, #tpu.memory_space<vmem>>, vector<16xi32>,
        %bitcast3A_400 = vector.bitcast %get3A_399 : vector<16xi32> to vector<32xbf16>
        %unpack3A_401 = tpu.unpack_subelements %bitcast3A_400, 0 {pack_format = #tpu.pack_format<interleaved>} : vector<32xbf16> -> vector<16xf32>
        %unpack3A_402 = tpu.unpack_subelements %bitcast3A_400, 1 {pack_format = #tpu.pack_format<interleaved>} : vector<32xbf16> -> vector<16xf32>
        %add3A_403 = arith.addf %unpack3A_379, %unpack3A_385 : vector<16xf32>
        %add3A_404 = arith.addf %unpack3A_380, %unpack3A_386 : vector<16xf32>
        %add3A_405 = arith.addf %unpack3A_393, %unpack3A_401 : vector<16xf32>
        %add3A_406 = arith.addf %unpack3A_394, %unpack3A_402 : vector<16xf32>
        %pack3A_407 = tpu.pack_subelements %add3A_403, %add3A_405 {pack_format = #tpu.pack_format<interleaved>, positions = array<i32: 0, 1>} : vector<16xf32>, vector<16xf32> -> vector<32xbf16>
        %bitcast3A_408 = vector.bitcast %pack3A_407 : vector<32xbf16> to vector<16xi32>
        %pack3A_409 = tpu.pack_subelements %add3A_404, %add3A_406 {pack_format = #tpu.pack_format<interleaved>, positions = array<i32: 0, 1>} : vector<16xf32>, vector<16xf32> -> vector<32xbf16>
        %bitcast3A_410 = vector.bitcast %pack3A_409 : vector<32xbf16> to vector<16xi32>
        %swap3A_411 = arith.index_cast %scan3A_332 : i32 to index
        %swap3A_412 = arith.constant 16 : index
        %swap3A_413 = tpu.vector_load %arg13[%swap3A_411, %swap3A_412] {strides = array<i32>} : memref<40x128xi32, #tpu.memory_space<vmem>>, vector<16xi32>,
        tpu.vector_store %arg13[%swap3A_411, %swap3A_412], %bitcast3A_408 {strides = array<i32>} : memref<40x128xi32, #tpu.memory_space<vmem>>, vector<16xi32>,
        %swap3A_414 = arith.index_cast %scan3A_332 : i32 to index
        %swap3A_415 = arith.constant 80 : index
        %swap3A_416 = tpu.vector_load %arg13[%swap3A_414, %swap3A_415] {strides = array<i32>} : memref<40x128xi32, #tpu.memory_space<vmem>>, vector<16xi32>,
        tpu.vector_store %arg13[%swap3A_414, %swap3A_415], %bitcast3A_410 {strides = array<i32>} : memref<40x128xi32, #tpu.memory_space<vmem>>, vector<16xi32>,
        %get3A_417 = arith.index_cast %scan3A_332 : i32 to index
        %get3A_418 = arith.constant 32 : index
        %get3A_419 = tpu.vector_load %arg9[%get3A_417, %get3A_418] {strides = array<i32>} : memref<80x64xi32, #tpu.memory_space<vmem>>, vector<16xi32>,
        %bitcast3A_420 = vector.bitcast %get3A_419 : vector<16xi32> to vector<32xbf16>
        %unpack3A_421 = tpu.unpack_subelements %bitcast3A_420, 0 {pack_format = #tpu.pack_format<interleaved>} : vector<32xbf16> -> vector<16xf32>
        %unpack3A_422 = tpu.unpack_subelements %bitcast3A_420, 1 {pack_format = #tpu.pack_format<interleaved>} : vector<32xbf16> -> vector<16xf32>
        %get3A_423 = arith.index_cast %scan3A_332 : i32 to index
        %get3A_424 = arith.constant 32 : index
        %get3A_425 = tpu.vector_load %arg11[%get3A_423, %get3A_424] {strides = array<i32>} : memref<80x64xi32, #tpu.memory_space<vmem>>, vector<16xi32>,
        %bitcast3A_426 = vector.bitcast %get3A_425 : vector<16xi32> to vector<32xbf16>
        %unpack3A_427 = tpu.unpack_subelements %bitcast3A_426, 0 {pack_format = #tpu.pack_format<interleaved>} : vector<32xbf16> -> vector<16xf32>
        %unpack3A_428 = tpu.unpack_subelements %bitcast3A_426, 1 {pack_format = #tpu.pack_format<interleaved>} : vector<32xbf16> -> vector<16xf32>
        %add3A_429 = arith.constant 40 : i32
        %add3A_430 = arith.addi %add3A_429, %scan3A_332 : i32
        %get3A_431 = arith.index_cast %add3A_430 : i32 to index
        %get3A_432 = arith.constant 32 : index
        %get3A_433 = tpu.vector_load %arg9[%get3A_431, %get3A_432] {strides = array<i32>} : memref<80x64xi32, #tpu.memory_space<vmem>>, vector<16xi32>,
        %bitcast3A_434 = vector.bitcast %get3A_433 : vector<16xi32> to vector<32xbf16>
        %unpack3A_435 = tpu.unpack_subelements %bitcast3A_434, 0 {pack_format = #tpu.pack_format<interleaved>} : vector<32xbf16> -> vector<16xf32>
        %unpack3A_436 = tpu.unpack_subelements %bitcast3A_434, 1 {pack_format = #tpu.pack_format<interleaved>} : vector<32xbf16> -> vector<16xf32>
        %add3A_437 = arith.constant 40 : i32
        %add3A_438 = arith.addi %add3A_437, %scan3A_332 : i32
        %get3A_439 = arith.index_cast %add3A_438 : i32 to index
        %get3A_440 = arith.constant 32 : index
        %get3A_441 = tpu.vector_load %arg11[%get3A_439, %get3A_440] {strides = array<i32>} : memref<80x64xi32, #tpu.memory_space<vmem>>, vector<16xi32>,
        %bitcast3A_442 = vector.bitcast %get3A_441 : vector<16xi32> to vector<32xbf16>
        %unpack3A_443 = tpu.unpack_subelements %bitcast3A_442, 0 {pack_format = #tpu.pack_format<interleaved>} : vector<32xbf16> -> vector<16xf32>
        %unpack3A_444 = tpu.unpack_subelements %bitcast3A_442, 1 {pack_format = #tpu.pack_format<interleaved>} : vector<32xbf16> -> vector<16xf32>
        %add3A_445 = arith.addf %unpack3A_421, %unpack3A_427 : vector<16xf32>
        %add3A_446 = arith.addf %unpack3A_422, %unpack3A_428 : vector<16xf32>
        %add3A_447 = arith.addf %unpack3A_435, %unpack3A_443 : vector<16xf32>
        %add3A_448 = arith.addf %unpack3A_436, %unpack3A_444 : vector<16xf32>
        %pack3A_449 = tpu.pack_subelements %add3A_445, %add3A_447 {pack_format = #tpu.pack_format<interleaved>, positions = array<i32: 0, 1>} : vector<16xf32>, vector<16xf32> -> vector<32xbf16>
        %bitcast3A_450 = vector.bitcast %pack3A_449 : vector<32xbf16> to vector<16xi32>
        %pack3A_451 = tpu.pack_subelements %add3A_446, %add3A_448 {pack_format = #tpu.pack_format<interleaved>, positions = array<i32: 0, 1>} : vector<16xf32>, vector<16xf32> -> vector<32xbf16>
        %bitcast3A_452 = vector.bitcast %pack3A_451 : vector<32xbf16> to vector<16xi32>
        %swap3A_453 = arith.index_cast %scan3A_332 : i32 to index
        %swap3A_454 = arith.constant 32 : index
        %swap3A_455 = tpu.vector_load %arg13[%swap3A_453, %swap3A_454] {strides = array<i32>} : memref<40x128xi32, #tpu.memory_space<vmem>>, vector<16xi32>,
        tpu.vector_store %arg13[%swap3A_453, %swap3A_454], %bitcast3A_450 {strides = array<i32>} : memref<40x128xi32, #tpu.memory_space<vmem>>, vector<16xi32>,
        %swap3A_456 = arith.index_cast %scan3A_332 : i32 to index
        %swap3A_457 = arith.constant 96 : index
        %swap3A_458 = tpu.vector_load %arg13[%swap3A_456, %swap3A_457] {strides = array<i32>} : memref<40x128xi32, #tpu.memory_space<vmem>>, vector<16xi32>,
        tpu.vector_store %arg13[%swap3A_456, %swap3A_457], %bitcast3A_452 {strides = array<i32>} : memref<40x128xi32, #tpu.memory_space<vmem>>, vector<16xi32>,
        %get3A_459 = arith.index_cast %scan3A_332 : i32 to index
        %get3A_460 = arith.constant 48 : index
        %get3A_461 = tpu.vector_load %arg9[%get3A_459, %get3A_460] {strides = array<i32>} : memref<80x64xi32, #tpu.memory_space<vmem>>, vector<16xi32>,
        %bitcast3A_462 = vector.bitcast %get3A_461 : vector<16xi32> to vector<32xbf16>
        %unpack3A_463 = tpu.unpack_subelements %bitcast3A_462, 0 {pack_format = #tpu.pack_format<interleaved>} : vector<32xbf16> -> vector<16xf32>
        %unpack3A_464 = tpu.unpack_subelements %bitcast3A_462, 1 {pack_format = #tpu.pack_format<interleaved>} : vector<32xbf16> -> vector<16xf32>
        %get3A_465 = arith.index_cast %scan3A_332 : i32 to index
        %get3A_466 = arith.constant 48 : index
        %get3A_467 = tpu.vector_load %arg11[%get3A_465, %get3A_466] {strides = array<i32>} : memref<80x64xi32, #tpu.memory_space<vmem>>, vector<16xi32>,
        %bitcast3A_468 = vector.bitcast %get3A_467 : vector<16xi32> to vector<32xbf16>
        %unpack3A_469 = tpu.unpack_subelements %bitcast3A_468, 0 {pack_format = #tpu.pack_format<interleaved>} : vector<32xbf16> -> vector<16xf32>
        %unpack3A_470 = tpu.unpack_subelements %bitcast3A_468, 1 {pack_format = #tpu.pack_format<interleaved>} : vector<32xbf16> -> vector<16xf32>
        %add3A_471 = arith.constant 40 : i32
        %add3A_472 = arith.addi %add3A_471, %scan3A_332 : i32
        %get3A_473 = arith.index_cast %add3A_472 : i32 to index
        %get3A_474 = arith.constant 48 : index
        %get3A_475 = tpu.vector_load %arg9[%get3A_473, %get3A_474] {strides = array<i32>} : memref<80x64xi32, #tpu.memory_space<vmem>>, vector<16xi32>,
        %bitcast3A_476 = vector.bitcast %get3A_475 : vector<16xi32> to vector<32xbf16>
        %unpack3A_477 = tpu.unpack_subelements %bitcast3A_476, 0 {pack_format = #tpu.pack_format<interleaved>} : vector<32xbf16> -> vector<16xf32>
        %unpack3A_478 = tpu.unpack_subelements %bitcast3A_476, 1 {pack_format = #tpu.pack_format<interleaved>} : vector<32xbf16> -> vector<16xf32>
        %add3A_479 = arith.constant 40 : i32
        %add3A_480 = arith.addi %add3A_479, %scan3A_332 : i32
        %get3A_481 = arith.index_cast %add3A_480 : i32 to index
        %get3A_482 = arith.constant 48 : index
        %get3A_483 = tpu.vector_load %arg11[%get3A_481, %get3A_482] {strides = array<i32>} : memref<80x64xi32, #tpu.memory_space<vmem>>, vector<16xi32>,
        %bitcast3A_484 = vector.bitcast %get3A_483 : vector<16xi32> to vector<32xbf16>
        %unpack3A_485 = tpu.unpack_subelements %bitcast3A_484, 0 {pack_format = #tpu.pack_format<interleaved>} : vector<32xbf16> -> vector<16xf32>
        %unpack3A_486 = tpu.unpack_subelements %bitcast3A_484, 1 {pack_format = #tpu.pack_format<interleaved>} : vector<32xbf16> -> vector<16xf32>
        %add3A_487 = arith.addf %unpack3A_463, %unpack3A_469 : vector<16xf32>
        %add3A_488 = arith.addf %unpack3A_464, %unpack3A_470 : vector<16xf32>
        %add3A_489 = arith.addf %unpack3A_477, %unpack3A_485 : vector<16xf32>
        %add3A_490 = arith.addf %unpack3A_478, %unpack3A_486 : vector<16xf32>
        %pack3A_491 = tpu.pack_subelements %add3A_487, %add3A_489 {pack_format = #tpu.pack_format<interleaved>, positions = array<i32: 0, 1>} : vector<16xf32>, vector<16xf32> -> vector<32xbf16>
        %bitcast3A_492 = vector.bitcast %pack3A_491 : vector<32xbf16> to vector<16xi32>
        %pack3A_493 = tpu.pack_subelements %add3A_488, %add3A_490 {pack_format = #tpu.pack_format<interleaved>, positions = array<i32: 0, 1>} : vector<16xf32>, vector<16xf32> -> vector<32xbf16>
        %bitcast3A_494 = vector.bitcast %pack3A_493 : vector<32xbf16> to vector<16xi32>
        %swap3A_495 = arith.index_cast %scan3A_332 : i32 to index
        %swap3A_496 = arith.constant 48 : index
        %swap3A_497 = tpu.vector_load %arg13[%swap3A_495, %swap3A_496] {strides = array<i32>} : memref<40x128xi32, #tpu.memory_space<vmem>>, vector<16xi32>,
        tpu.vector_store %arg13[%swap3A_495, %swap3A_496], %bitcast3A_492 {strides = array<i32>} : memref<40x128xi32, #tpu.memory_space<vmem>>, vector<16xi32>,
        %swap3A_498 = arith.index_cast %scan3A_332 : i32 to index
        %swap3A_499 = arith.constant 112 : index
        %swap3A_500 = tpu.vector_load %arg13[%swap3A_498, %swap3A_499] {strides = array<i32>} : memref<40x128xi32, #tpu.memory_space<vmem>>, vector<16xi32>,
        tpu.vector_store %arg13[%swap3A_498, %swap3A_499], %bitcast3A_494 {strides = array<i32>} : memref<40x128xi32, #tpu.memory_space<vmem>>, vector<16xi32>,
        %scan3A_501 = arith.constant 2 : i32
        %scan3A_502 = arith.addi %scan3A_167, %scan3A_501 : i32
        %get3A_503 = arith.index_cast %scan3A_502 : i32 to index
        %get3A_504 = arith.constant 0 : index
        %get3A_505 = tpu.vector_load %arg9[%get3A_503, %get3A_504] {strides = array<i32>} : memref<80x64xi32, #tpu.memory_space<vmem>>, vector<16xi32>,
        %bitcast3A_506 = vector.bitcast %get3A_505 : vector<16xi32> to vector<32xbf16>
        %unpack3A_507 = tpu.unpack_subelements %bitcast3A_506, 0 {pack_format = #tpu.pack_format<interleaved>} : vector<32xbf16> -> vector<16xf32>
        %unpack3A_508 = tpu.unpack_subelements %bitcast3A_506, 1 {pack_format = #tpu.pack_format<interleaved>} : vector<32xbf16> -> vector<16xf32>
        %get3A_509 = arith.index_cast %scan3A_502 : i32 to index
        %get3A_510 = arith.constant 0 : index
        %get3A_511 = tpu.vector_load %arg11[%get3A_509, %get3A_510] {strides = array<i32>} : memref<80x64xi32, #tpu.memory_space<vmem>>, vector<16xi32>,
        %bitcast3A_512 = vector.bitcast %get3A_511 : vector<16xi32> to vector<32xbf16>
        %unpack3A_513 = tpu.unpack_subelements %bitcast3A_512, 0 {pack_format = #tpu.pack_format<interleaved>} : vector<32xbf16> -> vector<16xf32>
        %unpack3A_514 = tpu.unpack_subelements %bitcast3A_512, 1 {pack_format = #tpu.pack_format<interleaved>} : vector<32xbf16> -> vector<16xf32>
        %add3A_515 = arith.constant 40 : i32
        %add3A_516 = arith.addi %add3A_515, %scan3A_502 : i32
        %get3A_517 = arith.index_cast %add3A_516 : i32 to index
        %get3A_518 = arith.constant 0 : index
        %get3A_519 = tpu.vector_load %arg9[%get3A_517, %get3A_518] {strides = array<i32>} : memref<80x64xi32, #tpu.memory_space<vmem>>, vector<16xi32>,
        %bitcast3A_520 = vector.bitcast %get3A_519 : vector<16xi32> to vector<32xbf16>
        %unpack3A_521 = tpu.unpack_subelements %bitcast3A_520, 0 {pack_format = #tpu.pack_format<interleaved>} : vector<32xbf16> -> vector<16xf32>
        %unpack3A_522 = tpu.unpack_subelements %bitcast3A_520, 1 {pack_format = #tpu.pack_format<interleaved>} : vector<32xbf16> -> vector<16xf32>
        %add3A_523 = arith.constant 40 : i32
        %add3A_524 = arith.addi %add3A_523, %scan3A_502 : i32
        %get3A_525 = arith.index_cast %add3A_524 : i32 to index
        %get3A_526 = arith.constant 0 : index
        %get3A_527 = tpu.vector_load %arg11[%get3A_525, %get3A_526] {strides = array<i32>} : memref<80x64xi32, #tpu.memory_space<vmem>>, vector<16xi32>,
        %bitcast3A_528 = vector.bitcast %get3A_527 : vector<16xi32> to vector<32xbf16>
        %unpack3A_529 = tpu.unpack_subelements %bitcast3A_528, 0 {pack_format = #tpu.pack_format<interleaved>} : vector<32xbf16> -> vector<16xf32>
        %unpack3A_530 = tpu.unpack_subelements %bitcast3A_528, 1 {pack_format = #tpu.pack_format<interleaved>} : vector<32xbf16> -> vector<16xf32>
        %add3A_531 = arith.addf %unpack3A_507, %unpack3A_513 : vector<16xf32>
        %add3A_532 = arith.addf %unpack3A_508, %unpack3A_514 : vector<16xf32>
        %add3A_533 = arith.addf %unpack3A_521, %unpack3A_529 : vector<16xf32>
        %add3A_534 = arith.addf %unpack3A_522, %unpack3A_530 : vector<16xf32>
        %pack3A_535 = tpu.pack_subelements %add3A_531, %add3A_533 {pack_format = #tpu.pack_format<interleaved>, positions = array<i32: 0, 1>} : vector<16xf32>, vector<16xf32> -> vector<32xbf16>
        %bitcast3A_536 = vector.bitcast %pack3A_535 : vector<32xbf16> to vector<16xi32>
        %pack3A_537 = tpu.pack_subelements %add3A_532, %add3A_534 {pack_format = #tpu.pack_format<interleaved>, positions = array<i32: 0, 1>} : vector<16xf32>, vector<16xf32> -> vector<32xbf16>
        %bitcast3A_538 = vector.bitcast %pack3A_537 : vector<32xbf16> to vector<16xi32>
        %swap3A_539 = arith.index_cast %scan3A_502 : i32 to index
        %swap3A_540 = arith.constant 0 : index
        %swap3A_541 = tpu.vector_load %arg13[%swap3A_539, %swap3A_540] {strides = array<i32>} : memref<40x128xi32, #tpu.memory_space<vmem>>, vector<16xi32>,
        tpu.vector_store %arg13[%swap3A_539, %swap3A_540], %bitcast3A_536 {strides = array<i32>} : memref<40x128xi32, #tpu.memory_space<vmem>>, vector<16xi32>,
        %swap3A_542 = arith.index_cast %scan3A_502 : i32 to index
        %swap3A_543 = arith.constant 64 : index
        %swap3A_544 = tpu.vector_load %arg13[%swap3A_542, %swap3A_543] {strides = array<i32>} : memref<40x128xi32, #tpu.memory_space<vmem>>, vector<16xi32>,
        tpu.vector_store %arg13[%swap3A_542, %swap3A_543], %bitcast3A_538 {strides = array<i32>} : memref<40x128xi32, #tpu.memory_space<vmem>>, vector<16xi32>,
        %get3A_545 = arith.index_cast %scan3A_502 : i32 to index
        %get3A_546 = arith.constant 16 : index
        %get3A_547 = tpu.vector_load %arg9[%get3A_545, %get3A_546] {strides = array<i32>} : memref<80x64xi32, #tpu.memory_space<vmem>>, vector<16xi32>,
        %bitcast3A_548 = vector.bitcast %get3A_547 : vector<16xi32> to vector<32xbf16>
        %unpack3A_549 = tpu.unpack_subelements %bitcast3A_548, 0 {pack_format = #tpu.pack_format<interleaved>} : vector<32xbf16> -> vector<16xf32>
        %unpack3A_550 = tpu.unpack_subelements %bitcast3A_548, 1 {pack_format = #tpu.pack_format<interleaved>} : vector<32xbf16> -> vector<16xf32>
        %get3A_551 = arith.index_cast %scan3A_502 : i32 to index
        %get3A_552 = arith.constant 16 : index
        %get3A_553 = tpu.vector_load %arg11[%get3A_551, %get3A_552] {strides = array<i32>} : memref<80x64xi32, #tpu.memory_space<vmem>>, vector<16xi32>,
        %bitcast3A_554 = vector.bitcast %get3A_553 : vector<16xi32> to vector<32xbf16>
        %unpack3A_555 = tpu.unpack_subelements %bitcast3A_554, 0 {pack_format = #tpu.pack_format<interleaved>} : vector<32xbf16> -> vector<16xf32>
        %unpack3A_556 = tpu.unpack_subelements %bitcast3A_554, 1 {pack_format = #tpu.pack_format<interleaved>} : vector<32xbf16> -> vector<16xf32>
        %add3A_557 = arith.constant 40 : i32
        %add3A_558 = arith.addi %add3A_557, %scan3A_502 : i32
        %get3A_559 = arith.index_cast %add3A_558 : i32 to index
        %get3A_560 = arith.constant 16 : index
        %get3A_561 = tpu.vector_load %arg9[%get3A_559, %get3A_560] {strides = array<i32>} : memref<80x64xi32, #tpu.memory_space<vmem>>, vector<16xi32>,
        %bitcast3A_562 = vector.bitcast %get3A_561 : vector<16xi32> to vector<32xbf16>
        %unpack3A_563 = tpu.unpack_subelements %bitcast3A_562, 0 {pack_format = #tpu.pack_format<interleaved>} : vector<32xbf16> -> vector<16xf32>
        %unpack3A_564 = tpu.unpack_subelements %bitcast3A_562, 1 {pack_format = #tpu.pack_format<interleaved>} : vector<32xbf16> -> vector<16xf32>
        %add3A_565 = arith.constant 40 : i32
        %add3A_566 = arith.addi %add3A_565, %scan3A_502 : i32
        %get3A_567 = arith.index_cast %add3A_566 : i32 to index
        %get3A_568 = arith.constant 16 : index
        %get3A_569 = tpu.vector_load %arg11[%get3A_567, %get3A_568] {strides = array<i32>} : memref<80x64xi32, #tpu.memory_space<vmem>>, vector<16xi32>,
        %bitcast3A_570 = vector.bitcast %get3A_569 : vector<16xi32> to vector<32xbf16>
        %unpack3A_571 = tpu.unpack_subelements %bitcast3A_570, 0 {pack_format = #tpu.pack_format<interleaved>} : vector<32xbf16> -> vector<16xf32>
        %unpack3A_572 = tpu.unpack_subelements %bitcast3A_570, 1 {pack_format = #tpu.pack_format<interleaved>} : vector<32xbf16> -> vector<16xf32>
        %add3A_573 = arith.addf %unpack3A_549, %unpack3A_555 : vector<16xf32>
        %add3A_574 = arith.addf %unpack3A_550, %unpack3A_556 : vector<16xf32>
        %add3A_575 = arith.addf %unpack3A_563, %unpack3A_571 : vector<16xf32>
        %add3A_576 = arith.addf %unpack3A_564, %unpack3A_572 : vector<16xf32>
        %pack3A_577 = tpu.pack_subelements %add3A_573, %add3A_575 {pack_format = #tpu.pack_format<interleaved>, positions = array<i32: 0, 1>} : vector<16xf32>, vector<16xf32> -> vector<32xbf16>
        %bitcast3A_578 = vector.bitcast %pack3A_577 : vector<32xbf16> to vector<16xi32>
        %pack3A_579 = tpu.pack_subelements %add3A_574, %add3A_576 {pack_format = #tpu.pack_format<interleaved>, positions = array<i32: 0, 1>} : vector<16xf32>, vector<16xf32> -> vector<32xbf16>
        %bitcast3A_580 = vector.bitcast %pack3A_579 : vector<32xbf16> to vector<16xi32>
        %swap3A_581 = arith.index_cast %scan3A_502 : i32 to index
        %swap3A_582 = arith.constant 16 : index
        %swap3A_583 = tpu.vector_load %arg13[%swap3A_581, %swap3A_582] {strides = array<i32>} : memref<40x128xi32, #tpu.memory_space<vmem>>, vector<16xi32>,
        tpu.vector_store %arg13[%swap3A_581, %swap3A_582], %bitcast3A_578 {strides = array<i32>} : memref<40x128xi32, #tpu.memory_space<vmem>>, vector<16xi32>,
        %swap3A_584 = arith.index_cast %scan3A_502 : i32 to index
        %swap3A_585 = arith.constant 80 : index
        %swap3A_586 = tpu.vector_load %arg13[%swap3A_584, %swap3A_585] {strides = array<i32>} : memref<40x128xi32, #tpu.memory_space<vmem>>, vector<16xi32>,
        tpu.vector_store %arg13[%swap3A_584, %swap3A_585], %bitcast3A_580 {strides = array<i32>} : memref<40x128xi32, #tpu.memory_space<vmem>>, vector<16xi32>,
        %get3A_587 = arith.index_cast %scan3A_502 : i32 to index
        %get3A_588 = arith.constant 32 : index
        %get3A_589 = tpu.vector_load %arg9[%get3A_587, %get3A_588] {strides = array<i32>} : memref<80x64xi32, #tpu.memory_space<vmem>>, vector<16xi32>,
        %bitcast3A_590 = vector.bitcast %get3A_589 : vector<16xi32> to vector<32xbf16>
        %unpack3A_591 = tpu.unpack_subelements %bitcast3A_590, 0 {pack_format = #tpu.pack_format<interleaved>} : vector<32xbf16> -> vector<16xf32>
        %unpack3A_592 = tpu.unpack_subelements %bitcast3A_590, 1 {pack_format = #tpu.pack_format<interleaved>} : vector<32xbf16> -> vector<16xf32>
        %get3A_593 = arith.index_cast %scan3A_502 : i32 to index
        %get3A_594 = arith.constant 32 : index
        %get3A_595 = tpu.vector_load %arg11[%get3A_593, %get3A_594] {strides = array<i32>} : memref<80x64xi32, #tpu.memory_space<vmem>>, vector<16xi32>,
        %bitcast3A_596 = vector.bitcast %get3A_595 : vector<16xi32> to vector<32xbf16>
        %unpack3A_597 = tpu.unpack_subelements %bitcast3A_596, 0 {pack_format = #tpu.pack_format<interleaved>} : vector<32xbf16> -> vector<16xf32>
        %unpack3A_598 = tpu.unpack_subelements %bitcast3A_596, 1 {pack_format = #tpu.pack_format<interleaved>} : vector<32xbf16> -> vector<16xf32>
        %add3A_599 = arith.constant 40 : i32
        %add3A_600 = arith.addi %add3A_599, %scan3A_502 : i32
        %get3A_601 = arith.index_cast %add3A_600 : i32 to index
        %get3A_602 = arith.constant 32 : index
        %get3A_603 = tpu.vector_load %arg9[%get3A_601, %get3A_602] {strides = array<i32>} : memref<80x64xi32, #tpu.memory_space<vmem>>, vector<16xi32>,
        %bitcast3A_604 = vector.bitcast %get3A_603 : vector<16xi32> to vector<32xbf16>
        %unpack3A_605 = tpu.unpack_subelements %bitcast3A_604, 0 {pack_format = #tpu.pack_format<interleaved>} : vector<32xbf16> -> vector<16xf32>
        %unpack3A_606 = tpu.unpack_subelements %bitcast3A_604, 1 {pack_format = #tpu.pack_format<interleaved>} : vector<32xbf16> -> vector<16xf32>
        %add3A_607 = arith.constant 40 : i32
        %add3A_608 = arith.addi %add3A_607, %scan3A_502 : i32
        %get3A_609 = arith.index_cast %add3A_608 : i32 to index
        %get3A_610 = arith.constant 32 : index
        %get3A_611 = tpu.vector_load %arg11[%get3A_609, %get3A_610] {strides = array<i32>} : memref<80x64xi32, #tpu.memory_space<vmem>>, vector<16xi32>,
        %bitcast3A_612 = vector.bitcast %get3A_611 : vector<16xi32> to vector<32xbf16>
        %unpack3A_613 = tpu.unpack_subelements %bitcast3A_612, 0 {pack_format = #tpu.pack_format<interleaved>} : vector<32xbf16> -> vector<16xf32>
        %unpack3A_614 = tpu.unpack_subelements %bitcast3A_612, 1 {pack_format = #tpu.pack_format<interleaved>} : vector<32xbf16> -> vector<16xf32>
        %add3A_615 = arith.addf %unpack3A_591, %unpack3A_597 : vector<16xf32>
        %add3A_616 = arith.addf %unpack3A_592, %unpack3A_598 : vector<16xf32>
        %add3A_617 = arith.addf %unpack3A_605, %unpack3A_613 : vector<16xf32>
        %add3A_618 = arith.addf %unpack3A_606, %unpack3A_614 : vector<16xf32>
        %pack3A_619 = tpu.pack_subelements %add3A_615, %add3A_617 {pack_format = #tpu.pack_format<interleaved>, positions = array<i32: 0, 1>} : vector<16xf32>, vector<16xf32> -> vector<32xbf16>
        %bitcast3A_620 = vector.bitcast %pack3A_619 : vector<32xbf16> to vector<16xi32>
        %pack3A_621 = tpu.pack_subelements %add3A_616, %add3A_618 {pack_format = #tpu.pack_format<interleaved>, positions = array<i32: 0, 1>} : vector<16xf32>, vector<16xf32> -> vector<32xbf16>
        %bitcast3A_622 = vector.bitcast %pack3A_621 : vector<32xbf16> to vector<16xi32>
        %swap3A_623 = arith.index_cast %scan3A_502 : i32 to index
        %swap3A_624 = arith.constant 32 : index
        %swap3A_625 = tpu.vector_load %arg13[%swap3A_623, %swap3A_624] {strides = array<i32>} : memref<40x128xi32, #tpu.memory_space<vmem>>, vector<16xi32>,
        tpu.vector_store %arg13[%swap3A_623, %swap3A_624], %bitcast3A_620 {strides = array<i32>} : memref<40x128xi32, #tpu.memory_space<vmem>>, vector<16xi32>,
        %swap3A_626 = arith.index_cast %scan3A_502 : i32 to index
        %swap3A_627 = arith.constant 96 : index
        %swap3A_628 = tpu.vector_load %arg13[%swap3A_626, %swap3A_627] {strides = array<i32>} : memref<40x128xi32, #tpu.memory_space<vmem>>, vector<16xi32>,
        tpu.vector_store %arg13[%swap3A_626, %swap3A_627], %bitcast3A_622 {strides = array<i32>} : memref<40x128xi32, #tpu.memory_space<vmem>>, vector<16xi32>,
        %get3A_629 = arith.index_cast %scan3A_502 : i32 to index
        %get3A_630 = arith.constant 48 : index
        %get3A_631 = tpu.vector_load %arg9[%get3A_629, %get3A_630] {strides = array<i32>} : memref<80x64xi32, #tpu.memory_space<vmem>>, vector<16xi32>,
        %bitcast3A_632 = vector.bitcast %get3A_631 : vector<16xi32> to vector<32xbf16>
        %unpack3A_633 = tpu.unpack_subelements %bitcast3A_632, 0 {pack_format = #tpu.pack_format<interleaved>} : vector<32xbf16> -> vector<16xf32>
        %unpack3A_634 = tpu.unpack_subelements %bitcast3A_632, 1 {pack_format = #tpu.pack_format<interleaved>} : vector<32xbf16> -> vector<16xf32>
        %get3A_635 = arith.index_cast %scan3A_502 : i32 to index
        %get3A_636 = arith.constant 48 : index
        %get3A_637 = tpu.vector_load %arg11[%get3A_635, %get3A_636] {strides = array<i32>} : memref<80x64xi32, #tpu.memory_space<vmem>>, vector<16xi32>,
        %bitcast3A_638 = vector.bitcast %get3A_637 : vector<16xi32> to vector<32xbf16>
        %unpack3A_639 = tpu.unpack_subelements %bitcast3A_638, 0 {pack_format = #tpu.pack_format<interleaved>} : vector<32xbf16> -> vector<16xf32>
        %unpack3A_640 = tpu.unpack_subelements %bitcast3A_638, 1 {pack_format = #tpu.pack_format<interleaved>} : vector<32xbf16> -> vector<16xf32>
        %add3A_641 = arith.constant 40 : i32
        %add3A_642 = arith.addi %add3A_641, %scan3A_502 : i32
        %get3A_643 = arith.index_cast %add3A_642 : i32 to index
        %get3A_644 = arith.constant 48 : index
        %get3A_645 = tpu.vector_load %arg9[%get3A_643, %get3A_644] {strides = array<i32>} : memref<80x64xi32, #tpu.memory_space<vmem>>, vector<16xi32>,
        %bitcast3A_646 = vector.bitcast %get3A_645 : vector<16xi32> to vector<32xbf16>
        %unpack3A_647 = tpu.unpack_subelements %bitcast3A_646, 0 {pack_format = #tpu.pack_format<interleaved>} : vector<32xbf16> -> vector<16xf32>
        %unpack3A_648 = tpu.unpack_subelements %bitcast3A_646, 1 {pack_format = #tpu.pack_format<interleaved>} : vector<32xbf16> -> vector<16xf32>
        %add3A_649 = arith.constant 40 : i32
        %add3A_650 = arith.addi %add3A_649, %scan3A_502 : i32
        %get3A_651 = arith.index_cast %add3A_650 : i32 to index
        %get3A_652 = arith.constant 48 : index
        %get3A_653 = tpu.vector_load %arg11[%get3A_651, %get3A_652] {strides = array<i32>} : memref<80x64xi32, #tpu.memory_space<vmem>>, vector<16xi32>,
        %bitcast3A_654 = vector.bitcast %get3A_653 : vector<16xi32> to vector<32xbf16>
        %unpack3A_655 = tpu.unpack_subelements %bitcast3A_654, 0 {pack_format = #tpu.pack_format<interleaved>} : vector<32xbf16> -> vector<16xf32>
        %unpack3A_656 = tpu.unpack_subelements %bitcast3A_654, 1 {pack_format = #tpu.pack_format<interleaved>} : vector<32xbf16> -> vector<16xf32>
        %add3A_657 = arith.addf %unpack3A_633, %unpack3A_639 : vector<16xf32>
        %add3A_658 = arith.addf %unpack3A_634, %unpack3A_640 : vector<16xf32>
        %add3A_659 = arith.addf %unpack3A_647, %unpack3A_655 : vector<16xf32>
        %add3A_660 = arith.addf %unpack3A_648, %unpack3A_656 : vector<16xf32>
        %pack3A_661 = tpu.pack_subelements %add3A_657, %add3A_659 {pack_format = #tpu.pack_format<interleaved>, positions = array<i32: 0, 1>} : vector<16xf32>, vector<16xf32> -> vector<32xbf16>
        %bitcast3A_662 = vector.bitcast %pack3A_661 : vector<32xbf16> to vector<16xi32>
        %pack3A_663 = tpu.pack_subelements %add3A_658, %add3A_660 {pack_format = #tpu.pack_format<interleaved>, positions = array<i32: 0, 1>} : vector<16xf32>, vector<16xf32> -> vector<32xbf16>
        %bitcast3A_664 = vector.bitcast %pack3A_663 : vector<32xbf16> to vector<16xi32>
        %swap3A_665 = arith.index_cast %scan3A_502 : i32 to index
        %swap3A_666 = arith.constant 48 : index
        %swap3A_667 = tpu.vector_load %arg13[%swap3A_665, %swap3A_666] {strides = array<i32>} : memref<40x128xi32, #tpu.memory_space<vmem>>, vector<16xi32>,
        tpu.vector_store %arg13[%swap3A_665, %swap3A_666], %bitcast3A_662 {strides = array<i32>} : memref<40x128xi32, #tpu.memory_space<vmem>>, vector<16xi32>,
        %swap3A_668 = arith.index_cast %scan3A_502 : i32 to index
        %swap3A_669 = arith.constant 112 : index
        %swap3A_670 = tpu.vector_load %arg13[%swap3A_668, %swap3A_669] {strides = array<i32>} : memref<40x128xi32, #tpu.memory_space<vmem>>, vector<16xi32>,
        tpu.vector_store %arg13[%swap3A_668, %swap3A_669], %bitcast3A_664 {strides = array<i32>} : memref<40x128xi32, #tpu.memory_space<vmem>>, vector<16xi32>,
        %scan3A_671 = arith.constant 3 : i32
        %scan3A_672 = arith.addi %scan3A_167, %scan3A_671 : i32
        %get3A_673 = arith.index_cast %scan3A_672 : i32 to index
        %get3A_674 = arith.constant 0 : index
        %get3A_675 = tpu.vector_load %arg9[%get3A_673, %get3A_674] {strides = array<i32>} : memref<80x64xi32, #tpu.memory_space<vmem>>, vector<16xi32>,
        %bitcast3A_676 = vector.bitcast %get3A_675 : vector<16xi32> to vector<32xbf16>
        %unpack3A_677 = tpu.unpack_subelements %bitcast3A_676, 0 {pack_format = #tpu.pack_format<interleaved>} : vector<32xbf16> -> vector<16xf32>
        %unpack3A_678 = tpu.unpack_subelements %bitcast3A_676, 1 {pack_format = #tpu.pack_format<interleaved>} : vector<32xbf16> -> vector<16xf32>
        %get3A_679 = arith.index_cast %scan3A_672 : i32 to index
        %get3A_680 = arith.constant 0 : index
        %get3A_681 = tpu.vector_load %arg11[%get3A_679, %get3A_680] {strides = array<i32>} : memref<80x64xi32, #tpu.memory_space<vmem>>, vector<16xi32>,
        %bitcast3A_682 = vector.bitcast %get3A_681 : vector<16xi32> to vector<32xbf16>
        %unpack3A_683 = tpu.unpack_subelements %bitcast3A_682, 0 {pack_format = #tpu.pack_format<interleaved>} : vector<32xbf16> -> vector<16xf32>
        %unpack3A_684 = tpu.unpack_subelements %bitcast3A_682, 1 {pack_format = #tpu.pack_format<interleaved>} : vector<32xbf16> -> vector<16xf32>
        %add3A_685 = arith.constant 40 : i32
        %add3A_686 = arith.addi %add3A_685, %scan3A_672 : i32
        %get3A_687 = arith.index_cast %add3A_686 : i32 to index
        %get3A_688 = arith.constant 0 : index
        %get3A_689 = tpu.vector_load %arg9[%get3A_687, %get3A_688] {strides = array<i32>} : memref<80x64xi32, #tpu.memory_space<vmem>>, vector<16xi32>,
        %bitcast3A_690 = vector.bitcast %get3A_689 : vector<16xi32> to vector<32xbf16>
        %unpack3A_691 = tpu.unpack_subelements %bitcast3A_690, 0 {pack_format = #tpu.pack_format<interleaved>} : vector<32xbf16> -> vector<16xf32>
        %unpack3A_692 = tpu.unpack_subelements %bitcast3A_690, 1 {pack_format = #tpu.pack_format<interleaved>} : vector<32xbf16> -> vector<16xf32>
        %add3A_693 = arith.constant 40 : i32
        %add3A_694 = arith.addi %add3A_693, %scan3A_672 : i32
        %get3A_695 = arith.index_cast %add3A_694 : i32 to index
        %get3A_696 = arith.constant 0 : index
        %get3A_697 = tpu.vector_load %arg11[%get3A_695, %get3A_696] {strides = array<i32>} : memref<80x64xi32, #tpu.memory_space<vmem>>, vector<16xi32>,
        %bitcast3A_698 = vector.bitcast %get3A_697 : vector<16xi32> to vector<32xbf16>
        %unpack3A_699 = tpu.unpack_subelements %bitcast3A_698, 0 {pack_format = #tpu.pack_format<interleaved>} : vector<32xbf16> -> vector<16xf32>
        %unpack3A_700 = tpu.unpack_subelements %bitcast3A_698, 1 {pack_format = #tpu.pack_format<interleaved>} : vector<32xbf16> -> vector<16xf32>
        %add3A_701 = arith.addf %unpack3A_677, %unpack3A_683 : vector<16xf32>
        %add3A_702 = arith.addf %unpack3A_678, %unpack3A_684 : vector<16xf32>
        %add3A_703 = arith.addf %unpack3A_691, %unpack3A_699 : vector<16xf32>
        %add3A_704 = arith.addf %unpack3A_692, %unpack3A_700 : vector<16xf32>
        %pack3A_705 = tpu.pack_subelements %add3A_701, %add3A_703 {pack_format = #tpu.pack_format<interleaved>, positions = array<i32: 0, 1>} : vector<16xf32>, vector<16xf32> -> vector<32xbf16>
        %bitcast3A_706 = vector.bitcast %pack3A_705 : vector<32xbf16> to vector<16xi32>
        %pack3A_707 = tpu.pack_subelements %add3A_702, %add3A_704 {pack_format = #tpu.pack_format<interleaved>, positions = array<i32: 0, 1>} : vector<16xf32>, vector<16xf32> -> vector<32xbf16>
        %bitcast3A_708 = vector.bitcast %pack3A_707 : vector<32xbf16> to vector<16xi32>
        %swap3A_709 = arith.index_cast %scan3A_672 : i32 to index
        %swap3A_710 = arith.constant 0 : index
        %swap3A_711 = tpu.vector_load %arg13[%swap3A_709, %swap3A_710] {strides = array<i32>} : memref<40x128xi32, #tpu.memory_space<vmem>>, vector<16xi32>,
        tpu.vector_store %arg13[%swap3A_709, %swap3A_710], %bitcast3A_706 {strides = array<i32>} : memref<40x128xi32, #tpu.memory_space<vmem>>, vector<16xi32>,
        %swap3A_712 = arith.index_cast %scan3A_672 : i32 to index
        %swap3A_713 = arith.constant 64 : index
        %swap3A_714 = tpu.vector_load %arg13[%swap3A_712, %swap3A_713] {strides = array<i32>} : memref<40x128xi32, #tpu.memory_space<vmem>>, vector<16xi32>,
        tpu.vector_store %arg13[%swap3A_712, %swap3A_713], %bitcast3A_708 {strides = array<i32>} : memref<40x128xi32, #tpu.memory_space<vmem>>, vector<16xi32>,
        %get3A_715 = arith.index_cast %scan3A_672 : i32 to index
        %get3A_716 = arith.constant 16 : index
        %get3A_717 = tpu.vector_load %arg9[%get3A_715, %get3A_716] {strides = array<i32>} : memref<80x64xi32, #tpu.memory_space<vmem>>, vector<16xi32>,
        %bitcast3A_718 = vector.bitcast %get3A_717 : vector<16xi32> to vector<32xbf16>
        %unpack3A_719 = tpu.unpack_subelements %bitcast3A_718, 0 {pack_format = #tpu.pack_format<interleaved>} : vector<32xbf16> -> vector<16xf32>
        %unpack3A_720 = tpu.unpack_subelements %bitcast3A_718, 1 {pack_format = #tpu.pack_format<interleaved>} : vector<32xbf16> -> vector<16xf32>
        %get3A_721 = arith.index_cast %scan3A_672 : i32 to index
        %get3A_722 = arith.constant 16 : index
        %get3A_723 = tpu.vector_load %arg11[%get3A_721, %get3A_722] {strides = array<i32>} : memref<80x64xi32, #tpu.memory_space<vmem>>, vector<16xi32>,
        %bitcast3A_724 = vector.bitcast %get3A_723 : vector<16xi32> to vector<32xbf16>
        %unpack3A_725 = tpu.unpack_subelements %bitcast3A_724, 0 {pack_format = #tpu.pack_format<interleaved>} : vector<32xbf16> -> vector<16xf32>
        %unpack3A_726 = tpu.unpack_subelements %bitcast3A_724, 1 {pack_format = #tpu.pack_format<interleaved>} : vector<32xbf16> -> vector<16xf32>
        %add3A_727 = arith.constant 40 : i32
        %add3A_728 = arith.addi %add3A_727, %scan3A_672 : i32
        %get3A_729 = arith.index_cast %add3A_728 : i32 to index
        %get3A_730 = arith.constant 16 : index
        %get3A_731 = tpu.vector_load %arg9[%get3A_729, %get3A_730] {strides = array<i32>} : memref<80x64xi32, #tpu.memory_space<vmem>>, vector<16xi32>,
        %bitcast3A_732 = vector.bitcast %get3A_731 : vector<16xi32> to vector<32xbf16>
        %unpack3A_733 = tpu.unpack_subelements %bitcast3A_732, 0 {pack_format = #tpu.pack_format<interleaved>} : vector<32xbf16> -> vector<16xf32>
        %unpack3A_734 = tpu.unpack_subelements %bitcast3A_732, 1 {pack_format = #tpu.pack_format<interleaved>} : vector<32xbf16> -> vector<16xf32>
        %add3A_735 = arith.constant 40 : i32
        %add3A_736 = arith.addi %add3A_735, %scan3A_672 : i32
        %get3A_737 = arith.index_cast %add3A_736 : i32 to index
        %get3A_738 = arith.constant 16 : index
        %get3A_739 = tpu.vector_load %arg11[%get3A_737, %get3A_738] {strides = array<i32>} : memref<80x64xi32, #tpu.memory_space<vmem>>, vector<16xi32>,
        %bitcast3A_740 = vector.bitcast %get3A_739 : vector<16xi32> to vector<32xbf16>
        %unpack3A_741 = tpu.unpack_subelements %bitcast3A_740, 0 {pack_format = #tpu.pack_format<interleaved>} : vector<32xbf16> -> vector<16xf32>
        %unpack3A_742 = tpu.unpack_subelements %bitcast3A_740, 1 {pack_format = #tpu.pack_format<interleaved>} : vector<32xbf16> -> vector<16xf32>
        %add3A_743 = arith.addf %unpack3A_719, %unpack3A_725 : vector<16xf32>
        %add3A_744 = arith.addf %unpack3A_720, %unpack3A_726 : vector<16xf32>
        %add3A_745 = arith.addf %unpack3A_733, %unpack3A_741 : vector<16xf32>
        %add3A_746 = arith.addf %unpack3A_734, %unpack3A_742 : vector<16xf32>
        %pack3A_747 = tpu.pack_subelements %add3A_743, %add3A_745 {pack_format = #tpu.pack_format<interleaved>, positions = array<i32: 0, 1>} : vector<16xf32>, vector<16xf32> -> vector<32xbf16>
        %bitcast3A_748 = vector.bitcast %pack3A_747 : vector<32xbf16> to vector<16xi32>
        %pack3A_749 = tpu.pack_subelements %add3A_744, %add3A_746 {pack_format = #tpu.pack_format<interleaved>, positions = array<i32: 0, 1>} : vector<16xf32>, vector<16xf32> -> vector<32xbf16>
        %bitcast3A_750 = vector.bitcast %pack3A_749 : vector<32xbf16> to vector<16xi32>
        %swap3A_751 = arith.index_cast %scan3A_672 : i32 to index
        %swap3A_752 = arith.constant 16 : index
        %swap3A_753 = tpu.vector_load %arg13[%swap3A_751, %swap3A_752] {strides = array<i32>} : memref<40x128xi32, #tpu.memory_space<vmem>>, vector<16xi32>,
        tpu.vector_store %arg13[%swap3A_751, %swap3A_752], %bitcast3A_748 {strides = array<i32>} : memref<40x128xi32, #tpu.memory_space<vmem>>, vector<16xi32>,
        %swap3A_754 = arith.index_cast %scan3A_672 : i32 to index
        %swap3A_755 = arith.constant 80 : index
        %swap3A_756 = tpu.vector_load %arg13[%swap3A_754, %swap3A_755] {strides = array<i32>} : memref<40x128xi32, #tpu.memory_space<vmem>>, vector<16xi32>,
        tpu.vector_store %arg13[%swap3A_754, %swap3A_755], %bitcast3A_750 {strides = array<i32>} : memref<40x128xi32, #tpu.memory_space<vmem>>, vector<16xi32>,
        %get3A_757 = arith.index_cast %scan3A_672 : i32 to index
        %get3A_758 = arith.constant 32 : index
        %get3A_759 = tpu.vector_load %arg9[%get3A_757, %get3A_758] {strides = array<i32>} : memref<80x64xi32, #tpu.memory_space<vmem>>, vector<16xi32>,
        %bitcast3A_760 = vector.bitcast %get3A_759 : vector<16xi32> to vector<32xbf16>
        %unpack3A_761 = tpu.unpack_subelements %bitcast3A_760, 0 {pack_format = #tpu.pack_format<interleaved>} : vector<32xbf16> -> vector<16xf32>
        %unpack3A_762 = tpu.unpack_subelements %bitcast3A_760, 1 {pack_format = #tpu.pack_format<interleaved>} : vector<32xbf16> -> vector<16xf32>
        %get3A_763 = arith.index_cast %scan3A_672 : i32 to index
        %get3A_764 = arith.constant 32 : index
        %get3A_765 = tpu.vector_load %arg11[%get3A_763, %get3A_764] {strides = array<i32>} : memref<80x64xi32, #tpu.memory_space<vmem>>, vector<16xi32>,
        %bitcast3A_766 = vector.bitcast %get3A_765 : vector<16xi32> to vector<32xbf16>
        %unpack3A_767 = tpu.unpack_subelements %bitcast3A_766, 0 {pack_format = #tpu.pack_format<interleaved>} : vector<32xbf16> -> vector<16xf32>
        %unpack3A_768 = tpu.unpack_subelements %bitcast3A_766, 1 {pack_format = #tpu.pack_format<interleaved>} : vector<32xbf16> -> vector<16xf32>
        %add3A_769 = arith.constant 40 : i32
        %add3A_770 = arith.addi %add3A_769, %scan3A_672 : i32
        %get3A_771 = arith.index_cast %add3A_770 : i32 to index
        %get3A_772 = arith.constant 32 : index
        %get3A_773 = tpu.vector_load %arg9[%get3A_771, %get3A_772] {strides = array<i32>} : memref<80x64xi32, #tpu.memory_space<vmem>>, vector<16xi32>,
        %bitcast3A_774 = vector.bitcast %get3A_773 : vector<16xi32> to vector<32xbf16>
        %unpack3A_775 = tpu.unpack_subelements %bitcast3A_774, 0 {pack_format = #tpu.pack_format<interleaved>} : vector<32xbf16> -> vector<16xf32>
        %unpack3A_776 = tpu.unpack_subelements %bitcast3A_774, 1 {pack_format = #tpu.pack_format<interleaved>} : vector<32xbf16> -> vector<16xf32>
        %add3A_777 = arith.constant 40 : i32
        %add3A_778 = arith.addi %add3A_777, %scan3A_672 : i32
        %get3A_779 = arith.index_cast %add3A_778 : i32 to index
        %get3A_780 = arith.constant 32 : index
        %get3A_781 = tpu.vector_load %arg11[%get3A_779, %get3A_780] {strides = array<i32>} : memref<80x64xi32, #tpu.memory_space<vmem>>, vector<16xi32>,
        %bitcast3A_782 = vector.bitcast %get3A_781 : vector<16xi32> to vector<32xbf16>
        %unpack3A_783 = tpu.unpack_subelements %bitcast3A_782, 0 {pack_format = #tpu.pack_format<interleaved>} : vector<32xbf16> -> vector<16xf32>
        %unpack3A_784 = tpu.unpack_subelements %bitcast3A_782, 1 {pack_format = #tpu.pack_format<interleaved>} : vector<32xbf16> -> vector<16xf32>
        %add3A_785 = arith.addf %unpack3A_761, %unpack3A_767 : vector<16xf32>
        %add3A_786 = arith.addf %unpack3A_762, %unpack3A_768 : vector<16xf32>
        %add3A_787 = arith.addf %unpack3A_775, %unpack3A_783 : vector<16xf32>
        %add3A_788 = arith.addf %unpack3A_776, %unpack3A_784 : vector<16xf32>
        %pack3A_789 = tpu.pack_subelements %add3A_785, %add3A_787 {pack_format = #tpu.pack_format<interleaved>, positions = array<i32: 0, 1>} : vector<16xf32>, vector<16xf32> -> vector<32xbf16>
        %bitcast3A_790 = vector.bitcast %pack3A_789 : vector<32xbf16> to vector<16xi32>
        %pack3A_791 = tpu.pack_subelements %add3A_786, %add3A_788 {pack_format = #tpu.pack_format<interleaved>, positions = array<i32: 0, 1>} : vector<16xf32>, vector<16xf32> -> vector<32xbf16>
        %bitcast3A_792 = vector.bitcast %pack3A_791 : vector<32xbf16> to vector<16xi32>
        %swap3A_793 = arith.index_cast %scan3A_672 : i32 to index
        %swap3A_794 = arith.constant 32 : index
        %swap3A_795 = tpu.vector_load %arg13[%swap3A_793, %swap3A_794] {strides = array<i32>} : memref<40x128xi32, #tpu.memory_space<vmem>>, vector<16xi32>,
        tpu.vector_store %arg13[%swap3A_793, %swap3A_794], %bitcast3A_790 {strides = array<i32>} : memref<40x128xi32, #tpu.memory_space<vmem>>, vector<16xi32>,
        %swap3A_796 = arith.index_cast %scan3A_672 : i32 to index
        %swap3A_797 = arith.constant 96 : index
        %swap3A_798 = tpu.vector_load %arg13[%swap3A_796, %swap3A_797] {strides = array<i32>} : memref<40x128xi32, #tpu.memory_space<vmem>>, vector<16xi32>,
        tpu.vector_store %arg13[%swap3A_796, %swap3A_797], %bitcast3A_792 {strides = array<i32>} : memref<40x128xi32, #tpu.memory_space<vmem>>, vector<16xi32>,
        %get3A_799 = arith.index_cast %scan3A_672 : i32 to index
        %get3A_800 = arith.constant 48 : index
        %get3A_801 = tpu.vector_load %arg9[%get3A_799, %get3A_800] {strides = array<i32>} : memref<80x64xi32, #tpu.memory_space<vmem>>, vector<16xi32>,
        %bitcast3A_802 = vector.bitcast %get3A_801 : vector<16xi32> to vector<32xbf16>
        %unpack3A_803 = tpu.unpack_subelements %bitcast3A_802, 0 {pack_format = #tpu.pack_format<interleaved>} : vector<32xbf16> -> vector<16xf32>
        %unpack3A_804 = tpu.unpack_subelements %bitcast3A_802, 1 {pack_format = #tpu.pack_format<interleaved>} : vector<32xbf16> -> vector<16xf32>
        %get3A_805 = arith.index_cast %scan3A_672 : i32 to index
        %get3A_806 = arith.constant 48 : index
        %get3A_807 = tpu.vector_load %arg11[%get3A_805, %get3A_806] {strides = array<i32>} : memref<80x64xi32, #tpu.memory_space<vmem>>, vector<16xi32>,
        %bitcast3A_808 = vector.bitcast %get3A_807 : vector<16xi32> to vector<32xbf16>
        %unpack3A_809 = tpu.unpack_subelements %bitcast3A_808, 0 {pack_format = #tpu.pack_format<interleaved>} : vector<32xbf16> -> vector<16xf32>
        %unpack3A_810 = tpu.unpack_subelements %bitcast3A_808, 1 {pack_format = #tpu.pack_format<interleaved>} : vector<32xbf16> -> vector<16xf32>
        %add3A_811 = arith.constant 40 : i32
        %add3A_812 = arith.addi %add3A_811, %scan3A_672 : i32
        %get3A_813 = arith.index_cast %add3A_812 : i32 to index
        %get3A_814 = arith.constant 48 : index
        %get3A_815 = tpu.vector_load %arg9[%get3A_813, %get3A_814] {strides = array<i32>} : memref<80x64xi32, #tpu.memory_space<vmem>>, vector<16xi32>,
        %bitcast3A_816 = vector.bitcast %get3A_815 : vector<16xi32> to vector<32xbf16>
        %unpack3A_817 = tpu.unpack_subelements %bitcast3A_816, 0 {pack_format = #tpu.pack_format<interleaved>} : vector<32xbf16> -> vector<16xf32>
        %unpack3A_818 = tpu.unpack_subelements %bitcast3A_816, 1 {pack_format = #tpu.pack_format<interleaved>} : vector<32xbf16> -> vector<16xf32>
        %add3A_819 = arith.constant 40 : i32
        %add3A_820 = arith.addi %add3A_819, %scan3A_672 : i32
        %get3A_821 = arith.index_cast %add3A_820 : i32 to index
        %get3A_822 = arith.constant 48 : index
        %get3A_823 = tpu.vector_load %arg11[%get3A_821, %get3A_822] {strides = array<i32>} : memref<80x64xi32, #tpu.memory_space<vmem>>, vector<16xi32>,
        %bitcast3A_824 = vector.bitcast %get3A_823 : vector<16xi32> to vector<32xbf16>
        %unpack3A_825 = tpu.unpack_subelements %bitcast3A_824, 0 {pack_format = #tpu.pack_format<interleaved>} : vector<32xbf16> -> vector<16xf32>
        %unpack3A_826 = tpu.unpack_subelements %bitcast3A_824, 1 {pack_format = #tpu.pack_format<interleaved>} : vector<32xbf16> -> vector<16xf32>
        %add3A_827 = arith.addf %unpack3A_803, %unpack3A_809 : vector<16xf32>
        %add3A_828 = arith.addf %unpack3A_804, %unpack3A_810 : vector<16xf32>
        %add3A_829 = arith.addf %unpack3A_817, %unpack3A_825 : vector<16xf32>
        %add3A_830 = arith.addf %unpack3A_818, %unpack3A_826 : vector<16xf32>
        %pack3A_831 = tpu.pack_subelements %add3A_827, %add3A_829 {pack_format = #tpu.pack_format<interleaved>, positions = array<i32: 0, 1>} : vector<16xf32>, vector<16xf32> -> vector<32xbf16>
        %bitcast3A_832 = vector.bitcast %pack3A_831 : vector<32xbf16> to vector<16xi32>
        %pack3A_833 = tpu.pack_subelements %add3A_828, %add3A_830 {pack_format = #tpu.pack_format<interleaved>, positions = array<i32: 0, 1>} : vector<16xf32>, vector<16xf32> -> vector<32xbf16>
        %bitcast3A_834 = vector.bitcast %pack3A_833 : vector<32xbf16> to vector<16xi32>
        %swap3A_835 = arith.index_cast %scan3A_672 : i32 to index
        %swap3A_836 = arith.constant 48 : index
        %swap3A_837 = tpu.vector_load %arg13[%swap3A_835, %swap3A_836] {strides = array<i32>} : memref<40x128xi32, #tpu.memory_space<vmem>>, vector<16xi32>,
        tpu.vector_store %arg13[%swap3A_835, %swap3A_836], %bitcast3A_832 {strides = array<i32>} : memref<40x128xi32, #tpu.memory_space<vmem>>, vector<16xi32>,
        %swap3A_838 = arith.index_cast %scan3A_672 : i32 to index
        %swap3A_839 = arith.constant 112 : index
        %swap3A_840 = tpu.vector_load %arg13[%swap3A_838, %swap3A_839] {strides = array<i32>} : memref<40x128xi32, #tpu.memory_space<vmem>>, vector<16xi32>,
        tpu.vector_store %arg13[%swap3A_838, %swap3A_839], %bitcast3A_834 {strides = array<i32>} : memref<40x128xi32, #tpu.memory_space<vmem>>, vector<16xi32>,
      }
      %scan3A_111 = arith.constant 40 : i32
      %mul3A_112 = arith.constant 40 : i32
      %mul3A_113 = arith.muli %mul3A_88, %mul3A_112 : i32
      %add3A_114 = arith.addi %mul3A_2, %mul3A_113 : i32
      %dma_start3A_115 = arith.constant 0 : i32
      %dma_start3A_116 = tpu.memref_slice %arg6[%add3A_114, %dma_start3A_115] : memref<160000x128xi32, #tpu.memory_space<hbm>> -> memref<40x128xi32, #tpu.memory_space<hbm>>
      %dma_start3A_117 = arith.constant 0 : i32
      %dma_start3A_118 = tpu.memref_slice %arg6[%add3A_114, %dma_start3A_117] : memref<160000x128xi32, #tpu.memory_space<hbm>> -> memref<40x128xi32, #tpu.memory_space<hbm>>
      tpu.enqueue_dma source(%arg13 : memref<40x128xi32, #tpu.memory_space<vmem>>) target(%dma_start3A_118 : memref<40x128xi32, #tpu.memory_space<hbm>>) target_semaphore(%arg17 : memref<!tpu.dma_semaphore, #tpu.memory_space<semaphore_mem>>)
      %add3A_119 = arith.constant 2 : i32
      %add3A_120 = arith.addi %mul3A_88, %add3A_119 : i32
      %lt3A_121 = arith.constant 125 : i32
      %lt3A_122 = arith.cmpi slt, %add3A_120, %lt3A_121 : i32
      %convert_element_type3A_123 = arith.extui %lt3A_122 : i1 to i32
      %cond3A_124 = arith.constant 0 : i32
      %cond3A_125 = arith.cmpi ne, %convert_element_type3A_123, %cond3A_124 : i32
      scf.if %cond3A_125 {
        %add3A_167 = arith.constant 2 : i32
        %add3A_168 = arith.addi %mul3A_88, %add3A_167 : i32
        %dma_start3A_169 = arith.constant 0 : i32
        %dma_start3A_170 = tpu.memref_slice %arg7[%add3A_168, %dma_start3A_169] : memref<125x80xi32, #tpu.memory_space<vmem>> -> memref<1x80xi32, #tpu.memory_space<vmem>>
        %dma_start3A_171 = tpu.memref_squeeze %dma_start3A_170 : memref<1x80xi32, #tpu.memory_space<vmem>> -> memref<80xi32, #tpu.memory_space<vmem>>
        %dma_start3A_172 = arith.constant 0 : i32
        %dma_start3A_173 = arith.constant 0 : i32
        %dma_start3A_174 = tpu.memref_slice %arg2[%dma_start3A_172, %dma_start3A_173] : memref<10000x64xi32, #tpu.memory_space<hbm>> -> memref<10000x64xi32, #tpu.memory_space<hbm>>
        tpu.enqueue_indirect_dma source(%dma_start3A_174 : memref<10000x64xi32, #tpu.memory_space<hbm>>) target(%arg9 : memref<80x64xi32, #tpu.memory_space<vmem>>) offsets(%dma_start3A_171 : memref<80xi32, #tpu.memory_space<vmem>>) semaphore(%arg15 : memref<!tpu.dma_semaphore, #tpu.memory_space<semaphore_mem>>)
        %dma_start3A_175 = arith.constant 0 : i32
        %dma_start3A_176 = tpu.memref_slice %arg8[%add3A_168, %dma_start3A_175] : memref<125x80xi32, #tpu.memory_space<vmem>> -> memref<1x80xi32, #tpu.memory_space<vmem>>
        %dma_start3A_177 = tpu.memref_squeeze %dma_start3A_176 : memref<1x80xi32, #tpu.memory_space<vmem>> -> memref<80xi32, #tpu.memory_space<vmem>>
        %dma_start3A_178 = arith.constant 0 : i32
        %dma_start3A_179 = arith.constant 0 : i32
        %dma_start3A_180 = tpu.memref_slice %arg3[%dma_start3A_178, %dma_start3A_179] : memref<10000x64xi32, #tpu.memory_space<hbm>> -> memref<10000x64xi32, #tpu.memory_space<hbm>>
        tpu.enqueue_indirect_dma source(%dma_start3A_180 : memref<10000x64xi32, #tpu.memory_space<hbm>>) target(%arg11 : memref<80x64xi32, #tpu.memory_space<vmem>>) offsets(%dma_start3A_177 : memref<80xi32, #tpu.memory_space<vmem>>) semaphore(%arg15 : memref<!tpu.dma_semaphore, #tpu.memory_space<semaphore_mem>>)
      } else {
      }
      %mul3A_126 = arith.constant 2 : i32
      %mul3A_127 = arith.muli %scan3A_86, %mul3A_126 : i32
      %add3A_128 = arith.constant 1 : i32
      %add3A_129 = arith.addi %mul3A_127, %add3A_128 : i32
      %dma_wait3A_130 = arith.constant 0 : i32
      %dma_wait3A_131 = arith.constant 0 : i32
      %dma_wait3A_132 = tpu.memref_slice %arg2[%dma_wait3A_130, %dma_wait3A_131] : memref<10000x64xi32, #tpu.memory_space<hbm>> -> memref<80x64xi32, #tpu.memory_space<hbm>>
      %dma_wait3A_133 = arith.constant 0 : i32
      %dma_wait3A_134 = arith.constant 0 : i32
      %dma_wait3A_135 = tpu.memref_slice %arg2[%dma_wait3A_133, %dma_wait3A_134] : memref<10000x64xi32, #tpu.memory_space<hbm>> -> memref<80x64xi32, #tpu.memory_space<hbm>>
      tpu.wait_dma2 semaphore(%arg16 : memref<!tpu.dma_semaphore, #tpu.memory_space<semaphore_mem>>) src(%dma_wait3A_135 : memref<80x64xi32, #tpu.memory_space<hbm>>) dst(%arg10 : memref<80x64xi32, #tpu.memory_space<vmem>>)
      %dma_wait3A_136 = arith.constant 0 : i32
      %dma_wait3A_137 = arith.constant 0 : i32
      %dma_wait3A_138 = tpu.memref_slice %arg3[%dma_wait3A_136, %dma_wait3A_137] : memref<10000x64xi32, #tpu.memory_space<hbm>> -> memref<80x64xi32, #tpu.memory_space<hbm>>
      %dma_wait3A_139 = arith.constant 0 : i32
      %dma_wait3A_140 = arith.constant 0 : i32
      %dma_wait3A_141 = tpu.memref_slice %arg3[%dma_wait3A_139, %dma_wait3A_140] : memref<10000x64xi32, #tpu.memory_space<hbm>> -> memref<80x64xi32, #tpu.memory_space<hbm>>
      tpu.wait_dma2 semaphore(%arg16 : memref<!tpu.dma_semaphore, #tpu.memory_space<semaphore_mem>>) src(%dma_wait3A_141 : memref<80x64xi32, #tpu.memory_space<hbm>>) dst(%arg12 : memref<80x64xi32, #tpu.memory_space<vmem>>)
      %ge3A_142 = arith.constant 2 : i32
      %ge3A_143 = arith.cmpi sge, %add3A_129, %ge3A_142 : i32
      %convert_element_type3A_144 = arith.extui %ge3A_143 : i1 to i32
      %cond3A_145 = arith.constant 0 : i32
      %cond3A_146 = arith.cmpi ne, %convert_element_type3A_144, %cond3A_145 : i32
      scf.if %cond3A_146 {
        %dma_wait3A_167 = arith.constant 0 : i32
        %dma_wait3A_168 = arith.constant 0 : i32
        %dma_wait3A_169 = tpu.memref_slice %arg6[%dma_wait3A_167, %dma_wait3A_168] : memref<160000x128xi32, #tpu.memory_space<hbm>> -> memref<40x128xi32, #tpu.memory_space<hbm>>
        %dma_wait3A_170 = arith.constant 0 : i32
        %dma_wait3A_171 = arith.constant 0 : i32
        %dma_wait3A_172 = tpu.memref_slice %arg6[%dma_wait3A_170, %dma_wait3A_171] : memref<160000x128xi32, #tpu.memory_space<hbm>> -> memref<40x128xi32, #tpu.memory_space<hbm>>
        tpu.wait_dma2 semaphore(%arg18 : memref<!tpu.dma_semaphore, #tpu.memory_space<semaphore_mem>>) src(%arg14 : memref<40x128xi32, #tpu.memory_space<vmem>>) dst(%dma_wait3A_172 : memref<40x128xi32, #tpu.memory_space<hbm>>)
      } else {
      }
      %scan3A_147 = arith.constant 0 : i32
      %scan3A_148 = arith.constant 0 : i32
      %scan3A_149 = arith.constant 40 : i32
      %scan3A_150 = arith.addi %scan3A_148, %scan3A_149 : i32
      %scan3A_151 = arith.constant 4 : i32
      scf.for %scan3A_167 = %scan3A_148 to %scan3A_150 step %scan3A_151  : i32 {
        %get3A = arith.index_cast %scan3A_167 : i32 to index
        %get3A_168 = arith.constant 0 : index
        %get3A_169 = tpu.vector_load %arg10[%get3A, %get3A_168] {strides = array<i32>} : memref<80x64xi32, #tpu.memory_space<vmem>>, vector<16xi32>,
        %bitcast3A = vector.bitcast %get3A_169 : vector<16xi32> to vector<32xbf16>
        %unpack3A = tpu.unpack_subelements %bitcast3A, 0 {pack_format = #tpu.pack_format<interleaved>} : vector<32xbf16> -> vector<16xf32>
        %unpack3A_170 = tpu.unpack_subelements %bitcast3A, 1 {pack_format = #tpu.pack_format<interleaved>} : vector<32xbf16> -> vector<16xf32>
        %get3A_171 = arith.index_cast %scan3A_167 : i32 to index
        %get3A_172 = arith.constant 0 : index
        %get3A_173 = tpu.vector_load %arg12[%get3A_171, %get3A_172] {strides = array<i32>} : memref<80x64xi32, #tpu.memory_space<vmem>>, vector<16xi32>,
        %bitcast3A_174 = vector.bitcast %get3A_173 : vector<16xi32> to vector<32xbf16>
        %unpack3A_175 = tpu.unpack_subelements %bitcast3A_174, 0 {pack_format = #tpu.pack_format<interleaved>} : vector<32xbf16> -> vector<16xf32>
        %unpack3A_176 = tpu.unpack_subelements %bitcast3A_174, 1 {pack_format = #tpu.pack_format<interleaved>} : vector<32xbf16> -> vector<16xf32>
        %add3A_177 = arith.constant 40 : i32
        %add3A_178 = arith.addi %add3A_177, %scan3A_167 : i32
        %get3A_179 = arith.index_cast %add3A_178 : i32 to index
        %get3A_180 = arith.constant 0 : index
        %get3A_181 = tpu.vector_load %arg10[%get3A_179, %get3A_180] {strides = array<i32>} : memref<80x64xi32, #tpu.memory_space<vmem>>, vector<16xi32>,
        %bitcast3A_182 = vector.bitcast %get3A_181 : vector<16xi32> to vector<32xbf16>
        %unpack3A_183 = tpu.unpack_subelements %bitcast3A_182, 0 {pack_format = #tpu.pack_format<interleaved>} : vector<32xbf16> -> vector<16xf32>
        %unpack3A_184 = tpu.unpack_subelements %bitcast3A_182, 1 {pack_format = #tpu.pack_format<interleaved>} : vector<32xbf16> -> vector<16xf32>
        %add3A_185 = arith.constant 40 : i32
        %add3A_186 = arith.addi %add3A_185, %scan3A_167 : i32
        %get3A_187 = arith.index_cast %add3A_186 : i32 to index
        %get3A_188 = arith.constant 0 : index
        %get3A_189 = tpu.vector_load %arg12[%get3A_187, %get3A_188] {strides = array<i32>} : memref<80x64xi32, #tpu.memory_space<vmem>>, vector<16xi32>,
        %bitcast3A_190 = vector.bitcast %get3A_189 : vector<16xi32> to vector<32xbf16>
        %unpack3A_191 = tpu.unpack_subelements %bitcast3A_190, 0 {pack_format = #tpu.pack_format<interleaved>} : vector<32xbf16> -> vector<16xf32>
        %unpack3A_192 = tpu.unpack_subelements %bitcast3A_190, 1 {pack_format = #tpu.pack_format<interleaved>} : vector<32xbf16> -> vector<16xf32>
        %add3A_193 = arith.addf %unpack3A, %unpack3A_175 : vector<16xf32>
        %add3A_194 = arith.addf %unpack3A_170, %unpack3A_176 : vector<16xf32>
        %add3A_195 = arith.addf %unpack3A_183, %unpack3A_191 : vector<16xf32>
        %add3A_196 = arith.addf %unpack3A_184, %unpack3A_192 : vector<16xf32>
        %pack3A = tpu.pack_subelements %add3A_193, %add3A_195 {pack_format = #tpu.pack_format<interleaved>, positions = array<i32: 0, 1>} : vector<16xf32>, vector<16xf32> -> vector<32xbf16>
        %bitcast3A_197 = vector.bitcast %pack3A : vector<32xbf16> to vector<16xi32>
        %pack3A_198 = tpu.pack_subelements %add3A_194, %add3A_196 {pack_format = #tpu.pack_format<interleaved>, positions = array<i32: 0, 1>} : vector<16xf32>, vector<16xf32> -> vector<32xbf16>
        %bitcast3A_199 = vector.bitcast %pack3A_198 : vector<32xbf16> to vector<16xi32>
        %swap3A = arith.index_cast %scan3A_167 : i32 to index
        %swap3A_200 = arith.constant 0 : index
        %swap3A_201 = tpu.vector_load %arg14[%swap3A, %swap3A_200] {strides = array<i32>} : memref<40x128xi32, #tpu.memory_space<vmem>>, vector<16xi32>,
        tpu.vector_store %arg14[%swap3A, %swap3A_200], %bitcast3A_197 {strides = array<i32>} : memref<40x128xi32, #tpu.memory_space<vmem>>, vector<16xi32>,
        %swap3A_202 = arith.index_cast %scan3A_167 : i32 to index
        %swap3A_203 = arith.constant 64 : index
        %swap3A_204 = tpu.vector_load %arg14[%swap3A_202, %swap3A_203] {strides = array<i32>} : memref<40x128xi32, #tpu.memory_space<vmem>>, vector<16xi32>,
        tpu.vector_store %arg14[%swap3A_202, %swap3A_203], %bitcast3A_199 {strides = array<i32>} : memref<40x128xi32, #tpu.memory_space<vmem>>, vector<16xi32>,
        %get3A_205 = arith.index_cast %scan3A_167 : i32 to index
        %get3A_206 = arith.constant 16 : index
        %get3A_207 = tpu.vector_load %arg10[%get3A_205, %get3A_206] {strides = array<i32>} : memref<80x64xi32, #tpu.memory_space<vmem>>, vector<16xi32>,
        %bitcast3A_208 = vector.bitcast %get3A_207 : vector<16xi32> to vector<32xbf16>
        %unpack3A_209 = tpu.unpack_subelements %bitcast3A_208, 0 {pack_format = #tpu.pack_format<interleaved>} : vector<32xbf16> -> vector<16xf32>
        %unpack3A_210 = tpu.unpack_subelements %bitcast3A_208, 1 {pack_format = #tpu.pack_format<interleaved>} : vector<32xbf16> -> vector<16xf32>
        %get3A_211 = arith.index_cast %scan3A_167 : i32 to index
        %get3A_212 = arith.constant 16 : index
        %get3A_213 = tpu.vector_load %arg12[%get3A_211, %get3A_212] {strides = array<i32>} : memref<80x64xi32, #tpu.memory_space<vmem>>, vector<16xi32>,
        %bitcast3A_214 = vector.bitcast %get3A_213 : vector<16xi32> to vector<32xbf16>
        %unpack3A_215 = tpu.unpack_subelements %bitcast3A_214, 0 {pack_format = #tpu.pack_format<interleaved>} : vector<32xbf16> -> vector<16xf32>
        %unpack3A_216 = tpu.unpack_subelements %bitcast3A_214, 1 {pack_format = #tpu.pack_format<interleaved>} : vector<32xbf16> -> vector<16xf32>
        %add3A_217 = arith.constant 40 : i32
        %add3A_218 = arith.addi %add3A_217, %scan3A_167 : i32
        %get3A_219 = arith.index_cast %add3A_218 : i32 to index
        %get3A_220 = arith.constant 16 : index
        %get3A_221 = tpu.vector_load %arg10[%get3A_219, %get3A_220] {strides = array<i32>} : memref<80x64xi32, #tpu.memory_space<vmem>>, vector<16xi32>,
        %bitcast3A_222 = vector.bitcast %get3A_221 : vector<16xi32> to vector<32xbf16>
        %unpack3A_223 = tpu.unpack_subelements %bitcast3A_222, 0 {pack_format = #tpu.pack_format<interleaved>} : vector<32xbf16> -> vector<16xf32>
        %unpack3A_224 = tpu.unpack_subelements %bitcast3A_222, 1 {pack_format = #tpu.pack_format<interleaved>} : vector<32xbf16> -> vector<16xf32>
        %add3A_225 = arith.constant 40 : i32
        %add3A_226 = arith.addi %add3A_225, %scan3A_167 : i32
        %get3A_227 = arith.index_cast %add3A_226 : i32 to index
        %get3A_228 = arith.constant 16 : index
        %get3A_229 = tpu.vector_load %arg12[%get3A_227, %get3A_228] {strides = array<i32>} : memref<80x64xi32, #tpu.memory_space<vmem>>, vector<16xi32>,
        %bitcast3A_230 = vector.bitcast %get3A_229 : vector<16xi32> to vector<32xbf16>
        %unpack3A_231 = tpu.unpack_subelements %bitcast3A_230, 0 {pack_format = #tpu.pack_format<interleaved>} : vector<32xbf16> -> vector<16xf32>
        %unpack3A_232 = tpu.unpack_subelements %bitcast3A_230, 1 {pack_format = #tpu.pack_format<interleaved>} : vector<32xbf16> -> vector<16xf32>
        %add3A_233 = arith.addf %unpack3A_209, %unpack3A_215 : vector<16xf32>
        %add3A_234 = arith.addf %unpack3A_210, %unpack3A_216 : vector<16xf32>
        %add3A_235 = arith.addf %unpack3A_223, %unpack3A_231 : vector<16xf32>
        %add3A_236 = arith.addf %unpack3A_224, %unpack3A_232 : vector<16xf32>
        %pack3A_237 = tpu.pack_subelements %add3A_233, %add3A_235 {pack_format = #tpu.pack_format<interleaved>, positions = array<i32: 0, 1>} : vector<16xf32>, vector<16xf32> -> vector<32xbf16>
        %bitcast3A_238 = vector.bitcast %pack3A_237 : vector<32xbf16> to vector<16xi32>
        %pack3A_239 = tpu.pack_subelements %add3A_234, %add3A_236 {pack_format = #tpu.pack_format<interleaved>, positions = array<i32: 0, 1>} : vector<16xf32>, vector<16xf32> -> vector<32xbf16>
        %bitcast3A_240 = vector.bitcast %pack3A_239 : vector<32xbf16> to vector<16xi32>
        %swap3A_241 = arith.index_cast %scan3A_167 : i32 to index
        %swap3A_242 = arith.constant 16 : index
        %swap3A_243 = tpu.vector_load %arg14[%swap3A_241, %swap3A_242] {strides = array<i32>} : memref<40x128xi32, #tpu.memory_space<vmem>>, vector<16xi32>,
        tpu.vector_store %arg14[%swap3A_241, %swap3A_242], %bitcast3A_238 {strides = array<i32>} : memref<40x128xi32, #tpu.memory_space<vmem>>, vector<16xi32>,
        %swap3A_244 = arith.index_cast %scan3A_167 : i32 to index
        %swap3A_245 = arith.constant 80 : index
        %swap3A_246 = tpu.vector_load %arg14[%swap3A_244, %swap3A_245] {strides = array<i32>} : memref<40x128xi32, #tpu.memory_space<vmem>>, vector<16xi32>,
        tpu.vector_store %arg14[%swap3A_244, %swap3A_245], %bitcast3A_240 {strides = array<i32>} : memref<40x128xi32, #tpu.memory_space<vmem>>, vector<16xi32>,
        %get3A_247 = arith.index_cast %scan3A_167 : i32 to index
        %get3A_248 = arith.constant 32 : index
        %get3A_249 = tpu.vector_load %arg10[%get3A_247, %get3A_248] {strides = array<i32>} : memref<80x64xi32, #tpu.memory_space<vmem>>, vector<16xi32>,
        %bitcast3A_250 = vector.bitcast %get3A_249 : vector<16xi32> to vector<32xbf16>
        %unpack3A_251 = tpu.unpack_subelements %bitcast3A_250, 0 {pack_format = #tpu.pack_format<interleaved>} : vector<32xbf16> -> vector<16xf32>
        %unpack3A_252 = tpu.unpack_subelements %bitcast3A_250, 1 {pack_format = #tpu.pack_format<interleaved>} : vector<32xbf16> -> vector<16xf32>
        %get3A_253 = arith.index_cast %scan3A_167 : i32 to index
        %get3A_254 = arith.constant 32 : index
        %get3A_255 = tpu.vector_load %arg12[%get3A_253, %get3A_254] {strides = array<i32>} : memref<80x64xi32, #tpu.memory_space<vmem>>, vector<16xi32>,
        %bitcast3A_256 = vector.bitcast %get3A_255 : vector<16xi32> to vector<32xbf16>
        %unpack3A_257 = tpu.unpack_subelements %bitcast3A_256, 0 {pack_format = #tpu.pack_format<interleaved>} : vector<32xbf16> -> vector<16xf32>
        %unpack3A_258 = tpu.unpack_subelements %bitcast3A_256, 1 {pack_format = #tpu.pack_format<interleaved>} : vector<32xbf16> -> vector<16xf32>
        %add3A_259 = arith.constant 40 : i32
        %add3A_260 = arith.addi %add3A_259, %scan3A_167 : i32
        %get3A_261 = arith.index_cast %add3A_260 : i32 to index
        %get3A_262 = arith.constant 32 : index
        %get3A_263 = tpu.vector_load %arg10[%get3A_261, %get3A_262] {strides = array<i32>} : memref<80x64xi32, #tpu.memory_space<vmem>>, vector<16xi32>,
        %bitcast3A_264 = vector.bitcast %get3A_263 : vector<16xi32> to vector<32xbf16>
        %unpack3A_265 = tpu.unpack_subelements %bitcast3A_264, 0 {pack_format = #tpu.pack_format<interleaved>} : vector<32xbf16> -> vector<16xf32>
        %unpack3A_266 = tpu.unpack_subelements %bitcast3A_264, 1 {pack_format = #tpu.pack_format<interleaved>} : vector<32xbf16> -> vector<16xf32>
        %add3A_267 = arith.constant 40 : i32
        %add3A_268 = arith.addi %add3A_267, %scan3A_167 : i32
        %get3A_269 = arith.index_cast %add3A_268 : i32 to index
        %get3A_270 = arith.constant 32 : index
        %get3A_271 = tpu.vector_load %arg12[%get3A_269, %get3A_270] {strides = array<i32>} : memref<80x64xi32, #tpu.memory_space<vmem>>, vector<16xi32>,
        %bitcast3A_272 = vector.bitcast %get3A_271 : vector<16xi32> to vector<32xbf16>
        %unpack3A_273 = tpu.unpack_subelements %bitcast3A_272, 0 {pack_format = #tpu.pack_format<interleaved>} : vector<32xbf16> -> vector<16xf32>
        %unpack3A_274 = tpu.unpack_subelements %bitcast3A_272, 1 {pack_format = #tpu.pack_format<interleaved>} : vector<32xbf16> -> vector<16xf32>
        %add3A_275 = arith.addf %unpack3A_251, %unpack3A_257 : vector<16xf32>
        %add3A_276 = arith.addf %unpack3A_252, %unpack3A_258 : vector<16xf32>
        %add3A_277 = arith.addf %unpack3A_265, %unpack3A_273 : vector<16xf32>
        %add3A_278 = arith.addf %unpack3A_266, %unpack3A_274 : vector<16xf32>
        %pack3A_279 = tpu.pack_subelements %add3A_275, %add3A_277 {pack_format = #tpu.pack_format<interleaved>, positions = array<i32: 0, 1>} : vector<16xf32>, vector<16xf32> -> vector<32xbf16>
        %bitcast3A_280 = vector.bitcast %pack3A_279 : vector<32xbf16> to vector<16xi32>
        %pack3A_281 = tpu.pack_subelements %add3A_276, %add3A_278 {pack_format = #tpu.pack_format<interleaved>, positions = array<i32: 0, 1>} : vector<16xf32>, vector<16xf32> -> vector<32xbf16>
        %bitcast3A_282 = vector.bitcast %pack3A_281 : vector<32xbf16> to vector<16xi32>
        %swap3A_283 = arith.index_cast %scan3A_167 : i32 to index
        %swap3A_284 = arith.constant 32 : index
        %swap3A_285 = tpu.vector_load %arg14[%swap3A_283, %swap3A_284] {strides = array<i32>} : memref<40x128xi32, #tpu.memory_space<vmem>>, vector<16xi32>,
        tpu.vector_store %arg14[%swap3A_283, %swap3A_284], %bitcast3A_280 {strides = array<i32>} : memref<40x128xi32, #tpu.memory_space<vmem>>, vector<16xi32>,
        %swap3A_286 = arith.index_cast %scan3A_167 : i32 to index
        %swap3A_287 = arith.constant 96 : index
        %swap3A_288 = tpu.vector_load %arg14[%swap3A_286, %swap3A_287] {strides = array<i32>} : memref<40x128xi32, #tpu.memory_space<vmem>>, vector<16xi32>,
        tpu.vector_store %arg14[%swap3A_286, %swap3A_287], %bitcast3A_282 {strides = array<i32>} : memref<40x128xi32, #tpu.memory_space<vmem>>, vector<16xi32>,
        %get3A_289 = arith.index_cast %scan3A_167 : i32 to index
        %get3A_290 = arith.constant 48 : index
        %get3A_291 = tpu.vector_load %arg10[%get3A_289, %get3A_290] {strides = array<i32>} : memref<80x64xi32, #tpu.memory_space<vmem>>, vector<16xi32>,
        %bitcast3A_292 = vector.bitcast %get3A_291 : vector<16xi32> to vector<32xbf16>
        %unpack3A_293 = tpu.unpack_subelements %bitcast3A_292, 0 {pack_format = #tpu.pack_format<interleaved>} : vector<32xbf16> -> vector<16xf32>
        %unpack3A_294 = tpu.unpack_subelements %bitcast3A_292, 1 {pack_format = #tpu.pack_format<interleaved>} : vector<32xbf16> -> vector<16xf32>
        %get3A_295 = arith.index_cast %scan3A_167 : i32 to index
        %get3A_296 = arith.constant 48 : index
        %get3A_297 = tpu.vector_load %arg12[%get3A_295, %get3A_296] {strides = array<i32>} : memref<80x64xi32, #tpu.memory_space<vmem>>, vector<16xi32>,
        %bitcast3A_298 = vector.bitcast %get3A_297 : vector<16xi32> to vector<32xbf16>
        %unpack3A_299 = tpu.unpack_subelements %bitcast3A_298, 0 {pack_format = #tpu.pack_format<interleaved>} : vector<32xbf16> -> vector<16xf32>
        %unpack3A_300 = tpu.unpack_subelements %bitcast3A_298, 1 {pack_format = #tpu.pack_format<interleaved>} : vector<32xbf16> -> vector<16xf32>
        %add3A_301 = arith.constant 40 : i32
        %add3A_302 = arith.addi %add3A_301, %scan3A_167 : i32
        %get3A_303 = arith.index_cast %add3A_302 : i32 to index
        %get3A_304 = arith.constant 48 : index
        %get3A_305 = tpu.vector_load %arg10[%get3A_303, %get3A_304] {strides = array<i32>} : memref<80x64xi32, #tpu.memory_space<vmem>>, vector<16xi32>,
        %bitcast3A_306 = vector.bitcast %get3A_305 : vector<16xi32> to vector<32xbf16>
        %unpack3A_307 = tpu.unpack_subelements %bitcast3A_306, 0 {pack_format = #tpu.pack_format<interleaved>} : vector<32xbf16> -> vector<16xf32>
        %unpack3A_308 = tpu.unpack_subelements %bitcast3A_306, 1 {pack_format = #tpu.pack_format<interleaved>} : vector<32xbf16> -> vector<16xf32>
        %add3A_309 = arith.constant 40 : i32
        %add3A_310 = arith.addi %add3A_309, %scan3A_167 : i32
        %get3A_311 = arith.index_cast %add3A_310 : i32 to index
        %get3A_312 = arith.constant 48 : index
        %get3A_313 = tpu.vector_load %arg12[%get3A_311, %get3A_312] {strides = array<i32>} : memref<80x64xi32, #tpu.memory_space<vmem>>, vector<16xi32>,
        %bitcast3A_314 = vector.bitcast %get3A_313 : vector<16xi32> to vector<32xbf16>
        %unpack3A_315 = tpu.unpack_subelements %bitcast3A_314, 0 {pack_format = #tpu.pack_format<interleaved>} : vector<32xbf16> -> vector<16xf32>
        %unpack3A_316 = tpu.unpack_subelements %bitcast3A_314, 1 {pack_format = #tpu.pack_format<interleaved>} : vector<32xbf16> -> vector<16xf32>
        %add3A_317 = arith.addf %unpack3A_293, %unpack3A_299 : vector<16xf32>
        %add3A_318 = arith.addf %unpack3A_294, %unpack3A_300 : vector<16xf32>
        %add3A_319 = arith.addf %unpack3A_307, %unpack3A_315 : vector<16xf32>
        %add3A_320 = arith.addf %unpack3A_308, %unpack3A_316 : vector<16xf32>
        %pack3A_321 = tpu.pack_subelements %add3A_317, %add3A_319 {pack_format = #tpu.pack_format<interleaved>, positions = array<i32: 0, 1>} : vector<16xf32>, vector<16xf32> -> vector<32xbf16>
        %bitcast3A_322 = vector.bitcast %pack3A_321 : vector<32xbf16> to vector<16xi32>
        %pack3A_323 = tpu.pack_subelements %add3A_318, %add3A_320 {pack_format = #tpu.pack_format<interleaved>, positions = array<i32: 0, 1>} : vector<16xf32>, vector<16xf32> -> vector<32xbf16>
        %bitcast3A_324 = vector.bitcast %pack3A_323 : vector<32xbf16> to vector<16xi32>
        %swap3A_325 = arith.index_cast %scan3A_167 : i32 to index
        %swap3A_326 = arith.constant 48 : index
        %swap3A_327 = tpu.vector_load %arg14[%swap3A_325, %swap3A_326] {strides = array<i32>} : memref<40x128xi32, #tpu.memory_space<vmem>>, vector<16xi32>,
        tpu.vector_store %arg14[%swap3A_325, %swap3A_326], %bitcast3A_322 {strides = array<i32>} : memref<40x128xi32, #tpu.memory_space<vmem>>, vector<16xi32>,
        %swap3A_328 = arith.index_cast %scan3A_167 : i32 to index
        %swap3A_329 = arith.constant 112 : index
        %swap3A_330 = tpu.vector_load %arg14[%swap3A_328, %swap3A_329] {strides = array<i32>} : memref<40x128xi32, #tpu.memory_space<vmem>>, vector<16xi32>,
        tpu.vector_store %arg14[%swap3A_328, %swap3A_329], %bitcast3A_324 {strides = array<i32>} : memref<40x128xi32, #tpu.memory_space<vmem>>, vector<16xi32>,
        %scan3A_331 = arith.constant 1 : i32
        %scan3A_332 = arith.addi %scan3A_167, %scan3A_331 : i32
        %get3A_333 = arith.index_cast %scan3A_332 : i32 to index
        %get3A_334 = arith.constant 0 : index
        %get3A_335 = tpu.vector_load %arg10[%get3A_333, %get3A_334] {strides = array<i32>} : memref<80x64xi32, #tpu.memory_space<vmem>>, vector<16xi32>,
        %bitcast3A_336 = vector.bitcast %get3A_335 : vector<16xi32> to vector<32xbf16>
        %unpack3A_337 = tpu.unpack_subelements %bitcast3A_336, 0 {pack_format = #tpu.pack_format<interleaved>} : vector<32xbf16> -> vector<16xf32>
        %unpack3A_338 = tpu.unpack_subelements %bitcast3A_336, 1 {pack_format = #tpu.pack_format<interleaved>} : vector<32xbf16> -> vector<16xf32>
        %get3A_339 = arith.index_cast %scan3A_332 : i32 to index
        %get3A_340 = arith.constant 0 : index
        %get3A_341 = tpu.vector_load %arg12[%get3A_339, %get3A_340] {strides = array<i32>} : memref<80x64xi32, #tpu.memory_space<vmem>>, vector<16xi32>,
        %bitcast3A_342 = vector.bitcast %get3A_341 : vector<16xi32> to vector<32xbf16>
        %unpack3A_343 = tpu.unpack_subelements %bitcast3A_342, 0 {pack_format = #tpu.pack_format<interleaved>} : vector<32xbf16> -> vector<16xf32>
        %unpack3A_344 = tpu.unpack_subelements %bitcast3A_342, 1 {pack_format = #tpu.pack_format<interleaved>} : vector<32xbf16> -> vector<16xf32>
        %add3A_345 = arith.constant 40 : i32
        %add3A_346 = arith.addi %add3A_345, %scan3A_332 : i32
        %get3A_347 = arith.index_cast %add3A_346 : i32 to index
        %get3A_348 = arith.constant 0 : index
        %get3A_349 = tpu.vector_load %arg10[%get3A_347, %get3A_348] {strides = array<i32>} : memref<80x64xi32, #tpu.memory_space<vmem>>, vector<16xi32>,
        %bitcast3A_350 = vector.bitcast %get3A_349 : vector<16xi32> to vector<32xbf16>
        %unpack3A_351 = tpu.unpack_subelements %bitcast3A_350, 0 {pack_format = #tpu.pack_format<interleaved>} : vector<32xbf16> -> vector<16xf32>
        %unpack3A_352 = tpu.unpack_subelements %bitcast3A_350, 1 {pack_format = #tpu.pack_format<interleaved>} : vector<32xbf16> -> vector<16xf32>
        %add3A_353 = arith.constant 40 : i32
        %add3A_354 = arith.addi %add3A_353, %scan3A_332 : i32
        %get3A_355 = arith.index_cast %add3A_354 : i32 to index
        %get3A_356 = arith.constant 0 : index
        %get3A_357 = tpu.vector_load %arg12[%get3A_355, %get3A_356] {strides = array<i32>} : memref<80x64xi32, #tpu.memory_space<vmem>>, vector<16xi32>,
        %bitcast3A_358 = vector.bitcast %get3A_357 : vector<16xi32> to vector<32xbf16>
        %unpack3A_359 = tpu.unpack_subelements %bitcast3A_358, 0 {pack_format = #tpu.pack_format<interleaved>} : vector<32xbf16> -> vector<16xf32>
        %unpack3A_360 = tpu.unpack_subelements %bitcast3A_358, 1 {pack_format = #tpu.pack_format<interleaved>} : vector<32xbf16> -> vector<16xf32>
        %add3A_361 = arith.addf %unpack3A_337, %unpack3A_343 : vector<16xf32>
        %add3A_362 = arith.addf %unpack3A_338, %unpack3A_344 : vector<16xf32>
        %add3A_363 = arith.addf %unpack3A_351, %unpack3A_359 : vector<16xf32>
        %add3A_364 = arith.addf %unpack3A_352, %unpack3A_360 : vector<16xf32>
        %pack3A_365 = tpu.pack_subelements %add3A_361, %add3A_363 {pack_format = #tpu.pack_format<interleaved>, positions = array<i32: 0, 1>} : vector<16xf32>, vector<16xf32> -> vector<32xbf16>
        %bitcast3A_366 = vector.bitcast %pack3A_365 : vector<32xbf16> to vector<16xi32>
        %pack3A_367 = tpu.pack_subelements %add3A_362, %add3A_364 {pack_format = #tpu.pack_format<interleaved>, positions = array<i32: 0, 1>} : vector<16xf32>, vector<16xf32> -> vector<32xbf16>
        %bitcast3A_368 = vector.bitcast %pack3A_367 : vector<32xbf16> to vector<16xi32>
        %swap3A_369 = arith.index_cast %scan3A_332 : i32 to index
        %swap3A_370 = arith.constant 0 : index
        %swap3A_371 = tpu.vector_load %arg14[%swap3A_369, %swap3A_370] {strides = array<i32>} : memref<40x128xi32, #tpu.memory_space<vmem>>, vector<16xi32>,
        tpu.vector_store %arg14[%swap3A_369, %swap3A_370], %bitcast3A_366 {strides = array<i32>} : memref<40x128xi32, #tpu.memory_space<vmem>>, vector<16xi32>,
        %swap3A_372 = arith.index_cast %scan3A_332 : i32 to index
        %swap3A_373 = arith.constant 64 : index
        %swap3A_374 = tpu.vector_load %arg14[%swap3A_372, %swap3A_373] {strides = array<i32>} : memref<40x128xi32, #tpu.memory_space<vmem>>, vector<16xi32>,
        tpu.vector_store %arg14[%swap3A_372, %swap3A_373], %bitcast3A_368 {strides = array<i32>} : memref<40x128xi32, #tpu.memory_space<vmem>>, vector<16xi32>,
        %get3A_375 = arith.index_cast %scan3A_332 : i32 to index
        %get3A_376 = arith.constant 16 : index
        %get3A_377 = tpu.vector_load %arg10[%get3A_375, %get3A_376] {strides = array<i32>} : memref<80x64xi32, #tpu.memory_space<vmem>>, vector<16xi32>,
        %bitcast3A_378 = vector.bitcast %get3A_377 : vector<16xi32> to vector<32xbf16>
        %unpack3A_379 = tpu.unpack_subelements %bitcast3A_378, 0 {pack_format = #tpu.pack_format<interleaved>} : vector<32xbf16> -> vector<16xf32>
        %unpack3A_380 = tpu.unpack_subelements %bitcast3A_378, 1 {pack_format = #tpu.pack_format<interleaved>} : vector<32xbf16> -> vector<16xf32>
        %get3A_381 = arith.index_cast %scan3A_332 : i32 to index
        %get3A_382 = arith.constant 16 : index
        %get3A_383 = tpu.vector_load %arg12[%get3A_381, %get3A_382] {strides = array<i32>} : memref<80x64xi32, #tpu.memory_space<vmem>>, vector<16xi32>,
        %bitcast3A_384 = vector.bitcast %get3A_383 : vector<16xi32> to vector<32xbf16>
        %unpack3A_385 = tpu.unpack_subelements %bitcast3A_384, 0 {pack_format = #tpu.pack_format<interleaved>} : vector<32xbf16> -> vector<16xf32>
        %unpack3A_386 = tpu.unpack_subelements %bitcast3A_384, 1 {pack_format = #tpu.pack_format<interleaved>} : vector<32xbf16> -> vector<16xf32>
        %add3A_387 = arith.constant 40 : i32
        %add3A_388 = arith.addi %add3A_387, %scan3A_332 : i32
        %get3A_389 = arith.index_cast %add3A_388 : i32 to index
        %get3A_390 = arith.constant 16 : index
        %get3A_391 = tpu.vector_load %arg10[%get3A_389, %get3A_390] {strides = array<i32>} : memref<80x64xi32, #tpu.memory_space<vmem>>, vector<16xi32>,
        %bitcast3A_392 = vector.bitcast %get3A_391 : vector<16xi32> to vector<32xbf16>
        %unpack3A_393 = tpu.unpack_subelements %bitcast3A_392, 0 {pack_format = #tpu.pack_format<interleaved>} : vector<32xbf16> -> vector<16xf32>
        %unpack3A_394 = tpu.unpack_subelements %bitcast3A_392, 1 {pack_format = #tpu.pack_format<interleaved>} : vector<32xbf16> -> vector<16xf32>
        %add3A_395 = arith.constant 40 : i32
        %add3A_396 = arith.addi %add3A_395, %scan3A_332 : i32
        %get3A_397 = arith.index_cast %add3A_396 : i32 to index
        %get3A_398 = arith.constant 16 : index
        %get3A_399 = tpu.vector_load %arg12[%get3A_397, %get3A_398] {strides = array<i32>} : memref<80x64xi32, #tpu.memory_space<vmem>>, vector<16xi32>,
        %bitcast3A_400 = vector.bitcast %get3A_399 : vector<16xi32> to vector<32xbf16>
        %unpack3A_401 = tpu.unpack_subelements %bitcast3A_400, 0 {pack_format = #tpu.pack_format<interleaved>} : vector<32xbf16> -> vector<16xf32>
        %unpack3A_402 = tpu.unpack_subelements %bitcast3A_400, 1 {pack_format = #tpu.pack_format<interleaved>} : vector<32xbf16> -> vector<16xf32>
        %add3A_403 = arith.addf %unpack3A_379, %unpack3A_385 : vector<16xf32>
        %add3A_404 = arith.addf %unpack3A_380, %unpack3A_386 : vector<16xf32>
        %add3A_405 = arith.addf %unpack3A_393, %unpack3A_401 : vector<16xf32>
        %add3A_406 = arith.addf %unpack3A_394, %unpack3A_402 : vector<16xf32>
        %pack3A_407 = tpu.pack_subelements %add3A_403, %add3A_405 {pack_format = #tpu.pack_format<interleaved>, positions = array<i32: 0, 1>} : vector<16xf32>, vector<16xf32> -> vector<32xbf16>
        %bitcast3A_408 = vector.bitcast %pack3A_407 : vector<32xbf16> to vector<16xi32>
        %pack3A_409 = tpu.pack_subelements %add3A_404, %add3A_406 {pack_format = #tpu.pack_format<interleaved>, positions = array<i32: 0, 1>} : vector<16xf32>, vector<16xf32> -> vector<32xbf16>
        %bitcast3A_410 = vector.bitcast %pack3A_409 : vector<32xbf16> to vector<16xi32>
        %swap3A_411 = arith.index_cast %scan3A_332 : i32 to index
        %swap3A_412 = arith.constant 16 : index
        %swap3A_413 = tpu.vector_load %arg14[%swap3A_411, %swap3A_412] {strides = array<i32>} : memref<40x128xi32, #tpu.memory_space<vmem>>, vector<16xi32>,
        tpu.vector_store %arg14[%swap3A_411, %swap3A_412], %bitcast3A_408 {strides = array<i32>} : memref<40x128xi32, #tpu.memory_space<vmem>>, vector<16xi32>,
        %swap3A_414 = arith.index_cast %scan3A_332 : i32 to index
        %swap3A_415 = arith.constant 80 : index
        %swap3A_416 = tpu.vector_load %arg14[%swap3A_414, %swap3A_415] {strides = array<i32>} : memref<40x128xi32, #tpu.memory_space<vmem>>, vector<16xi32>,
        tpu.vector_store %arg14[%swap3A_414, %swap3A_415], %bitcast3A_410 {strides = array<i32>} : memref<40x128xi32, #tpu.memory_space<vmem>>, vector<16xi32>,
        %get3A_417 = arith.index_cast %scan3A_332 : i32 to index
        %get3A_418 = arith.constant 32 : index
        %get3A_419 = tpu.vector_load %arg10[%get3A_417, %get3A_418] {strides = array<i32>} : memref<80x64xi32, #tpu.memory_space<vmem>>, vector<16xi32>,
        %bitcast3A_420 = vector.bitcast %get3A_419 : vector<16xi32> to vector<32xbf16>
        %unpack3A_421 = tpu.unpack_subelements %bitcast3A_420, 0 {pack_format = #tpu.pack_format<interleaved>} : vector<32xbf16> -> vector<16xf32>
        %unpack3A_422 = tpu.unpack_subelements %bitcast3A_420, 1 {pack_format = #tpu.pack_format<interleaved>} : vector<32xbf16> -> vector<16xf32>
        %get3A_423 = arith.index_cast %scan3A_332 : i32 to index
        %get3A_424 = arith.constant 32 : index
        %get3A_425 = tpu.vector_load %arg12[%get3A_423, %get3A_424] {strides = array<i32>} : memref<80x64xi32, #tpu.memory_space<vmem>>, vector<16xi32>,
        %bitcast3A_426 = vector.bitcast %get3A_425 : vector<16xi32> to vector<32xbf16>
        %unpack3A_427 = tpu.unpack_subelements %bitcast3A_426, 0 {pack_format = #tpu.pack_format<interleaved>} : vector<32xbf16> -> vector<16xf32>
        %unpack3A_428 = tpu.unpack_subelements %bitcast3A_426, 1 {pack_format = #tpu.pack_format<interleaved>} : vector<32xbf16> -> vector<16xf32>
        %add3A_429 = arith.constant 40 : i32
        %add3A_430 = arith.addi %add3A_429, %scan3A_332 : i32
        %get3A_431 = arith.index_cast %add3A_430 : i32 to index
        %get3A_432 = arith.constant 32 : index
        %get3A_433 = tpu.vector_load %arg10[%get3A_431, %get3A_432] {strides = array<i32>} : memref<80x64xi32, #tpu.memory_space<vmem>>, vector<16xi32>,
        %bitcast3A_434 = vector.bitcast %get3A_433 : vector<16xi32> to vector<32xbf16>
        %unpack3A_435 = tpu.unpack_subelements %bitcast3A_434, 0 {pack_format = #tpu.pack_format<interleaved>} : vector<32xbf16> -> vector<16xf32>
        %unpack3A_436 = tpu.unpack_subelements %bitcast3A_434, 1 {pack_format = #tpu.pack_format<interleaved>} : vector<32xbf16> -> vector<16xf32>
        %add3A_437 = arith.constant 40 : i32
        %add3A_438 = arith.addi %add3A_437, %scan3A_332 : i32
        %get3A_439 = arith.index_cast %add3A_438 : i32 to index
        %get3A_440 = arith.constant 32 : index
        %get3A_441 = tpu.vector_load %arg12[%get3A_439, %get3A_440] {strides = array<i32>} : memref<80x64xi32, #tpu.memory_space<vmem>>, vector<16xi32>,
        %bitcast3A_442 = vector.bitcast %get3A_441 : vector<16xi32> to vector<32xbf16>
        %unpack3A_443 = tpu.unpack_subelements %bitcast3A_442, 0 {pack_format = #tpu.pack_format<interleaved>} : vector<32xbf16> -> vector<16xf32>
        %unpack3A_444 = tpu.unpack_subelements %bitcast3A_442, 1 {pack_format = #tpu.pack_format<interleaved>} : vector<32xbf16> -> vector<16xf32>
        %add3A_445 = arith.addf %unpack3A_421, %unpack3A_427 : vector<16xf32>
        %add3A_446 = arith.addf %unpack3A_422, %unpack3A_428 : vector<16xf32>
        %add3A_447 = arith.addf %unpack3A_435, %unpack3A_443 : vector<16xf32>
        %add3A_448 = arith.addf %unpack3A_436, %unpack3A_444 : vector<16xf32>
        %pack3A_449 = tpu.pack_subelements %add3A_445, %add3A_447 {pack_format = #tpu.pack_format<interleaved>, positions = array<i32: 0, 1>} : vector<16xf32>, vector<16xf32> -> vector<32xbf16>
        %bitcast3A_450 = vector.bitcast %pack3A_449 : vector<32xbf16> to vector<16xi32>
        %pack3A_451 = tpu.pack_subelements %add3A_446, %add3A_448 {pack_format = #tpu.pack_format<interleaved>, positions = array<i32: 0, 1>} : vector<16xf32>, vector<16xf32> -> vector<32xbf16>
        %bitcast3A_452 = vector.bitcast %pack3A_451 : vector<32xbf16> to vector<16xi32>
        %swap3A_453 = arith.index_cast %scan3A_332 : i32 to index
        %swap3A_454 = arith.constant 32 : index
        %swap3A_455 = tpu.vector_load %arg14[%swap3A_453, %swap3A_454] {strides = array<i32>} : memref<40x128xi32, #tpu.memory_space<vmem>>, vector<16xi32>,
        tpu.vector_store %arg14[%swap3A_453, %swap3A_454], %bitcast3A_450 {strides = array<i32>} : memref<40x128xi32, #tpu.memory_space<vmem>>, vector<16xi32>,
        %swap3A_456 = arith.index_cast %scan3A_332 : i32 to index
        %swap3A_457 = arith.constant 96 : index
        %swap3A_458 = tpu.vector_load %arg14[%swap3A_456, %swap3A_457] {strides = array<i32>} : memref<40x128xi32, #tpu.memory_space<vmem>>, vector<16xi32>,
        tpu.vector_store %arg14[%swap3A_456, %swap3A_457], %bitcast3A_452 {strides = array<i32>} : memref<40x128xi32, #tpu.memory_space<vmem>>, vector<16xi32>,
        %get3A_459 = arith.index_cast %scan3A_332 : i32 to index
        %get3A_460 = arith.constant 48 : index
        %get3A_461 = tpu.vector_load %arg10[%get3A_459, %get3A_460] {strides = array<i32>} : memref<80x64xi32, #tpu.memory_space<vmem>>, vector<16xi32>,
        %bitcast3A_462 = vector.bitcast %get3A_461 : vector<16xi32> to vector<32xbf16>
        %unpack3A_463 = tpu.unpack_subelements %bitcast3A_462, 0 {pack_format = #tpu.pack_format<interleaved>} : vector<32xbf16> -> vector<16xf32>
        %unpack3A_464 = tpu.unpack_subelements %bitcast3A_462, 1 {pack_format = #tpu.pack_format<interleaved>} : vector<32xbf16> -> vector<16xf32>
        %get3A_465 = arith.index_cast %scan3A_332 : i32 to index
        %get3A_466 = arith.constant 48 : index
        %get3A_467 = tpu.vector_load %arg12[%get3A_465, %get3A_466] {strides = array<i32>} : memref<80x64xi32, #tpu.memory_space<vmem>>, vector<16xi32>,
        %bitcast3A_468 = vector.bitcast %get3A_467 : vector<16xi32> to vector<32xbf16>
        %unpack3A_469 = tpu.unpack_subelements %bitcast3A_468, 0 {pack_format = #tpu.pack_format<interleaved>} : vector<32xbf16> -> vector<16xf32>
        %unpack3A_470 = tpu.unpack_subelements %bitcast3A_468, 1 {pack_format = #tpu.pack_format<interleaved>} : vector<32xbf16> -> vector<16xf32>
        %add3A_471 = arith.constant 40 : i32
        %add3A_472 = arith.addi %add3A_471, %scan3A_332 : i32
        %get3A_473 = arith.index_cast %add3A_472 : i32 to index
        %get3A_474 = arith.constant 48 : index
        %get3A_475 = tpu.vector_load %arg10[%get3A_473, %get3A_474] {strides = array<i32>} : memref<80x64xi32, #tpu.memory_space<vmem>>, vector<16xi32>,
        %bitcast3A_476 = vector.bitcast %get3A_475 : vector<16xi32> to vector<32xbf16>
        %unpack3A_477 = tpu.unpack_subelements %bitcast3A_476, 0 {pack_format = #tpu.pack_format<interleaved>} : vector<32xbf16> -> vector<16xf32>
        %unpack3A_478 = tpu.unpack_subelements %bitcast3A_476, 1 {pack_format = #tpu.pack_format<interleaved>} : vector<32xbf16> -> vector<16xf32>
        %add3A_479 = arith.constant 40 : i32
        %add3A_480 = arith.addi %add3A_479, %scan3A_332 : i32
        %get3A_481 = arith.index_cast %add3A_480 : i32 to index
        %get3A_482 = arith.constant 48 : index
        %get3A_483 = tpu.vector_load %arg12[%get3A_481, %get3A_482] {strides = array<i32>} : memref<80x64xi32, #tpu.memory_space<vmem>>, vector<16xi32>,
        %bitcast3A_484 = vector.bitcast %get3A_483 : vector<16xi32> to vector<32xbf16>
        %unpack3A_485 = tpu.unpack_subelements %bitcast3A_484, 0 {pack_format = #tpu.pack_format<interleaved>} : vector<32xbf16> -> vector<16xf32>
        %unpack3A_486 = tpu.unpack_subelements %bitcast3A_484, 1 {pack_format = #tpu.pack_format<interleaved>} : vector<32xbf16> -> vector<16xf32>
        %add3A_487 = arith.addf %unpack3A_463, %unpack3A_469 : vector<16xf32>
        %add3A_488 = arith.addf %unpack3A_464, %unpack3A_470 : vector<16xf32>
        %add3A_489 = arith.addf %unpack3A_477, %unpack3A_485 : vector<16xf32>
        %add3A_490 = arith.addf %unpack3A_478, %unpack3A_486 : vector<16xf32>
        %pack3A_491 = tpu.pack_subelements %add3A_487, %add3A_489 {pack_format = #tpu.pack_format<interleaved>, positions = array<i32: 0, 1>} : vector<16xf32>, vector<16xf32> -> vector<32xbf16>
        %bitcast3A_492 = vector.bitcast %pack3A_491 : vector<32xbf16> to vector<16xi32>
        %pack3A_493 = tpu.pack_subelements %add3A_488, %add3A_490 {pack_format = #tpu.pack_format<interleaved>, positions = array<i32: 0, 1>} : vector<16xf32>, vector<16xf32> -> vector<32xbf16>
        %bitcast3A_494 = vector.bitcast %pack3A_493 : vector<32xbf16> to vector<16xi32>
        %swap3A_495 = arith.index_cast %scan3A_332 : i32 to index
        %swap3A_496 = arith.constant 48 : index
        %swap3A_497 = tpu.vector_load %arg14[%swap3A_495, %swap3A_496] {strides = array<i32>} : memref<40x128xi32, #tpu.memory_space<vmem>>, vector<16xi32>,
        tpu.vector_store %arg14[%swap3A_495, %swap3A_496], %bitcast3A_492 {strides = array<i32>} : memref<40x128xi32, #tpu.memory_space<vmem>>, vector<16xi32>,
        %swap3A_498 = arith.index_cast %scan3A_332 : i32 to index
        %swap3A_499 = arith.constant 112 : index
        %swap3A_500 = tpu.vector_load %arg14[%swap3A_498, %swap3A_499] {strides = array<i32>} : memref<40x128xi32, #tpu.memory_space<vmem>>, vector<16xi32>,
        tpu.vector_store %arg14[%swap3A_498, %swap3A_499], %bitcast3A_494 {strides = array<i32>} : memref<40x128xi32, #tpu.memory_space<vmem>>, vector<16xi32>,
        %scan3A_501 = arith.constant 2 : i32
        %scan3A_502 = arith.addi %scan3A_167, %scan3A_501 : i32
        %get3A_503 = arith.index_cast %scan3A_502 : i32 to index
        %get3A_504 = arith.constant 0 : index
        %get3A_505 = tpu.vector_load %arg10[%get3A_503, %get3A_504] {strides = array<i32>} : memref<80x64xi32, #tpu.memory_space<vmem>>, vector<16xi32>,
        %bitcast3A_506 = vector.bitcast %get3A_505 : vector<16xi32> to vector<32xbf16>
        %unpack3A_507 = tpu.unpack_subelements %bitcast3A_506, 0 {pack_format = #tpu.pack_format<interleaved>} : vector<32xbf16> -> vector<16xf32>
        %unpack3A_508 = tpu.unpack_subelements %bitcast3A_506, 1 {pack_format = #tpu.pack_format<interleaved>} : vector<32xbf16> -> vector<16xf32>
        %get3A_509 = arith.index_cast %scan3A_502 : i32 to index
        %get3A_510 = arith.constant 0 : index
        %get3A_511 = tpu.vector_load %arg12[%get3A_509, %get3A_510] {strides = array<i32>} : memref<80x64xi32, #tpu.memory_space<vmem>>, vector<16xi32>,
        %bitcast3A_512 = vector.bitcast %get3A_511 : vector<16xi32> to vector<32xbf16>
        %unpack3A_513 = tpu.unpack_subelements %bitcast3A_512, 0 {pack_format = #tpu.pack_format<interleaved>} : vector<32xbf16> -> vector<16xf32>
        %unpack3A_514 = tpu.unpack_subelements %bitcast3A_512, 1 {pack_format = #tpu.pack_format<interleaved>} : vector<32xbf16> -> vector<16xf32>
        %add3A_515 = arith.constant 40 : i32
        %add3A_516 = arith.addi %add3A_515, %scan3A_502 : i32
        %get3A_517 = arith.index_cast %add3A_516 : i32 to index
        %get3A_518 = arith.constant 0 : index
        %get3A_519 = tpu.vector_load %arg10[%get3A_517, %get3A_518] {strides = array<i32>} : memref<80x64xi32, #tpu.memory_space<vmem>>, vector<16xi32>,
        %bitcast3A_520 = vector.bitcast %get3A_519 : vector<16xi32> to vector<32xbf16>
        %unpack3A_521 = tpu.unpack_subelements %bitcast3A_520, 0 {pack_format = #tpu.pack_format<interleaved>} : vector<32xbf16> -> vector<16xf32>
        %unpack3A_522 = tpu.unpack_subelements %bitcast3A_520, 1 {pack_format = #tpu.pack_format<interleaved>} : vector<32xbf16> -> vector<16xf32>
        %add3A_523 = arith.constant 40 : i32
        %add3A_524 = arith.addi %add3A_523, %scan3A_502 : i32
        %get3A_525 = arith.index_cast %add3A_524 : i32 to index
        %get3A_526 = arith.constant 0 : index
        %get3A_527 = tpu.vector_load %arg12[%get3A_525, %get3A_526] {strides = array<i32>} : memref<80x64xi32, #tpu.memory_space<vmem>>, vector<16xi32>,
        %bitcast3A_528 = vector.bitcast %get3A_527 : vector<16xi32> to vector<32xbf16>
        %unpack3A_529 = tpu.unpack_subelements %bitcast3A_528, 0 {pack_format = #tpu.pack_format<interleaved>} : vector<32xbf16> -> vector<16xf32>
        %unpack3A_530 = tpu.unpack_subelements %bitcast3A_528, 1 {pack_format = #tpu.pack_format<interleaved>} : vector<32xbf16> -> vector<16xf32>
        %add3A_531 = arith.addf %unpack3A_507, %unpack3A_513 : vector<16xf32>
        %add3A_532 = arith.addf %unpack3A_508, %unpack3A_514 : vector<16xf32>
        %add3A_533 = arith.addf %unpack3A_521, %unpack3A_529 : vector<16xf32>
        %add3A_534 = arith.addf %unpack3A_522, %unpack3A_530 : vector<16xf32>
        %pack3A_535 = tpu.pack_subelements %add3A_531, %add3A_533 {pack_format = #tpu.pack_format<interleaved>, positions = array<i32: 0, 1>} : vector<16xf32>, vector<16xf32> -> vector<32xbf16>
        %bitcast3A_536 = vector.bitcast %pack3A_535 : vector<32xbf16> to vector<16xi32>
        %pack3A_537 = tpu.pack_subelements %add3A_532, %add3A_534 {pack_format = #tpu.pack_format<interleaved>, positions = array<i32: 0, 1>} : vector<16xf32>, vector<16xf32> -> vector<32xbf16>
        %bitcast3A_538 = vector.bitcast %pack3A_537 : vector<32xbf16> to vector<16xi32>
        %swap3A_539 = arith.index_cast %scan3A_502 : i32 to index
        %swap3A_540 = arith.constant 0 : index
        %swap3A_541 = tpu.vector_load %arg14[%swap3A_539, %swap3A_540] {strides = array<i32>} : memref<40x128xi32, #tpu.memory_space<vmem>>, vector<16xi32>,
        tpu.vector_store %arg14[%swap3A_539, %swap3A_540], %bitcast3A_536 {strides = array<i32>} : memref<40x128xi32, #tpu.memory_space<vmem>>, vector<16xi32>,
        %swap3A_542 = arith.index_cast %scan3A_502 : i32 to index
        %swap3A_543 = arith.constant 64 : index
        %swap3A_544 = tpu.vector_load %arg14[%swap3A_542, %swap3A_543] {strides = array<i32>} : memref<40x128xi32, #tpu.memory_space<vmem>>, vector<16xi32>,
        tpu.vector_store %arg14[%swap3A_542, %swap3A_543], %bitcast3A_538 {strides = array<i32>} : memref<40x128xi32, #tpu.memory_space<vmem>>, vector<16xi32>,
        %get3A_545 = arith.index_cast %scan3A_502 : i32 to index
        %get3A_546 = arith.constant 16 : index
        %get3A_547 = tpu.vector_load %arg10[%get3A_545, %get3A_546] {strides = array<i32>} : memref<80x64xi32, #tpu.memory_space<vmem>>, vector<16xi32>,
        %bitcast3A_548 = vector.bitcast %get3A_547 : vector<16xi32> to vector<32xbf16>
        %unpack3A_549 = tpu.unpack_subelements %bitcast3A_548, 0 {pack_format = #tpu.pack_format<interleaved>} : vector<32xbf16> -> vector<16xf32>
        %unpack3A_550 = tpu.unpack_subelements %bitcast3A_548, 1 {pack_format = #tpu.pack_format<interleaved>} : vector<32xbf16> -> vector<16xf32>
        %get3A_551 = arith.index_cast %scan3A_502 : i32 to index
        %get3A_552 = arith.constant 16 : index
        %get3A_553 = tpu.vector_load %arg12[%get3A_551, %get3A_552] {strides = array<i32>} : memref<80x64xi32, #tpu.memory_space<vmem>>, vector<16xi32>,
        %bitcast3A_554 = vector.bitcast %get3A_553 : vector<16xi32> to vector<32xbf16>
        %unpack3A_555 = tpu.unpack_subelements %bitcast3A_554, 0 {pack_format = #tpu.pack_format<interleaved>} : vector<32xbf16> -> vector<16xf32>
        %unpack3A_556 = tpu.unpack_subelements %bitcast3A_554, 1 {pack_format = #tpu.pack_format<interleaved>} : vector<32xbf16> -> vector<16xf32>
        %add3A_557 = arith.constant 40 : i32
        %add3A_558 = arith.addi %add3A_557, %scan3A_502 : i32
        %get3A_559 = arith.index_cast %add3A_558 : i32 to index
        %get3A_560 = arith.constant 16 : index
        %get3A_561 = tpu.vector_load %arg10[%get3A_559, %get3A_560] {strides = array<i32>} : memref<80x64xi32, #tpu.memory_space<vmem>>, vector<16xi32>,
        %bitcast3A_562 = vector.bitcast %get3A_561 : vector<16xi32> to vector<32xbf16>
        %unpack3A_563 = tpu.unpack_subelements %bitcast3A_562, 0 {pack_format = #tpu.pack_format<interleaved>} : vector<32xbf16> -> vector<16xf32>
        %unpack3A_564 = tpu.unpack_subelements %bitcast3A_562, 1 {pack_format = #tpu.pack_format<interleaved>} : vector<32xbf16> -> vector<16xf32>
        %add3A_565 = arith.constant 40 : i32
        %add3A_566 = arith.addi %add3A_565, %scan3A_502 : i32
        %get3A_567 = arith.index_cast %add3A_566 : i32 to index
        %get3A_568 = arith.constant 16 : index
        %get3A_569 = tpu.vector_load %arg12[%get3A_567, %get3A_568] {strides = array<i32>} : memref<80x64xi32, #tpu.memory_space<vmem>>, vector<16xi32>,
        %bitcast3A_570 = vector.bitcast %get3A_569 : vector<16xi32> to vector<32xbf16>
        %unpack3A_571 = tpu.unpack_subelements %bitcast3A_570, 0 {pack_format = #tpu.pack_format<interleaved>} : vector<32xbf16> -> vector<16xf32>
        %unpack3A_572 = tpu.unpack_subelements %bitcast3A_570, 1 {pack_format = #tpu.pack_format<interleaved>} : vector<32xbf16> -> vector<16xf32>
        %add3A_573 = arith.addf %unpack3A_549, %unpack3A_555 : vector<16xf32>
        %add3A_574 = arith.addf %unpack3A_550, %unpack3A_556 : vector<16xf32>
        %add3A_575 = arith.addf %unpack3A_563, %unpack3A_571 : vector<16xf32>
        %add3A_576 = arith.addf %unpack3A_564, %unpack3A_572 : vector<16xf32>
        %pack3A_577 = tpu.pack_subelements %add3A_573, %add3A_575 {pack_format = #tpu.pack_format<interleaved>, positions = array<i32: 0, 1>} : vector<16xf32>, vector<16xf32> -> vector<32xbf16>
        %bitcast3A_578 = vector.bitcast %pack3A_577 : vector<32xbf16> to vector<16xi32>
        %pack3A_579 = tpu.pack_subelements %add3A_574, %add3A_576 {pack_format = #tpu.pack_format<interleaved>, positions = array<i32: 0, 1>} : vector<16xf32>, vector<16xf32> -> vector<32xbf16>
        %bitcast3A_580 = vector.bitcast %pack3A_579 : vector<32xbf16> to vector<16xi32>
        %swap3A_581 = arith.index_cast %scan3A_502 : i32 to index
        %swap3A_582 = arith.constant 16 : index
        %swap3A_583 = tpu.vector_load %arg14[%swap3A_581, %swap3A_582] {strides = array<i32>} : memref<40x128xi32, #tpu.memory_space<vmem>>, vector<16xi32>,
        tpu.vector_store %arg14[%swap3A_581, %swap3A_582], %bitcast3A_578 {strides = array<i32>} : memref<40x128xi32, #tpu.memory_space<vmem>>, vector<16xi32>,
        %swap3A_584 = arith.index_cast %scan3A_502 : i32 to index
        %swap3A_585 = arith.constant 80 : index
        %swap3A_586 = tpu.vector_load %arg14[%swap3A_584, %swap3A_585] {strides = array<i32>} : memref<40x128xi32, #tpu.memory_space<vmem>>, vector<16xi32>,
        tpu.vector_store %arg14[%swap3A_584, %swap3A_585], %bitcast3A_580 {strides = array<i32>} : memref<40x128xi32, #tpu.memory_space<vmem>>, vector<16xi32>,
        %get3A_587 = arith.index_cast %scan3A_502 : i32 to index
        %get3A_588 = arith.constant 32 : index
        %get3A_589 = tpu.vector_load %arg10[%get3A_587, %get3A_588] {strides = array<i32>} : memref<80x64xi32, #tpu.memory_space<vmem>>, vector<16xi32>,
        %bitcast3A_590 = vector.bitcast %get3A_589 : vector<16xi32> to vector<32xbf16>
        %unpack3A_591 = tpu.unpack_subelements %bitcast3A_590, 0 {pack_format = #tpu.pack_format<interleaved>} : vector<32xbf16> -> vector<16xf32>
        %unpack3A_592 = tpu.unpack_subelements %bitcast3A_590, 1 {pack_format = #tpu.pack_format<interleaved>} : vector<32xbf16> -> vector<16xf32>
        %get3A_593 = arith.index_cast %scan3A_502 : i32 to index
        %get3A_594 = arith.constant 32 : index
        %get3A_595 = tpu.vector_load %arg12[%get3A_593, %get3A_594] {strides = array<i32>} : memref<80x64xi32, #tpu.memory_space<vmem>>, vector<16xi32>,
        %bitcast3A_596 = vector.bitcast %get3A_595 : vector<16xi32> to vector<32xbf16>
        %unpack3A_597 = tpu.unpack_subelements %bitcast3A_596, 0 {pack_format = #tpu.pack_format<interleaved>} : vector<32xbf16> -> vector<16xf32>
        %unpack3A_598 = tpu.unpack_subelements %bitcast3A_596, 1 {pack_format = #tpu.pack_format<interleaved>} : vector<32xbf16> -> vector<16xf32>
        %add3A_599 = arith.constant 40 : i32
        %add3A_600 = arith.addi %add3A_599, %scan3A_502 : i32
        %get3A_601 = arith.index_cast %add3A_600 : i32 to index
        %get3A_602 = arith.constant 32 : index
        %get3A_603 = tpu.vector_load %arg10[%get3A_601, %get3A_602] {strides = array<i32>} : memref<80x64xi32, #tpu.memory_space<vmem>>, vector<16xi32>,
        %bitcast3A_604 = vector.bitcast %get3A_603 : vector<16xi32> to vector<32xbf16>
        %unpack3A_605 = tpu.unpack_subelements %bitcast3A_604, 0 {pack_format = #tpu.pack_format<interleaved>} : vector<32xbf16> -> vector<16xf32>
        %unpack3A_606 = tpu.unpack_subelements %bitcast3A_604, 1 {pack_format = #tpu.pack_format<interleaved>} : vector<32xbf16> -> vector<16xf32>
        %add3A_607 = arith.constant 40 : i32
        %add3A_608 = arith.addi %add3A_607, %scan3A_502 : i32
        %get3A_609 = arith.index_cast %add3A_608 : i32 to index
        %get3A_610 = arith.constant 32 : index
        %get3A_611 = tpu.vector_load %arg12[%get3A_609, %get3A_610] {strides = array<i32>} : memref<80x64xi32, #tpu.memory_space<vmem>>, vector<16xi32>,
        %bitcast3A_612 = vector.bitcast %get3A_611 : vector<16xi32> to vector<32xbf16>
        %unpack3A_613 = tpu.unpack_subelements %bitcast3A_612, 0 {pack_format = #tpu.pack_format<interleaved>} : vector<32xbf16> -> vector<16xf32>
        %unpack3A_614 = tpu.unpack_subelements %bitcast3A_612, 1 {pack_format = #tpu.pack_format<interleaved>} : vector<32xbf16> -> vector<16xf32>
        %add3A_615 = arith.addf %unpack3A_591, %unpack3A_597 : vector<16xf32>
        %add3A_616 = arith.addf %unpack3A_592, %unpack3A_598 : vector<16xf32>
        %add3A_617 = arith.addf %unpack3A_605, %unpack3A_613 : vector<16xf32>
        %add3A_618 = arith.addf %unpack3A_606, %unpack3A_614 : vector<16xf32>
        %pack3A_619 = tpu.pack_subelements %add3A_615, %add3A_617 {pack_format = #tpu.pack_format<interleaved>, positions = array<i32: 0, 1>} : vector<16xf32>, vector<16xf32> -> vector<32xbf16>
        %bitcast3A_620 = vector.bitcast %pack3A_619 : vector<32xbf16> to vector<16xi32>
        %pack3A_621 = tpu.pack_subelements %add3A_616, %add3A_618 {pack_format = #tpu.pack_format<interleaved>, positions = array<i32: 0, 1>} : vector<16xf32>, vector<16xf32> -> vector<32xbf16>
        %bitcast3A_622 = vector.bitcast %pack3A_621 : vector<32xbf16> to vector<16xi32>
        %swap3A_623 = arith.index_cast %scan3A_502 : i32 to index
        %swap3A_624 = arith.constant 32 : index
        %swap3A_625 = tpu.vector_load %arg14[%swap3A_623, %swap3A_624] {strides = array<i32>} : memref<40x128xi32, #tpu.memory_space<vmem>>, vector<16xi32>,
        tpu.vector_store %arg14[%swap3A_623, %swap3A_624], %bitcast3A_620 {strides = array<i32>} : memref<40x128xi32, #tpu.memory_space<vmem>>, vector<16xi32>,
        %swap3A_626 = arith.index_cast %scan3A_502 : i32 to index
        %swap3A_627 = arith.constant 96 : index
        %swap3A_628 = tpu.vector_load %arg14[%swap3A_626, %swap3A_627] {strides = array<i32>} : memref<40x128xi32, #tpu.memory_space<vmem>>, vector<16xi32>,
        tpu.vector_store %arg14[%swap3A_626, %swap3A_627], %bitcast3A_622 {strides = array<i32>} : memref<40x128xi32, #tpu.memory_space<vmem>>, vector<16xi32>,
        %get3A_629 = arith.index_cast %scan3A_502 : i32 to index
        %get3A_630 = arith.constant 48 : index
        %get3A_631 = tpu.vector_load %arg10[%get3A_629, %get3A_630] {strides = array<i32>} : memref<80x64xi32, #tpu.memory_space<vmem>>, vector<16xi32>,
        %bitcast3A_632 = vector.bitcast %get3A_631 : vector<16xi32> to vector<32xbf16>
        %unpack3A_633 = tpu.unpack_subelements %bitcast3A_632, 0 {pack_format = #tpu.pack_format<interleaved>} : vector<32xbf16> -> vector<16xf32>
        %unpack3A_634 = tpu.unpack_subelements %bitcast3A_632, 1 {pack_format = #tpu.pack_format<interleaved>} : vector<32xbf16> -> vector<16xf32>
        %get3A_635 = arith.index_cast %scan3A_502 : i32 to index
        %get3A_636 = arith.constant 48 : index
        %get3A_637 = tpu.vector_load %arg12[%get3A_635, %get3A_636] {strides = array<i32>} : memref<80x64xi32, #tpu.memory_space<vmem>>, vector<16xi32>,
        %bitcast3A_638 = vector.bitcast %get3A_637 : vector<16xi32> to vector<32xbf16>
        %unpack3A_639 = tpu.unpack_subelements %bitcast3A_638, 0 {pack_format = #tpu.pack_format<interleaved>} : vector<32xbf16> -> vector<16xf32>
        %unpack3A_640 = tpu.unpack_subelements %bitcast3A_638, 1 {pack_format = #tpu.pack_format<interleaved>} : vector<32xbf16> -> vector<16xf32>
        %add3A_641 = arith.constant 40 : i32
        %add3A_642 = arith.addi %add3A_641, %scan3A_502 : i32
        %get3A_643 = arith.index_cast %add3A_642 : i32 to index
        %get3A_644 = arith.constant 48 : index
        %get3A_645 = tpu.vector_load %arg10[%get3A_643, %get3A_644] {strides = array<i32>} : memref<80x64xi32, #tpu.memory_space<vmem>>, vector<16xi32>,
        %bitcast3A_646 = vector.bitcast %get3A_645 : vector<16xi32> to vector<32xbf16>
        %unpack3A_647 = tpu.unpack_subelements %bitcast3A_646, 0 {pack_format = #tpu.pack_format<interleaved>} : vector<32xbf16> -> vector<16xf32>
        %unpack3A_648 = tpu.unpack_subelements %bitcast3A_646, 1 {pack_format = #tpu.pack_format<interleaved>} : vector<32xbf16> -> vector<16xf32>
        %add3A_649 = arith.constant 40 : i32
        %add3A_650 = arith.addi %add3A_649, %scan3A_502 : i32
        %get3A_651 = arith.index_cast %add3A_650 : i32 to index
        %get3A_652 = arith.constant 48 : index
        %get3A_653 = tpu.vector_load %arg12[%get3A_651, %get3A_652] {strides = array<i32>} : memref<80x64xi32, #tpu.memory_space<vmem>>, vector<16xi32>,
        %bitcast3A_654 = vector.bitcast %get3A_653 : vector<16xi32> to vector<32xbf16>
        %unpack3A_655 = tpu.unpack_subelements %bitcast3A_654, 0 {pack_format = #tpu.pack_format<interleaved>} : vector<32xbf16> -> vector<16xf32>
        %unpack3A_656 = tpu.unpack_subelements %bitcast3A_654, 1 {pack_format = #tpu.pack_format<interleaved>} : vector<32xbf16> -> vector<16xf32>
        %add3A_657 = arith.addf %unpack3A_633, %unpack3A_639 : vector<16xf32>
        %add3A_658 = arith.addf %unpack3A_634, %unpack3A_640 : vector<16xf32>
        %add3A_659 = arith.addf %unpack3A_647, %unpack3A_655 : vector<16xf32>
        %add3A_660 = arith.addf %unpack3A_648, %unpack3A_656 : vector<16xf32>
        %pack3A_661 = tpu.pack_subelements %add3A_657, %add3A_659 {pack_format = #tpu.pack_format<interleaved>, positions = array<i32: 0, 1>} : vector<16xf32>, vector<16xf32> -> vector<32xbf16>
        %bitcast3A_662 = vector.bitcast %pack3A_661 : vector<32xbf16> to vector<16xi32>
        %pack3A_663 = tpu.pack_subelements %add3A_658, %add3A_660 {pack_format = #tpu.pack_format<interleaved>, positions = array<i32: 0, 1>} : vector<16xf32>, vector<16xf32> -> vector<32xbf16>
        %bitcast3A_664 = vector.bitcast %pack3A_663 : vector<32xbf16> to vector<16xi32>
        %swap3A_665 = arith.index_cast %scan3A_502 : i32 to index
        %swap3A_666 = arith.constant 48 : index
        %swap3A_667 = tpu.vector_load %arg14[%swap3A_665, %swap3A_666] {strides = array<i32>} : memref<40x128xi32, #tpu.memory_space<vmem>>, vector<16xi32>,
        tpu.vector_store %arg14[%swap3A_665, %swap3A_666], %bitcast3A_662 {strides = array<i32>} : memref<40x128xi32, #tpu.memory_space<vmem>>, vector<16xi32>,
        %swap3A_668 = arith.index_cast %scan3A_502 : i32 to index
        %swap3A_669 = arith.constant 112 : index
        %swap3A_670 = tpu.vector_load %arg14[%swap3A_668, %swap3A_669] {strides = array<i32>} : memref<40x128xi32, #tpu.memory_space<vmem>>, vector<16xi32>,
        tpu.vector_store %arg14[%swap3A_668, %swap3A_669], %bitcast3A_664 {strides = array<i32>} : memref<40x128xi32, #tpu.memory_space<vmem>>, vector<16xi32>,
        %scan3A_671 = arith.constant 3 : i32
        %scan3A_672 = arith.addi %scan3A_167, %scan3A_671 : i32
        %get3A_673 = arith.index_cast %scan3A_672 : i32 to index
        %get3A_674 = arith.constant 0 : index
        %get3A_675 = tpu.vector_load %arg10[%get3A_673, %get3A_674] {strides = array<i32>} : memref<80x64xi32, #tpu.memory_space<vmem>>, vector<16xi32>,
        %bitcast3A_676 = vector.bitcast %get3A_675 : vector<16xi32> to vector<32xbf16>
        %unpack3A_677 = tpu.unpack_subelements %bitcast3A_676, 0 {pack_format = #tpu.pack_format<interleaved>} : vector<32xbf16> -> vector<16xf32>
        %unpack3A_678 = tpu.unpack_subelements %bitcast3A_676, 1 {pack_format = #tpu.pack_format<interleaved>} : vector<32xbf16> -> vector<16xf32>
        %get3A_679 = arith.index_cast %scan3A_672 : i32 to index
        %get3A_680 = arith.constant 0 : index
        %get3A_681 = tpu.vector_load %arg12[%get3A_679, %get3A_680] {strides = array<i32>} : memref<80x64xi32, #tpu.memory_space<vmem>>, vector<16xi32>,
        %bitcast3A_682 = vector.bitcast %get3A_681 : vector<16xi32> to vector<32xbf16>
        %unpack3A_683 = tpu.unpack_subelements %bitcast3A_682, 0 {pack_format = #tpu.pack_format<interleaved>} : vector<32xbf16> -> vector<16xf32>
        %unpack3A_684 = tpu.unpack_subelements %bitcast3A_682, 1 {pack_format = #tpu.pack_format<interleaved>} : vector<32xbf16> -> vector<16xf32>
        %add3A_685 = arith.constant 40 : i32
        %add3A_686 = arith.addi %add3A_685, %scan3A_672 : i32
        %get3A_687 = arith.index_cast %add3A_686 : i32 to index
        %get3A_688 = arith.constant 0 : index
        %get3A_689 = tpu.vector_load %arg10[%get3A_687, %get3A_688] {strides = array<i32>} : memref<80x64xi32, #tpu.memory_space<vmem>>, vector<16xi32>,
        %bitcast3A_690 = vector.bitcast %get3A_689 : vector<16xi32> to vector<32xbf16>
        %unpack3A_691 = tpu.unpack_subelements %bitcast3A_690, 0 {pack_format = #tpu.pack_format<interleaved>} : vector<32xbf16> -> vector<16xf32>
        %unpack3A_692 = tpu.unpack_subelements %bitcast3A_690, 1 {pack_format = #tpu.pack_format<interleaved>} : vector<32xbf16> -> vector<16xf32>
        %add3A_693 = arith.constant 40 : i32
        %add3A_694 = arith.addi %add3A_693, %scan3A_672 : i32
        %get3A_695 = arith.index_cast %add3A_694 : i32 to index
        %get3A_696 = arith.constant 0 : index
        %get3A_697 = tpu.vector_load %arg12[%get3A_695, %get3A_696] {strides = array<i32>} : memref<80x64xi32, #tpu.memory_space<vmem>>, vector<16xi32>,
        %bitcast3A_698 = vector.bitcast %get3A_697 : vector<16xi32> to vector<32xbf16>
        %unpack3A_699 = tpu.unpack_subelements %bitcast3A_698, 0 {pack_format = #tpu.pack_format<interleaved>} : vector<32xbf16> -> vector<16xf32>
        %unpack3A_700 = tpu.unpack_subelements %bitcast3A_698, 1 {pack_format = #tpu.pack_format<interleaved>} : vector<32xbf16> -> vector<16xf32>
        %add3A_701 = arith.addf %unpack3A_677, %unpack3A_683 : vector<16xf32>
        %add3A_702 = arith.addf %unpack3A_678, %unpack3A_684 : vector<16xf32>
        %add3A_703 = arith.addf %unpack3A_691, %unpack3A_699 : vector<16xf32>
        %add3A_704 = arith.addf %unpack3A_692, %unpack3A_700 : vector<16xf32>
        %pack3A_705 = tpu.pack_subelements %add3A_701, %add3A_703 {pack_format = #tpu.pack_format<interleaved>, positions = array<i32: 0, 1>} : vector<16xf32>, vector<16xf32> -> vector<32xbf16>
        %bitcast3A_706 = vector.bitcast %pack3A_705 : vector<32xbf16> to vector<16xi32>
        %pack3A_707 = tpu.pack_subelements %add3A_702, %add3A_704 {pack_format = #tpu.pack_format<interleaved>, positions = array<i32: 0, 1>} : vector<16xf32>, vector<16xf32> -> vector<32xbf16>
        %bitcast3A_708 = vector.bitcast %pack3A_707 : vector<32xbf16> to vector<16xi32>
        %swap3A_709 = arith.index_cast %scan3A_672 : i32 to index
        %swap3A_710 = arith.constant 0 : index
        %swap3A_711 = tpu.vector_load %arg14[%swap3A_709, %swap3A_710] {strides = array<i32>} : memref<40x128xi32, #tpu.memory_space<vmem>>, vector<16xi32>,
        tpu.vector_store %arg14[%swap3A_709, %swap3A_710], %bitcast3A_706 {strides = array<i32>} : memref<40x128xi32, #tpu.memory_space<vmem>>, vector<16xi32>,
        %swap3A_712 = arith.index_cast %scan3A_672 : i32 to index
        %swap3A_713 = arith.constant 64 : index
        %swap3A_714 = tpu.vector_load %arg14[%swap3A_712, %swap3A_713] {strides = array<i32>} : memref<40x128xi32, #tpu.memory_space<vmem>>, vector<16xi32>,
        tpu.vector_store %arg14[%swap3A_712, %swap3A_713], %bitcast3A_708 {strides = array<i32>} : memref<40x128xi32, #tpu.memory_space<vmem>>, vector<16xi32>,
        %get3A_715 = arith.index_cast %scan3A_672 : i32 to index
        %get3A_716 = arith.constant 16 : index
        %get3A_717 = tpu.vector_load %arg10[%get3A_715, %get3A_716] {strides = array<i32>} : memref<80x64xi32, #tpu.memory_space<vmem>>, vector<16xi32>,
        %bitcast3A_718 = vector.bitcast %get3A_717 : vector<16xi32> to vector<32xbf16>
        %unpack3A_719 = tpu.unpack_subelements %bitcast3A_718, 0 {pack_format = #tpu.pack_format<interleaved>} : vector<32xbf16> -> vector<16xf32>
        %unpack3A_720 = tpu.unpack_subelements %bitcast3A_718, 1 {pack_format = #tpu.pack_format<interleaved>} : vector<32xbf16> -> vector<16xf32>
        %get3A_721 = arith.index_cast %scan3A_672 : i32 to index
        %get3A_722 = arith.constant 16 : index
        %get3A_723 = tpu.vector_load %arg12[%get3A_721, %get3A_722] {strides = array<i32>} : memref<80x64xi32, #tpu.memory_space<vmem>>, vector<16xi32>,
        %bitcast3A_724 = vector.bitcast %get3A_723 : vector<16xi32> to vector<32xbf16>
        %unpack3A_725 = tpu.unpack_subelements %bitcast3A_724, 0 {pack_format = #tpu.pack_format<interleaved>} : vector<32xbf16> -> vector<16xf32>
        %unpack3A_726 = tpu.unpack_subelements %bitcast3A_724, 1 {pack_format = #tpu.pack_format<interleaved>} : vector<32xbf16> -> vector<16xf32>
        %add3A_727 = arith.constant 40 : i32
        %add3A_728 = arith.addi %add3A_727, %scan3A_672 : i32
        %get3A_729 = arith.index_cast %add3A_728 : i32 to index
        %get3A_730 = arith.constant 16 : index
        %get3A_731 = tpu.vector_load %arg10[%get3A_729, %get3A_730] {strides = array<i32>} : memref<80x64xi32, #tpu.memory_space<vmem>>, vector<16xi32>,
        %bitcast3A_732 = vector.bitcast %get3A_731 : vector<16xi32> to vector<32xbf16>
        %unpack3A_733 = tpu.unpack_subelements %bitcast3A_732, 0 {pack_format = #tpu.pack_format<interleaved>} : vector<32xbf16> -> vector<16xf32>
        %unpack3A_734 = tpu.unpack_subelements %bitcast3A_732, 1 {pack_format = #tpu.pack_format<interleaved>} : vector<32xbf16> -> vector<16xf32>
        %add3A_735 = arith.constant 40 : i32
        %add3A_736 = arith.addi %add3A_735, %scan3A_672 : i32
        %get3A_737 = arith.index_cast %add3A_736 : i32 to index
        %get3A_738 = arith.constant 16 : index
        %get3A_739 = tpu.vector_load %arg12[%get3A_737, %get3A_738] {strides = array<i32>} : memref<80x64xi32, #tpu.memory_space<vmem>>, vector<16xi32>,
        %bitcast3A_740 = vector.bitcast %get3A_739 : vector<16xi32> to vector<32xbf16>
        %unpack3A_741 = tpu.unpack_subelements %bitcast3A_740, 0 {pack_format = #tpu.pack_format<interleaved>} : vector<32xbf16> -> vector<16xf32>
        %unpack3A_742 = tpu.unpack_subelements %bitcast3A_740, 1 {pack_format = #tpu.pack_format<interleaved>} : vector<32xbf16> -> vector<16xf32>
        %add3A_743 = arith.addf %unpack3A_719, %unpack3A_725 : vector<16xf32>
        %add3A_744 = arith.addf %unpack3A_720, %unpack3A_726 : vector<16xf32>
        %add3A_745 = arith.addf %unpack3A_733, %unpack3A_741 : vector<16xf32>
        %add3A_746 = arith.addf %unpack3A_734, %unpack3A_742 : vector<16xf32>
        %pack3A_747 = tpu.pack_subelements %add3A_743, %add3A_745 {pack_format = #tpu.pack_format<interleaved>, positions = array<i32: 0, 1>} : vector<16xf32>, vector<16xf32> -> vector<32xbf16>
        %bitcast3A_748 = vector.bitcast %pack3A_747 : vector<32xbf16> to vector<16xi32>
        %pack3A_749 = tpu.pack_subelements %add3A_744, %add3A_746 {pack_format = #tpu.pack_format<interleaved>, positions = array<i32: 0, 1>} : vector<16xf32>, vector<16xf32> -> vector<32xbf16>
        %bitcast3A_750 = vector.bitcast %pack3A_749 : vector<32xbf16> to vector<16xi32>
        %swap3A_751 = arith.index_cast %scan3A_672 : i32 to index
        %swap3A_752 = arith.constant 16 : index
        %swap3A_753 = tpu.vector_load %arg14[%swap3A_751, %swap3A_752] {strides = array<i32>} : memref<40x128xi32, #tpu.memory_space<vmem>>, vector<16xi32>,
        tpu.vector_store %arg14[%swap3A_751, %swap3A_752], %bitcast3A_748 {strides = array<i32>} : memref<40x128xi32, #tpu.memory_space<vmem>>, vector<16xi32>,
        %swap3A_754 = arith.index_cast %scan3A_672 : i32 to index
        %swap3A_755 = arith.constant 80 : index
        %swap3A_756 = tpu.vector_load %arg14[%swap3A_754, %swap3A_755] {strides = array<i32>} : memref<40x128xi32, #tpu.memory_space<vmem>>, vector<16xi32>,
        tpu.vector_store %arg14[%swap3A_754, %swap3A_755], %bitcast3A_750 {strides = array<i32>} : memref<40x128xi32, #tpu.memory_space<vmem>>, vector<16xi32>,
        %get3A_757 = arith.index_cast %scan3A_672 : i32 to index
        %get3A_758 = arith.constant 32 : index
        %get3A_759 = tpu.vector_load %arg10[%get3A_757, %get3A_758] {strides = array<i32>} : memref<80x64xi32, #tpu.memory_space<vmem>>, vector<16xi32>,
        %bitcast3A_760 = vector.bitcast %get3A_759 : vector<16xi32> to vector<32xbf16>
        %unpack3A_761 = tpu.unpack_subelements %bitcast3A_760, 0 {pack_format = #tpu.pack_format<interleaved>} : vector<32xbf16> -> vector<16xf32>
        %unpack3A_762 = tpu.unpack_subelements %bitcast3A_760, 1 {pack_format = #tpu.pack_format<interleaved>} : vector<32xbf16> -> vector<16xf32>
        %get3A_763 = arith.index_cast %scan3A_672 : i32 to index
        %get3A_764 = arith.constant 32 : index
        %get3A_765 = tpu.vector_load %arg12[%get3A_763, %get3A_764] {strides = array<i32>} : memref<80x64xi32, #tpu.memory_space<vmem>>, vector<16xi32>,
        %bitcast3A_766 = vector.bitcast %get3A_765 : vector<16xi32> to vector<32xbf16>
        %unpack3A_767 = tpu.unpack_subelements %bitcast3A_766, 0 {pack_format = #tpu.pack_format<interleaved>} : vector<32xbf16> -> vector<16xf32>
        %unpack3A_768 = tpu.unpack_subelements %bitcast3A_766, 1 {pack_format = #tpu.pack_format<interleaved>} : vector<32xbf16> -> vector<16xf32>
        %add3A_769 = arith.constant 40 : i32
        %add3A_770 = arith.addi %add3A_769, %scan3A_672 : i32
        %get3A_771 = arith.index_cast %add3A_770 : i32 to index
        %get3A_772 = arith.constant 32 : index
        %get3A_773 = tpu.vector_load %arg10[%get3A_771, %get3A_772] {strides = array<i32>} : memref<80x64xi32, #tpu.memory_space<vmem>>, vector<16xi32>,
        %bitcast3A_774 = vector.bitcast %get3A_773 : vector<16xi32> to vector<32xbf16>
        %unpack3A_775 = tpu.unpack_subelements %bitcast3A_774, 0 {pack_format = #tpu.pack_format<interleaved>} : vector<32xbf16> -> vector<16xf32>
        %unpack3A_776 = tpu.unpack_subelements %bitcast3A_774, 1 {pack_format = #tpu.pack_format<interleaved>} : vector<32xbf16> -> vector<16xf32>
        %add3A_777 = arith.constant 40 : i32
        %add3A_778 = arith.addi %add3A_777, %scan3A_672 : i32
        %get3A_779 = arith.index_cast %add3A_778 : i32 to index
        %get3A_780 = arith.constant 32 : index
        %get3A_781 = tpu.vector_load %arg12[%get3A_779, %get3A_780] {strides = array<i32>} : memref<80x64xi32, #tpu.memory_space<vmem>>, vector<16xi32>,
        %bitcast3A_782 = vector.bitcast %get3A_781 : vector<16xi32> to vector<32xbf16>
        %unpack3A_783 = tpu.unpack_subelements %bitcast3A_782, 0 {pack_format = #tpu.pack_format<interleaved>} : vector<32xbf16> -> vector<16xf32>
        %unpack3A_784 = tpu.unpack_subelements %bitcast3A_782, 1 {pack_format = #tpu.pack_format<interleaved>} : vector<32xbf16> -> vector<16xf32>
        %add3A_785 = arith.addf %unpack3A_761, %unpack3A_767 : vector<16xf32>
        %add3A_786 = arith.addf %unpack3A_762, %unpack3A_768 : vector<16xf32>
        %add3A_787 = arith.addf %unpack3A_775, %unpack3A_783 : vector<16xf32>
        %add3A_788 = arith.addf %unpack3A_776, %unpack3A_784 : vector<16xf32>
        %pack3A_789 = tpu.pack_subelements %add3A_785, %add3A_787 {pack_format = #tpu.pack_format<interleaved>, positions = array<i32: 0, 1>} : vector<16xf32>, vector<16xf32> -> vector<32xbf16>
        %bitcast3A_790 = vector.bitcast %pack3A_789 : vector<32xbf16> to vector<16xi32>
        %pack3A_791 = tpu.pack_subelements %add3A_786, %add3A_788 {pack_format = #tpu.pack_format<interleaved>, positions = array<i32: 0, 1>} : vector<16xf32>, vector<16xf32> -> vector<32xbf16>
        %bitcast3A_792 = vector.bitcast %pack3A_791 : vector<32xbf16> to vector<16xi32>
        %swap3A_793 = arith.index_cast %scan3A_672 : i32 to index
        %swap3A_794 = arith.constant 32 : index
        %swap3A_795 = tpu.vector_load %arg14[%swap3A_793, %swap3A_794] {strides = array<i32>} : memref<40x128xi32, #tpu.memory_space<vmem>>, vector<16xi32>,
        tpu.vector_store %arg14[%swap3A_793, %swap3A_794], %bitcast3A_790 {strides = array<i32>} : memref<40x128xi32, #tpu.memory_space<vmem>>, vector<16xi32>,
        %swap3A_796 = arith.index_cast %scan3A_672 : i32 to index
        %swap3A_797 = arith.constant 96 : index
        %swap3A_798 = tpu.vector_load %arg14[%swap3A_796, %swap3A_797] {strides = array<i32>} : memref<40x128xi32, #tpu.memory_space<vmem>>, vector<16xi32>,
        tpu.vector_store %arg14[%swap3A_796, %swap3A_797], %bitcast3A_792 {strides = array<i32>} : memref<40x128xi32, #tpu.memory_space<vmem>>, vector<16xi32>,
        %get3A_799 = arith.index_cast %scan3A_672 : i32 to index
        %get3A_800 = arith.constant 48 : index
        %get3A_801 = tpu.vector_load %arg10[%get3A_799, %get3A_800] {strides = array<i32>} : memref<80x64xi32, #tpu.memory_space<vmem>>, vector<16xi32>,
        %bitcast3A_802 = vector.bitcast %get3A_801 : vector<16xi32> to vector<32xbf16>
        %unpack3A_803 = tpu.unpack_subelements %bitcast3A_802, 0 {pack_format = #tpu.pack_format<interleaved>} : vector<32xbf16> -> vector<16xf32>
        %unpack3A_804 = tpu.unpack_subelements %bitcast3A_802, 1 {pack_format = #tpu.pack_format<interleaved>} : vector<32xbf16> -> vector<16xf32>
        %get3A_805 = arith.index_cast %scan3A_672 : i32 to index
        %get3A_806 = arith.constant 48 : index
        %get3A_807 = tpu.vector_load %arg12[%get3A_805, %get3A_806] {strides = array<i32>} : memref<80x64xi32, #tpu.memory_space<vmem>>, vector<16xi32>,
        %bitcast3A_808 = vector.bitcast %get3A_807 : vector<16xi32> to vector<32xbf16>
        %unpack3A_809 = tpu.unpack_subelements %bitcast3A_808, 0 {pack_format = #tpu.pack_format<interleaved>} : vector<32xbf16> -> vector<16xf32>
        %unpack3A_810 = tpu.unpack_subelements %bitcast3A_808, 1 {pack_format = #tpu.pack_format<interleaved>} : vector<32xbf16> -> vector<16xf32>
        %add3A_811 = arith.constant 40 : i32
        %add3A_812 = arith.addi %add3A_811, %scan3A_672 : i32
        %get3A_813 = arith.index_cast %add3A_812 : i32 to index
        %get3A_814 = arith.constant 48 : index
        %get3A_815 = tpu.vector_load %arg10[%get3A_813, %get3A_814] {strides = array<i32>} : memref<80x64xi32, #tpu.memory_space<vmem>>, vector<16xi32>,
        %bitcast3A_816 = vector.bitcast %get3A_815 : vector<16xi32> to vector<32xbf16>
        %unpack3A_817 = tpu.unpack_subelements %bitcast3A_816, 0 {pack_format = #tpu.pack_format<interleaved>} : vector<32xbf16> -> vector<16xf32>
        %unpack3A_818 = tpu.unpack_subelements %bitcast3A_816, 1 {pack_format = #tpu.pack_format<interleaved>} : vector<32xbf16> -> vector<16xf32>
        %add3A_819 = arith.constant 40 : i32
        %add3A_820 = arith.addi %add3A_819, %scan3A_672 : i32
        %get3A_821 = arith.index_cast %add3A_820 : i32 to index
        %get3A_822 = arith.constant 48 : index
        %get3A_823 = tpu.vector_load %arg12[%get3A_821, %get3A_822] {strides = array<i32>} : memref<80x64xi32, #tpu.memory_space<vmem>>, vector<16xi32>,
        %bitcast3A_824 = vector.bitcast %get3A_823 : vector<16xi32> to vector<32xbf16>
        %unpack3A_825 = tpu.unpack_subelements %bitcast3A_824, 0 {pack_format = #tpu.pack_format<interleaved>} : vector<32xbf16> -> vector<16xf32>
        %unpack3A_826 = tpu.unpack_subelements %bitcast3A_824, 1 {pack_format = #tpu.pack_format<interleaved>} : vector<32xbf16> -> vector<16xf32>
        %add3A_827 = arith.addf %unpack3A_803, %unpack3A_809 : vector<16xf32>
        %add3A_828 = arith.addf %unpack3A_804, %unpack3A_810 : vector<16xf32>
        %add3A_829 = arith.addf %unpack3A_817, %unpack3A_825 : vector<16xf32>
        %add3A_830 = arith.addf %unpack3A_818, %unpack3A_826 : vector<16xf32>
        %pack3A_831 = tpu.pack_subelements %add3A_827, %add3A_829 {pack_format = #tpu.pack_format<interleaved>, positions = array<i32: 0, 1>} : vector<16xf32>, vector<16xf32> -> vector<32xbf16>
        %bitcast3A_832 = vector.bitcast %pack3A_831 : vector<32xbf16> to vector<16xi32>
        %pack3A_833 = tpu.pack_subelements %add3A_828, %add3A_830 {pack_format = #tpu.pack_format<interleaved>, positions = array<i32: 0, 1>} : vector<16xf32>, vector<16xf32> -> vector<32xbf16>
        %bitcast3A_834 = vector.bitcast %pack3A_833 : vector<32xbf16> to vector<16xi32>
        %swap3A_835 = arith.index_cast %scan3A_672 : i32 to index
        %swap3A_836 = arith.constant 48 : index
        %swap3A_837 = tpu.vector_load %arg14[%swap3A_835, %swap3A_836] {strides = array<i32>} : memref<40x128xi32, #tpu.memory_space<vmem>>, vector<16xi32>,
        tpu.vector_store %arg14[%swap3A_835, %swap3A_836], %bitcast3A_832 {strides = array<i32>} : memref<40x128xi32, #tpu.memory_space<vmem>>, vector<16xi32>,
        %swap3A_838 = arith.index_cast %scan3A_672 : i32 to index
        %swap3A_839 = arith.constant 112 : index
        %swap3A_840 = tpu.vector_load %arg14[%swap3A_838, %swap3A_839] {strides = array<i32>} : memref<40x128xi32, #tpu.memory_space<vmem>>, vector<16xi32>,
        tpu.vector_store %arg14[%swap3A_838, %swap3A_839], %bitcast3A_834 {strides = array<i32>} : memref<40x128xi32, #tpu.memory_space<vmem>>, vector<16xi32>,
      }
      %scan3A_152 = arith.constant 40 : i32
      %mul3A_153 = arith.constant 40 : i32
      %mul3A_154 = arith.muli %add3A_129, %mul3A_153 : i32
      %add3A_155 = arith.addi %mul3A_2, %mul3A_154 : i32
      %dma_start3A_156 = arith.constant 0 : i32
      %dma_start3A_157 = tpu.memref_slice %arg6[%add3A_155, %dma_start3A_156] : memref<160000x128xi32, #tpu.memory_space<hbm>> -> memref<40x128xi32, #tpu.memory_space<hbm>>
      %dma_start3A_158 = arith.constant 0 : i32
      %dma_start3A_159 = tpu.memref_slice %arg6[%add3A_155, %dma_start3A_158] : memref<160000x128xi32, #tpu.memory_space<hbm>> -> memref<40x128xi32, #tpu.memory_space<hbm>>
      tpu.enqueue_dma source(%arg14 : memref<40x128xi32, #tpu.memory_space<vmem>>) target(%dma_start3A_159 : memref<40x128xi32, #tpu.memory_space<hbm>>) target_semaphore(%arg18 : memref<!tpu.dma_semaphore, #tpu.memory_space<semaphore_mem>>)
      %add3A_160 = arith.constant 2 : i32
      %add3A_161 = arith.addi %add3A_129, %add3A_160 : i32
      %lt3A_162 = arith.constant 125 : i32
      %lt3A_163 = arith.cmpi slt, %add3A_161, %lt3A_162 : i32
      %convert_element_type3A_164 = arith.extui %lt3A_163 : i1 to i32
      %cond3A_165 = arith.constant 0 : i32
      %cond3A_166 = arith.cmpi ne, %convert_element_type3A_164, %cond3A_165 : i32
      scf.if %cond3A_166 {
        %add3A_167 = arith.constant 2 : i32
        %add3A_168 = arith.addi %add3A_129, %add3A_167 : i32
        %dma_start3A_169 = arith.constant 0 : i32
        %dma_start3A_170 = tpu.memref_slice %arg7[%add3A_168, %dma_start3A_169] : memref<125x80xi32, #tpu.memory_space<vmem>> -> memref<1x80xi32, #tpu.memory_space<vmem>>
        %dma_start3A_171 = tpu.memref_squeeze %dma_start3A_170 : memref<1x80xi32, #tpu.memory_space<vmem>> -> memref<80xi32, #tpu.memory_space<vmem>>
        %dma_start3A_172 = arith.constant 0 : i32
        %dma_start3A_173 = arith.constant 0 : i32
        %dma_start3A_174 = tpu.memref_slice %arg2[%dma_start3A_172, %dma_start3A_173] : memref<10000x64xi32, #tpu.memory_space<hbm>> -> memref<10000x64xi32, #tpu.memory_space<hbm>>
        tpu.enqueue_indirect_dma source(%dma_start3A_174 : memref<10000x64xi32, #tpu.memory_space<hbm>>) target(%arg10 : memref<80x64xi32, #tpu.memory_space<vmem>>) offsets(%dma_start3A_171 : memref<80xi32, #tpu.memory_space<vmem>>) semaphore(%arg16 : memref<!tpu.dma_semaphore, #tpu.memory_space<semaphore_mem>>)
        %dma_start3A_175 = arith.constant 0 : i32
        %dma_start3A_176 = tpu.memref_slice %arg8[%add3A_168, %dma_start3A_175] : memref<125x80xi32, #tpu.memory_space<vmem>> -> memref<1x80xi32, #tpu.memory_space<vmem>>
        %dma_start3A_177 = tpu.memref_squeeze %dma_start3A_176 : memref<1x80xi32, #tpu.memory_space<vmem>> -> memref<80xi32, #tpu.memory_space<vmem>>
        %dma_start3A_178 = arith.constant 0 : i32
        %dma_start3A_179 = arith.constant 0 : i32
        %dma_start3A_180 = tpu.memref_slice %arg3[%dma_start3A_178, %dma_start3A_179] : memref<10000x64xi32, #tpu.memory_space<hbm>> -> memref<10000x64xi32, #tpu.memory_space<hbm>>
        tpu.enqueue_indirect_dma source(%dma_start3A_180 : memref<10000x64xi32, #tpu.memory_space<hbm>>) target(%arg12 : memref<80x64xi32, #tpu.memory_space<vmem>>) offsets(%dma_start3A_177 : memref<80xi32, #tpu.memory_space<vmem>>) semaphore(%arg16 : memref<!tpu.dma_semaphore, #tpu.memory_space<semaphore_mem>>)
      } else {
      }
    }
    %scan3A_37 = arith.constant 62 : i32
    %dma_wait3A = arith.constant 0 : i32
    %dma_wait3A_38 = arith.constant 0 : i32
    %dma_wait3A_39 = tpu.memref_slice %arg2[%dma_wait3A, %dma_wait3A_38] : memref<10000x64xi32, #tpu.memory_space<hbm>> -> memref<80x64xi32, #tpu.memory_space<hbm>>
    %dma_wait3A_40 = arith.constant 0 : i32
    %dma_wait3A_41 = arith.constant 0 : i32
    %dma_wait3A_42 = tpu.memref_slice %arg2[%dma_wait3A_40, %dma_wait3A_41] : memref<10000x64xi32, #tpu.memory_space<hbm>> -> memref<80x64xi32, #tpu.memory_space<hbm>>
    tpu.wait_dma2 semaphore(%arg15 : memref<!tpu.dma_semaphore, #tpu.memory_space<semaphore_mem>>) src(%dma_wait3A_42 : memref<80x64xi32, #tpu.memory_space<hbm>>) dst(%arg9 : memref<80x64xi32, #tpu.memory_space<vmem>>)
    %dma_wait3A_43 = arith.constant 0 : i32
    %dma_wait3A_44 = arith.constant 0 : i32
    %dma_wait3A_45 = tpu.memref_slice %arg3[%dma_wait3A_43, %dma_wait3A_44] : memref<10000x64xi32, #tpu.memory_space<hbm>> -> memref<80x64xi32, #tpu.memory_space<hbm>>
    %dma_wait3A_46 = arith.constant 0 : i32
    %dma_wait3A_47 = arith.constant 0 : i32
    %dma_wait3A_48 = tpu.memref_slice %arg3[%dma_wait3A_46, %dma_wait3A_47] : memref<10000x64xi32, #tpu.memory_space<hbm>> -> memref<80x64xi32, #tpu.memory_space<hbm>>
    tpu.wait_dma2 semaphore(%arg15 : memref<!tpu.dma_semaphore, #tpu.memory_space<semaphore_mem>>) src(%dma_wait3A_48 : memref<80x64xi32, #tpu.memory_space<hbm>>) dst(%arg11 : memref<80x64xi32, #tpu.memory_space<vmem>>)
    %ge3A = arith.constant 124 : i32
    %ge3A_49 = arith.constant 2 : i32
    %ge3A_50 = arith.cmpi sge, %ge3A, %ge3A_49 : i32
    %convert_element_type3A = arith.extui %ge3A_50 : i1 to i32
    %cond3A = arith.constant 0 : i32
    %cond3A_51 = arith.cmpi ne, %convert_element_type3A, %cond3A : i32
    scf.if %cond3A_51 {
      %dma_wait3A_86 = arith.constant 0 : i32
      %dma_wait3A_87 = arith.constant 0 : i32
      %dma_wait3A_88 = tpu.memref_slice %arg6[%dma_wait3A_86, %dma_wait3A_87] : memref<160000x128xi32, #tpu.memory_space<hbm>> -> memref<40x128xi32, #tpu.memory_space<hbm>>
      %dma_wait3A_89 = arith.constant 0 : i32
      %dma_wait3A_90 = arith.constant 0 : i32
      %dma_wait3A_91 = tpu.memref_slice %arg6[%dma_wait3A_89, %dma_wait3A_90] : memref<160000x128xi32, #tpu.memory_space<hbm>> -> memref<40x128xi32, #tpu.memory_space<hbm>>
      tpu.wait_dma2 semaphore(%arg17 : memref<!tpu.dma_semaphore, #tpu.memory_space<semaphore_mem>>) src(%arg13 : memref<40x128xi32, #tpu.memory_space<vmem>>) dst(%dma_wait3A_91 : memref<40x128xi32, #tpu.memory_space<hbm>>)
    } else {
    }
    %scan3A_52 = arith.constant 0 : i32
    %scan3A_53 = arith.constant 0 : i32
    %scan3A_54 = arith.constant 40 : i32
    %scan3A_55 = arith.addi %scan3A_53, %scan3A_54 : i32
    %scan3A_56 = arith.constant 4 : i32
    scf.for %scan3A_86 = %scan3A_53 to %scan3A_55 step %scan3A_56  : i32 {
      %get3A = arith.index_cast %scan3A_86 : i32 to index
      %get3A_87 = arith.constant 0 : index
      %get3A_88 = tpu.vector_load %arg9[%get3A, %get3A_87] {strides = array<i32>} : memref<80x64xi32, #tpu.memory_space<vmem>>, vector<16xi32>,
      %bitcast3A = vector.bitcast %get3A_88 : vector<16xi32> to vector<32xbf16>
      %unpack3A = tpu.unpack_subelements %bitcast3A, 0 {pack_format = #tpu.pack_format<interleaved>} : vector<32xbf16> -> vector<16xf32>
      %unpack3A_89 = tpu.unpack_subelements %bitcast3A, 1 {pack_format = #tpu.pack_format<interleaved>} : vector<32xbf16> -> vector<16xf32>
      %get3A_90 = arith.index_cast %scan3A_86 : i32 to index
      %get3A_91 = arith.constant 0 : index
      %get3A_92 = tpu.vector_load %arg11[%get3A_90, %get3A_91] {strides = array<i32>} : memref<80x64xi32, #tpu.memory_space<vmem>>, vector<16xi32>,
      %bitcast3A_93 = vector.bitcast %get3A_92 : vector<16xi32> to vector<32xbf16>
      %unpack3A_94 = tpu.unpack_subelements %bitcast3A_93, 0 {pack_format = #tpu.pack_format<interleaved>} : vector<32xbf16> -> vector<16xf32>
      %unpack3A_95 = tpu.unpack_subelements %bitcast3A_93, 1 {pack_format = #tpu.pack_format<interleaved>} : vector<32xbf16> -> vector<16xf32>
      %add3A_96 = arith.constant 40 : i32
      %add3A_97 = arith.addi %add3A_96, %scan3A_86 : i32
      %get3A_98 = arith.index_cast %add3A_97 : i32 to index
      %get3A_99 = arith.constant 0 : index
      %get3A_100 = tpu.vector_load %arg9[%get3A_98, %get3A_99] {strides = array<i32>} : memref<80x64xi32, #tpu.memory_space<vmem>>, vector<16xi32>,
      %bitcast3A_101 = vector.bitcast %get3A_100 : vector<16xi32> to vector<32xbf16>
      %unpack3A_102 = tpu.unpack_subelements %bitcast3A_101, 0 {pack_format = #tpu.pack_format<interleaved>} : vector<32xbf16> -> vector<16xf32>
      %unpack3A_103 = tpu.unpack_subelements %bitcast3A_101, 1 {pack_format = #tpu.pack_format<interleaved>} : vector<32xbf16> -> vector<16xf32>
      %add3A_104 = arith.constant 40 : i32
      %add3A_105 = arith.addi %add3A_104, %scan3A_86 : i32
      %get3A_106 = arith.index_cast %add3A_105 : i32 to index
      %get3A_107 = arith.constant 0 : index
      %get3A_108 = tpu.vector_load %arg11[%get3A_106, %get3A_107] {strides = array<i32>} : memref<80x64xi32, #tpu.memory_space<vmem>>, vector<16xi32>,
      %bitcast3A_109 = vector.bitcast %get3A_108 : vector<16xi32> to vector<32xbf16>
      %unpack3A_110 = tpu.unpack_subelements %bitcast3A_109, 0 {pack_format = #tpu.pack_format<interleaved>} : vector<32xbf16> -> vector<16xf32>
      %unpack3A_111 = tpu.unpack_subelements %bitcast3A_109, 1 {pack_format = #tpu.pack_format<interleaved>} : vector<32xbf16> -> vector<16xf32>
      %add3A_112 = arith.addf %unpack3A, %unpack3A_94 : vector<16xf32>
      %add3A_113 = arith.addf %unpack3A_89, %unpack3A_95 : vector<16xf32>
      %add3A_114 = arith.addf %unpack3A_102, %unpack3A_110 : vector<16xf32>
      %add3A_115 = arith.addf %unpack3A_103, %unpack3A_111 : vector<16xf32>
      %pack3A = tpu.pack_subelements %add3A_112, %add3A_114 {pack_format = #tpu.pack_format<interleaved>, positions = array<i32: 0, 1>} : vector<16xf32>, vector<16xf32> -> vector<32xbf16>
      %bitcast3A_116 = vector.bitcast %pack3A : vector<32xbf16> to vector<16xi32>
      %pack3A_117 = tpu.pack_subelements %add3A_113, %add3A_115 {pack_format = #tpu.pack_format<interleaved>, positions = array<i32: 0, 1>} : vector<16xf32>, vector<16xf32> -> vector<32xbf16>
      %bitcast3A_118 = vector.bitcast %pack3A_117 : vector<32xbf16> to vector<16xi32>
      %swap3A = arith.index_cast %scan3A_86 : i32 to index
      %swap3A_119 = arith.constant 0 : index
      %swap3A_120 = tpu.vector_load %arg13[%swap3A, %swap3A_119] {strides = array<i32>} : memref<40x128xi32, #tpu.memory_space<vmem>>, vector<16xi32>,
      tpu.vector_store %arg13[%swap3A, %swap3A_119], %bitcast3A_116 {strides = array<i32>} : memref<40x128xi32, #tpu.memory_space<vmem>>, vector<16xi32>,
      %swap3A_121 = arith.index_cast %scan3A_86 : i32 to index
      %swap3A_122 = arith.constant 64 : index
      %swap3A_123 = tpu.vector_load %arg13[%swap3A_121, %swap3A_122] {strides = array<i32>} : memref<40x128xi32, #tpu.memory_space<vmem>>, vector<16xi32>,
      tpu.vector_store %arg13[%swap3A_121, %swap3A_122], %bitcast3A_118 {strides = array<i32>} : memref<40x128xi32, #tpu.memory_space<vmem>>, vector<16xi32>,
      %get3A_124 = arith.index_cast %scan3A_86 : i32 to index
      %get3A_125 = arith.constant 16 : index
      %get3A_126 = tpu.vector_load %arg9[%get3A_124, %get3A_125] {strides = array<i32>} : memref<80x64xi32, #tpu.memory_space<vmem>>, vector<16xi32>,
      %bitcast3A_127 = vector.bitcast %get3A_126 : vector<16xi32> to vector<32xbf16>
      %unpack3A_128 = tpu.unpack_subelements %bitcast3A_127, 0 {pack_format = #tpu.pack_format<interleaved>} : vector<32xbf16> -> vector<16xf32>
      %unpack3A_129 = tpu.unpack_subelements %bitcast3A_127, 1 {pack_format = #tpu.pack_format<interleaved>} : vector<32xbf16> -> vector<16xf32>
      %get3A_130 = arith.index_cast %scan3A_86 : i32 to index
      %get3A_131 = arith.constant 16 : index
      %get3A_132 = tpu.vector_load %arg11[%get3A_130, %get3A_131] {strides = array<i32>} : memref<80x64xi32, #tpu.memory_space<vmem>>, vector<16xi32>,
      %bitcast3A_133 = vector.bitcast %get3A_132 : vector<16xi32> to vector<32xbf16>
      %unpack3A_134 = tpu.unpack_subelements %bitcast3A_133, 0 {pack_format = #tpu.pack_format<interleaved>} : vector<32xbf16> -> vector<16xf32>
      %unpack3A_135 = tpu.unpack_subelements %bitcast3A_133, 1 {pack_format = #tpu.pack_format<interleaved>} : vector<32xbf16> -> vector<16xf32>
      %add3A_136 = arith.constant 40 : i32
      %add3A_137 = arith.addi %add3A_136, %scan3A_86 : i32
      %get3A_138 = arith.index_cast %add3A_137 : i32 to index
      %get3A_139 = arith.constant 16 : index
      %get3A_140 = tpu.vector_load %arg9[%get3A_138, %get3A_139] {strides = array<i32>} : memref<80x64xi32, #tpu.memory_space<vmem>>, vector<16xi32>,
      %bitcast3A_141 = vector.bitcast %get3A_140 : vector<16xi32> to vector<32xbf16>
      %unpack3A_142 = tpu.unpack_subelements %bitcast3A_141, 0 {pack_format = #tpu.pack_format<interleaved>} : vector<32xbf16> -> vector<16xf32>
      %unpack3A_143 = tpu.unpack_subelements %bitcast3A_141, 1 {pack_format = #tpu.pack_format<interleaved>} : vector<32xbf16> -> vector<16xf32>
      %add3A_144 = arith.constant 40 : i32
      %add3A_145 = arith.addi %add3A_144, %scan3A_86 : i32
      %get3A_146 = arith.index_cast %add3A_145 : i32 to index
      %get3A_147 = arith.constant 16 : index
      %get3A_148 = tpu.vector_load %arg11[%get3A_146, %get3A_147] {strides = array<i32>} : memref<80x64xi32, #tpu.memory_space<vmem>>, vector<16xi32>,
      %bitcast3A_149 = vector.bitcast %get3A_148 : vector<16xi32> to vector<32xbf16>
      %unpack3A_150 = tpu.unpack_subelements %bitcast3A_149, 0 {pack_format = #tpu.pack_format<interleaved>} : vector<32xbf16> -> vector<16xf32>
      %unpack3A_151 = tpu.unpack_subelements %bitcast3A_149, 1 {pack_format = #tpu.pack_format<interleaved>} : vector<32xbf16> -> vector<16xf32>
      %add3A_152 = arith.addf %unpack3A_128, %unpack3A_134 : vector<16xf32>
      %add3A_153 = arith.addf %unpack3A_129, %unpack3A_135 : vector<16xf32>
      %add3A_154 = arith.addf %unpack3A_142, %unpack3A_150 : vector<16xf32>
      %add3A_155 = arith.addf %unpack3A_143, %unpack3A_151 : vector<16xf32>
      %pack3A_156 = tpu.pack_subelements %add3A_152, %add3A_154 {pack_format = #tpu.pack_format<interleaved>, positions = array<i32: 0, 1>} : vector<16xf32>, vector<16xf32> -> vector<32xbf16>
      %bitcast3A_157 = vector.bitcast %pack3A_156 : vector<32xbf16> to vector<16xi32>
      %pack3A_158 = tpu.pack_subelements %add3A_153, %add3A_155 {pack_format = #tpu.pack_format<interleaved>, positions = array<i32: 0, 1>} : vector<16xf32>, vector<16xf32> -> vector<32xbf16>
      %bitcast3A_159 = vector.bitcast %pack3A_158 : vector<32xbf16> to vector<16xi32>
      %swap3A_160 = arith.index_cast %scan3A_86 : i32 to index
      %swap3A_161 = arith.constant 16 : index
      %swap3A_162 = tpu.vector_load %arg13[%swap3A_160, %swap3A_161] {strides = array<i32>} : memref<40x128xi32, #tpu.memory_space<vmem>>, vector<16xi32>,
      tpu.vector_store %arg13[%swap3A_160, %swap3A_161], %bitcast3A_157 {strides = array<i32>} : memref<40x128xi32, #tpu.memory_space<vmem>>, vector<16xi32>,
      %swap3A_163 = arith.index_cast %scan3A_86 : i32 to index
      %swap3A_164 = arith.constant 80 : index
      %swap3A_165 = tpu.vector_load %arg13[%swap3A_163, %swap3A_164] {strides = array<i32>} : memref<40x128xi32, #tpu.memory_space<vmem>>, vector<16xi32>,
      tpu.vector_store %arg13[%swap3A_163, %swap3A_164], %bitcast3A_159 {strides = array<i32>} : memref<40x128xi32, #tpu.memory_space<vmem>>, vector<16xi32>,
      %get3A_166 = arith.index_cast %scan3A_86 : i32 to index
      %get3A_167 = arith.constant 32 : index
      %get3A_168 = tpu.vector_load %arg9[%get3A_166, %get3A_167] {strides = array<i32>} : memref<80x64xi32, #tpu.memory_space<vmem>>, vector<16xi32>,
      %bitcast3A_169 = vector.bitcast %get3A_168 : vector<16xi32> to vector<32xbf16>
      %unpack3A_170 = tpu.unpack_subelements %bitcast3A_169, 0 {pack_format = #tpu.pack_format<interleaved>} : vector<32xbf16> -> vector<16xf32>
      %unpack3A_171 = tpu.unpack_subelements %bitcast3A_169, 1 {pack_format = #tpu.pack_format<interleaved>} : vector<32xbf16> -> vector<16xf32>
      %get3A_172 = arith.index_cast %scan3A_86 : i32 to index
      %get3A_173 = arith.constant 32 : index
      %get3A_174 = tpu.vector_load %arg11[%get3A_172, %get3A_173] {strides = array<i32>} : memref<80x64xi32, #tpu.memory_space<vmem>>, vector<16xi32>,
      %bitcast3A_175 = vector.bitcast %get3A_174 : vector<16xi32> to vector<32xbf16>
      %unpack3A_176 = tpu.unpack_subelements %bitcast3A_175, 0 {pack_format = #tpu.pack_format<interleaved>} : vector<32xbf16> -> vector<16xf32>
      %unpack3A_177 = tpu.unpack_subelements %bitcast3A_175, 1 {pack_format = #tpu.pack_format<interleaved>} : vector<32xbf16> -> vector<16xf32>
      %add3A_178 = arith.constant 40 : i32
      %add3A_179 = arith.addi %add3A_178, %scan3A_86 : i32
      %get3A_180 = arith.index_cast %add3A_179 : i32 to index
      %get3A_181 = arith.constant 32 : index
      %get3A_182 = tpu.vector_load %arg9[%get3A_180, %get3A_181] {strides = array<i32>} : memref<80x64xi32, #tpu.memory_space<vmem>>, vector<16xi32>,
      %bitcast3A_183 = vector.bitcast %get3A_182 : vector<16xi32> to vector<32xbf16>
      %unpack3A_184 = tpu.unpack_subelements %bitcast3A_183, 0 {pack_format = #tpu.pack_format<interleaved>} : vector<32xbf16> -> vector<16xf32>
      %unpack3A_185 = tpu.unpack_subelements %bitcast3A_183, 1 {pack_format = #tpu.pack_format<interleaved>} : vector<32xbf16> -> vector<16xf32>
      %add3A_186 = arith.constant 40 : i32
      %add3A_187 = arith.addi %add3A_186, %scan3A_86 : i32
      %get3A_188 = arith.index_cast %add3A_187 : i32 to index
      %get3A_189 = arith.constant 32 : index
      %get3A_190 = tpu.vector_load %arg11[%get3A_188, %get3A_189] {strides = array<i32>} : memref<80x64xi32, #tpu.memory_space<vmem>>, vector<16xi32>,
      %bitcast3A_191 = vector.bitcast %get3A_190 : vector<16xi32> to vector<32xbf16>
      %unpack3A_192 = tpu.unpack_subelements %bitcast3A_191, 0 {pack_format = #tpu.pack_format<interleaved>} : vector<32xbf16> -> vector<16xf32>
      %unpack3A_193 = tpu.unpack_subelements %bitcast3A_191, 1 {pack_format = #tpu.pack_format<interleaved>} : vector<32xbf16> -> vector<16xf32>
      %add3A_194 = arith.addf %unpack3A_170, %unpack3A_176 : vector<16xf32>
      %add3A_195 = arith.addf %unpack3A_171, %unpack3A_177 : vector<16xf32>
      %add3A_196 = arith.addf %unpack3A_184, %unpack3A_192 : vector<16xf32>
      %add3A_197 = arith.addf %unpack3A_185, %unpack3A_193 : vector<16xf32>
      %pack3A_198 = tpu.pack_subelements %add3A_194, %add3A_196 {pack_format = #tpu.pack_format<interleaved>, positions = array<i32: 0, 1>} : vector<16xf32>, vector<16xf32> -> vector<32xbf16>
      %bitcast3A_199 = vector.bitcast %pack3A_198 : vector<32xbf16> to vector<16xi32>
      %pack3A_200 = tpu.pack_subelements %add3A_195, %add3A_197 {pack_format = #tpu.pack_format<interleaved>, positions = array<i32: 0, 1>} : vector<16xf32>, vector<16xf32> -> vector<32xbf16>
      %bitcast3A_201 = vector.bitcast %pack3A_200 : vector<32xbf16> to vector<16xi32>
      %swap3A_202 = arith.index_cast %scan3A_86 : i32 to index
      %swap3A_203 = arith.constant 32 : index
      %swap3A_204 = tpu.vector_load %arg13[%swap3A_202, %swap3A_203] {strides = array<i32>} : memref<40x128xi32, #tpu.memory_space<vmem>>, vector<16xi32>,
      tpu.vector_store %arg13[%swap3A_202, %swap3A_203], %bitcast3A_199 {strides = array<i32>} : memref<40x128xi32, #tpu.memory_space<vmem>>, vector<16xi32>,
      %swap3A_205 = arith.index_cast %scan3A_86 : i32 to index
      %swap3A_206 = arith.constant 96 : index
      %swap3A_207 = tpu.vector_load %arg13[%swap3A_205, %swap3A_206] {strides = array<i32>} : memref<40x128xi32, #tpu.memory_space<vmem>>, vector<16xi32>,
      tpu.vector_store %arg13[%swap3A_205, %swap3A_206], %bitcast3A_201 {strides = array<i32>} : memref<40x128xi32, #tpu.memory_space<vmem>>, vector<16xi32>,
      %get3A_208 = arith.index_cast %scan3A_86 : i32 to index
      %get3A_209 = arith.constant 48 : index
      %get3A_210 = tpu.vector_load %arg9[%get3A_208, %get3A_209] {strides = array<i32>} : memref<80x64xi32, #tpu.memory_space<vmem>>, vector<16xi32>,
      %bitcast3A_211 = vector.bitcast %get3A_210 : vector<16xi32> to vector<32xbf16>
      %unpack3A_212 = tpu.unpack_subelements %bitcast3A_211, 0 {pack_format = #tpu.pack_format<interleaved>} : vector<32xbf16> -> vector<16xf32>
      %unpack3A_213 = tpu.unpack_subelements %bitcast3A_211, 1 {pack_format = #tpu.pack_format<interleaved>} : vector<32xbf16> -> vector<16xf32>
      %get3A_214 = arith.index_cast %scan3A_86 : i32 to index
      %get3A_215 = arith.constant 48 : index
      %get3A_216 = tpu.vector_load %arg11[%get3A_214, %get3A_215] {strides = array<i32>} : memref<80x64xi32, #tpu.memory_space<vmem>>, vector<16xi32>,
      %bitcast3A_217 = vector.bitcast %get3A_216 : vector<16xi32> to vector<32xbf16>
      %unpack3A_218 = tpu.unpack_subelements %bitcast3A_217, 0 {pack_format = #tpu.pack_format<interleaved>} : vector<32xbf16> -> vector<16xf32>
      %unpack3A_219 = tpu.unpack_subelements %bitcast3A_217, 1 {pack_format = #tpu.pack_format<interleaved>} : vector<32xbf16> -> vector<16xf32>
      %add3A_220 = arith.constant 40 : i32
      %add3A_221 = arith.addi %add3A_220, %scan3A_86 : i32
      %get3A_222 = arith.index_cast %add3A_221 : i32 to index
      %get3A_223 = arith.constant 48 : index
      %get3A_224 = tpu.vector_load %arg9[%get3A_222, %get3A_223] {strides = array<i32>} : memref<80x64xi32, #tpu.memory_space<vmem>>, vector<16xi32>,
      %bitcast3A_225 = vector.bitcast %get3A_224 : vector<16xi32> to vector<32xbf16>
      %unpack3A_226 = tpu.unpack_subelements %bitcast3A_225, 0 {pack_format = #tpu.pack_format<interleaved>} : vector<32xbf16> -> vector<16xf32>
      %unpack3A_227 = tpu.unpack_subelements %bitcast3A_225, 1 {pack_format = #tpu.pack_format<interleaved>} : vector<32xbf16> -> vector<16xf32>
      %add3A_228 = arith.constant 40 : i32
      %add3A_229 = arith.addi %add3A_228, %scan3A_86 : i32
      %get3A_230 = arith.index_cast %add3A_229 : i32 to index
      %get3A_231 = arith.constant 48 : index
      %get3A_232 = tpu.vector_load %arg11[%get3A_230, %get3A_231] {strides = array<i32>} : memref<80x64xi32, #tpu.memory_space<vmem>>, vector<16xi32>,
      %bitcast3A_233 = vector.bitcast %get3A_232 : vector<16xi32> to vector<32xbf16>
      %unpack3A_234 = tpu.unpack_subelements %bitcast3A_233, 0 {pack_format = #tpu.pack_format<interleaved>} : vector<32xbf16> -> vector<16xf32>
      %unpack3A_235 = tpu.unpack_subelements %bitcast3A_233, 1 {pack_format = #tpu.pack_format<interleaved>} : vector<32xbf16> -> vector<16xf32>
      %add3A_236 = arith.addf %unpack3A_212, %unpack3A_218 : vector<16xf32>
      %add3A_237 = arith.addf %unpack3A_213, %unpack3A_219 : vector<16xf32>
      %add3A_238 = arith.addf %unpack3A_226, %unpack3A_234 : vector<16xf32>
      %add3A_239 = arith.addf %unpack3A_227, %unpack3A_235 : vector<16xf32>
      %pack3A_240 = tpu.pack_subelements %add3A_236, %add3A_238 {pack_format = #tpu.pack_format<interleaved>, positions = array<i32: 0, 1>} : vector<16xf32>, vector<16xf32> -> vector<32xbf16>
      %bitcast3A_241 = vector.bitcast %pack3A_240 : vector<32xbf16> to vector<16xi32>
      %pack3A_242 = tpu.pack_subelements %add3A_237, %add3A_239 {pack_format = #tpu.pack_format<interleaved>, positions = array<i32: 0, 1>} : vector<16xf32>, vector<16xf32> -> vector<32xbf16>
      %bitcast3A_243 = vector.bitcast %pack3A_242 : vector<32xbf16> to vector<16xi32>
      %swap3A_244 = arith.index_cast %scan3A_86 : i32 to index
      %swap3A_245 = arith.constant 48 : index
      %swap3A_246 = tpu.vector_load %arg13[%swap3A_244, %swap3A_245] {strides = array<i32>} : memref<40x128xi32, #tpu.memory_space<vmem>>, vector<16xi32>,
      tpu.vector_store %arg13[%swap3A_244, %swap3A_245], %bitcast3A_241 {strides = array<i32>} : memref<40x128xi32, #tpu.memory_space<vmem>>, vector<16xi32>,
      %swap3A_247 = arith.index_cast %scan3A_86 : i32 to index
      %swap3A_248 = arith.constant 112 : index
      %swap3A_249 = tpu.vector_load %arg13[%swap3A_247, %swap3A_248] {strides = array<i32>} : memref<40x128xi32, #tpu.memory_space<vmem>>, vector<16xi32>,
      tpu.vector_store %arg13[%swap3A_247, %swap3A_248], %bitcast3A_243 {strides = array<i32>} : memref<40x128xi32, #tpu.memory_space<vmem>>, vector<16xi32>,
      %scan3A_250 = arith.constant 1 : i32
      %scan3A_251 = arith.addi %scan3A_86, %scan3A_250 : i32
      %get3A_252 = arith.index_cast %scan3A_251 : i32 to index
      %get3A_253 = arith.constant 0 : index
      %get3A_254 = tpu.vector_load %arg9[%get3A_252, %get3A_253] {strides = array<i32>} : memref<80x64xi32, #tpu.memory_space<vmem>>, vector<16xi32>,
      %bitcast3A_255 = vector.bitcast %get3A_254 : vector<16xi32> to vector<32xbf16>
      %unpack3A_256 = tpu.unpack_subelements %bitcast3A_255, 0 {pack_format = #tpu.pack_format<interleaved>} : vector<32xbf16> -> vector<16xf32>
      %unpack3A_257 = tpu.unpack_subelements %bitcast3A_255, 1 {pack_format = #tpu.pack_format<interleaved>} : vector<32xbf16> -> vector<16xf32>
      %get3A_258 = arith.index_cast %scan3A_251 : i32 to index
      %get3A_259 = arith.constant 0 : index
      %get3A_260 = tpu.vector_load %arg11[%get3A_258, %get3A_259] {strides = array<i32>} : memref<80x64xi32, #tpu.memory_space<vmem>>, vector<16xi32>,
      %bitcast3A_261 = vector.bitcast %get3A_260 : vector<16xi32> to vector<32xbf16>
      %unpack3A_262 = tpu.unpack_subelements %bitcast3A_261, 0 {pack_format = #tpu.pack_format<interleaved>} : vector<32xbf16> -> vector<16xf32>
      %unpack3A_263 = tpu.unpack_subelements %bitcast3A_261, 1 {pack_format = #tpu.pack_format<interleaved>} : vector<32xbf16> -> vector<16xf32>
      %add3A_264 = arith.constant 40 : i32
      %add3A_265 = arith.addi %add3A_264, %scan3A_251 : i32
      %get3A_266 = arith.index_cast %add3A_265 : i32 to index
      %get3A_267 = arith.constant 0 : index
      %get3A_268 = tpu.vector_load %arg9[%get3A_266, %get3A_267] {strides = array<i32>} : memref<80x64xi32, #tpu.memory_space<vmem>>, vector<16xi32>,
      %bitcast3A_269 = vector.bitcast %get3A_268 : vector<16xi32> to vector<32xbf16>
      %unpack3A_270 = tpu.unpack_subelements %bitcast3A_269, 0 {pack_format = #tpu.pack_format<interleaved>} : vector<32xbf16> -> vector<16xf32>
      %unpack3A_271 = tpu.unpack_subelements %bitcast3A_269, 1 {pack_format = #tpu.pack_format<interleaved>} : vector<32xbf16> -> vector<16xf32>
      %add3A_272 = arith.constant 40 : i32
      %add3A_273 = arith.addi %add3A_272, %scan3A_251 : i32
      %get3A_274 = arith.index_cast %add3A_273 : i32 to index
      %get3A_275 = arith.constant 0 : index
      %get3A_276 = tpu.vector_load %arg11[%get3A_274, %get3A_275] {strides = array<i32>} : memref<80x64xi32, #tpu.memory_space<vmem>>, vector<16xi32>,
      %bitcast3A_277 = vector.bitcast %get3A_276 : vector<16xi32> to vector<32xbf16>
      %unpack3A_278 = tpu.unpack_subelements %bitcast3A_277, 0 {pack_format = #tpu.pack_format<interleaved>} : vector<32xbf16> -> vector<16xf32>
      %unpack3A_279 = tpu.unpack_subelements %bitcast3A_277, 1 {pack_format = #tpu.pack_format<interleaved>} : vector<32xbf16> -> vector<16xf32>
      %add3A_280 = arith.addf %unpack3A_256, %unpack3A_262 : vector<16xf32>
      %add3A_281 = arith.addf %unpack3A_257, %unpack3A_263 : vector<16xf32>
      %add3A_282 = arith.addf %unpack3A_270, %unpack3A_278 : vector<16xf32>
      %add3A_283 = arith.addf %unpack3A_271, %unpack3A_279 : vector<16xf32>
      %pack3A_284 = tpu.pack_subelements %add3A_280, %add3A_282 {pack_format = #tpu.pack_format<interleaved>, positions = array<i32: 0, 1>} : vector<16xf32>, vector<16xf32> -> vector<32xbf16>
      %bitcast3A_285 = vector.bitcast %pack3A_284 : vector<32xbf16> to vector<16xi32>
      %pack3A_286 = tpu.pack_subelements %add3A_281, %add3A_283 {pack_format = #tpu.pack_format<interleaved>, positions = array<i32: 0, 1>} : vector<16xf32>, vector<16xf32> -> vector<32xbf16>
      %bitcast3A_287 = vector.bitcast %pack3A_286 : vector<32xbf16> to vector<16xi32>
      %swap3A_288 = arith.index_cast %scan3A_251 : i32 to index
      %swap3A_289 = arith.constant 0 : index
      %swap3A_290 = tpu.vector_load %arg13[%swap3A_288, %swap3A_289] {strides = array<i32>} : memref<40x128xi32, #tpu.memory_space<vmem>>, vector<16xi32>,
      tpu.vector_store %arg13[%swap3A_288, %swap3A_289], %bitcast3A_285 {strides = array<i32>} : memref<40x128xi32, #tpu.memory_space<vmem>>, vector<16xi32>,
      %swap3A_291 = arith.index_cast %scan3A_251 : i32 to index
      %swap3A_292 = arith.constant 64 : index
      %swap3A_293 = tpu.vector_load %arg13[%swap3A_291, %swap3A_292] {strides = array<i32>} : memref<40x128xi32, #tpu.memory_space<vmem>>, vector<16xi32>,
      tpu.vector_store %arg13[%swap3A_291, %swap3A_292], %bitcast3A_287 {strides = array<i32>} : memref<40x128xi32, #tpu.memory_space<vmem>>, vector<16xi32>,
      %get3A_294 = arith.index_cast %scan3A_251 : i32 to index
      %get3A_295 = arith.constant 16 : index
      %get3A_296 = tpu.vector_load %arg9[%get3A_294, %get3A_295] {strides = array<i32>} : memref<80x64xi32, #tpu.memory_space<vmem>>, vector<16xi32>,
      %bitcast3A_297 = vector.bitcast %get3A_296 : vector<16xi32> to vector<32xbf16>
      %unpack3A_298 = tpu.unpack_subelements %bitcast3A_297, 0 {pack_format = #tpu.pack_format<interleaved>} : vector<32xbf16> -> vector<16xf32>
      %unpack3A_299 = tpu.unpack_subelements %bitcast3A_297, 1 {pack_format = #tpu.pack_format<interleaved>} : vector<32xbf16> -> vector<16xf32>
      %get3A_300 = arith.index_cast %scan3A_251 : i32 to index
      %get3A_301 = arith.constant 16 : index
      %get3A_302 = tpu.vector_load %arg11[%get3A_300, %get3A_301] {strides = array<i32>} : memref<80x64xi32, #tpu.memory_space<vmem>>, vector<16xi32>,
      %bitcast3A_303 = vector.bitcast %get3A_302 : vector<16xi32> to vector<32xbf16>
      %unpack3A_304 = tpu.unpack_subelements %bitcast3A_303, 0 {pack_format = #tpu.pack_format<interleaved>} : vector<32xbf16> -> vector<16xf32>
      %unpack3A_305 = tpu.unpack_subelements %bitcast3A_303, 1 {pack_format = #tpu.pack_format<interleaved>} : vector<32xbf16> -> vector<16xf32>
      %add3A_306 = arith.constant 40 : i32
      %add3A_307 = arith.addi %add3A_306, %scan3A_251 : i32
      %get3A_308 = arith.index_cast %add3A_307 : i32 to index
      %get3A_309 = arith.constant 16 : index
      %get3A_310 = tpu.vector_load %arg9[%get3A_308, %get3A_309] {strides = array<i32>} : memref<80x64xi32, #tpu.memory_space<vmem>>, vector<16xi32>,
      %bitcast3A_311 = vector.bitcast %get3A_310 : vector<16xi32> to vector<32xbf16>
      %unpack3A_312 = tpu.unpack_subelements %bitcast3A_311, 0 {pack_format = #tpu.pack_format<interleaved>} : vector<32xbf16> -> vector<16xf32>
      %unpack3A_313 = tpu.unpack_subelements %bitcast3A_311, 1 {pack_format = #tpu.pack_format<interleaved>} : vector<32xbf16> -> vector<16xf32>
      %add3A_314 = arith.constant 40 : i32
      %add3A_315 = arith.addi %add3A_314, %scan3A_251 : i32
      %get3A_316 = arith.index_cast %add3A_315 : i32 to index
      %get3A_317 = arith.constant 16 : index
      %get3A_318 = tpu.vector_load %arg11[%get3A_316, %get3A_317] {strides = array<i32>} : memref<80x64xi32, #tpu.memory_space<vmem>>, vector<16xi32>,
      %bitcast3A_319 = vector.bitcast %get3A_318 : vector<16xi32> to vector<32xbf16>
      %unpack3A_320 = tpu.unpack_subelements %bitcast3A_319, 0 {pack_format = #tpu.pack_format<interleaved>} : vector<32xbf16> -> vector<16xf32>
      %unpack3A_321 = tpu.unpack_subelements %bitcast3A_319, 1 {pack_format = #tpu.pack_format<interleaved>} : vector<32xbf16> -> vector<16xf32>
      %add3A_322 = arith.addf %unpack3A_298, %unpack3A_304 : vector<16xf32>
      %add3A_323 = arith.addf %unpack3A_299, %unpack3A_305 : vector<16xf32>
      %add3A_324 = arith.addf %unpack3A_312, %unpack3A_320 : vector<16xf32>
      %add3A_325 = arith.addf %unpack3A_313, %unpack3A_321 : vector<16xf32>
      %pack3A_326 = tpu.pack_subelements %add3A_322, %add3A_324 {pack_format = #tpu.pack_format<interleaved>, positions = array<i32: 0, 1>} : vector<16xf32>, vector<16xf32> -> vector<32xbf16>
      %bitcast3A_327 = vector.bitcast %pack3A_326 : vector<32xbf16> to vector<16xi32>
      %pack3A_328 = tpu.pack_subelements %add3A_323, %add3A_325 {pack_format = #tpu.pack_format<interleaved>, positions = array<i32: 0, 1>} : vector<16xf32>, vector<16xf32> -> vector<32xbf16>
      %bitcast3A_329 = vector.bitcast %pack3A_328 : vector<32xbf16> to vector<16xi32>
      %swap3A_330 = arith.index_cast %scan3A_251 : i32 to index
      %swap3A_331 = arith.constant 16 : index
      %swap3A_332 = tpu.vector_load %arg13[%swap3A_330, %swap3A_331] {strides = array<i32>} : memref<40x128xi32, #tpu.memory_space<vmem>>, vector<16xi32>,
      tpu.vector_store %arg13[%swap3A_330, %swap3A_331], %bitcast3A_327 {strides = array<i32>} : memref<40x128xi32, #tpu.memory_space<vmem>>, vector<16xi32>,
      %swap3A_333 = arith.index_cast %scan3A_251 : i32 to index
      %swap3A_334 = arith.constant 80 : index
      %swap3A_335 = tpu.vector_load %arg13[%swap3A_333, %swap3A_334] {strides = array<i32>} : memref<40x128xi32, #tpu.memory_space<vmem>>, vector<16xi32>,
      tpu.vector_store %arg13[%swap3A_333, %swap3A_334], %bitcast3A_329 {strides = array<i32>} : memref<40x128xi32, #tpu.memory_space<vmem>>, vector<16xi32>,
      %get3A_336 = arith.index_cast %scan3A_251 : i32 to index
      %get3A_337 = arith.constant 32 : index
      %get3A_338 = tpu.vector_load %arg9[%get3A_336, %get3A_337] {strides = array<i32>} : memref<80x64xi32, #tpu.memory_space<vmem>>, vector<16xi32>,
      %bitcast3A_339 = vector.bitcast %get3A_338 : vector<16xi32> to vector<32xbf16>
      %unpack3A_340 = tpu.unpack_subelements %bitcast3A_339, 0 {pack_format = #tpu.pack_format<interleaved>} : vector<32xbf16> -> vector<16xf32>
      %unpack3A_341 = tpu.unpack_subelements %bitcast3A_339, 1 {pack_format = #tpu.pack_format<interleaved>} : vector<32xbf16> -> vector<16xf32>
      %get3A_342 = arith.index_cast %scan3A_251 : i32 to index
      %get3A_343 = arith.constant 32 : index
      %get3A_344 = tpu.vector_load %arg11[%get3A_342, %get3A_343] {strides = array<i32>} : memref<80x64xi32, #tpu.memory_space<vmem>>, vector<16xi32>,
      %bitcast3A_345 = vector.bitcast %get3A_344 : vector<16xi32> to vector<32xbf16>
      %unpack3A_346 = tpu.unpack_subelements %bitcast3A_345, 0 {pack_format = #tpu.pack_format<interleaved>} : vector<32xbf16> -> vector<16xf32>
      %unpack3A_347 = tpu.unpack_subelements %bitcast3A_345, 1 {pack_format = #tpu.pack_format<interleaved>} : vector<32xbf16> -> vector<16xf32>
      %add3A_348 = arith.constant 40 : i32
      %add3A_349 = arith.addi %add3A_348, %scan3A_251 : i32
      %get3A_350 = arith.index_cast %add3A_349 : i32 to index
      %get3A_351 = arith.constant 32 : index
      %get3A_352 = tpu.vector_load %arg9[%get3A_350, %get3A_351] {strides = array<i32>} : memref<80x64xi32, #tpu.memory_space<vmem>>, vector<16xi32>,
      %bitcast3A_353 = vector.bitcast %get3A_352 : vector<16xi32> to vector<32xbf16>
      %unpack3A_354 = tpu.unpack_subelements %bitcast3A_353, 0 {pack_format = #tpu.pack_format<interleaved>} : vector<32xbf16> -> vector<16xf32>
      %unpack3A_355 = tpu.unpack_subelements %bitcast3A_353, 1 {pack_format = #tpu.pack_format<interleaved>} : vector<32xbf16> -> vector<16xf32>
      %add3A_356 = arith.constant 40 : i32
      %add3A_357 = arith.addi %add3A_356, %scan3A_251 : i32
      %get3A_358 = arith.index_cast %add3A_357 : i32 to index
      %get3A_359 = arith.constant 32 : index
      %get3A_360 = tpu.vector_load %arg11[%get3A_358, %get3A_359] {strides = array<i32>} : memref<80x64xi32, #tpu.memory_space<vmem>>, vector<16xi32>,
      %bitcast3A_361 = vector.bitcast %get3A_360 : vector<16xi32> to vector<32xbf16>
      %unpack3A_362 = tpu.unpack_subelements %bitcast3A_361, 0 {pack_format = #tpu.pack_format<interleaved>} : vector<32xbf16> -> vector<16xf32>
      %unpack3A_363 = tpu.unpack_subelements %bitcast3A_361, 1 {pack_format = #tpu.pack_format<interleaved>} : vector<32xbf16> -> vector<16xf32>
      %add3A_364 = arith.addf %unpack3A_340, %unpack3A_346 : vector<16xf32>
      %add3A_365 = arith.addf %unpack3A_341, %unpack3A_347 : vector<16xf32>
      %add3A_366 = arith.addf %unpack3A_354, %unpack3A_362 : vector<16xf32>
      %add3A_367 = arith.addf %unpack3A_355, %unpack3A_363 : vector<16xf32>
      %pack3A_368 = tpu.pack_subelements %add3A_364, %add3A_366 {pack_format = #tpu.pack_format<interleaved>, positions = array<i32: 0, 1>} : vector<16xf32>, vector<16xf32> -> vector<32xbf16>
      %bitcast3A_369 = vector.bitcast %pack3A_368 : vector<32xbf16> to vector<16xi32>
      %pack3A_370 = tpu.pack_subelements %add3A_365, %add3A_367 {pack_format = #tpu.pack_format<interleaved>, positions = array<i32: 0, 1>} : vector<16xf32>, vector<16xf32> -> vector<32xbf16>
      %bitcast3A_371 = vector.bitcast %pack3A_370 : vector<32xbf16> to vector<16xi32>
      %swap3A_372 = arith.index_cast %scan3A_251 : i32 to index
      %swap3A_373 = arith.constant 32 : index
      %swap3A_374 = tpu.vector_load %arg13[%swap3A_372, %swap3A_373] {strides = array<i32>} : memref<40x128xi32, #tpu.memory_space<vmem>>, vector<16xi32>,
      tpu.vector_store %arg13[%swap3A_372, %swap3A_373], %bitcast3A_369 {strides = array<i32>} : memref<40x128xi32, #tpu.memory_space<vmem>>, vector<16xi32>,
      %swap3A_375 = arith.index_cast %scan3A_251 : i32 to index
      %swap3A_376 = arith.constant 96 : index
      %swap3A_377 = tpu.vector_load %arg13[%swap3A_375, %swap3A_376] {strides = array<i32>} : memref<40x128xi32, #tpu.memory_space<vmem>>, vector<16xi32>,
      tpu.vector_store %arg13[%swap3A_375, %swap3A_376], %bitcast3A_371 {strides = array<i32>} : memref<40x128xi32, #tpu.memory_space<vmem>>, vector<16xi32>,
      %get3A_378 = arith.index_cast %scan3A_251 : i32 to index
      %get3A_379 = arith.constant 48 : index
      %get3A_380 = tpu.vector_load %arg9[%get3A_378, %get3A_379] {strides = array<i32>} : memref<80x64xi32, #tpu.memory_space<vmem>>, vector<16xi32>,
      %bitcast3A_381 = vector.bitcast %get3A_380 : vector<16xi32> to vector<32xbf16>
      %unpack3A_382 = tpu.unpack_subelements %bitcast3A_381, 0 {pack_format = #tpu.pack_format<interleaved>} : vector<32xbf16> -> vector<16xf32>
      %unpack3A_383 = tpu.unpack_subelements %bitcast3A_381, 1 {pack_format = #tpu.pack_format<interleaved>} : vector<32xbf16> -> vector<16xf32>
      %get3A_384 = arith.index_cast %scan3A_251 : i32 to index
      %get3A_385 = arith.constant 48 : index
      %get3A_386 = tpu.vector_load %arg11[%get3A_384, %get3A_385] {strides = array<i32>} : memref<80x64xi32, #tpu.memory_space<vmem>>, vector<16xi32>,
      %bitcast3A_387 = vector.bitcast %get3A_386 : vector<16xi32> to vector<32xbf16>
      %unpack3A_388 = tpu.unpack_subelements %bitcast3A_387, 0 {pack_format = #tpu.pack_format<interleaved>} : vector<32xbf16> -> vector<16xf32>
      %unpack3A_389 = tpu.unpack_subelements %bitcast3A_387, 1 {pack_format = #tpu.pack_format<interleaved>} : vector<32xbf16> -> vector<16xf32>
      %add3A_390 = arith.constant 40 : i32
      %add3A_391 = arith.addi %add3A_390, %scan3A_251 : i32
      %get3A_392 = arith.index_cast %add3A_391 : i32 to index
      %get3A_393 = arith.constant 48 : index
      %get3A_394 = tpu.vector_load %arg9[%get3A_392, %get3A_393] {strides = array<i32>} : memref<80x64xi32, #tpu.memory_space<vmem>>, vector<16xi32>,
      %bitcast3A_395 = vector.bitcast %get3A_394 : vector<16xi32> to vector<32xbf16>
      %unpack3A_396 = tpu.unpack_subelements %bitcast3A_395, 0 {pack_format = #tpu.pack_format<interleaved>} : vector<32xbf16> -> vector<16xf32>
      %unpack3A_397 = tpu.unpack_subelements %bitcast3A_395, 1 {pack_format = #tpu.pack_format<interleaved>} : vector<32xbf16> -> vector<16xf32>
      %add3A_398 = arith.constant 40 : i32
      %add3A_399 = arith.addi %add3A_398, %scan3A_251 : i32
      %get3A_400 = arith.index_cast %add3A_399 : i32 to index
      %get3A_401 = arith.constant 48 : index
      %get3A_402 = tpu.vector_load %arg11[%get3A_400, %get3A_401] {strides = array<i32>} : memref<80x64xi32, #tpu.memory_space<vmem>>, vector<16xi32>,
      %bitcast3A_403 = vector.bitcast %get3A_402 : vector<16xi32> to vector<32xbf16>
      %unpack3A_404 = tpu.unpack_subelements %bitcast3A_403, 0 {pack_format = #tpu.pack_format<interleaved>} : vector<32xbf16> -> vector<16xf32>
      %unpack3A_405 = tpu.unpack_subelements %bitcast3A_403, 1 {pack_format = #tpu.pack_format<interleaved>} : vector<32xbf16> -> vector<16xf32>
      %add3A_406 = arith.addf %unpack3A_382, %unpack3A_388 : vector<16xf32>
      %add3A_407 = arith.addf %unpack3A_383, %unpack3A_389 : vector<16xf32>
      %add3A_408 = arith.addf %unpack3A_396, %unpack3A_404 : vector<16xf32>
      %add3A_409 = arith.addf %unpack3A_397, %unpack3A_405 : vector<16xf32>
      %pack3A_410 = tpu.pack_subelements %add3A_406, %add3A_408 {pack_format = #tpu.pack_format<interleaved>, positions = array<i32: 0, 1>} : vector<16xf32>, vector<16xf32> -> vector<32xbf16>
      %bitcast3A_411 = vector.bitcast %pack3A_410 : vector<32xbf16> to vector<16xi32>
      %pack3A_412 = tpu.pack_subelements %add3A_407, %add3A_409 {pack_format = #tpu.pack_format<interleaved>, positions = array<i32: 0, 1>} : vector<16xf32>, vector<16xf32> -> vector<32xbf16>
      %bitcast3A_413 = vector.bitcast %pack3A_412 : vector<32xbf16> to vector<16xi32>
      %swap3A_414 = arith.index_cast %scan3A_251 : i32 to index
      %swap3A_415 = arith.constant 48 : index
      %swap3A_416 = tpu.vector_load %arg13[%swap3A_414, %swap3A_415] {strides = array<i32>} : memref<40x128xi32, #tpu.memory_space<vmem>>, vector<16xi32>,
      tpu.vector_store %arg13[%swap3A_414, %swap3A_415], %bitcast3A_411 {strides = array<i32>} : memref<40x128xi32, #tpu.memory_space<vmem>>, vector<16xi32>,
      %swap3A_417 = arith.index_cast %scan3A_251 : i32 to index
      %swap3A_418 = arith.constant 112 : index
      %swap3A_419 = tpu.vector_load %arg13[%swap3A_417, %swap3A_418] {strides = array<i32>} : memref<40x128xi32, #tpu.memory_space<vmem>>, vector<16xi32>,
      tpu.vector_store %arg13[%swap3A_417, %swap3A_418], %bitcast3A_413 {strides = array<i32>} : memref<40x128xi32, #tpu.memory_space<vmem>>, vector<16xi32>,
      %scan3A_420 = arith.constant 2 : i32
      %scan3A_421 = arith.addi %scan3A_86, %scan3A_420 : i32
      %get3A_422 = arith.index_cast %scan3A_421 : i32 to index
      %get3A_423 = arith.constant 0 : index
      %get3A_424 = tpu.vector_load %arg9[%get3A_422, %get3A_423] {strides = array<i32>} : memref<80x64xi32, #tpu.memory_space<vmem>>, vector<16xi32>,
      %bitcast3A_425 = vector.bitcast %get3A_424 : vector<16xi32> to vector<32xbf16>
      %unpack3A_426 = tpu.unpack_subelements %bitcast3A_425, 0 {pack_format = #tpu.pack_format<interleaved>} : vector<32xbf16> -> vector<16xf32>
      %unpack3A_427 = tpu.unpack_subelements %bitcast3A_425, 1 {pack_format = #tpu.pack_format<interleaved>} : vector<32xbf16> -> vector<16xf32>
      %get3A_428 = arith.index_cast %scan3A_421 : i32 to index
      %get3A_429 = arith.constant 0 : index
      %get3A_430 = tpu.vector_load %arg11[%get3A_428, %get3A_429] {strides = array<i32>} : memref<80x64xi32, #tpu.memory_space<vmem>>, vector<16xi32>,
      %bitcast3A_431 = vector.bitcast %get3A_430 : vector<16xi32> to vector<32xbf16>
      %unpack3A_432 = tpu.unpack_subelements %bitcast3A_431, 0 {pack_format = #tpu.pack_format<interleaved>} : vector<32xbf16> -> vector<16xf32>
      %unpack3A_433 = tpu.unpack_subelements %bitcast3A_431, 1 {pack_format = #tpu.pack_format<interleaved>} : vector<32xbf16> -> vector<16xf32>
      %add3A_434 = arith.constant 40 : i32
      %add3A_435 = arith.addi %add3A_434, %scan3A_421 : i32
      %get3A_436 = arith.index_cast %add3A_435 : i32 to index
      %get3A_437 = arith.constant 0 : index
      %get3A_438 = tpu.vector_load %arg9[%get3A_436, %get3A_437] {strides = array<i32>} : memref<80x64xi32, #tpu.memory_space<vmem>>, vector<16xi32>,
      %bitcast3A_439 = vector.bitcast %get3A_438 : vector<16xi32> to vector<32xbf16>
      %unpack3A_440 = tpu.unpack_subelements %bitcast3A_439, 0 {pack_format = #tpu.pack_format<interleaved>} : vector<32xbf16> -> vector<16xf32>
      %unpack3A_441 = tpu.unpack_subelements %bitcast3A_439, 1 {pack_format = #tpu.pack_format<interleaved>} : vector<32xbf16> -> vector<16xf32>
      %add3A_442 = arith.constant 40 : i32
      %add3A_443 = arith.addi %add3A_442, %scan3A_421 : i32
      %get3A_444 = arith.index_cast %add3A_443 : i32 to index
      %get3A_445 = arith.constant 0 : index
      %get3A_446 = tpu.vector_load %arg11[%get3A_444, %get3A_445] {strides = array<i32>} : memref<80x64xi32, #tpu.memory_space<vmem>>, vector<16xi32>,
      %bitcast3A_447 = vector.bitcast %get3A_446 : vector<16xi32> to vector<32xbf16>
      %unpack3A_448 = tpu.unpack_subelements %bitcast3A_447, 0 {pack_format = #tpu.pack_format<interleaved>} : vector<32xbf16> -> vector<16xf32>
      %unpack3A_449 = tpu.unpack_subelements %bitcast3A_447, 1 {pack_format = #tpu.pack_format<interleaved>} : vector<32xbf16> -> vector<16xf32>
      %add3A_450 = arith.addf %unpack3A_426, %unpack3A_432 : vector<16xf32>
      %add3A_451 = arith.addf %unpack3A_427, %unpack3A_433 : vector<16xf32>
      %add3A_452 = arith.addf %unpack3A_440, %unpack3A_448 : vector<16xf32>
      %add3A_453 = arith.addf %unpack3A_441, %unpack3A_449 : vector<16xf32>
      %pack3A_454 = tpu.pack_subelements %add3A_450, %add3A_452 {pack_format = #tpu.pack_format<interleaved>, positions = array<i32: 0, 1>} : vector<16xf32>, vector<16xf32> -> vector<32xbf16>
      %bitcast3A_455 = vector.bitcast %pack3A_454 : vector<32xbf16> to vector<16xi32>
      %pack3A_456 = tpu.pack_subelements %add3A_451, %add3A_453 {pack_format = #tpu.pack_format<interleaved>, positions = array<i32: 0, 1>} : vector<16xf32>, vector<16xf32> -> vector<32xbf16>
      %bitcast3A_457 = vector.bitcast %pack3A_456 : vector<32xbf16> to vector<16xi32>
      %swap3A_458 = arith.index_cast %scan3A_421 : i32 to index
      %swap3A_459 = arith.constant 0 : index
      %swap3A_460 = tpu.vector_load %arg13[%swap3A_458, %swap3A_459] {strides = array<i32>} : memref<40x128xi32, #tpu.memory_space<vmem>>, vector<16xi32>,
      tpu.vector_store %arg13[%swap3A_458, %swap3A_459], %bitcast3A_455 {strides = array<i32>} : memref<40x128xi32, #tpu.memory_space<vmem>>, vector<16xi32>,
      %swap3A_461 = arith.index_cast %scan3A_421 : i32 to index
      %swap3A_462 = arith.constant 64 : index
      %swap3A_463 = tpu.vector_load %arg13[%swap3A_461, %swap3A_462] {strides = array<i32>} : memref<40x128xi32, #tpu.memory_space<vmem>>, vector<16xi32>,
      tpu.vector_store %arg13[%swap3A_461, %swap3A_462], %bitcast3A_457 {strides = array<i32>} : memref<40x128xi32, #tpu.memory_space<vmem>>, vector<16xi32>,
      %get3A_464 = arith.index_cast %scan3A_421 : i32 to index
      %get3A_465 = arith.constant 16 : index
      %get3A_466 = tpu.vector_load %arg9[%get3A_464, %get3A_465] {strides = array<i32>} : memref<80x64xi32, #tpu.memory_space<vmem>>, vector<16xi32>,
      %bitcast3A_467 = vector.bitcast %get3A_466 : vector<16xi32> to vector<32xbf16>
      %unpack3A_468 = tpu.unpack_subelements %bitcast3A_467, 0 {pack_format = #tpu.pack_format<interleaved>} : vector<32xbf16> -> vector<16xf32>
      %unpack3A_469 = tpu.unpack_subelements %bitcast3A_467, 1 {pack_format = #tpu.pack_format<interleaved>} : vector<32xbf16> -> vector<16xf32>
      %get3A_470 = arith.index_cast %scan3A_421 : i32 to index
      %get3A_471 = arith.constant 16 : index
      %get3A_472 = tpu.vector_load %arg11[%get3A_470, %get3A_471] {strides = array<i32>} : memref<80x64xi32, #tpu.memory_space<vmem>>, vector<16xi32>,
      %bitcast3A_473 = vector.bitcast %get3A_472 : vector<16xi32> to vector<32xbf16>
      %unpack3A_474 = tpu.unpack_subelements %bitcast3A_473, 0 {pack_format = #tpu.pack_format<interleaved>} : vector<32xbf16> -> vector<16xf32>
      %unpack3A_475 = tpu.unpack_subelements %bitcast3A_473, 1 {pack_format = #tpu.pack_format<interleaved>} : vector<32xbf16> -> vector<16xf32>
      %add3A_476 = arith.constant 40 : i32
      %add3A_477 = arith.addi %add3A_476, %scan3A_421 : i32
      %get3A_478 = arith.index_cast %add3A_477 : i32 to index
      %get3A_479 = arith.constant 16 : index
      %get3A_480 = tpu.vector_load %arg9[%get3A_478, %get3A_479] {strides = array<i32>} : memref<80x64xi32, #tpu.memory_space<vmem>>, vector<16xi32>,
      %bitcast3A_481 = vector.bitcast %get3A_480 : vector<16xi32> to vector<32xbf16>
      %unpack3A_482 = tpu.unpack_subelements %bitcast3A_481, 0 {pack_format = #tpu.pack_format<interleaved>} : vector<32xbf16> -> vector<16xf32>
      %unpack3A_483 = tpu.unpack_subelements %bitcast3A_481, 1 {pack_format = #tpu.pack_format<interleaved>} : vector<32xbf16> -> vector<16xf32>
      %add3A_484 = arith.constant 40 : i32
      %add3A_485 = arith.addi %add3A_484, %scan3A_421 : i32
      %get3A_486 = arith.index_cast %add3A_485 : i32 to index
      %get3A_487 = arith.constant 16 : index
      %get3A_488 = tpu.vector_load %arg11[%get3A_486, %get3A_487] {strides = array<i32>} : memref<80x64xi32, #tpu.memory_space<vmem>>, vector<16xi32>,
      %bitcast3A_489 = vector.bitcast %get3A_488 : vector<16xi32> to vector<32xbf16>
      %unpack3A_490 = tpu.unpack_subelements %bitcast3A_489, 0 {pack_format = #tpu.pack_format<interleaved>} : vector<32xbf16> -> vector<16xf32>
      %unpack3A_491 = tpu.unpack_subelements %bitcast3A_489, 1 {pack_format = #tpu.pack_format<interleaved>} : vector<32xbf16> -> vector<16xf32>
      %add3A_492 = arith.addf %unpack3A_468, %unpack3A_474 : vector<16xf32>
      %add3A_493 = arith.addf %unpack3A_469, %unpack3A_475 : vector<16xf32>
      %add3A_494 = arith.addf %unpack3A_482, %unpack3A_490 : vector<16xf32>
      %add3A_495 = arith.addf %unpack3A_483, %unpack3A_491 : vector<16xf32>
      %pack3A_496 = tpu.pack_subelements %add3A_492, %add3A_494 {pack_format = #tpu.pack_format<interleaved>, positions = array<i32: 0, 1>} : vector<16xf32>, vector<16xf32> -> vector<32xbf16>
      %bitcast3A_497 = vector.bitcast %pack3A_496 : vector<32xbf16> to vector<16xi32>
      %pack3A_498 = tpu.pack_subelements %add3A_493, %add3A_495 {pack_format = #tpu.pack_format<interleaved>, positions = array<i32: 0, 1>} : vector<16xf32>, vector<16xf32> -> vector<32xbf16>
      %bitcast3A_499 = vector.bitcast %pack3A_498 : vector<32xbf16> to vector<16xi32>
      %swap3A_500 = arith.index_cast %scan3A_421 : i32 to index
      %swap3A_501 = arith.constant 16 : index
      %swap3A_502 = tpu.vector_load %arg13[%swap3A_500, %swap3A_501] {strides = array<i32>} : memref<40x128xi32, #tpu.memory_space<vmem>>, vector<16xi32>,
      tpu.vector_store %arg13[%swap3A_500, %swap3A_501], %bitcast3A_497 {strides = array<i32>} : memref<40x128xi32, #tpu.memory_space<vmem>>, vector<16xi32>,
      %swap3A_503 = arith.index_cast %scan3A_421 : i32 to index
      %swap3A_504 = arith.constant 80 : index
      %swap3A_505 = tpu.vector_load %arg13[%swap3A_503, %swap3A_504] {strides = array<i32>} : memref<40x128xi32, #tpu.memory_space<vmem>>, vector<16xi32>,
      tpu.vector_store %arg13[%swap3A_503, %swap3A_504], %bitcast3A_499 {strides = array<i32>} : memref<40x128xi32, #tpu.memory_space<vmem>>, vector<16xi32>,
      %get3A_506 = arith.index_cast %scan3A_421 : i32 to index
      %get3A_507 = arith.constant 32 : index
      %get3A_508 = tpu.vector_load %arg9[%get3A_506, %get3A_507] {strides = array<i32>} : memref<80x64xi32, #tpu.memory_space<vmem>>, vector<16xi32>,
      %bitcast3A_509 = vector.bitcast %get3A_508 : vector<16xi32> to vector<32xbf16>
      %unpack3A_510 = tpu.unpack_subelements %bitcast3A_509, 0 {pack_format = #tpu.pack_format<interleaved>} : vector<32xbf16> -> vector<16xf32>
      %unpack3A_511 = tpu.unpack_subelements %bitcast3A_509, 1 {pack_format = #tpu.pack_format<interleaved>} : vector<32xbf16> -> vector<16xf32>
      %get3A_512 = arith.index_cast %scan3A_421 : i32 to index
      %get3A_513 = arith.constant 32 : index
      %get3A_514 = tpu.vector_load %arg11[%get3A_512, %get3A_513] {strides = array<i32>} : memref<80x64xi32, #tpu.memory_space<vmem>>, vector<16xi32>,
      %bitcast3A_515 = vector.bitcast %get3A_514 : vector<16xi32> to vector<32xbf16>
      %unpack3A_516 = tpu.unpack_subelements %bitcast3A_515, 0 {pack_format = #tpu.pack_format<interleaved>} : vector<32xbf16> -> vector<16xf32>
      %unpack3A_517 = tpu.unpack_subelements %bitcast3A_515, 1 {pack_format = #tpu.pack_format<interleaved>} : vector<32xbf16> -> vector<16xf32>
      %add3A_518 = arith.constant 40 : i32
      %add3A_519 = arith.addi %add3A_518, %scan3A_421 : i32
      %get3A_520 = arith.index_cast %add3A_519 : i32 to index
      %get3A_521 = arith.constant 32 : index
      %get3A_522 = tpu.vector_load %arg9[%get3A_520, %get3A_521] {strides = array<i32>} : memref<80x64xi32, #tpu.memory_space<vmem>>, vector<16xi32>,
      %bitcast3A_523 = vector.bitcast %get3A_522 : vector<16xi32> to vector<32xbf16>
      %unpack3A_524 = tpu.unpack_subelements %bitcast3A_523, 0 {pack_format = #tpu.pack_format<interleaved>} : vector<32xbf16> -> vector<16xf32>
      %unpack3A_525 = tpu.unpack_subelements %bitcast3A_523, 1 {pack_format = #tpu.pack_format<interleaved>} : vector<32xbf16> -> vector<16xf32>
      %add3A_526 = arith.constant 40 : i32
      %add3A_527 = arith.addi %add3A_526, %scan3A_421 : i32
      %get3A_528 = arith.index_cast %add3A_527 : i32 to index
      %get3A_529 = arith.constant 32 : index
      %get3A_530 = tpu.vector_load %arg11[%get3A_528, %get3A_529] {strides = array<i32>} : memref<80x64xi32, #tpu.memory_space<vmem>>, vector<16xi32>,
      %bitcast3A_531 = vector.bitcast %get3A_530 : vector<16xi32> to vector<32xbf16>
      %unpack3A_532 = tpu.unpack_subelements %bitcast3A_531, 0 {pack_format = #tpu.pack_format<interleaved>} : vector<32xbf16> -> vector<16xf32>
      %unpack3A_533 = tpu.unpack_subelements %bitcast3A_531, 1 {pack_format = #tpu.pack_format<interleaved>} : vector<32xbf16> -> vector<16xf32>
      %add3A_534 = arith.addf %unpack3A_510, %unpack3A_516 : vector<16xf32>
      %add3A_535 = arith.addf %unpack3A_511, %unpack3A_517 : vector<16xf32>
      %add3A_536 = arith.addf %unpack3A_524, %unpack3A_532 : vector<16xf32>
      %add3A_537 = arith.addf %unpack3A_525, %unpack3A_533 : vector<16xf32>
      %pack3A_538 = tpu.pack_subelements %add3A_534, %add3A_536 {pack_format = #tpu.pack_format<interleaved>, positions = array<i32: 0, 1>} : vector<16xf32>, vector<16xf32> -> vector<32xbf16>
      %bitcast3A_539 = vector.bitcast %pack3A_538 : vector<32xbf16> to vector<16xi32>
      %pack3A_540 = tpu.pack_subelements %add3A_535, %add3A_537 {pack_format = #tpu.pack_format<interleaved>, positions = array<i32: 0, 1>} : vector<16xf32>, vector<16xf32> -> vector<32xbf16>
      %bitcast3A_541 = vector.bitcast %pack3A_540 : vector<32xbf16> to vector<16xi32>
      %swap3A_542 = arith.index_cast %scan3A_421 : i32 to index
      %swap3A_543 = arith.constant 32 : index
      %swap3A_544 = tpu.vector_load %arg13[%swap3A_542, %swap3A_543] {strides = array<i32>} : memref<40x128xi32, #tpu.memory_space<vmem>>, vector<16xi32>,
      tpu.vector_store %arg13[%swap3A_542, %swap3A_543], %bitcast3A_539 {strides = array<i32>} : memref<40x128xi32, #tpu.memory_space<vmem>>, vector<16xi32>,
      %swap3A_545 = arith.index_cast %scan3A_421 : i32 to index
      %swap3A_546 = arith.constant 96 : index
      %swap3A_547 = tpu.vector_load %arg13[%swap3A_545, %swap3A_546] {strides = array<i32>} : memref<40x128xi32, #tpu.memory_space<vmem>>, vector<16xi32>,
      tpu.vector_store %arg13[%swap3A_545, %swap3A_546], %bitcast3A_541 {strides = array<i32>} : memref<40x128xi32, #tpu.memory_space<vmem>>, vector<16xi32>,
      %get3A_548 = arith.index_cast %scan3A_421 : i32 to index
      %get3A_549 = arith.constant 48 : index
      %get3A_550 = tpu.vector_load %arg9[%get3A_548, %get3A_549] {strides = array<i32>} : memref<80x64xi32, #tpu.memory_space<vmem>>, vector<16xi32>,
      %bitcast3A_551 = vector.bitcast %get3A_550 : vector<16xi32> to vector<32xbf16>
      %unpack3A_552 = tpu.unpack_subelements %bitcast3A_551, 0 {pack_format = #tpu.pack_format<interleaved>} : vector<32xbf16> -> vector<16xf32>
      %unpack3A_553 = tpu.unpack_subelements %bitcast3A_551, 1 {pack_format = #tpu.pack_format<interleaved>} : vector<32xbf16> -> vector<16xf32>
      %get3A_554 = arith.index_cast %scan3A_421 : i32 to index
      %get3A_555 = arith.constant 48 : index
      %get3A_556 = tpu.vector_load %arg11[%get3A_554, %get3A_555] {strides = array<i32>} : memref<80x64xi32, #tpu.memory_space<vmem>>, vector<16xi32>,
      %bitcast3A_557 = vector.bitcast %get3A_556 : vector<16xi32> to vector<32xbf16>
      %unpack3A_558 = tpu.unpack_subelements %bitcast3A_557, 0 {pack_format = #tpu.pack_format<interleaved>} : vector<32xbf16> -> vector<16xf32>
      %unpack3A_559 = tpu.unpack_subelements %bitcast3A_557, 1 {pack_format = #tpu.pack_format<interleaved>} : vector<32xbf16> -> vector<16xf32>
      %add3A_560 = arith.constant 40 : i32
      %add3A_561 = arith.addi %add3A_560, %scan3A_421 : i32
      %get3A_562 = arith.index_cast %add3A_561 : i32 to index
      %get3A_563 = arith.constant 48 : index
      %get3A_564 = tpu.vector_load %arg9[%get3A_562, %get3A_563] {strides = array<i32>} : memref<80x64xi32, #tpu.memory_space<vmem>>, vector<16xi32>,
      %bitcast3A_565 = vector.bitcast %get3A_564 : vector<16xi32> to vector<32xbf16>
      %unpack3A_566 = tpu.unpack_subelements %bitcast3A_565, 0 {pack_format = #tpu.pack_format<interleaved>} : vector<32xbf16> -> vector<16xf32>
      %unpack3A_567 = tpu.unpack_subelements %bitcast3A_565, 1 {pack_format = #tpu.pack_format<interleaved>} : vector<32xbf16> -> vector<16xf32>
      %add3A_568 = arith.constant 40 : i32
      %add3A_569 = arith.addi %add3A_568, %scan3A_421 : i32
      %get3A_570 = arith.index_cast %add3A_569 : i32 to index
      %get3A_571 = arith.constant 48 : index
      %get3A_572 = tpu.vector_load %arg11[%get3A_570, %get3A_571] {strides = array<i32>} : memref<80x64xi32, #tpu.memory_space<vmem>>, vector<16xi32>,
      %bitcast3A_573 = vector.bitcast %get3A_572 : vector<16xi32> to vector<32xbf16>
      %unpack3A_574 = tpu.unpack_subelements %bitcast3A_573, 0 {pack_format = #tpu.pack_format<interleaved>} : vector<32xbf16> -> vector<16xf32>
      %unpack3A_575 = tpu.unpack_subelements %bitcast3A_573, 1 {pack_format = #tpu.pack_format<interleaved>} : vector<32xbf16> -> vector<16xf32>
      %add3A_576 = arith.addf %unpack3A_552, %unpack3A_558 : vector<16xf32>
      %add3A_577 = arith.addf %unpack3A_553, %unpack3A_559 : vector<16xf32>
      %add3A_578 = arith.addf %unpack3A_566, %unpack3A_574 : vector<16xf32>
      %add3A_579 = arith.addf %unpack3A_567, %unpack3A_575 : vector<16xf32>
      %pack3A_580 = tpu.pack_subelements %add3A_576, %add3A_578 {pack_format = #tpu.pack_format<interleaved>, positions = array<i32: 0, 1>} : vector<16xf32>, vector<16xf32> -> vector<32xbf16>
      %bitcast3A_581 = vector.bitcast %pack3A_580 : vector<32xbf16> to vector<16xi32>
      %pack3A_582 = tpu.pack_subelements %add3A_577, %add3A_579 {pack_format = #tpu.pack_format<interleaved>, positions = array<i32: 0, 1>} : vector<16xf32>, vector<16xf32> -> vector<32xbf16>
      %bitcast3A_583 = vector.bitcast %pack3A_582 : vector<32xbf16> to vector<16xi32>
      %swap3A_584 = arith.index_cast %scan3A_421 : i32 to index
      %swap3A_585 = arith.constant 48 : index
      %swap3A_586 = tpu.vector_load %arg13[%swap3A_584, %swap3A_585] {strides = array<i32>} : memref<40x128xi32, #tpu.memory_space<vmem>>, vector<16xi32>,
      tpu.vector_store %arg13[%swap3A_584, %swap3A_585], %bitcast3A_581 {strides = array<i32>} : memref<40x128xi32, #tpu.memory_space<vmem>>, vector<16xi32>,
      %swap3A_587 = arith.index_cast %scan3A_421 : i32 to index
      %swap3A_588 = arith.constant 112 : index
      %swap3A_589 = tpu.vector_load %arg13[%swap3A_587, %swap3A_588] {strides = array<i32>} : memref<40x128xi32, #tpu.memory_space<vmem>>, vector<16xi32>,
      tpu.vector_store %arg13[%swap3A_587, %swap3A_588], %bitcast3A_583 {strides = array<i32>} : memref<40x128xi32, #tpu.memory_space<vmem>>, vector<16xi32>,
      %scan3A_590 = arith.constant 3 : i32
      %scan3A_591 = arith.addi %scan3A_86, %scan3A_590 : i32
      %get3A_592 = arith.index_cast %scan3A_591 : i32 to index
      %get3A_593 = arith.constant 0 : index
      %get3A_594 = tpu.vector_load %arg9[%get3A_592, %get3A_593] {strides = array<i32>} : memref<80x64xi32, #tpu.memory_space<vmem>>, vector<16xi32>,
      %bitcast3A_595 = vector.bitcast %get3A_594 : vector<16xi32> to vector<32xbf16>
      %unpack3A_596 = tpu.unpack_subelements %bitcast3A_595, 0 {pack_format = #tpu.pack_format<interleaved>} : vector<32xbf16> -> vector<16xf32>
      %unpack3A_597 = tpu.unpack_subelements %bitcast3A_595, 1 {pack_format = #tpu.pack_format<interleaved>} : vector<32xbf16> -> vector<16xf32>
      %get3A_598 = arith.index_cast %scan3A_591 : i32 to index
      %get3A_599 = arith.constant 0 : index
      %get3A_600 = tpu.vector_load %arg11[%get3A_598, %get3A_599] {strides = array<i32>} : memref<80x64xi32, #tpu.memory_space<vmem>>, vector<16xi32>,
      %bitcast3A_601 = vector.bitcast %get3A_600 : vector<16xi32> to vector<32xbf16>
      %unpack3A_602 = tpu.unpack_subelements %bitcast3A_601, 0 {pack_format = #tpu.pack_format<interleaved>} : vector<32xbf16> -> vector<16xf32>
      %unpack3A_603 = tpu.unpack_subelements %bitcast3A_601, 1 {pack_format = #tpu.pack_format<interleaved>} : vector<32xbf16> -> vector<16xf32>
      %add3A_604 = arith.constant 40 : i32
      %add3A_605 = arith.addi %add3A_604, %scan3A_591 : i32
      %get3A_606 = arith.index_cast %add3A_605 : i32 to index
      %get3A_607 = arith.constant 0 : index
      %get3A_608 = tpu.vector_load %arg9[%get3A_606, %get3A_607] {strides = array<i32>} : memref<80x64xi32, #tpu.memory_space<vmem>>, vector<16xi32>,
      %bitcast3A_609 = vector.bitcast %get3A_608 : vector<16xi32> to vector<32xbf16>
      %unpack3A_610 = tpu.unpack_subelements %bitcast3A_609, 0 {pack_format = #tpu.pack_format<interleaved>} : vector<32xbf16> -> vector<16xf32>
      %unpack3A_611 = tpu.unpack_subelements %bitcast3A_609, 1 {pack_format = #tpu.pack_format<interleaved>} : vector<32xbf16> -> vector<16xf32>
      %add3A_612 = arith.constant 40 : i32
      %add3A_613 = arith.addi %add3A_612, %scan3A_591 : i32
      %get3A_614 = arith.index_cast %add3A_613 : i32 to index
      %get3A_615 = arith.constant 0 : index
      %get3A_616 = tpu.vector_load %arg11[%get3A_614, %get3A_615] {strides = array<i32>} : memref<80x64xi32, #tpu.memory_space<vmem>>, vector<16xi32>,
      %bitcast3A_617 = vector.bitcast %get3A_616 : vector<16xi32> to vector<32xbf16>
      %unpack3A_618 = tpu.unpack_subelements %bitcast3A_617, 0 {pack_format = #tpu.pack_format<interleaved>} : vector<32xbf16> -> vector<16xf32>
      %unpack3A_619 = tpu.unpack_subelements %bitcast3A_617, 1 {pack_format = #tpu.pack_format<interleaved>} : vector<32xbf16> -> vector<16xf32>
      %add3A_620 = arith.addf %unpack3A_596, %unpack3A_602 : vector<16xf32>
      %add3A_621 = arith.addf %unpack3A_597, %unpack3A_603 : vector<16xf32>
      %add3A_622 = arith.addf %unpack3A_610, %unpack3A_618 : vector<16xf32>
      %add3A_623 = arith.addf %unpack3A_611, %unpack3A_619 : vector<16xf32>
      %pack3A_624 = tpu.pack_subelements %add3A_620, %add3A_622 {pack_format = #tpu.pack_format<interleaved>, positions = array<i32: 0, 1>} : vector<16xf32>, vector<16xf32> -> vector<32xbf16>
      %bitcast3A_625 = vector.bitcast %pack3A_624 : vector<32xbf16> to vector<16xi32>
      %pack3A_626 = tpu.pack_subelements %add3A_621, %add3A_623 {pack_format = #tpu.pack_format<interleaved>, positions = array<i32: 0, 1>} : vector<16xf32>, vector<16xf32> -> vector<32xbf16>
      %bitcast3A_627 = vector.bitcast %pack3A_626 : vector<32xbf16> to vector<16xi32>
      %swap3A_628 = arith.index_cast %scan3A_591 : i32 to index
      %swap3A_629 = arith.constant 0 : index
      %swap3A_630 = tpu.vector_load %arg13[%swap3A_628, %swap3A_629] {strides = array<i32>} : memref<40x128xi32, #tpu.memory_space<vmem>>, vector<16xi32>,
      tpu.vector_store %arg13[%swap3A_628, %swap3A_629], %bitcast3A_625 {strides = array<i32>} : memref<40x128xi32, #tpu.memory_space<vmem>>, vector<16xi32>,
      %swap3A_631 = arith.index_cast %scan3A_591 : i32 to index
      %swap3A_632 = arith.constant 64 : index
      %swap3A_633 = tpu.vector_load %arg13[%swap3A_631, %swap3A_632] {strides = array<i32>} : memref<40x128xi32, #tpu.memory_space<vmem>>, vector<16xi32>,
      tpu.vector_store %arg13[%swap3A_631, %swap3A_632], %bitcast3A_627 {strides = array<i32>} : memref<40x128xi32, #tpu.memory_space<vmem>>, vector<16xi32>,
      %get3A_634 = arith.index_cast %scan3A_591 : i32 to index
      %get3A_635 = arith.constant 16 : index
      %get3A_636 = tpu.vector_load %arg9[%get3A_634, %get3A_635] {strides = array<i32>} : memref<80x64xi32, #tpu.memory_space<vmem>>, vector<16xi32>,
      %bitcast3A_637 = vector.bitcast %get3A_636 : vector<16xi32> to vector<32xbf16>
      %unpack3A_638 = tpu.unpack_subelements %bitcast3A_637, 0 {pack_format = #tpu.pack_format<interleaved>} : vector<32xbf16> -> vector<16xf32>
      %unpack3A_639 = tpu.unpack_subelements %bitcast3A_637, 1 {pack_format = #tpu.pack_format<interleaved>} : vector<32xbf16> -> vector<16xf32>
      %get3A_640 = arith.index_cast %scan3A_591 : i32 to index
      %get3A_641 = arith.constant 16 : index
      %get3A_642 = tpu.vector_load %arg11[%get3A_640, %get3A_641] {strides = array<i32>} : memref<80x64xi32, #tpu.memory_space<vmem>>, vector<16xi32>,
      %bitcast3A_643 = vector.bitcast %get3A_642 : vector<16xi32> to vector<32xbf16>
      %unpack3A_644 = tpu.unpack_subelements %bitcast3A_643, 0 {pack_format = #tpu.pack_format<interleaved>} : vector<32xbf16> -> vector<16xf32>
      %unpack3A_645 = tpu.unpack_subelements %bitcast3A_643, 1 {pack_format = #tpu.pack_format<interleaved>} : vector<32xbf16> -> vector<16xf32>
      %add3A_646 = arith.constant 40 : i32
      %add3A_647 = arith.addi %add3A_646, %scan3A_591 : i32
      %get3A_648 = arith.index_cast %add3A_647 : i32 to index
      %get3A_649 = arith.constant 16 : index
      %get3A_650 = tpu.vector_load %arg9[%get3A_648, %get3A_649] {strides = array<i32>} : memref<80x64xi32, #tpu.memory_space<vmem>>, vector<16xi32>,
      %bitcast3A_651 = vector.bitcast %get3A_650 : vector<16xi32> to vector<32xbf16>
      %unpack3A_652 = tpu.unpack_subelements %bitcast3A_651, 0 {pack_format = #tpu.pack_format<interleaved>} : vector<32xbf16> -> vector<16xf32>
      %unpack3A_653 = tpu.unpack_subelements %bitcast3A_651, 1 {pack_format = #tpu.pack_format<interleaved>} : vector<32xbf16> -> vector<16xf32>
      %add3A_654 = arith.constant 40 : i32
      %add3A_655 = arith.addi %add3A_654, %scan3A_591 : i32
      %get3A_656 = arith.index_cast %add3A_655 : i32 to index
      %get3A_657 = arith.constant 16 : index
      %get3A_658 = tpu.vector_load %arg11[%get3A_656, %get3A_657] {strides = array<i32>} : memref<80x64xi32, #tpu.memory_space<vmem>>, vector<16xi32>,
      %bitcast3A_659 = vector.bitcast %get3A_658 : vector<16xi32> to vector<32xbf16>
      %unpack3A_660 = tpu.unpack_subelements %bitcast3A_659, 0 {pack_format = #tpu.pack_format<interleaved>} : vector<32xbf16> -> vector<16xf32>
      %unpack3A_661 = tpu.unpack_subelements %bitcast3A_659, 1 {pack_format = #tpu.pack_format<interleaved>} : vector<32xbf16> -> vector<16xf32>
      %add3A_662 = arith.addf %unpack3A_638, %unpack3A_644 : vector<16xf32>
      %add3A_663 = arith.addf %unpack3A_639, %unpack3A_645 : vector<16xf32>
      %add3A_664 = arith.addf %unpack3A_652, %unpack3A_660 : vector<16xf32>
      %add3A_665 = arith.addf %unpack3A_653, %unpack3A_661 : vector<16xf32>
      %pack3A_666 = tpu.pack_subelements %add3A_662, %add3A_664 {pack_format = #tpu.pack_format<interleaved>, positions = array<i32: 0, 1>} : vector<16xf32>, vector<16xf32> -> vector<32xbf16>
      %bitcast3A_667 = vector.bitcast %pack3A_666 : vector<32xbf16> to vector<16xi32>
      %pack3A_668 = tpu.pack_subelements %add3A_663, %add3A_665 {pack_format = #tpu.pack_format<interleaved>, positions = array<i32: 0, 1>} : vector<16xf32>, vector<16xf32> -> vector<32xbf16>
      %bitcast3A_669 = vector.bitcast %pack3A_668 : vector<32xbf16> to vector<16xi32>
      %swap3A_670 = arith.index_cast %scan3A_591 : i32 to index
      %swap3A_671 = arith.constant 16 : index
      %swap3A_672 = tpu.vector_load %arg13[%swap3A_670, %swap3A_671] {strides = array<i32>} : memref<40x128xi32, #tpu.memory_space<vmem>>, vector<16xi32>,
      tpu.vector_store %arg13[%swap3A_670, %swap3A_671], %bitcast3A_667 {strides = array<i32>} : memref<40x128xi32, #tpu.memory_space<vmem>>, vector<16xi32>,
      %swap3A_673 = arith.index_cast %scan3A_591 : i32 to index
      %swap3A_674 = arith.constant 80 : index
      %swap3A_675 = tpu.vector_load %arg13[%swap3A_673, %swap3A_674] {strides = array<i32>} : memref<40x128xi32, #tpu.memory_space<vmem>>, vector<16xi32>,
      tpu.vector_store %arg13[%swap3A_673, %swap3A_674], %bitcast3A_669 {strides = array<i32>} : memref<40x128xi32, #tpu.memory_space<vmem>>, vector<16xi32>,
      %get3A_676 = arith.index_cast %scan3A_591 : i32 to index
      %get3A_677 = arith.constant 32 : index
      %get3A_678 = tpu.vector_load %arg9[%get3A_676, %get3A_677] {strides = array<i32>} : memref<80x64xi32, #tpu.memory_space<vmem>>, vector<16xi32>,
      %bitcast3A_679 = vector.bitcast %get3A_678 : vector<16xi32> to vector<32xbf16>
      %unpack3A_680 = tpu.unpack_subelements %bitcast3A_679, 0 {pack_format = #tpu.pack_format<interleaved>} : vector<32xbf16> -> vector<16xf32>
      %unpack3A_681 = tpu.unpack_subelements %bitcast3A_679, 1 {pack_format = #tpu.pack_format<interleaved>} : vector<32xbf16> -> vector<16xf32>
      %get3A_682 = arith.index_cast %scan3A_591 : i32 to index
      %get3A_683 = arith.constant 32 : index
      %get3A_684 = tpu.vector_load %arg11[%get3A_682, %get3A_683] {strides = array<i32>} : memref<80x64xi32, #tpu.memory_space<vmem>>, vector<16xi32>,
      %bitcast3A_685 = vector.bitcast %get3A_684 : vector<16xi32> to vector<32xbf16>
      %unpack3A_686 = tpu.unpack_subelements %bitcast3A_685, 0 {pack_format = #tpu.pack_format<interleaved>} : vector<32xbf16> -> vector<16xf32>
      %unpack3A_687 = tpu.unpack_subelements %bitcast3A_685, 1 {pack_format = #tpu.pack_format<interleaved>} : vector<32xbf16> -> vector<16xf32>
      %add3A_688 = arith.constant 40 : i32
      %add3A_689 = arith.addi %add3A_688, %scan3A_591 : i32
      %get3A_690 = arith.index_cast %add3A_689 : i32 to index
      %get3A_691 = arith.constant 32 : index
      %get3A_692 = tpu.vector_load %arg9[%get3A_690, %get3A_691] {strides = array<i32>} : memref<80x64xi32, #tpu.memory_space<vmem>>, vector<16xi32>,
      %bitcast3A_693 = vector.bitcast %get3A_692 : vector<16xi32> to vector<32xbf16>
      %unpack3A_694 = tpu.unpack_subelements %bitcast3A_693, 0 {pack_format = #tpu.pack_format<interleaved>} : vector<32xbf16> -> vector<16xf32>
      %unpack3A_695 = tpu.unpack_subelements %bitcast3A_693, 1 {pack_format = #tpu.pack_format<interleaved>} : vector<32xbf16> -> vector<16xf32>
      %add3A_696 = arith.constant 40 : i32
      %add3A_697 = arith.addi %add3A_696, %scan3A_591 : i32
      %get3A_698 = arith.index_cast %add3A_697 : i32 to index
      %get3A_699 = arith.constant 32 : index
      %get3A_700 = tpu.vector_load %arg11[%get3A_698, %get3A_699] {strides = array<i32>} : memref<80x64xi32, #tpu.memory_space<vmem>>, vector<16xi32>,
      %bitcast3A_701 = vector.bitcast %get3A_700 : vector<16xi32> to vector<32xbf16>
      %unpack3A_702 = tpu.unpack_subelements %bitcast3A_701, 0 {pack_format = #tpu.pack_format<interleaved>} : vector<32xbf16> -> vector<16xf32>
      %unpack3A_703 = tpu.unpack_subelements %bitcast3A_701, 1 {pack_format = #tpu.pack_format<interleaved>} : vector<32xbf16> -> vector<16xf32>
      %add3A_704 = arith.addf %unpack3A_680, %unpack3A_686 : vector<16xf32>
      %add3A_705 = arith.addf %unpack3A_681, %unpack3A_687 : vector<16xf32>
      %add3A_706 = arith.addf %unpack3A_694, %unpack3A_702 : vector<16xf32>
      %add3A_707 = arith.addf %unpack3A_695, %unpack3A_703 : vector<16xf32>
      %pack3A_708 = tpu.pack_subelements %add3A_704, %add3A_706 {pack_format = #tpu.pack_format<interleaved>, positions = array<i32: 0, 1>} : vector<16xf32>, vector<16xf32> -> vector<32xbf16>
      %bitcast3A_709 = vector.bitcast %pack3A_708 : vector<32xbf16> to vector<16xi32>
      %pack3A_710 = tpu.pack_subelements %add3A_705, %add3A_707 {pack_format = #tpu.pack_format<interleaved>, positions = array<i32: 0, 1>} : vector<16xf32>, vector<16xf32> -> vector<32xbf16>
      %bitcast3A_711 = vector.bitcast %pack3A_710 : vector<32xbf16> to vector<16xi32>
      %swap3A_712 = arith.index_cast %scan3A_591 : i32 to index
      %swap3A_713 = arith.constant 32 : index
      %swap3A_714 = tpu.vector_load %arg13[%swap3A_712, %swap3A_713] {strides = array<i32>} : memref<40x128xi32, #tpu.memory_space<vmem>>, vector<16xi32>,
      tpu.vector_store %arg13[%swap3A_712, %swap3A_713], %bitcast3A_709 {strides = array<i32>} : memref<40x128xi32, #tpu.memory_space<vmem>>, vector<16xi32>,
      %swap3A_715 = arith.index_cast %scan3A_591 : i32 to index
      %swap3A_716 = arith.constant 96 : index
      %swap3A_717 = tpu.vector_load %arg13[%swap3A_715, %swap3A_716] {strides = array<i32>} : memref<40x128xi32, #tpu.memory_space<vmem>>, vector<16xi32>,
      tpu.vector_store %arg13[%swap3A_715, %swap3A_716], %bitcast3A_711 {strides = array<i32>} : memref<40x128xi32, #tpu.memory_space<vmem>>, vector<16xi32>,
      %get3A_718 = arith.index_cast %scan3A_591 : i32 to index
      %get3A_719 = arith.constant 48 : index
      %get3A_720 = tpu.vector_load %arg9[%get3A_718, %get3A_719] {strides = array<i32>} : memref<80x64xi32, #tpu.memory_space<vmem>>, vector<16xi32>,
      %bitcast3A_721 = vector.bitcast %get3A_720 : vector<16xi32> to vector<32xbf16>
      %unpack3A_722 = tpu.unpack_subelements %bitcast3A_721, 0 {pack_format = #tpu.pack_format<interleaved>} : vector<32xbf16> -> vector<16xf32>
      %unpack3A_723 = tpu.unpack_subelements %bitcast3A_721, 1 {pack_format = #tpu.pack_format<interleaved>} : vector<32xbf16> -> vector<16xf32>
      %get3A_724 = arith.index_cast %scan3A_591 : i32 to index
      %get3A_725 = arith.constant 48 : index
      %get3A_726 = tpu.vector_load %arg11[%get3A_724, %get3A_725] {strides = array<i32>} : memref<80x64xi32, #tpu.memory_space<vmem>>, vector<16xi32>,
      %bitcast3A_727 = vector.bitcast %get3A_726 : vector<16xi32> to vector<32xbf16>
      %unpack3A_728 = tpu.unpack_subelements %bitcast3A_727, 0 {pack_format = #tpu.pack_format<interleaved>} : vector<32xbf16> -> vector<16xf32>
      %unpack3A_729 = tpu.unpack_subelements %bitcast3A_727, 1 {pack_format = #tpu.pack_format<interleaved>} : vector<32xbf16> -> vector<16xf32>
      %add3A_730 = arith.constant 40 : i32
      %add3A_731 = arith.addi %add3A_730, %scan3A_591 : i32
      %get3A_732 = arith.index_cast %add3A_731 : i32 to index
      %get3A_733 = arith.constant 48 : index
      %get3A_734 = tpu.vector_load %arg9[%get3A_732, %get3A_733] {strides = array<i32>} : memref<80x64xi32, #tpu.memory_space<vmem>>, vector<16xi32>,
      %bitcast3A_735 = vector.bitcast %get3A_734 : vector<16xi32> to vector<32xbf16>
      %unpack3A_736 = tpu.unpack_subelements %bitcast3A_735, 0 {pack_format = #tpu.pack_format<interleaved>} : vector<32xbf16> -> vector<16xf32>
      %unpack3A_737 = tpu.unpack_subelements %bitcast3A_735, 1 {pack_format = #tpu.pack_format<interleaved>} : vector<32xbf16> -> vector<16xf32>
      %add3A_738 = arith.constant 40 : i32
      %add3A_739 = arith.addi %add3A_738, %scan3A_591 : i32
      %get3A_740 = arith.index_cast %add3A_739 : i32 to index
      %get3A_741 = arith.constant 48 : index
      %get3A_742 = tpu.vector_load %arg11[%get3A_740, %get3A_741] {strides = array<i32>} : memref<80x64xi32, #tpu.memory_space<vmem>>, vector<16xi32>,
      %bitcast3A_743 = vector.bitcast %get3A_742 : vector<16xi32> to vector<32xbf16>
      %unpack3A_744 = tpu.unpack_subelements %bitcast3A_743, 0 {pack_format = #tpu.pack_format<interleaved>} : vector<32xbf16> -> vector<16xf32>
      %unpack3A_745 = tpu.unpack_subelements %bitcast3A_743, 1 {pack_format = #tpu.pack_format<interleaved>} : vector<32xbf16> -> vector<16xf32>
      %add3A_746 = arith.addf %unpack3A_722, %unpack3A_728 : vector<16xf32>
      %add3A_747 = arith.addf %unpack3A_723, %unpack3A_729 : vector<16xf32>
      %add3A_748 = arith.addf %unpack3A_736, %unpack3A_744 : vector<16xf32>
      %add3A_749 = arith.addf %unpack3A_737, %unpack3A_745 : vector<16xf32>
      %pack3A_750 = tpu.pack_subelements %add3A_746, %add3A_748 {pack_format = #tpu.pack_format<interleaved>, positions = array<i32: 0, 1>} : vector<16xf32>, vector<16xf32> -> vector<32xbf16>
      %bitcast3A_751 = vector.bitcast %pack3A_750 : vector<32xbf16> to vector<16xi32>
      %pack3A_752 = tpu.pack_subelements %add3A_747, %add3A_749 {pack_format = #tpu.pack_format<interleaved>, positions = array<i32: 0, 1>} : vector<16xf32>, vector<16xf32> -> vector<32xbf16>
      %bitcast3A_753 = vector.bitcast %pack3A_752 : vector<32xbf16> to vector<16xi32>
      %swap3A_754 = arith.index_cast %scan3A_591 : i32 to index
      %swap3A_755 = arith.constant 48 : index
      %swap3A_756 = tpu.vector_load %arg13[%swap3A_754, %swap3A_755] {strides = array<i32>} : memref<40x128xi32, #tpu.memory_space<vmem>>, vector<16xi32>,
      tpu.vector_store %arg13[%swap3A_754, %swap3A_755], %bitcast3A_751 {strides = array<i32>} : memref<40x128xi32, #tpu.memory_space<vmem>>, vector<16xi32>,
      %swap3A_757 = arith.index_cast %scan3A_591 : i32 to index
      %swap3A_758 = arith.constant 112 : index
      %swap3A_759 = tpu.vector_load %arg13[%swap3A_757, %swap3A_758] {strides = array<i32>} : memref<40x128xi32, #tpu.memory_space<vmem>>, vector<16xi32>,
      tpu.vector_store %arg13[%swap3A_757, %swap3A_758], %bitcast3A_753 {strides = array<i32>} : memref<40x128xi32, #tpu.memory_space<vmem>>, vector<16xi32>,
    }
    %scan3A_57 = arith.constant 40 : i32
    %mul3A_58 = arith.constant 124 : i32
    %mul3A_59 = arith.constant 40 : i32
    %mul3A_60 = arith.muli %mul3A_58, %mul3A_59 : i32
    %add3A_61 = arith.addi %mul3A_2, %mul3A_60 : i32
    %dma_start3A_62 = arith.constant 0 : i32
    %dma_start3A_63 = tpu.memref_slice %arg6[%add3A_61, %dma_start3A_62] : memref<160000x128xi32, #tpu.memory_space<hbm>> -> memref<40x128xi32, #tpu.memory_space<hbm>>
    %dma_start3A_64 = arith.constant 0 : i32
    %dma_start3A_65 = tpu.memref_slice %arg6[%add3A_61, %dma_start3A_64] : memref<160000x128xi32, #tpu.memory_space<hbm>> -> memref<40x128xi32, #tpu.memory_space<hbm>>
    tpu.enqueue_dma source(%arg13 : memref<40x128xi32, #tpu.memory_space<vmem>>) target(%dma_start3A_65 : memref<40x128xi32, #tpu.memory_space<hbm>>) target_semaphore(%arg17 : memref<!tpu.dma_semaphore, #tpu.memory_space<semaphore_mem>>)
    %add3A_66 = arith.constant 124 : i32
    %add3A_67 = arith.constant 2 : i32
    %add3A_68 = arith.addi %add3A_66, %add3A_67 : i32
    %lt3A = arith.constant 125 : i32
    %lt3A_69 = arith.cmpi slt, %add3A_68, %lt3A : i32
    %convert_element_type3A_70 = arith.extui %lt3A_69 : i1 to i32
    %cond3A_71 = arith.constant 124 : i32
    %cond3A_72 = arith.constant 0 : i32
    %cond3A_73 = arith.cmpi ne, %convert_element_type3A_70, %cond3A_72 : i32
    scf.if %cond3A_73 {
      %add3A_86 = arith.constant 2 : i32
      %add3A_87 = arith.addi %cond3A_71, %add3A_86 : i32
      %dma_start3A_88 = arith.constant 0 : i32
      %dma_start3A_89 = tpu.memref_slice %arg7[%add3A_87, %dma_start3A_88] : memref<125x80xi32, #tpu.memory_space<vmem>> -> memref<1x80xi32, #tpu.memory_space<vmem>>
      %dma_start3A_90 = tpu.memref_squeeze %dma_start3A_89 : memref<1x80xi32, #tpu.memory_space<vmem>> -> memref<80xi32, #tpu.memory_space<vmem>>
      %dma_start3A_91 = arith.constant 0 : i32
      %dma_start3A_92 = arith.constant 0 : i32
      %dma_start3A_93 = tpu.memref_slice %arg2[%dma_start3A_91, %dma_start3A_92] : memref<10000x64xi32, #tpu.memory_space<hbm>> -> memref<10000x64xi32, #tpu.memory_space<hbm>>
      tpu.enqueue_indirect_dma source(%dma_start3A_93 : memref<10000x64xi32, #tpu.memory_space<hbm>>) target(%arg9 : memref<80x64xi32, #tpu.memory_space<vmem>>) offsets(%dma_start3A_90 : memref<80xi32, #tpu.memory_space<vmem>>) semaphore(%arg15 : memref<!tpu.dma_semaphore, #tpu.memory_space<semaphore_mem>>)
      %dma_start3A_94 = arith.constant 0 : i32
      %dma_start3A_95 = tpu.memref_slice %arg8[%add3A_87, %dma_start3A_94] : memref<125x80xi32, #tpu.memory_space<vmem>> -> memref<1x80xi32, #tpu.memory_space<vmem>>
      %dma_start3A_96 = tpu.memref_squeeze %dma_start3A_95 : memref<1x80xi32, #tpu.memory_space<vmem>> -> memref<80xi32, #tpu.memory_space<vmem>>
      %dma_start3A_97 = arith.constant 0 : i32
      %dma_start3A_98 = arith.constant 0 : i32
      %dma_start3A_99 = tpu.memref_slice %arg3[%dma_start3A_97, %dma_start3A_98] : memref<10000x64xi32, #tpu.memory_space<hbm>> -> memref<10000x64xi32, #tpu.memory_space<hbm>>
      tpu.enqueue_indirect_dma source(%dma_start3A_99 : memref<10000x64xi32, #tpu.memory_space<hbm>>) target(%arg11 : memref<80x64xi32, #tpu.memory_space<vmem>>) offsets(%dma_start3A_96 : memref<80xi32, #tpu.memory_space<vmem>>) semaphore(%arg15 : memref<!tpu.dma_semaphore, #tpu.memory_space<semaphore_mem>>)
    } else {
    }
    %dma_wait3A_74 = arith.constant 0 : i32
    %dma_wait3A_75 = arith.constant 0 : i32
    %dma_wait3A_76 = tpu.memref_slice %arg6[%dma_wait3A_74, %dma_wait3A_75] : memref<160000x128xi32, #tpu.memory_space<hbm>> -> memref<40x128xi32, #tpu.memory_space<hbm>>
    %dma_wait3A_77 = arith.constant 0 : i32
    %dma_wait3A_78 = arith.constant 0 : i32
    %dma_wait3A_79 = tpu.memref_slice %arg6[%dma_wait3A_77, %dma_wait3A_78] : memref<160000x128xi32, #tpu.memory_space<hbm>> -> memref<40x128xi32, #tpu.memory_space<hbm>>
    tpu.wait_dma2 semaphore(%arg17 : memref<!tpu.dma_semaphore, #tpu.memory_space<semaphore_mem>>) src(%arg13 : memref<40x128xi32, #tpu.memory_space<vmem>>) dst(%dma_wait3A_79 : memref<40x128xi32, #tpu.memory_space<hbm>>)
    %dma_wait3A_80 = arith.constant 0 : i32
    %dma_wait3A_81 = arith.constant 0 : i32
    %dma_wait3A_82 = tpu.memref_slice %arg6[%dma_wait3A_80, %dma_wait3A_81] : memref<160000x128xi32, #tpu.memory_space<hbm>> -> memref<40x128xi32, #tpu.memory_space<hbm>>
    %dma_wait3A_83 = arith.constant 0 : i32
    %dma_wait3A_84 = arith.constant 0 : i32
    %dma_wait3A_85 = tpu.memref_slice %arg6[%dma_wait3A_83, %dma_wait3A_84] : memref<160000x128xi32, #tpu.memory_space<hbm>> -> memref<40x128xi32, #tpu.memory_space<hbm>>
    tpu.wait_dma2 semaphore(%arg18 : memref<!tpu.dma_semaphore, #tpu.memory_space<semaphore_mem>>) src(%arg14 : memref<40x128xi32, #tpu.memory_space<vmem>>) dst(%dma_wait3A_85 : memref<40x128xi32, #tpu.memory_space<hbm>>)
    return
  }
}

module attributes {stable_mosaic.version = 14 : i64} {
  func.func @_tables_body(%arg0: memref<10000x128xf32, #tpu.memory_space<vmem>>, %arg1: memref<128x128xf32, #tpu.memory_space<vmem>>, %arg2: memref<128x128xf32, #tpu.memory_space<vmem>>, %arg3: memref<10000x64xi32, #tpu.memory_space<vmem>>, %arg4: memref<10000x64xi32, #tpu.memory_space<vmem>>) attributes {dimension_semantics = [], scalar_prefetch = 0 : i64, scratch_operands = 0 : i64, tpu.core_type = #tpu.core_type<tc>} {
    %get3A = arith.constant 0 : index
    %get3A_0 = arith.constant 0 : index
    %get3A_1 = vector.load %arg0[%get3A, %get3A_0] : memref<10000x128xf32, #tpu.memory_space<vmem>>, vector<10000x128xf32>
    %get3A_2 = arith.constant 0 : index
    %get3A_3 = arith.constant 0 : index
    %get3A_4 = vector.load %arg1[%get3A_2, %get3A_3] : memref<128x128xf32, #tpu.memory_space<vmem>>, vector<128x128xf32>
    %dot_general3A = arith.constant dense<0.000000e+00> : vector<10000x128xf32>
    %dot_general3A_5 = tpu.matmul %get3A_1, %get3A_4, %dot_general3A {dimension_numbers = #tpu.dot_dimension_numbers<[1], [0], [0], [1], [0, 0, 1, 1], [], []>, transpose_lhs_hint = false} : vector<10000x128xf32>, vector<128x128xf32>, vector<10000x128xf32> -> vector<10000x128xf32>
    %convert_element_type3A = arith.truncf %dot_general3A_5 : vector<10000x128xf32> to vector<10000x128xbf16>
    %slice3A = vector.extract_strided_slice %convert_element_type3A {offsets = [0, 0], sizes = [10000, 64], strides = [1, 1]} : vector<10000x128xbf16> to vector<10000x64xbf16>
    %bitcast_convert_type3A = tpu.bitcast %slice3A : vector<10000x64xbf16> -> vector<10000x64xi16>
    %convert_element_type3A_6 = arith.extui %bitcast_convert_type3A : vector<10000x64xi16> to vector<10000x64xi32>
    %slice3A_7 = vector.extract_strided_slice %convert_element_type3A {offsets = [0, 64], sizes = [10000, 64], strides = [1, 1]} : vector<10000x128xbf16> to vector<10000x64xbf16>
    %bitcast_convert_type3A_8 = tpu.bitcast %slice3A_7 : vector<10000x64xbf16> -> vector<10000x64xi16>
    %convert_element_type3A_9 = arith.extui %bitcast_convert_type3A_8 : vector<10000x64xi16> to vector<10000x64xi32>
    %shift_left3A = arith.constant 16 : i32
    %shift_left3A_10 = vector.broadcast %shift_left3A : i32 to vector<10000x64xi32>
    %shift_left3A_11 = arith.shli %convert_element_type3A_9, %shift_left3A_10 : vector<10000x64xi32>
    %or3A = arith.ori %convert_element_type3A_6, %shift_left3A_11 : vector<10000x64xi32>
    %bitcast_convert_type3A_12 = tpu.bitcast %or3A : vector<10000x64xi32> -> vector<10000x64xi32>
    %swap3A = arith.constant 0 : index
    %swap3A_13 = arith.constant 0 : index
    %swap3A_14 = vector.load %arg3[%swap3A, %swap3A_13] : memref<10000x64xi32, #tpu.memory_space<vmem>>, vector<10000x64xi32>
    tpu.vector_store %arg3[%swap3A, %swap3A_13], %bitcast_convert_type3A_12 {strides = array<i32>} : memref<10000x64xi32, #tpu.memory_space<vmem>>, vector<10000x64xi32>,
    %get3A_15 = arith.constant 0 : index
    %get3A_16 = arith.constant 0 : index
    %get3A_17 = vector.load %arg0[%get3A_15, %get3A_16] : memref<10000x128xf32, #tpu.memory_space<vmem>>, vector<10000x128xf32>
    %get3A_18 = arith.constant 0 : index
    %get3A_19 = arith.constant 0 : index
    %get3A_20 = vector.load %arg2[%get3A_18, %get3A_19] : memref<128x128xf32, #tpu.memory_space<vmem>>, vector<128x128xf32>
    %dot_general3A_21 = arith.constant dense<0.000000e+00> : vector<10000x128xf32>
    %dot_general3A_22 = tpu.matmul %get3A_17, %get3A_20, %dot_general3A_21 {dimension_numbers = #tpu.dot_dimension_numbers<[1], [0], [0], [1], [0, 0, 1, 1], [], []>, transpose_lhs_hint = false} : vector<10000x128xf32>, vector<128x128xf32>, vector<10000x128xf32> -> vector<10000x128xf32>
    %convert_element_type3A_23 = arith.truncf %dot_general3A_22 : vector<10000x128xf32> to vector<10000x128xbf16>
    %slice3A_24 = vector.extract_strided_slice %convert_element_type3A_23 {offsets = [0, 0], sizes = [10000, 64], strides = [1, 1]} : vector<10000x128xbf16> to vector<10000x64xbf16>
    %bitcast_convert_type3A_25 = tpu.bitcast %slice3A_24 : vector<10000x64xbf16> -> vector<10000x64xi16>
    %convert_element_type3A_26 = arith.extui %bitcast_convert_type3A_25 : vector<10000x64xi16> to vector<10000x64xi32>
    %slice3A_27 = vector.extract_strided_slice %convert_element_type3A_23 {offsets = [0, 64], sizes = [10000, 64], strides = [1, 1]} : vector<10000x128xbf16> to vector<10000x64xbf16>
    %bitcast_convert_type3A_28 = tpu.bitcast %slice3A_27 : vector<10000x64xbf16> -> vector<10000x64xi16>
    %convert_element_type3A_29 = arith.extui %bitcast_convert_type3A_28 : vector<10000x64xi16> to vector<10000x64xi32>
    %shift_left3A_30 = arith.constant 16 : i32
    %shift_left3A_31 = vector.broadcast %shift_left3A_30 : i32 to vector<10000x64xi32>
    %shift_left3A_32 = arith.shli %convert_element_type3A_29, %shift_left3A_31 : vector<10000x64xi32>
    %or3A_33 = arith.ori %convert_element_type3A_26, %shift_left3A_32 : vector<10000x64xi32>
    %bitcast_convert_type3A_34 = tpu.bitcast %or3A_33 : vector<10000x64xi32> -> vector<10000x64xi32>
    %swap3A_35 = arith.constant 0 : index
    %swap3A_36 = arith.constant 0 : index
    %swap3A_37 = vector.load %arg4[%swap3A_35, %swap3A_36] : memref<10000x64xi32, #tpu.memory_space<vmem>>, vector<10000x64xi32>
    tpu.vector_store %arg4[%swap3A_35, %swap3A_36], %bitcast_convert_type3A_34 {strides = array<i32>} : memref<10000x64xi32, #tpu.memory_space<vmem>>, vector<10000x64xi32>,
    return
  }
}

module attributes {stable_mosaic.version = 14 : i64} {
  func.func @_combine_body(%arg0: i32, %arg1: i32, %arg2: memref<6400x128xi32, #tpu.memory_space<vmem>>, %arg3: memref<6400x16xf32, #tpu.memory_space<vmem>>, %arg4: memref<16x128xf32, #tpu.memory_space<vmem>>, %arg5: memref<1x128xf32, #tpu.memory_space<vmem>>, %arg6: memref<6400x128xf32, #tpu.memory_space<vmem>>) attributes {dimension_semantics = [#tpu.dimension_semantics<arbitrary>, #tpu.dimension_semantics<arbitrary>], iteration_bounds = array<i64: 25, 2>, scalar_prefetch = 0 : i64, scratch_operands = 0 : i64, tpu.core_type = #tpu.core_type<tc>, window_params = [{transform_indices = @transform_0, window_bounds = array<i64: 6400, 128>}, {transform_indices = @transform_1, window_bounds = array<i64: 6400, 16>}, {pipeline_mode = #tpu.pipeline_mode<synchronous>, transform_indices = @transform_2, window_bounds = array<i64: 16, 128>}, {pipeline_mode = #tpu.pipeline_mode<synchronous>, transform_indices = @transform_3, window_bounds = array<i64: 1, 128>}, {transform_indices = @transform_4, window_bounds = array<i64: 6400, 128>}]} {
    %get3A = arith.constant 0 : index
    %get3A_0 = arith.constant 0 : index
    %get3A_1 = vector.load %arg3[%get3A, %get3A_0] : memref<6400x16xf32, #tpu.memory_space<vmem>>, vector<6400x16xf32>
    %get3A_2 = arith.constant 0 : index
    %get3A_3 = arith.constant 0 : index
    %get3A_4 = vector.load %arg4[%get3A_2, %get3A_3] : memref<16x128xf32, #tpu.memory_space<vmem>>, vector<16x128xf32>
    %dot_general3A = arith.constant dense<0.000000e+00> : vector<6400x128xf32>
    %dot_general3A_5 = tpu.matmul %get3A_1, %get3A_4, %dot_general3A {dimension_numbers = #tpu.dot_dimension_numbers<[1], [0], [0], [1], [0, 0, 1, 1], [], []>, transpose_lhs_hint = false} : vector<6400x16xf32>, vector<16x128xf32>, vector<6400x128xf32> -> vector<6400x128xf32>
    %get3A_6 = arith.constant 0 : index
    %get3A_7 = arith.constant 0 : index
    %get3A_8 = vector.load %arg5[%get3A_6, %get3A_7] : memref<1x128xf32, #tpu.memory_space<vmem>>, vector<1x128xf32>
    %add3A = vector.broadcast %get3A_8 : vector<1x128xf32> to vector<6400x128xf32>
    %add3A_9 = arith.addf %dot_general3A_5, %add3A : vector<6400x128xf32>
    %get3A_10 = arith.constant 0 : index
    %get3A_11 = arith.constant 0 : index
    %get3A_12 = vector.load %arg2[%get3A_10, %get3A_11] : memref<6400x128xi32, #tpu.memory_space<vmem>>, vector<6400x128xi32>
    %eq3A = arith.constant 0 : i32
    %eq3A_13 = arith.cmpi eq, %arg1, %eq3A : i32
    %convert_element_type3A = arith.extui %eq3A_13 : i1 to i32
    %cond3A = arith.constant 0 : i32
    %cond3A_14 = arith.cmpi ne, %convert_element_type3A, %cond3A : i32
    scf.if %cond3A_14 {
      %shift_left3A = arith.constant 16 : i32
      %shift_left3A_20 = vector.broadcast %shift_left3A : i32 to vector<6400x128xi32>
      %shift_left3A_21 = arith.shli %get3A_12, %shift_left3A_20 : vector<6400x128xi32>
      %bitcast_convert_type3A = tpu.bitcast %shift_left3A_21 : vector<6400x128xi32> -> vector<6400x128xf32>
      %add3A_22 = arith.addf %bitcast_convert_type3A, %add3A_9 : vector<6400x128xf32>
      %swap3A = arith.constant 0 : index
      %swap3A_23 = arith.constant 0 : index
      %swap3A_24 = vector.load %arg6[%swap3A, %swap3A_23] : memref<6400x128xf32, #tpu.memory_space<vmem>>, vector<6400x128xf32>
      tpu.vector_store %arg6[%swap3A, %swap3A_23], %add3A_22 {strides = array<i32>} : memref<6400x128xf32, #tpu.memory_space<vmem>>, vector<6400x128xf32>,
    } else {
    }
    %eq3A_15 = arith.constant 1 : i32
    %eq3A_16 = arith.cmpi eq, %arg1, %eq3A_15 : i32
    %convert_element_type3A_17 = arith.extui %eq3A_16 : i1 to i32
    %cond3A_18 = arith.constant 0 : i32
    %cond3A_19 = arith.cmpi ne, %convert_element_type3A_17, %cond3A_18 : i32
    scf.if %cond3A_19 {
      %and3A = arith.constant -65536 : i32
      %and3A_20 = vector.broadcast %and3A : i32 to vector<6400x128xi32>
      %and3A_21 = arith.andi %get3A_12, %and3A_20 : vector<6400x128xi32>
      %bitcast_convert_type3A = tpu.bitcast %and3A_21 : vector<6400x128xi32> -> vector<6400x128xf32>
      %add3A_22 = arith.addf %bitcast_convert_type3A, %add3A_9 : vector<6400x128xf32>
      %swap3A = arith.constant 0 : index
      %swap3A_23 = arith.constant 0 : index
      %swap3A_24 = vector.load %arg6[%swap3A, %swap3A_23] : memref<6400x128xf32, #tpu.memory_space<vmem>>, vector<6400x128xf32>
      tpu.vector_store %arg6[%swap3A, %swap3A_23], %add3A_22 {strides = array<i32>} : memref<6400x128xf32, #tpu.memory_space<vmem>>, vector<6400x128xf32>,
    } else {
    }
    return
  }
  func.func @transform_0(%arg0: i32, %arg1: i32) -> (i32, i32) {
    %c0_i32 = arith.constant 0 : i32
    %c0_i32_0 = arith.constant 0 : i32
    return %arg0, %c0_i32 : i32, i32
  }
  func.func @transform_1(%arg0: i32, %arg1: i32) -> (i32, i32) {
    %mul3A = arith.constant 25 : i32
    %mul3A_0 = arith.muli %arg1, %mul3A : i32
    %add3A = arith.addi %arg0, %mul3A_0 : i32
    %c0_i32 = arith.constant 0 : i32
    %c0_i32_1 = arith.constant 0 : i32
    return %add3A, %c0_i32 : i32, i32
  }
  func.func @transform_2(%arg0: i32, %arg1: i32) -> (i32, i32) {
    %c0_i32 = arith.constant 0 : i32
    %c0_i32_0 = arith.constant 0 : i32
    %c0_i32_1 = arith.constant 0 : i32
    return %c0_i32, %c0_i32_0 : i32, i32
  }
  func.func @transform_3(%arg0: i32, %arg1: i32) -> (i32, i32) {
    %c0_i32 = arith.constant 0 : i32
    %c0_i32_0 = arith.constant 0 : i32
    %c0_i32_1 = arith.constant 0 : i32
    return %c0_i32, %c0_i32_0 : i32, i32
  }
  func.func @transform_4(%arg0: i32, %arg1: i32) -> (i32, i32) {
    %mul3A = arith.constant 25 : i32
    %mul3A_0 = arith.muli %arg1, %mul3A : i32
    %add3A = arith.addi %arg0, %mul3A_0 : i32
    %c0_i32 = arith.constant 0 : i32
    %c0_i32_1 = arith.constant 0 : i32
    return %add3A, %c0_i32 : i32, i32
  }
}

</mosaic_0001>

<sc_bundles>
// kernel: kernel.5.cloned.1.call-start
scs
__scs_entry_jumppad:
0x0: {  	(pc) =	sbr.rel $0x88, $3  }
0x1: {  	(tag) =	ssettag $0x0;
	lr =	simm.s32 $0x1  }
0x2: {  	[smem:$0x3F9C] =	sst lr;
	_ =	strace $0xD0000000  }
0x3: {  	_ = 	snop  }
0x4: {  	_ = 	snop  }
0x5: {  	_ = 	snop  }
0x6: {  	_ = 	snop  }
0x7: {  	_ = 	snop  }
__scs_overlays_trampoline_lowered:
0x8: {  	[smem:$0x3FAB] =	sst s0  }
0x9: {  	[smem:$0x3FAC] =	sst s1  }
0xa: {  	[smem:$0x3FAD] =	sst s2  }
0xb: {  	[smem:$0x3FAE] =	sst s3  }
0xc: {  	[smem:$0x3FAF] =	sst s4  }
0xd: {  	[smem:$0x3FB0] =	sst s5  }
0xe: {  	[smem:$0x3FB1] =	sst s6  }
0xf: {  	[smem:$0x3FB2] =	sst s7  }
0x10: {  	[smem:$0x3FB3] =	sst s8  }
0x11: {  	[smem:$0x3FB4] =	sst s9;
	s0 =	simm.s32 @!p0 $0x0  }
0x12: {  	s1 =	sld [smem:$0x3F9A];
	s0 =	simm.s32 @p0 $0x1  }
0x13: {  	[smem:$0x3FB5] =	sst s0;
	s0 =	simm.s32 @!p1 $0x0  }
0x14: {  	s2 =	sld [smem:$0x3F99];
	s0 =	simm.s32 @p1 $0x1  }
0x15: {  	[smem:$0x3FB6] =	sst s0;
	s0 =	simm.s32 @!p2 $0x0  }
0x16: {  	s3 =	sld [smem:$0x3FDB];
	s0 =	simm.s32 @p2 $0x1  }
0x17: {  	s4 =	simm.s32 $0x1BF5;
	[smem:$0x3FB8] =	sst s0  }
0x18: {  	s0 =	sld [smem:$0x3F9B];
	_ =	swait.ge [sflag:s4], $0x0  }
0x19: {  	s7 =	sld [smem:$0x3F9C]  }
0x1a: {  	s8 =	sadd.s32 $0xFFFFE003, lr  }
0x1b: {  	s9 =	sadd.s32 $0xFFFFFEF7, lr;
	s5 =	simm.s32 $0xFFFFFFFF;
	p2 =	slt.u32 s8, $0xFFFFF086  }
0x1c: {  	p1 =	slt.u32 s9, $0xF7A;
	s5 =	simm.s32 @!p2 $0x0  }
0x1d: {  	s5 =	simm.s32 @p1 $0x1;
	p0 =	seq.s32 s7, s2  }
0x1e: {  	s7 =	smul.u32 @!p0 $0xF7A, s2;
	p2 =	seq.s32 @!p0 s5, $0x0  }
0x1f: {  	s9 =	smul.u32 $0xF7A, s1;
	s8 =	simm.s32 @!p0 $0x1BF5;
	p2 =	por !p2, p0  }
0x20: {  	[sflag:s8] =	ssyncset.s32 @!p0 $0xFFFFF086;
	s6 =	sadd.s32 @!p0 s3, s7;
	s7 =	simm.s32 @!p0 $0x108  }
0x21: {  	s3 =	sadd.s32 s3, s9;
	s6 =	sadd.s32 @!p0 $0x88, s6;
	s7 =	simm.s32 @p2 $0x1082  }
0x22: {  	[simem:s7], [sflag:s8] =	dma.local @!p0 [hbm:s6], $0xF7A  }
0x23: {  	s9 =	sor.u32 $0xD0000000, s2;
	s6 =	simm.s32 $0x108;
	_ =	swait.ge @!p0 [sflag:s8], $0x0  }
0x24: {  	s3 =	sadd.s32 $0x88, s3;
	s6 =	simm.s32 @!p1 $0x1082;
	[sflag:s4] =	ssyncset.s32 $0xFFFFF086  }
0x25: {  	[simem:s6], [sflag:s4] =	dma.local [hbm:s3], $0xF7A  }
0x26: {  	[smem:$0x3F9C] =	sst s1;
	(tag) =	ssettag s2;
	_ =	strace s9  }
0x27: {  	s1 =	sld [smem:$0x3FAC]  }
0x28: {  	s2 =	sld [smem:$0x3FAD]  }
0x29: {  	s4 =	sld [smem:$0x3FAF]  }
0x2a: {  	p0 =	seq.s32 s5, $0x0;
	s5 =	sld [smem:$0x3FB0]  }
0x2b: {  	s6 =	sld [smem:$0x3FB1]  }
0x2c: {  	s7 =	sld [smem:$0x3FB2]  }
0x2d: {  	s3 =	simm.s32 $0x108;
	s8 =	sld [smem:$0x3FB3]  }
0x2e: {  	s3 =	simm.s32 @!p0 $0x1082;
	s9 =	sld [smem:$0x3FB4]  }
0x2f: {  	lr =	sadd.s32 s0, s3;
	s0 =	sld [smem:$0x3FAB]  }
0x30: {  	s3 =	sld [smem:$0x3FAE]  }
0x31: {  	[smem:$0x3FB7] =	sst s10  }
0x32: {  	s10 =	sld [smem:$0x3FB5];
	_ =	sdelay $0x3  }
0x33: {  	p0 =	seq.s32 s10, $0x1;
	s10 =	sld [smem:$0x3FB7];
	_ =	sdelay $0x3  }
0x34: {  	[smem:$0x3FB7] =	sst s10  }
0x35: {  	s10 =	sld [smem:$0x3FB6];
	_ =	sdelay $0x3  }
0x36: {  	p1 =	seq.s32 s10, $0x1;
	s10 =	sld [smem:$0x3FB7];
	_ =	sdelay $0x3  }
0x37: {  	[smem:$0x3FB7] =	sst s10  }
0x38: {  	s10 =	sld [smem:$0x3FB8]  }
0x39: {  	_ = 	snop;
	(pc) =	sbr.ind lr, $3  }
0x3a: {  	_ = 	snop  }
0x3b: {  	_ = 	snop  }
0x3c: {  	p2 =	seq.s32 s10, $0x1;
	s10 =	sld [smem:$0x3FB7]  }
0x3d: {  	_ =	shalt  }
0x3e: {  	_ =	shalt  }
0x3f: {  	_ =	shalt  }
0x40: {  	_ =	shalt  }
0x41: {  	_ =	shalt  }
0x42: {  	_ =	shalt  }
0x43: {  	_ =	shalt  }
0x44: {  	_ =	shalt  }
0x45: {  	_ =	shalt  }
0x46: {  	_ =	shalt  }
0x47: {  	_ =	shalt  }
0x48: {  	_ =	shalt  }
0x49: {  	_ =	shalt  }
0x4a: {  	_ =	shalt  }
0x4b: {  	_ =	shalt  }
0x4c: {  	_ =	shalt  }
0x4d: {  	_ =	shalt  }
0x4e: {  	_ =	shalt  }
0x4f: {  	_ =	shalt  }
0x50: {  	_ =	shalt  }
0x51: {  	_ =	shalt  }
0x52: {  	_ =	shalt  }
0x53: {  	_ =	shalt  }
0x54: {  	_ =	shalt  }
0x55: {  	_ =	shalt  }
0x56: {  	_ =	shalt  }
0x57: {  	_ =	shalt  }
0x58: {  	_ =	shalt  }
0x59: {  	_ =	shalt  }
0x5a: {  	_ =	shalt  }
0x5b: {  	_ =	shalt  }
0x5c: {  	_ =	shalt  }
0x5d: {  	_ =	shalt  }
0x5e: {  	_ =	shalt  }
0x5f: {  	_ =	shalt  }
0x60: {  	_ =	shalt  }
0x61: {  	_ =	shalt  }
0x62: {  	_ =	shalt  }
0x63: {  	_ =	shalt  }
0x64: {  	_ =	shalt  }
0x65: {  	_ =	shalt  }
0x66: {  	_ =	shalt  }
0x67: {  	_ =	shalt  }
0x68: {  	_ =	shalt  }
0x69: {  	_ =	shalt  }
0x6a: {  	_ =	shalt  }
0x6b: {  	_ =	shalt  }
0x6c: {  	_ =	shalt  }
0x6d: {  	_ =	shalt  }
0x6e: {  	_ =	shalt  }
0x6f: {  	_ =	shalt  }
0x70: {  	_ =	shalt  }
0x71: {  	_ =	shalt  }
0x72: {  	_ =	shalt  }
0x73: {  	_ =	shalt  }
0x74: {  	_ =	shalt  }
0x75: {  	_ =	shalt  }
0x76: {  	_ =	shalt  }
0x77: {  	_ =	shalt  }
0x78: {  	_ =	shalt  }
0x79: {  	_ =	shalt  }
0x7a: {  	_ =	shalt  }
0x7b: {  	_ =	shalt  }
0x7c: {  	_ =	shalt  }
0x7d: {  	_ =	shalt  }
0x7e: {  	_ =	shalt  }
0x7f: {  	_ =	shalt  }
0x80: {  	_ =	shalt  }
0x81: {  	_ =	shalt  }
0x82: {  	_ =	shalt  }
0x83: {  	_ =	shalt  }
0x84: {  	_ =	shalt  }
0x85: {  	_ =	shalt  }
0x86: {  	_ =	shalt  }
0x87: {  	_ =	shalt  }
.Lfunc_end0:
.L_simem_size_0:
called_computation_lowered:
.L_overlay_start_0:
0x88: {  	s2 =	sld [smem:$0x3FD9]  }
0x89: {  	s3 =	sld [smem:$0x3FFE];
	_ =	sdelay $0x1  }
0x8a: {  	s1 =	srdreg.scid  }
0x8b: {  	s0 =	sand.u32 $0x1, s1  }
0x8c: {  	s14 =	sshll.u32 s0, $0xA;
	s2 =	sadd.s32 s3, s2  }
0x8d: {  	s2 =	sadd.s32 s2, s14  }
0x8e: {  	[smem:$0x3FC3] =	sst s2  }
0x8f: {  	_ = 	snop  }
0x90: {  	s2 =	sld [smem:$0x3FD0];
	_ =	sdelay $0x2  }
0x91: {  	s15 =	simm.s32 $0xA;
	s4 =	simm.s32 $0x10  }
0x92: {  	[smem:s4], [sflag:s15] =	dma.local [hbm:s2], $0x1  }
0x93: {  	_ =	swait.eq [sflag:s15], $0x1  }
0x94: {  	s16 =	sld [smem:$0x10];
	[sflag:s15] =	ssyncset.done $0x0  }
0x95: {  	s17 =	sld [smem:$0x11];
	[sflag:s15] =	ssyncadd.s32 $0xFFFFFFFF  }
0x96: {  	s18 =	sld [smem:$0x12];
	(tm) =	ssettm $0x1  }
0x97: {  	s5 =	sld [smem:$0x3FFB];
	_ =	sdelay $0x3  }
0x98: {  	_ =	strace s5  }
0x99: {  	s5 =	sld [smem:$0x3FFC];
	_ =	sdelay $0x3  }
0x9a: {  	_ =	strace s5  }
0x9b: {  	s5 =	sld [smem:$0x3FFD];
	_ =	sdelay $0x3  }
0x9c: {  	_ =	strace s5  }
0x9d: {  	_ =	strace $0x8FFFFFFF  }
0x9e: {  	s19 =	sld [smem:$0x3FDB];
	_ =	sdelay $0x1  }
0x9f: {  	s6 =	simm.s32 $_scs_section_size  }
0xa0: {  	s7 =	simm.s32 $_size__tile_overlayer_lowered;
	s8 =	simm.s32 $_tile_overlayer_lowered  }
0xa1: {  	s22 =	simm.s32 $0x1BFF;
	s21 =	sshll.u32 s8, $0x1;
	s5 =	sadd.s32 s6, s19  }
0xa2: {  	s9 =	simm.s32 $0x0;
	s20 =	sshll.u32 s7, $0x1;
	s7 =	sadd.s32 s21, s5  }
0xa3: {  	[timem:s9], [sflag:s22] =	dma.local [hbm:s7], s20  }
0xa4: {  	_ =	swait.ge [sflag:s22], s20  }
0xa5: {  	s6 =	ssub.s32 $0x0, s20;
	[sflag:s22] =	ssyncset.done $0x0  }
0xa6: {  	[sflag:s22] =	ssyncadd.s32 s6;
	_ =	sdelay $0x1  }
0xa7: {  	s23 =	simm.s32 $0x1B8B  }
0xa8: {  	_ =	swait.ge [sflag:s23], $0x1  }
0xa9: {  	[sflag:s23] =	ssyncset.done $0x0  }
0xaa: {  	s25 =	simm.s32 $0x1B8E;
	s24 =	sld [smem:$0x3FFE];
	[sflag:s23] =	ssyncadd.s32 $0xFFFFFFFF  }
0xab: {  	s26 =	simm.s32 $execute0_lowered;
	[smem:$0x3FD2] =	sst s25  }
0xac: {  	s7 =	sshll.u32 s26, $0x1;
	_ =	strace $0x80000046;
	[dreg:$0x1] =	wrdreg $0xFFFFFFFF  }
0xad: {  	s28 =	simm.s32 $_size_execute0_lowered;
	s5 =	sadd.s32 s5, s7;
	[dreg:$0x0] =	wrdreg $0x0  }
0xae: {  	s7 =	sshll.u32 s28, $0x1;
	[dreg:$0x2] =	wrdreg s5  }
0xaf: {  	[dreg:$0x3] =	wrdreg s7  }
0xb0: {  	[dreg:$0x4] =	wrdreg $0xC0  }
0xb1: {  	_ =	task [dreg:s9], $0x5FFFF  }
0xb2: {  	[dreg:$0x1] =	wrdreg $0xFFFFFFFF  }
0xb3: {  	[dreg:$0x0] =	wrdreg $0x60  }
0xb4: {  	[dreg:$0x2] =	wrdreg s17  }
0xb5: {  	[dreg:$0x3] =	wrdreg s16  }
0xb6: {  	[dreg:$0x4] =	wrdreg s24  }
0xb7: {  	[dreg:$0x5] =	wrdreg s18  }
0xb8: {  	[dreg:$0x6] =	wrdreg $0x9  }
0xb9: {  	_ =	task.clear_ibuf [dreg:s9], $0x7FFFF;
	_ =	strace $0x90000046  }
0xba: {  	s29 =	simm.s32 $0x9;
	_ =	strace $0x80000048  }
0xbb: {  	_ =	swait.ge [sflag:s29], $0x1  }
0xbc: {  	[sflag:s29] =	ssyncadd.s32 $0xFFFFFFFF  }
0xbd: {  	_ =	strace $0x90000048  }
0xbe: {  	_ =	sfence  }
0xbf: {  	s30 =	sld [smem:$0x0];
	_ =	sdelay $0x2  }
0xc0: {  	s31 =	sshll.u32 s1, $0xD;
	s1 =	sshrl.u32 s1, $0x2  }
0xc1: {  	s3 =	sand.u32 $0x4000, s31;
	s1 =	sadd.s32 s1, s30  }
0xc2: {  	s0 =	sor.u32 s3, s0;
	s1 =	sshll.u32 s1, $0x11  }
0xc3: {  	s0 =	sor.u32 s1, s0  }
0xc4: {  	s0 =	sadd.s32 $0x8F2B, s0  }
0xc5: {  	[sflag:s0] =	ssyncadd.remote.s32 $0x1  }
0xc6: {  	_ =	sfence.sel $0xFFFF  }
0xc7: {  	[dreg:$0x0] =	wrdreg $0xFFFFFFFF;
	(pc) =	sbr.abs _section_cstart, $3  }
0xc8: {  	[dreg:$0x1] =	wrdreg $0xFFFFFFFF  }
0xc9: {  	_ =	task.clear_ibuf [dreg:s9], $0x2FFFF;
	_ =	strace $0x9FFFFFFF  }
0xca: {  	(tm) =	ssettm $0x7FFFFFFF  }
0xcb: {  	_ =	shalt  }
tec
execute0_lowered:
.L_overlay_start_1:
0x0: {  	(tag) =	ssettag $0x1  }
0x1: {  	s1 =	rddreg [dreg:$0x0]  }
0x2: {  	s2 =	rddreg [dreg:$0x1]  }
0x3: {  	s0 =	rddreg [dreg:$0x2]  }
0x4: {  	s3 =	srdreg.scid;
	s4 =	stileid.u32  }
0x5: {  	s10 =	rddreg [dreg:$0x3];
	s14 =	simm.s32 $0x5;
	s15 =	simm.s32 $0x50  }
0x6: {  	s16 =	simm.s32 $0x4E20;
	s18 =	simm.s32 $0x7620;
	s19 =	simm.s32 $0x6220  }
0x7: {  	s21 =	simm.s32 $0x8A20;
	s22 =	simm.s32 $0x1;
	s23 =	simm.s32 $0x9E20  }
0x8: {  	s24 =	simm.s32 $0x2;
	s25 =	simm.s32 $0xB220;
	s28 =	simm.s32 $0x4  }
0x9: {  	s29 =	simm.s32 $0x0;
	s3 =	sand.u32 $0x1, s3;
	s5 =	sshll.u32 s4, $0x1  }
0xa: {  	s4 =	simm.s32 $0x0;
	s8 =	sadd.s32 $0x2400, s0;
	s6 =	sor.u32 s3, s5  }
0xb: {  	[smem:$0x7FF] =	sst s4;
	s3 =	ssub.s32 $0x2, s3;
	s5 =	smul.u32 $0x1388, s6  }
0xc: {  	_ =	strace $0x80000047;
	s7 =	sshrl.u32 s3, $0x1;
	s11 =	smul.u32 $0x9C400, s6  }
0xd: {  	s6 =	sadd.s32 $0xC200, s0;
	s26 =	ssub.s32 s3, s7;
	s9 =	sshrl.u32 s5, $0x3  }
0xe: {  	s11 =	sshrl.u32 s11, $0x3;
	s13 =	smax.u32 s26, $0x1;
	s26 =	simm.s32 $0x3  }
0xf: {  	s30 =	sadd.s32 $0x4E20, s9;
	s7 =	sadd.s32 s8, s9;
	s31 =	sadd.s32 s6, s11  }
0x10: {  	s9 =	sadd.s32 s10, s9;
	s11 =	sadd.s32 $0x28, s5;
	s3 =	sadd.s32 $0x13600, s31  }
0x11: {  	s8 =	sadd.s32 s8, s30;
	s10 =	sadd.s32 s10, s30;
	[dreg:$0x5] =	wrdreg s3  }
.LBB2_1:
0x12: {  	s0 =	simm.s32 $0x5  }
0x13: {  	s17 =	sadd.s32 $0x0, s7;
	s3 =	simm.s32 $0x50;
	s12 =	simm.s32 $0x0  }
.LBB2_2:
0x14: {  	[tilespmem:s12], [sflag:$0x5] =	stream.linear.gather [hbm4b:s17+s4], $0x28, $0x38;
	[tilespmem:$0xC620] =	vst v63  }
0x15: {  	s17 =	smov.u32 s0;
	s12 =	smov.u32 s3;
	p0 =	sne.s32 s0, $0x26C  }
.Ltmp0:
0x16: {  	s0 =	sadd.s32 $0x5, s0;
	(pc) =	sbr.rel @p0 .LBB2_2-.Ltmp0, $2  }
0x17: {  	_ =	sdelay $0x2  }
0x18: {  	s3 =	sadd.s32 $0x50, s3;
	s17 =	sadd.s32 s17, s7  }
0x19: {  	[tilespmem:s12], [sflag:$0x5] =	stream.linear.gather [hbm4b:s17+s4], $0x28, $0x38;
	[tilespmem:$0xC620] =	vst v63  }
0x1a: {  	_ =	swait.ge [sflag:s14], $0x1388  }
0x1b: {  	s0 =	simm.s32 $0x28;
	s3 =	simm.s32 $0x5;
	[sflag:s14] =	ssyncset.done $0x0  }
0x1c: {  	s17 =	sadd.s32 $0x0, s8;
	s12 =	simm.s32 $0x78;
	[sflag:s14] =	ssyncadd.s32 $0xFFFFEC78  }
.LBB2_4:
0x1d: {  	[tilespmem:s0], [sflag:$0x5] =	stream.linear.gather [hbm4b:s17+s4], $0x28, $0x38;
	[tilespmem:$0xC620] =	vst v63  }
0x1e: {  	s17 =	smov.u32 s3;
	s0 =	smov.u32 s12;
	p0 =	sne.s32 s3, $0x26C  }
.Ltmp1:
0x1f: {  	s3 =	sadd.s32 $0x5, s3;
	(pc) =	sbr.rel @p0 .LBB2_4-.Ltmp1, $2  }
0x20: {  	_ =	sdelay $0x2  }
0x21: {  	s12 =	sadd.s32 $0x50, s12;
	s17 =	sadd.s32 s17, s8  }
0x22: {  	[tilespmem:s0], [sflag:$0x5] =	stream.linear.gather [hbm4b:s17+s4], $0x28, $0x38;
	[tilespmem:$0xC620] =	vst v63  }
0x23: {  	_ =	swait.ge [sflag:s14], $0x1388  }
0x24: {  	s0 =	simm.s32 $0x2710;
	s3 =	simm.s32 $0x5;
	[sflag:s14] =	ssyncset.done $0x0  }
0x25: {  	s17 =	sadd.s32 $0x0, s9;
	s12 =	simm.s32 $0x2760;
	[sflag:s14] =	ssyncadd.s32 $0xFFFFEC78  }
.LBB2_6:
0x26: {  	[tilespmem:s0], [sflag:$0x5] =	stream.linear.gather [hbm4b:s17+s4], $0x28, $0x38;
	[tilespmem:$0xC620] =	vst v63  }
0x27: {  	s17 =	smov.u32 s3;
	s0 =	smov.u32 s12;
	p0 =	sne.s32 s3, $0x26C  }
.Ltmp2:
0x28: {  	s3 =	sadd.s32 $0x5, s3;
	(pc) =	sbr.rel @p0 .LBB2_6-.Ltmp2, $2  }
0x29: {  	_ =	sdelay $0x2  }
0x2a: {  	s12 =	sadd.s32 $0x50, s12;
	s17 =	sadd.s32 s17, s9  }
0x2b: {  	[tilespmem:s0], [sflag:$0x5] =	stream.linear.gather [hbm4b:s17+s4], $0x28, $0x38;
	[tilespmem:$0xC620] =	vst v63  }
0x2c: {  	_ =	swait.ge [sflag:s14], $0x1388  }
0x2d: {  	s0 =	simm.s32 $0x2738;
	s3 =	simm.s32 $0x5;
	[sflag:s14] =	ssyncset.done $0x0  }
0x2e: {  	s17 =	sadd.s32 $0x0, s10;
	s12 =	simm.s32 $0x2788;
	[sflag:s14] =	ssyncadd.s32 $0xFFFFEC78  }
.LBB2_8:
0x2f: {  	[tilespmem:s0], [sflag:$0x5] =	stream.linear.gather [hbm4b:s17+s4], $0x28, $0x38;
	[tilespmem:$0xC620] =	vst v63  }
0x30: {  	s17 =	smov.u32 s3;
	s0 =	smov.u32 s12;
	p0 =	sne.s32 s3, $0x26C  }
.Ltmp3:
0x31: {  	s3 =	sadd.s32 $0x5, s3;
	(pc) =	sbr.rel @p0 .LBB2_8-.Ltmp3, $2  }
0x32: {  	_ =	sdelay $0x2  }
0x33: {  	s12 =	sadd.s32 $0x50, s12;
	s17 =	sadd.s32 s17, s10  }
0x34: {  	[tilespmem:s0], [sflag:$0x5] =	stream.linear.gather [hbm4b:s17+s4], $0x28, $0x38;
	[tilespmem:$0xC620] =	vst v63  }
0x35: {  	_ =	swait.ge [sflag:s14], $0x1388  }
0x36: {  	[sflag:s14] =	ssyncset.done $0x0  }
0x37: {  	s30 =	simm.s32 $0x0;
	[sflag:s14] =	ssyncadd.s32 $0xFFFFEC78  }
0x38: {  	[tilespmem:s16], [sflag:$0x1] =	stream.indirect.gather [hbm4b:s1+s15], $0x40, s30, s15, $0xb8;
	[tilespmem:$0xC620] =	vst v63  }
0x39: {  	s20 =	simm.s32 $0x2710  }
0x3a: {  	[tilespmem:s18], [sflag:$0x1] =	stream.indirect.gather [hbm4b:s2+s15], $0x40, s20, s15, $0xb8;
	[tilespmem:$0xC620] =	vst v63  }
0x3b: {  	_ = 	snop  }
0x3c: {  	[tilespmem:s19], [sflag:$0x2] =	stream.indirect.gather [hbm4b:s1+s15], $0x40, s15, s15, $0xb8;
	[tilespmem:$0xC620] =	vst v63  }
0x3d: {  	s31 =	simm.s32 $0x2760  }
0x3e: {  	[tilespmem:s21], [sflag:$0x2] =	stream.indirect.gather [hbm4b:s2+s15], $0x40, s31, s15, $0xb8;
	[tilespmem:$0xC620] =	vst v63  }
.LBB2_10:
0x3f: {  	_ =	swait.ge [sflag:s22], $0x1400  }
0x40: {  	[sflag:s22] =	ssyncset.done $0x0  }
0x41: {  	[sflag:s22] =	ssyncadd.s32 $0xFFFFEC00  }
0x42: {  	_ =	swait.ge [sflag:s22], $0x1400  }
0x43: {  	p0 =	seq.s32 s30, $0x0;
	[sflag:s22] =	ssyncset.done $0x0  }
0x44: {  	s0 =	simm.s32 @!p0 $0x3;
	[sflag:s22] =	ssyncadd.s32 $0xFFFFEC00  }
0x45: {  	_ =	swait.ge @!p0 [sflag:s0], $0x1400  }
0x46: {  	s3 =	simm.s32 $0xFFFFFFFC;
	s17 =	simm.s32 $0x8110;
	[sflag:s0] =	ssyncset.done @!p0 $0x0  }
0x47: {  	s20 =	simm.s32 $0x9F20;
	[sflag:s0] =	ssyncadd.s32 @!p0 $0xFFFFEC00;
	s0 =	simm.s32 $0x5910  }
.LBB2_11:
0x48: {  	v0 =	vld [tilespmem:s0+$0xFFFFF510]  }
0x49: {  	v1 =	vld [tilespmem:s17+$0xFFFFF510]  }
0x4a: {  	v2 =	vld [tilespmem:s0+$0xFFFFFF10]  }
0x4b: {  	v3 =	vld [tilespmem:s17+$0xFFFFFF10];
	_ =	sdelay $0x2  }
0x4c: {  	v4 =	vunpack.i.u.bf16.f32 v0  }
0x4d: {  	v0 =	vunpack.i.l.bf16.f32 v0;
	v5 =	vunpack.i.u.bf16.f32 v1;
	v1 =	vunpack.i.l.bf16.f32 v1  }
0x4e: {  	v6 =	vunpack.i.u.bf16.f32 v2;
	v2 =	vunpack.i.l.bf16.f32 v2;
	v7 =	vunpack.i.l.bf16.f32 v3  }
0x4f: {  	v3 =	vunpack.i.u.bf16.f32 v3;
	v0 =	vadd.f32 v1, v0;
	v38 =	vadd.f32 v7, v2  }
0x50: {  	v39 =	vadd.f32 v5, v4;
	v3 =	vadd.f32 v3, v6  }
0x51: {  	v0 =	vpack.i.f32.bf16 v38, v0  }
0x52: {  	v40 =	vpack.i.f32.bf16 v3, v39;
	[tilespmem:s20+$0xFFFFFF00] =	vst v0  }
0x53: {  	[tilespmem:s20+$0xFFFFFF40] =	vst v40  }
0x54: {  	v0 =	vld [tilespmem:s0+$0xFFFFF520]  }
0x55: {  	v1 =	vld [tilespmem:s17+$0xFFFFF520]  }
0x56: {  	v41 =	vld [tilespmem:s0+$0xFFFFFF20]  }
0x57: {  	v42 =	vld [tilespmem:s17+$0xFFFFFF20];
	_ =	sdelay $0x2  }
0x58: {  	v43 =	vunpack.i.u.bf16.f32 v0  }
0x59: {  	v0 =	vunpack.i.l.bf16.f32 v0;
	v44 =	vunpack.i.u.bf16.f32 v1;
	v1 =	vunpack.i.l.bf16.f32 v1  }
0x5a: {  	v45 =	vunpack.i.u.bf16.f32 v41;
	v2 =	vunpack.i.l.bf16.f32 v41;
	v46 =	vunpack.i.l.bf16.f32 v42  }
0x5b: {  	v3 =	vunpack.i.u.bf16.f32 v42;
	v0 =	vadd.f32 v1, v0;
	v47 =	vadd.f32 v46, v2  }
0x5c: {  	v48 =	vadd.f32 v44, v43;
	v3 =	vadd.f32 v3, v45  }
0x5d: {  	v0 =	vpack.i.f32.bf16 v47, v0  }
0x5e: {  	v49 =	vpack.i.f32.bf16 v3, v48;
	[tilespmem:s20+$0xFFFFFF10] =	vst v0  }
0x5f: {  	[tilespmem:s20+$0xFFFFFF50] =	vst v49  }
0x60: {  	v0 =	vld [tilespmem:s0+$0xFFFFF530]  }
0x61: {  	v1 =	vld [tilespmem:s17+$0xFFFFF530]  }
0x62: {  	v50 =	vld [tilespmem:s0+$0xFFFFFF30]  }
0x63: {  	v51 =	vld [tilespmem:s17+$0xFFFFFF30];
	_ =	sdelay $0x2  }
0x64: {  	v52 =	vunpack.i.u.bf16.f32 v0  }
0x65: {  	v0 =	vunpack.i.l.bf16.f32 v0;
	v53 =	vunpack.i.u.bf16.f32 v1;
	v1 =	vunpack.i.l.bf16.f32 v1  }
0x66: {  	v54 =	vunpack.i.u.bf16.f32 v50;
	v2 =	vunpack.i.l.bf16.f32 v50;
	v55 =	vunpack.i.l.bf16.f32 v51  }
0x67: {  	v3 =	vunpack.i.u.bf16.f32 v51;
	v0 =	vadd.f32 v1, v0;
	v56 =	vadd.f32 v55, v2  }
0x68: {  	v57 =	vadd.f32 v53, v52;
	v3 =	vadd.f32 v3, v54  }
0x69: {  	v0 =	vpack.i.f32.bf16 v56, v0  }
0x6a: {  	v58 =	vpack.i.f32.bf16 v3, v57;
	[tilespmem:s20+$0xFFFFFF20] =	vst v0  }
0x6b: {  	[tilespmem:s20+$0xFFFFFF60] =	vst v58  }
0x6c: {  	v0 =	vld [tilespmem:s0+$0xFFFFF540]  }
0x6d: {  	v1 =	vld [tilespmem:s17+$0xFFFFF540]  }
0x6e: {  	v59 =	vld [tilespmem:s0+$0xFFFFFF40]  }
0x6f: {  	v60 =	vld [tilespmem:s17+$0xFFFFFF40];
	_ =	sdelay $0x2  }
0x70: {  	v61 =	vunpack.i.u.bf16.f32 v0  }
0x71: {  	v0 =	vunpack.i.l.bf16.f32 v0;
	v62 =	vunpack.i.u.bf16.f32 v1;
	v1 =	vunpack.i.l.bf16.f32 v1  }
0x72: {  	v63 =	vunpack.i.u.bf16.f32 v59;
	v2 =	vunpack.i.l.bf16.f32 v59;
	v9 =	vunpack.i.l.bf16.f32 v60  }
0x73: {  	v3 =	vunpack.i.u.bf16.f32 v60;
	v0 =	vadd.f32 v1, v0;
	v10 =	vadd.f32 v9, v2  }
0x74: {  	v11 =	vadd.f32 v62, v61;
	v3 =	vadd.f32 v3, v63  }
0x75: {  	v0 =	vpack.i.f32.bf16 v10, v0  }
0x76: {  	v12 =	vpack.i.f32.bf16 v3, v11;
	[tilespmem:s20+$0xFFFFFF30] =	vst v0  }
0x77: {  	[tilespmem:s20+$0xFFFFFF70] =	vst v12  }
0x78: {  	v0 =	vld [tilespmem:s0+$0xFFFFF550]  }
0x79: {  	v1 =	vld [tilespmem:s17+$0xFFFFF550]  }
0x7a: {  	v13 =	vld [tilespmem:s0+$0xFFFFFF50]  }
0x7b: {  	v14 =	vld [tilespmem:s17+$0xFFFFFF50];
	_ =	sdelay $0x2  }
0x7c: {  	v15 =	vunpack.i.u.bf16.f32 v0  }
0x7d: {  	v0 =	vunpack.i.l.bf16.f32 v0;
	v16 =	vunpack.i.u.bf16.f32 v1;
	v1 =	vunpack.i.l.bf16.f32 v1  }
0x7e: {  	v17 =	vunpack.i.u.bf16.f32 v13;
	v2 =	vunpack.i.l.bf16.f32 v13;
	v18 =	vunpack.i.l.bf16.f32 v14  }
0x7f: {  	v3 =	vunpack.i.u.bf16.f32 v14;
	v0 =	vadd.f32 v1, v0;
	v19 =	vadd.f32 v18, v2  }
0x80: {  	v20 =	vadd.f32 v16, v15;
	v3 =	vadd.f32 v3, v17  }
0x81: {  	v0 =	vpack.i.f32.bf16 v19, v0  }
0x82: {  	v21 =	vpack.i.f32.bf16 v3, v20;
	[tilespmem:s20+$0xFFFFFF80] =	vst v0  }
0x83: {  	[tilespmem:s20+$0xFFFFFFC0] =	vst v21  }
0x84: {  	v0 =	vld [tilespmem:s0+$0xFFFFF560]  }
0x85: {  	v1 =	vld [tilespmem:s17+$0xFFFFF560]  }
0x86: {  	v22 =	vld [tilespmem:s0+$0xFFFFFF60]  }
0x87: {  	v23 =	vld [tilespmem:s17+$0xFFFFFF60];
	_ =	sdelay $0x2  }
0x88: {  	v24 =	vunpack.i.u.bf16.f32 v0  }
0x89: {  	v0 =	vunpack.i.l.bf16.f32 v0;
	v25 =	vunpack.i.u.bf16.f32 v1;
	v1 =	vunpack.i.l.bf16.f32 v1  }
0x8a: {  	v26 =	vunpack.i.u.bf16.f32 v22;
	v2 =	vunpack.i.l.bf16.f32 v22;
	v27 =	vunpack.i.l.bf16.f32 v23  }
0x8b: {  	v3 =	vunpack.i.u.bf16.f32 v23;
	v0 =	vadd.f32 v1, v0;
	v28 =	vadd.f32 v27, v2  }
0x8c: {  	v29 =	vadd.f32 v25, v24;
	v3 =	vadd.f32 v3, v26  }
0x8d: {  	v0 =	vpack.i.f32.bf16 v28, v0  }
0x8e: {  	v30 =	vpack.i.f32.bf16 v3, v29;
	[tilespmem:s20+$0xFFFFFF90] =	vst v0  }
0x8f: {  	[tilespmem:s20+$0xFFFFFFD0] =	vst v30  }
0x90: {  	v0 =	vld [tilespmem:s0+$0xFFFFF570]  }
0x91: {  	v1 =	vld [tilespmem:s17+$0xFFFFF570]  }
0x92: {  	v31 =	vld [tilespmem:s0+$0xFFFFFF70]  }
0x93: {  	v32 =	vld [tilespmem:s17+$0xFFFFFF70];
	_ =	sdelay $0x2  }
0x94: {  	v33 =	vunpack.i.u.bf16.f32 v0  }
0x95: {  	v0 =	vunpack.i.l.bf16.f32 v0;
	v34 =	vunpack.i.u.bf16.f32 v1;
	v1 =	vunpack.i.l.bf16.f32 v1  }
0x96: {  	v35 =	vunpack.i.u.bf16.f32 v31;
	v2 =	vunpack.i.l.bf16.f32 v31;
	v36 =	vunpack.i.l.bf16.f32 v32  }
0x97: {  	v3 =	vunpack.i.u.bf16.f32 v32;
	v0 =	vadd.f32 v1, v0;
	v37 =	vadd.f32 v36, v2  }
0x98: {  	v38 =	vadd.f32 v34, v33;
	v3 =	vadd.f32 v3, v35  }
0x99: {  	v0 =	vpack.i.f32.bf16 v37, v0  }
0x9a: {  	v39 =	vpack.i.f32.bf16 v3, v38;
	[tilespmem:s20+$0xFFFFFFA0] =	vst v0  }
0x9b: {  	[tilespmem:s20+$0xFFFFFFE0] =	vst v39  }
0x9c: {  	v0 =	vld [tilespmem:s0+$0xFFFFF580]  }
0x9d: {  	v1 =	vld [tilespmem:s17+$0xFFFFF580]  }
0x9e: {  	v40 =	vld [tilespmem:s0+$0xFFFFFF80]  }
0x9f: {  	v41 =	vld [tilespmem:s17+$0xFFFFFF80];
	_ =	sdelay $0x2  }
0xa0: {  	v42 =	vunpack.i.u.bf16.f32 v0  }
0xa1: {  	v0 =	vunpack.i.l.bf16.f32 v0;
	v43 =	vunpack.i.u.bf16.f32 v1;
	v1 =	vunpack.i.l.bf16.f32 v1  }
0xa2: {  	v44 =	vunpack.i.u.bf16.f32 v40;
	v2 =	vunpack.i.l.bf16.f32 v40;
	v45 =	vunpack.i.l.bf16.f32 v41  }
0xa3: {  	v3 =	vunpack.i.u.bf16.f32 v41;
	v0 =	vadd.f32 v1, v0;
	v46 =	vadd.f32 v45, v2  }
0xa4: {  	v47 =	vadd.f32 v43, v42;
	v3 =	vadd.f32 v3, v44  }
0xa5: {  	v0 =	vpack.i.f32.bf16 v46, v0  }
0xa6: {  	v48 =	vpack.i.f32.bf16 v3, v47;
	[tilespmem:s20+$0xFFFFFFB0] =	vst v0  }
0xa7: {  	[tilespmem:s20+$0xFFFFFFF0] =	vst v48  }
0xa8: {  	v0 =	vld [tilespmem:s0+$0xFFFFF590]  }
0xa9: {  	v1 =	vld [tilespmem:s17+$0xFFFFF590]  }
0xaa: {  	v49 =	vld [tilespmem:s0+$0xFFFFFF90]  }
0xab: {  	v50 =	vld [tilespmem:s17+$0xFFFFFF90];
	_ =	sdelay $0x2  }
0xac: {  	v51 =	vunpack.i.u.bf16.f32 v0  }
0xad: {  	v0 =	vunpack.i.l.bf16.f32 v0;
	v52 =	vunpack.i.u.bf16.f32 v1;
	v1 =	vunpack.i.l.bf16.f32 v1  }
0xae: {  	v53 =	vunpack.i.u.bf16.f32 v49;
	v2 =	vunpack.i.l.bf16.f32 v49;
	v54 =	vunpack.i.l.bf16.f32 v50  }
0xaf: {  	v3 =	vunpack.i.u.bf16.f32 v50;
	v0 =	vadd.f32 v1, v0;
	v55 =	vadd.f32 v54, v2  }
0xb0: {  	v56 =	vadd.f32 v52, v51;
	v3 =	vadd.f32 v3, v53  }
0xb1: {  	v0 =	vpack.i.f32.bf16 v55, v0  }
0xb2: {  	v57 =	vpack.i.f32.bf16 v3, v56;
	[tilespmem:s20+$0x0] =	vst v0  }
0xb3: {  	[tilespmem:s20+$0x40] =	vst v57  }
0xb4: {  	v0 =	vld [tilespmem:s0+$0xFFFFF5A0]  }
0xb5: {  	v1 =	vld [tilespmem:s17+$0xFFFFF5A0]  }
0xb6: {  	v58 =	vld [tilespmem:s0+$0xFFFFFFA0]  }
0xb7: {  	v59 =	vld [tilespmem:s17+$0xFFFFFFA0];
	_ =	sdelay $0x2  }
0xb8: {  	v60 =	vunpack.i.u.bf16.f32 v0  }
0xb9: {  	v0 =	vunpack.i.l.bf16.f32 v0;
	v61 =	vunpack.i.u.bf16.f32 v1;
	v1 =	vunpack.i.l.bf16.f32 v1  }
0xba: {  	v62 =	vunpack.i.u.bf16.f32 v58;
	v2 =	vunpack.i.l.bf16.f32 v58;
	v63 =	vunpack.i.l.bf16.f32 v59  }
0xbb: {  	v3 =	vunpack.i.u.bf16.f32 v59;
	v0 =	vadd.f32 v1, v0;
	v7 =	vadd.f32 v63, v2  }
0xbc: {  	v8 =	vadd.f32 v61, v60;
	v3 =	vadd.f32 v3, v62  }
0xbd: {  	v0 =	vpack.i.f32.bf16 v7, v0  }
0xbe: {  	v9 =	vpack.i.f32.bf16 v3, v8;
	[tilespmem:s20+$0x10] =	vst v0  }
0xbf: {  	[tilespmem:s20+$0x50] =	vst v9  }
0xc0: {  	v0 =	vld [tilespmem:s0+$0xFFFFF5B0]  }
0xc1: {  	v1 =	vld [tilespmem:s17+$0xFFFFF5B0]  }
0xc2: {  	v10 =	vld [tilespmem:s0+$0xFFFFFFB0]  }
0xc3: {  	v11 =	vld [tilespmem:s17+$0xFFFFFFB0];
	_ =	sdelay $0x2  }
0xc4: {  	v12 =	vunpack.i.u.bf16.f32 v0  }
0xc5: {  	v0 =	vunpack.i.l.bf16.f32 v0;
	v13 =	vunpack.i.u.bf16.f32 v1;
	v1 =	vunpack.i.l.bf16.f32 v1  }
0xc6: {  	v14 =	vunpack.i.u.bf16.f32 v10;
	v2 =	vunpack.i.l.bf16.f32 v10;
	v15 =	vunpack.i.l.bf16.f32 v11  }
0xc7: {  	v3 =	vunpack.i.u.bf16.f32 v11;
	v0 =	vadd.f32 v1, v0;
	v16 =	vadd.f32 v15, v2  }
0xc8: {  	v17 =	vadd.f32 v13, v12;
	v3 =	vadd.f32 v3, v14  }
0xc9: {  	v0 =	vpack.i.f32.bf16 v16, v0  }
0xca: {  	v18 =	vpack.i.f32.bf16 v3, v17;
	[tilespmem:s20+$0x20] =	vst v0  }
0xcb: {  	[tilespmem:s20+$0x60] =	vst v18  }
0xcc: {  	v0 =	vld [tilespmem:s0+$0xFFFFF5C0]  }
0xcd: {  	v1 =	vld [tilespmem:s17+$0xFFFFF5C0]  }
0xce: {  	v19 =	vld [tilespmem:s0+$0xFFFFFFC0]  }
0xcf: {  	v20 =	vld [tilespmem:s17+$0xFFFFFFC0];
	_ =	sdelay $0x2  }
0xd0: {  	v21 =	vunpack.i.u.bf16.f32 v0  }
0xd1: {  	v0 =	vunpack.i.l.bf16.f32 v0;
	v22 =	vunpack.i.u.bf16.f32 v1;
	v1 =	vunpack.i.l.bf16.f32 v1  }
0xd2: {  	v23 =	vunpack.i.u.bf16.f32 v19;
	v2 =	vunpack.i.l.bf16.f32 v19;
	v24 =	vunpack.i.l.bf16.f32 v20  }
0xd3: {  	v3 =	vunpack.i.u.bf16.f32 v20;
	v0 =	vadd.f32 v1, v0;
	v25 =	vadd.f32 v24, v2  }
0xd4: {  	v26 =	vadd.f32 v22, v21;
	v3 =	vadd.f32 v3, v23  }
0xd5: {  	v0 =	vpack.i.f32.bf16 v25, v0  }
0xd6: {  	v27 =	vpack.i.f32.bf16 v3, v26;
	[tilespmem:s20+$0x30] =	vst v0  }
0xd7: {  	[tilespmem:s20+$0x70] =	vst v27  }
0xd8: {  	v0 =	vld [tilespmem:s0+$0xFFFFF5D0]  }
0xd9: {  	v1 =	vld [tilespmem:s17+$0xFFFFF5D0]  }
0xda: {  	v28 =	vld [tilespmem:s0+$0xFFFFFFD0]  }
0xdb: {  	v29 =	vld [tilespmem:s17+$0xFFFFFFD0];
	_ =	sdelay $0x2  }
0xdc: {  	v30 =	vunpack.i.u.bf16.f32 v0  }
0xdd: {  	v0 =	vunpack.i.l.bf16.f32 v0;
	v31 =	vunpack.i.u.bf16.f32 v1;
	v1 =	vunpack.i.l.bf16.f32 v1  }
0xde: {  	v32 =	vunpack.i.u.bf16.f32 v28;
	v2 =	vunpack.i.l.bf16.f32 v28;
	v33 =	vunpack.i.l.bf16.f32 v29  }
0xdf: {  	v3 =	vunpack.i.u.bf16.f32 v29;
	v0 =	vadd.f32 v1, v0;
	v34 =	vadd.f32 v33, v2  }
0xe0: {  	v35 =	vadd.f32 v31, v30;
	v3 =	vadd.f32 v3, v32  }
0xe1: {  	v0 =	vpack.i.f32.bf16 v34, v0  }
0xe2: {  	v36 =	vpack.i.f32.bf16 v3, v35;
	[tilespmem:s20+$0x80] =	vst v0  }
0xe3: {  	[tilespmem:s20+$0xC0] =	vst v36  }
0xe4: {  	v0 =	vld [tilespmem:s0+$0xFFFFF5E0]  }
0xe5: {  	v1 =	vld [tilespmem:s17+$0xFFFFF5E0]  }
0xe6: {  	v37 =	vld [tilespmem:s0+$0xFFFFFFE0]  }
0xe7: {  	v38 =	vld [tilespmem:s17+$0xFFFFFFE0];
	_ =	sdelay $0x2  }
0xe8: {  	v39 =	vunpack.i.u.bf16.f32 v0  }
0xe9: {  	v0 =	vunpack.i.l.bf16.f32 v0;
	v40 =	vunpack.i.u.bf16.f32 v1;
	v1 =	vunpack.i.l.bf16.f32 v1  }
0xea: {  	v41 =	vunpack.i.u.bf16.f32 v37;
	v2 =	vunpack.i.l.bf16.f32 v37;
	v42 =	vunpack.i.l.bf16.f32 v38  }
0xeb: {  	v3 =	vunpack.i.u.bf16.f32 v38;
	v0 =	vadd.f32 v1, v0;
	v43 =	vadd.f32 v42, v2  }
0xec: {  	v44 =	vadd.f32 v40, v39;
	v3 =	vadd.f32 v3, v41  }
0xed: {  	v0 =	vpack.i.f32.bf16 v43, v0  }
0xee: {  	v45 =	vpack.i.f32.bf16 v3, v44;
	[tilespmem:s20+$0x90] =	vst v0  }
0xef: {  	[tilespmem:s20+$0xD0] =	vst v45  }
0xf0: {  	v0 =	vld [tilespmem:s0+$0xFFFFF5F0]  }
0xf1: {  	v1 =	vld [tilespmem:s17+$0xFFFFF5F0]  }
0xf2: {  	v46 =	vld [tilespmem:s0+$0xFFFFFFF0]  }
0xf3: {  	v47 =	vld [tilespmem:s17+$0xFFFFFFF0];
	_ =	sdelay $0x2  }
0xf4: {  	v48 =	vunpack.i.u.bf16.f32 v0  }
0xf5: {  	v0 =	vunpack.i.l.bf16.f32 v0;
	v49 =	vunpack.i.u.bf16.f32 v1;
	v1 =	vunpack.i.l.bf16.f32 v1  }
0xf6: {  	v50 =	vunpack.i.u.bf16.f32 v46;
	v2 =	vunpack.i.l.bf16.f32 v46;
	v51 =	vunpack.i.l.bf16.f32 v47  }
0xf7: {  	v3 =	vunpack.i.u.bf16.f32 v47;
	v0 =	vadd.f32 v1, v0;
	v52 =	vadd.f32 v51, v2  }
0xf8: {  	v53 =	vadd.f32 v49, v48;
	v3 =	vadd.f32 v3, v50  }
0xf9: {  	v0 =	vpack.i.f32.bf16 v52, v0  }
0xfa: {  	v54 =	vpack.i.f32.bf16 v3, v53;
	[tilespmem:s20+$0xA0] =	vst v0  }
0xfb: {  	[tilespmem:s20+$0xE0] =	vst v54  }
0xfc: {  	v0 =	vld [tilespmem:s0+$0xFFFFF600]  }
0xfd: {  	v1 =	vld [tilespmem:s17+$0xFFFFF600]  }
0xfe: {  	v55 =	vld [tilespmem:s0+$0x0]  }
0xff: {  	v56 =	vld [tilespmem:s17+$0x0];
	_ =	sdelay $0x2  }
0x100: {  	v57 =	vunpack.i.u.bf16.f32 v0  }
0x101: {  	s3 =	sadd.s32 $0x4, s3;
	v0 =	vunpack.i.l.bf16.f32 v0;
	v58 =	vunpack.i.u.bf16.f32 v1;
	v1 =	vunpack.i.l.bf16.f32 v1  }
0x102: {  	p1 =	slt.u32 s3, $0x24;
	v59 =	vunpack.i.u.bf16.f32 v55;
	v2 =	vunpack.i.l.bf16.f32 v55;
	v60 =	vunpack.i.l.bf16.f32 v56  }
.Ltmp4:
0x103: {  	v3 =	vunpack.i.u.bf16.f32 v56;
	v0 =	vadd.f32 v1, v0;
	v61 =	vadd.f32 v60, v2;
	(pc) =	sbr.rel @p1 .LBB2_11-.Ltmp4, $4  }
0x104: {  	v62 =	vadd.f32 v58, v57;
	v3 =	vadd.f32 v3, v59  }
0x105: {  	v0 =	vpack.i.f32.bf16 v61, v0  }
0x106: {  	v63 =	vpack.i.f32.bf16 v3, v62;
	[tilespmem:s20+$0xB0] =	vst v0  }
0x107: {  	s0 =	sadd.s32 $0x100, s0;
	s17 =	sadd.s32 $0x100, s17;
	[tilespmem:s20+$0xF0] =	vst v63;
	s20 =	sadd.s32 $0x200, s20  }
0x108: {  	s3 =	smul.u32 $0x50, s30;
	_ =	sdelay $0x1  }
0x109: {  	s0 =	sadd.s32 s5, s3  }
0x10a: {  	s0 =	sshll.u32 s0, $0x4  }
0x10b: {  	s31 =	smul.u32 $0xA0, s30;
	s0 =	sadd.s32 s6, s0  }
0x10c: {  	[hbm4b:s0+s4] =	stream.linear.scatter [tilespmem:s23], [sflag:$0x3], $0x1400, $0x38;
	[tilespmem:$0xC620] =	vst v63  }
0x10d: {  	s17 =	sadd.s32 $0xA0, s31  }
0x10e: {  	[tilespmem:s16], [sflag:$0x1] =	stream.indirect.gather [hbm4b:s1+s15], $0x40, s17, s15, $0xb8;
	[tilespmem:$0xC620] =	vst v63  }
0x10f: {  	s20 =	sadd.s32 $0x27B0, s31  }
0x110: {  	[tilespmem:s18], [sflag:$0x1] =	stream.indirect.gather [hbm4b:s2+s15], $0x40, s20, s15, $0xb8;
	[tilespmem:$0xC620] =	vst v63  }
0x111: {  	_ =	swait.ge [sflag:s24], $0x1400  }
0x112: {  	[sflag:s24] =	ssyncset.done $0x0  }
0x113: {  	[sflag:s24] =	ssyncadd.s32 $0xFFFFEC00  }
0x114: {  	_ =	swait.ge [sflag:s24], $0x1400  }
0x115: {  	[sflag:s24] =	ssyncset.done $0x0  }
0x116: {  	s0 =	simm.s32 @!p0 $0x4;
	[sflag:s24] =	ssyncadd.s32 $0xFFFFEC00  }
0x117: {  	_ =	swait.ge @!p0 [sflag:s0], $0x1400  }
0x118: {  	s12 =	simm.s32 $0xB320;
	s17 =	simm.s32 $0x6D10;
	[sflag:s0] =	ssyncset.done @!p0 $0x0  }
0x119: {  	s20 =	simm.s32 $0x9510;
	[sflag:s0] =	ssyncadd.s32 @!p0 $0xFFFFEC00;
	s0 =	simm.s32 $0xFFFFFFFC  }
.LBB2_13:
0x11a: {  	v0 =	vld [tilespmem:s17+$0xFFFFF510]  }
0x11b: {  	v1 =	vld [tilespmem:s20+$0xFFFFF510]  }
0x11c: {  	v2 =	vld [tilespmem:s17+$0xFFFFFF10]  }
0x11d: {  	v3 =	vld [tilespmem:s20+$0xFFFFFF10];
	_ =	sdelay $0x2  }
0x11e: {  	v4 =	vunpack.i.u.bf16.f32 v0  }
0x11f: {  	v0 =	vunpack.i.l.bf16.f32 v0;
	v5 =	vunpack.i.u.bf16.f32 v1;
	v1 =	vunpack.i.l.bf16.f32 v1  }
0x120: {  	v6 =	vunpack.i.u.bf16.f32 v2;
	v2 =	vunpack.i.l.bf16.f32 v2;
	v7 =	vunpack.i.l.bf16.f32 v3  }
0x121: {  	v3 =	vunpack.i.u.bf16.f32 v3;
	v0 =	vadd.f32 v1, v0;
	v38 =	vadd.f32 v7, v2  }
0x122: {  	v39 =	vadd.f32 v5, v4;
	v3 =	vadd.f32 v3, v6  }
0x123: {  	v0 =	vpack.i.f32.bf16 v38, v0  }
0x124: {  	v40 =	vpack.i.f32.bf16 v3, v39;
	[tilespmem:s12+$0xFFFFFF00] =	vst v0  }
0x125: {  	[tilespmem:s12+$0xFFFFFF40] =	vst v40  }
0x126: {  	v0 =	vld [tilespmem:s17+$0xFFFFF520]  }
0x127: {  	v1 =	vld [tilespmem:s20+$0xFFFFF520]  }
0x128: {  	v41 =	vld [tilespmem:s17+$0xFFFFFF20]  }
0x129: {  	v42 =	vld [tilespmem:s20+$0xFFFFFF20];
	_ =	sdelay $0x2  }
0x12a: {  	v43 =	vunpack.i.u.bf16.f32 v0  }
0x12b: {  	v0 =	vunpack.i.l.bf16.f32 v0;
	v44 =	vunpack.i.u.bf16.f32 v1;
	v1 =	vunpack.i.l.bf16.f32 v1  }
0x12c: {  	v45 =	vunpack.i.u.bf16.f32 v41;
	v2 =	vunpack.i.l.bf16.f32 v41;
	v46 =	vunpack.i.l.bf16.f32 v42  }
0x12d: {  	v3 =	vunpack.i.u.bf16.f32 v42;
	v0 =	vadd.f32 v1, v0;
	v47 =	vadd.f32 v46, v2  }
0x12e: {  	v48 =	vadd.f32 v44, v43;
	v3 =	vadd.f32 v3, v45  }
0x12f: {  	v0 =	vpack.i.f32.bf16 v47, v0  }
0x130: {  	v49 =	vpack.i.f32.bf16 v3, v48;
	[tilespmem:s12+$0xFFFFFF10] =	vst v0  }
0x131: {  	[tilespmem:s12+$0xFFFFFF50] =	vst v49  }
0x132: {  	v0 =	vld [tilespmem:s17+$0xFFFFF530]  }
0x133: {  	v1 =	vld [tilespmem:s20+$0xFFFFF530]  }
0x134: {  	v50 =	vld [tilespmem:s17+$0xFFFFFF30]  }
0x135: {  	v51 =	vld [tilespmem:s20+$0xFFFFFF30];
	_ =	sdelay $0x2  }
0x136: {  	v52 =	vunpack.i.u.bf16.f32 v0  }
0x137: {  	v0 =	vunpack.i.l.bf16.f32 v0;
	v53 =	vunpack.i.u.bf16.f32 v1;
	v1 =	vunpack.i.l.bf16.f32 v1  }
0x138: {  	v54 =	vunpack.i.u.bf16.f32 v50;
	v2 =	vunpack.i.l.bf16.f32 v50;
	v55 =	vunpack.i.l.bf16.f32 v51  }
0x139: {  	v3 =	vunpack.i.u.bf16.f32 v51;
	v0 =	vadd.f32 v1, v0;
	v56 =	vadd.f32 v55, v2  }
0x13a: {  	v57 =	vadd.f32 v53, v52;
	v3 =	vadd.f32 v3, v54  }
0x13b: {  	v0 =	vpack.i.f32.bf16 v56, v0  }
0x13c: {  	v58 =	vpack.i.f32.bf16 v3, v57;
	[tilespmem:s12+$0xFFFFFF20] =	vst v0  }
0x13d: {  	[tilespmem:s12+$0xFFFFFF60] =	vst v58  }
0x13e: {  	v0 =	vld [tilespmem:s17+$0xFFFFF540]  }
0x13f: {  	v1 =	vld [tilespmem:s20+$0xFFFFF540]  }
0x140: {  	v59 =	vld [tilespmem:s17+$0xFFFFFF40]  }
0x141: {  	v60 =	vld [tilespmem:s20+$0xFFFFFF40];
	_ =	sdelay $0x2  }
0x142: {  	v61 =	vunpack.i.u.bf16.f32 v0  }
0x143: {  	v0 =	vunpack.i.l.bf16.f32 v0;
	v62 =	vunpack.i.u.bf16.f32 v1;
	v1 =	vunpack.i.l.bf16.f32 v1  }
0x144: {  	v63 =	vunpack.i.u.bf16.f32 v59;
	v2 =	vunpack.i.l.bf16.f32 v59;
	v9 =	vunpack.i.l.bf16.f32 v60  }
0x145: {  	v3 =	vunpack.i.u.bf16.f32 v60;
	v0 =	vadd.f32 v1, v0;
	v10 =	vadd.f32 v9, v2  }
0x146: {  	v11 =	vadd.f32 v62, v61;
	v3 =	vadd.f32 v3, v63  }
0x147: {  	v0 =	vpack.i.f32.bf16 v10, v0  }
0x148: {  	v12 =	vpack.i.f32.bf16 v3, v11;
	[tilespmem:s12+$0xFFFFFF30] =	vst v0  }
0x149: {  	[tilespmem:s12+$0xFFFFFF70] =	vst v12  }
0x14a: {  	v0 =	vld [tilespmem:s17+$0xFFFFF550]  }
0x14b: {  	v1 =	vld [tilespmem:s20+$0xFFFFF550]  }
0x14c: {  	v13 =	vld [tilespmem:s17+$0xFFFFFF50]  }
0x14d: {  	v14 =	vld [tilespmem:s20+$0xFFFFFF50];
	_ =	sdelay $0x2  }
0x14e: {  	v15 =	vunpack.i.u.bf16.f32 v0  }
0x14f: {  	v0 =	vunpack.i.l.bf16.f32 v0;
	v16 =	vunpack.i.u.bf16.f32 v1;
	v1 =	vunpack.i.l.bf16.f32 v1  }
0x150: {  	v17 =	vunpack.i.u.bf16.f32 v13;
	v2 =	vunpack.i.l.bf16.f32 v13;
	v18 =	vunpack.i.l.bf16.f32 v14  }
0x151: {  	v3 =	vunpack.i.u.bf16.f32 v14;
	v0 =	vadd.f32 v1, v0;
	v19 =	vadd.f32 v18, v2  }
0x152: {  	v20 =	vadd.f32 v16, v15;
	v3 =	vadd.f32 v3, v17  }
0x153: {  	v0 =	vpack.i.f32.bf16 v19, v0  }
0x154: {  	v21 =	vpack.i.f32.bf16 v3, v20;
	[tilespmem:s12+$0xFFFFFF80] =	vst v0  }
0x155: {  	[tilespmem:s12+$0xFFFFFFC0] =	vst v21  }
0x156: {  	v0 =	vld [tilespmem:s17+$0xFFFFF560]  }
0x157: {  	v1 =	vld [tilespmem:s20+$0xFFFFF560]  }
0x158: {  	v22 =	vld [tilespmem:s17+$0xFFFFFF60]  }
0x159: {  	v23 =	vld [tilespmem:s20+$0xFFFFFF60];
	_ =	sdelay $0x2  }
0x15a: {  	v24 =	vunpack.i.u.bf16.f32 v0  }
0x15b: {  	v0 =	vunpack.i.l.bf16.f32 v0;
	v25 =	vunpack.i.u.bf16.f32 v1;
	v1 =	vunpack.i.l.bf16.f32 v1  }
0x15c: {  	v26 =	vunpack.i.u.bf16.f32 v22;
	v2 =	vunpack.i.l.bf16.f32 v22;
	v27 =	vunpack.i.l.bf16.f32 v23  }
0x15d: {  	v3 =	vunpack.i.u.bf16.f32 v23;
	v0 =	vadd.f32 v1, v0;
	v28 =	vadd.f32 v27, v2  }
0x15e: {  	v29 =	vadd.f32 v25, v24;
	v3 =	vadd.f32 v3, v26  }
0x15f: {  	v0 =	vpack.i.f32.bf16 v28, v0  }
0x160: {  	v30 =	vpack.i.f32.bf16 v3, v29;
	[tilespmem:s12+$0xFFFFFF90] =	vst v0  }
0x161: {  	[tilespmem:s12+$0xFFFFFFD0] =	vst v30  }
0x162: {  	v0 =	vld [tilespmem:s17+$0xFFFFF570]  }
0x163: {  	v1 =	vld [tilespmem:s20+$0xFFFFF570]  }
0x164: {  	v31 =	vld [tilespmem:s17+$0xFFFFFF70]  }
0x165: {  	v32 =	vld [tilespmem:s20+$0xFFFFFF70];
	_ =	sdelay $0x2  }
0x166: {  	v33 =	vunpack.i.u.bf16.f32 v0  }
0x167: {  	v0 =	vunpack.i.l.bf16.f32 v0;
	v34 =	vunpack.i.u.bf16.f32 v1;
	v1 =	vunpack.i.l.bf16.f32 v1  }
0x168: {  	v35 =	vunpack.i.u.bf16.f32 v31;
	v2 =	vunpack.i.l.bf16.f32 v31;
	v36 =	vunpack.i.l.bf16.f32 v32  }
0x169: {  	v3 =	vunpack.i.u.bf16.f32 v32;
	v0 =	vadd.f32 v1, v0;
	v37 =	vadd.f32 v36, v2  }
0x16a: {  	v38 =	vadd.f32 v34, v33;
	v3 =	vadd.f32 v3, v35  }
0x16b: {  	v0 =	vpack.i.f32.bf16 v37, v0  }
0x16c: {  	v39 =	vpack.i.f32.bf16 v3, v38;
	[tilespmem:s12+$0xFFFFFFA0] =	vst v0  }
0x16d: {  	[tilespmem:s12+$0xFFFFFFE0] =	vst v39  }
0x16e: {  	v0 =	vld [tilespmem:s17+$0xFFFFF580]  }
0x16f: {  	v1 =	vld [tilespmem:s20+$0xFFFFF580]  }
0x170: {  	v40 =	vld [tilespmem:s17+$0xFFFFFF80]  }
0x171: {  	v41 =	vld [tilespmem:s20+$0xFFFFFF80];
	_ =	sdelay $0x2  }
0x172: {  	v42 =	vunpack.i.u.bf16.f32 v0  }
0x173: {  	v0 =	vunpack.i.l.bf16.f32 v0;
	v43 =	vunpack.i.u.bf16.f32 v1;
	v1 =	vunpack.i.l.bf16.f32 v1  }
0x174: {  	v44 =	vunpack.i.u.bf16.f32 v40;
	v2 =	vunpack.i.l.bf16.f32 v40;
	v45 =	vunpack.i.l.bf16.f32 v41  }
0x175: {  	v3 =	vunpack.i.u.bf16.f32 v41;
	v0 =	vadd.f32 v1, v0;
	v46 =	vadd.f32 v45, v2  }
0x176: {  	v47 =	vadd.f32 v43, v42;
	v3 =	vadd.f32 v3, v44  }
0x177: {  	v0 =	vpack.i.f32.bf16 v46, v0  }
0x178: {  	v48 =	vpack.i.f32.bf16 v3, v47;
	[tilespmem:s12+$0xFFFFFFB0] =	vst v0  }
0x179: {  	[tilespmem:s12+$0xFFFFFFF0] =	vst v48  }
0x17a: {  	v0 =	vld [tilespmem:s17+$0xFFFFF590]  }
0x17b: {  	v1 =	vld [tilespmem:s20+$0xFFFFF590]  }
0x17c: {  	v49 =	vld [tilespmem:s17+$0xFFFFFF90]  }
0x17d: {  	v50 =	vld [tilespmem:s20+$0xFFFFFF90];
	_ =	sdelay $0x2  }
0x17e: {  	v51 =	vunpack.i.u.bf16.f32 v0  }
0x17f: {  	v0 =	vunpack.i.l.bf16.f32 v0;
	v52 =	vunpack.i.u.bf16.f32 v1;
	v1 =	vunpack.i.l.bf16.f32 v1  }
0x180: {  	v53 =	vunpack.i.u.bf16.f32 v49;
	v2 =	vunpack.i.l.bf16.f32 v49;
	v54 =	vunpack.i.l.bf16.f32 v50  }
0x181: {  	v3 =	vunpack.i.u.bf16.f32 v50;
	v0 =	vadd.f32 v1, v0;
	v55 =	vadd.f32 v54, v2  }
0x182: {  	v56 =	vadd.f32 v52, v51;
	v3 =	vadd.f32 v3, v53  }
0x183: {  	v0 =	vpack.i.f32.bf16 v55, v0  }
0x184: {  	v57 =	vpack.i.f32.bf16 v3, v56;
	[tilespmem:s12+$0x0] =	vst v0  }
0x185: {  	[tilespmem:s12+$0x40] =	vst v57  }
0x186: {  	v0 =	vld [tilespmem:s17+$0xFFFFF5A0]  }
0x187: {  	v1 =	vld [tilespmem:s20+$0xFFFFF5A0]  }
0x188: {  	v58 =	vld [tilespmem:s17+$0xFFFFFFA0]  }
0x189: {  	v59 =	vld [tilespmem:s20+$0xFFFFFFA0];
	_ =	sdelay $0x2  }
0x18a: {  	v60 =	vunpack.i.u.bf16.f32 v0  }
0x18b: {  	v0 =	vunpack.i.l.bf16.f32 v0;
	v61 =	vunpack.i.u.bf16.f32 v1;
	v1 =	vunpack.i.l.bf16.f32 v1  }
0x18c: {  	v62 =	vunpack.i.u.bf16.f32 v58;
	v2 =	vunpack.i.l.bf16.f32 v58;
	v63 =	vunpack.i.l.bf16.f32 v59  }
0x18d: {  	v3 =	vunpack.i.u.bf16.f32 v59;
	v0 =	vadd.f32 v1, v0;
	v7 =	vadd.f32 v63, v2  }
0x18e: {  	v8 =	vadd.f32 v61, v60;
	v3 =	vadd.f32 v3, v62  }
0x18f: {  	v0 =	vpack.i.f32.bf16 v7, v0  }
0x190: {  	v9 =	vpack.i.f32.bf16 v3, v8;
	[tilespmem:s12+$0x10] =	vst v0  }
0x191: {  	[tilespmem:s12+$0x50] =	vst v9  }
0x192: {  	v0 =	vld [tilespmem:s17+$0xFFFFF5B0]  }
0x193: {  	v1 =	vld [tilespmem:s20+$0xFFFFF5B0]  }
0x194: {  	v10 =	vld [tilespmem:s17+$0xFFFFFFB0]  }
0x195: {  	v11 =	vld [tilespmem:s20+$0xFFFFFFB0];
	_ =	sdelay $0x2  }
0x196: {  	v12 =	vunpack.i.u.bf16.f32 v0  }
0x197: {  	v0 =	vunpack.i.l.bf16.f32 v0;
	v13 =	vunpack.i.u.bf16.f32 v1;
	v1 =	vunpack.i.l.bf16.f32 v1  }
0x198: {  	v14 =	vunpack.i.u.bf16.f32 v10;
	v2 =	vunpack.i.l.bf16.f32 v10;
	v15 =	vunpack.i.l.bf16.f32 v11  }
0x199: {  	v3 =	vunpack.i.u.bf16.f32 v11;
	v0 =	vadd.f32 v1, v0;
	v16 =	vadd.f32 v15, v2  }
0x19a: {  	v17 =	vadd.f32 v13, v12;
	v3 =	vadd.f32 v3, v14  }
0x19b: {  	v0 =	vpack.i.f32.bf16 v16, v0  }
0x19c: {  	v18 =	vpack.i.f32.bf16 v3, v17;
	[tilespmem:s12+$0x20] =	vst v0  }
0x19d: {  	[tilespmem:s12+$0x60] =	vst v18  }
0x19e: {  	v0 =	vld [tilespmem:s17+$0xFFFFF5C0]  }
0x19f: {  	v1 =	vld [tilespmem:s20+$0xFFFFF5C0]  }
0x1a0: {  	v19 =	vld [tilespmem:s17+$0xFFFFFFC0]  }
0x1a1: {  	v20 =	vld [tilespmem:s20+$0xFFFFFFC0];
	_ =	sdelay $0x2  }
0x1a2: {  	v21 =	vunpack.i.u.bf16.f32 v0  }
0x1a3: {  	v0 =	vunpack.i.l.bf16.f32 v0;
	v22 =	vunpack.i.u.bf16.f32 v1;
	v1 =	vunpack.i.l.bf16.f32 v1  }
0x1a4: {  	v23 =	vunpack.i.u.bf16.f32 v19;
	v2 =	vunpack.i.l.bf16.f32 v19;
	v24 =	vunpack.i.l.bf16.f32 v20  }
0x1a5: {  	v3 =	vunpack.i.u.bf16.f32 v20;
	v0 =	vadd.f32 v1, v0;
	v25 =	vadd.f32 v24, v2  }
0x1a6: {  	v26 =	vadd.f32 v22, v21;
	v3 =	vadd.f32 v3, v23  }
0x1a7: {  	v0 =	vpack.i.f32.bf16 v25, v0  }
0x1a8: {  	v27 =	vpack.i.f32.bf16 v3, v26;
	[tilespmem:s12+$0x30] =	vst v0  }
0x1a9: {  	[tilespmem:s12+$0x70] =	vst v27  }
0x1aa: {  	v0 =	vld [tilespmem:s17+$0xFFFFF5D0]  }
0x1ab: {  	v1 =	vld [tilespmem:s20+$0xFFFFF5D0]  }
0x1ac: {  	v28 =	vld [tilespmem:s17+$0xFFFFFFD0]  }
0x1ad: {  	v29 =	vld [tilespmem:s20+$0xFFFFFFD0];
	_ =	sdelay $0x2  }
0x1ae: {  	v30 =	vunpack.i.u.bf16.f32 v0  }
0x1af: {  	v0 =	vunpack.i.l.bf16.f32 v0;
	v31 =	vunpack.i.u.bf16.f32 v1;
	v1 =	vunpack.i.l.bf16.f32 v1  }
0x1b0: {  	v32 =	vunpack.i.u.bf16.f32 v28;
	v2 =	vunpack.i.l.bf16.f32 v28;
	v33 =	vunpack.i.l.bf16.f32 v29  }
0x1b1: {  	v3 =	vunpack.i.u.bf16.f32 v29;
	v0 =	vadd.f32 v1, v0;
	v34 =	vadd.f32 v33, v2  }
0x1b2: {  	v35 =	vadd.f32 v31, v30;
	v3 =	vadd.f32 v3, v32  }
0x1b3: {  	v0 =	vpack.i.f32.bf16 v34, v0  }
0x1b4: {  	v36 =	vpack.i.f32.bf16 v3, v35;
	[tilespmem:s12+$0x80] =	vst v0  }
0x1b5: {  	[tilespmem:s12+$0xC0] =	vst v36  }
0x1b6: {  	v0 =	vld [tilespmem:s17+$0xFFFFF5E0]  }
0x1b7: {  	v1 =	vld [tilespmem:s20+$0xFFFFF5E0]  }
0x1b8: {  	v37 =	vld [tilespmem:s17+$0xFFFFFFE0]  }
0x1b9: {  	v38 =	vld [tilespmem:s20+$0xFFFFFFE0];
	_ =	sdelay $0x2  }
0x1ba: {  	v39 =	vunpack.i.u.bf16.f32 v0  }
0x1bb: {  	v0 =	vunpack.i.l.bf16.f32 v0;
	v40 =	vunpack.i.u.bf16.f32 v1;
	v1 =	vunpack.i.l.bf16.f32 v1  }
0x1bc: {  	v41 =	vunpack.i.u.bf16.f32 v37;
	v2 =	vunpack.i.l.bf16.f32 v37;
	v42 =	vunpack.i.l.bf16.f32 v38  }
0x1bd: {  	v3 =	vunpack.i.u.bf16.f32 v38;
	v0 =	vadd.f32 v1, v0;
	v43 =	vadd.f32 v42, v2  }
0x1be: {  	v44 =	vadd.f32 v40, v39;
	v3 =	vadd.f32 v3, v41  }
0x1bf: {  	v0 =	vpack.i.f32.bf16 v43, v0  }
0x1c0: {  	v45 =	vpack.i.f32.bf16 v3, v44;
	[tilespmem:s12+$0x90] =	vst v0  }
0x1c1: {  	[tilespmem:s12+$0xD0] =	vst v45  }
0x1c2: {  	v0 =	vld [tilespmem:s17+$0xFFFFF5F0]  }
0x1c3: {  	v1 =	vld [tilespmem:s20+$0xFFFFF5F0]  }
0x1c4: {  	v46 =	vld [tilespmem:s17+$0xFFFFFFF0]  }
0x1c5: {  	v47 =	vld [tilespmem:s20+$0xFFFFFFF0];
	_ =	sdelay $0x2  }
0x1c6: {  	v48 =	vunpack.i.u.bf16.f32 v0  }
0x1c7: {  	v0 =	vunpack.i.l.bf16.f32 v0;
	v49 =	vunpack.i.u.bf16.f32 v1;
	v1 =	vunpack.i.l.bf16.f32 v1  }
0x1c8: {  	v50 =	vunpack.i.u.bf16.f32 v46;
	v2 =	vunpack.i.l.bf16.f32 v46;
	v51 =	vunpack.i.l.bf16.f32 v47  }
0x1c9: {  	v3 =	vunpack.i.u.bf16.f32 v47;
	v0 =	vadd.f32 v1, v0;
	v52 =	vadd.f32 v51, v2  }
0x1ca: {  	v53 =	vadd.f32 v49, v48;
	v3 =	vadd.f32 v3, v50  }
0x1cb: {  	v0 =	vpack.i.f32.bf16 v52, v0  }
0x1cc: {  	v54 =	vpack.i.f32.bf16 v3, v53;
	[tilespmem:s12+$0xA0] =	vst v0  }
0x1cd: {  	[tilespmem:s12+$0xE0] =	vst v54  }
0x1ce: {  	v0 =	vld [tilespmem:s17+$0xFFFFF600]  }
0x1cf: {  	v1 =	vld [tilespmem:s20+$0xFFFFF600]  }
0x1d0: {  	v55 =	vld [tilespmem:s17+$0x0]  }
0x1d1: {  	v56 =	vld [tilespmem:s20+$0x0];
	_ =	sdelay $0x2  }
0x1d2: {  	v57 =	vunpack.i.u.bf16.f32 v0  }
0x1d3: {  	s0 =	sadd.s32 $0x4, s0;
	v0 =	vunpack.i.l.bf16.f32 v0;
	v58 =	vunpack.i.u.bf16.f32 v1;
	v1 =	vunpack.i.l.bf16.f32 v1  }
0x1d4: {  	p0 =	slt.u32 s0, $0x24;
	v59 =	vunpack.i.u.bf16.f32 v55;
	v2 =	vunpack.i.l.bf16.f32 v55;
	v60 =	vunpack.i.l.bf16.f32 v56  }
.Ltmp5:
0x1d5: {  	v3 =	vunpack.i.u.bf16.f32 v56;
	v0 =	vadd.f32 v1, v0;
	v61 =	vadd.f32 v60, v2;
	(pc) =	sbr.rel @p0 .LBB2_13-.Ltmp5, $4  }
0x1d6: {  	v62 =	vadd.f32 v58, v57;
	v3 =	vadd.f32 v3, v59  }
0x1d7: {  	v0 =	vpack.i.f32.bf16 v61, v0  }
0x1d8: {  	v63 =	vpack.i.f32.bf16 v3, v62;
	[tilespmem:s12+$0xB0] =	vst v0  }
0x1d9: {  	s17 =	sadd.s32 $0x100, s17;
	s20 =	sadd.s32 $0x100, s20;
	[tilespmem:s12+$0xF0] =	vst v63;
	s12 =	sadd.s32 $0x200, s12  }
0x1da: {  	p0 =	seq.s32 s30, $0x3D  }
.Ltmp6:
0x1db: {  	s0 =	sadd.s32 s3, s11;
	(pc) =	sbr.rel @p0 .LBB2_16-.Ltmp6, $4  }
0x1dc: {  	s0 =	sshll.u32 s0, $0x4  }
0x1dd: {  	s0 =	sand.u32 $0x1FFFFF80, s0  }
0x1de: {  	s0 =	sadd.s32 s6, s0  }
0x1df: {  	[hbm4b:s0+s4] =	stream.linear.scatter [tilespmem:s25], [sflag:$0x4], $0x1400, $0x38;
	[tilespmem:$0xC620] =	vst v63  }
.Ltmp7:
0x1e0: {  	(pc) =	sbr.rel .LBB2_10-.Ltmp7, $4  }
0x1e1: {  	s0 =	sadd.s32 $0xF0, s31  }
0x1e2: {  	[tilespmem:s19], [sflag:$0x2] =	stream.indirect.gather [hbm4b:s1+s15], $0x40, s0, s15, $0xb8;
	[tilespmem:$0xC620] =	vst v63  }
0x1e3: {  	s31 =	sadd.s32 $0x2800, s31;
	s30 =	sadd.s32 $0x1, s30  }
0x1e4: {  	[tilespmem:s21], [sflag:$0x2] =	stream.indirect.gather [hbm4b:s2+s15], $0x40, s31, s15, $0xb8;
	[tilespmem:$0xC620] =	vst v63  }
.LBB2_16:
0x1e5: {  	_ =	swait.ge [sflag:s22], $0x1400  }
0x1e6: {  	[sflag:s22] =	ssyncset.done $0x0  }
0x1e7: {  	[sflag:s22] =	ssyncadd.s32 $0xFFFFEC00  }
0x1e8: {  	_ =	swait.ge [sflag:s22], $0x1400  }
0x1e9: {  	[sflag:s22] =	ssyncset.done $0x0  }
0x1ea: {  	[sflag:s22] =	ssyncadd.s32 $0xFFFFEC00  }
0x1eb: {  	_ =	swait.ge [sflag:s26], $0x1400  }
0x1ec: {  	s0 =	simm.s32 $0xFFFFFFFC;
	s3 =	simm.s32 $0x5910;
	[sflag:s26] =	ssyncset.done $0x0  }
0x1ed: {  	s17 =	simm.s32 $0x8110;
	s12 =	simm.s32 $0x9F20;
	[sflag:s26] =	ssyncadd.s32 $0xFFFFEC00  }
.LBB2_17:
0x1ee: {  	v0 =	vld [tilespmem:s3+$0xFFFFF510]  }
0x1ef: {  	v1 =	vld [tilespmem:s17+$0xFFFFF510]  }
0x1f0: {  	v2 =	vld [tilespmem:s3+$0xFFFFFF10]  }
0x1f1: {  	v3 =	vld [tilespmem:s17+$0xFFFFFF10];
	_ =	sdelay $0x2  }
0x1f2: {  	v4 =	vunpack.i.u.bf16.f32 v0  }
0x1f3: {  	v0 =	vunpack.i.l.bf16.f32 v0;
	v5 =	vunpack.i.u.bf16.f32 v1;
	v1 =	vunpack.i.l.bf16.f32 v1  }
0x1f4: {  	v6 =	vunpack.i.u.bf16.f32 v2;
	v2 =	vunpack.i.l.bf16.f32 v2;
	v7 =	vunpack.i.l.bf16.f32 v3  }
0x1f5: {  	v3 =	vunpack.i.u.bf16.f32 v3;
	v0 =	vadd.f32 v1, v0;
	v38 =	vadd.f32 v7, v2  }
0x1f6: {  	v39 =	vadd.f32 v5, v4;
	v3 =	vadd.f32 v3, v6  }
0x1f7: {  	v0 =	vpack.i.f32.bf16 v38, v0  }
0x1f8: {  	v40 =	vpack.i.f32.bf16 v3, v39;
	[tilespmem:s12+$0xFFFFFF00] =	vst v0  }
0x1f9: {  	[tilespmem:s12+$0xFFFFFF40] =	vst v40  }
0x1fa: {  	v0 =	vld [tilespmem:s3+$0xFFFFF520]  }
0x1fb: {  	v1 =	vld [tilespmem:s17+$0xFFFFF520]  }
0x1fc: {  	v41 =	vld [tilespmem:s3+$0xFFFFFF20]  }
0x1fd: {  	v42 =	vld [tilespmem:s17+$0xFFFFFF20];
	_ =	sdelay $0x2  }
0x1fe: {  	v43 =	vunpack.i.u.bf16.f32 v0  }
0x1ff: {  	v0 =	vunpack.i.l.bf16.f32 v0;
	v44 =	vunpack.i.u.bf16.f32 v1;
	v1 =	vunpack.i.l.bf16.f32 v1  }
0x200: {  	v45 =	vunpack.i.u.bf16.f32 v41;
	v2 =	vunpack.i.l.bf16.f32 v41;
	v46 =	vunpack.i.l.bf16.f32 v42  }
0x201: {  	v3 =	vunpack.i.u.bf16.f32 v42;
	v0 =	vadd.f32 v1, v0;
	v47 =	vadd.f32 v46, v2  }
0x202: {  	v48 =	vadd.f32 v44, v43;
	v3 =	vadd.f32 v3, v45  }
0x203: {  	v0 =	vpack.i.f32.bf16 v47, v0  }
0x204: {  	v49 =	vpack.i.f32.bf16 v3, v48;
	[tilespmem:s12+$0xFFFFFF10] =	vst v0  }
0x205: {  	[tilespmem:s12+$0xFFFFFF50] =	vst v49  }
0x206: {  	v0 =	vld [tilespmem:s3+$0xFFFFF530]  }
0x207: {  	v1 =	vld [tilespmem:s17+$0xFFFFF530]  }
0x208: {  	v50 =	vld [tilespmem:s3+$0xFFFFFF30]  }
0x209: {  	v51 =	vld [tilespmem:s17+$0xFFFFFF30];
	_ =	sdelay $0x2  }
0x20a: {  	v52 =	vunpack.i.u.bf16.f32 v0  }
0x20b: {  	v0 =	vunpack.i.l.bf16.f32 v0;
	v53 =	vunpack.i.u.bf16.f32 v1;
	v1 =	vunpack.i.l.bf16.f32 v1  }
0x20c: {  	v54 =	vunpack.i.u.bf16.f32 v50;
	v2 =	vunpack.i.l.bf16.f32 v50;
	v55 =	vunpack.i.l.bf16.f32 v51  }
0x20d: {  	v3 =	vunpack.i.u.bf16.f32 v51;
	v0 =	vadd.f32 v1, v0;
	v56 =	vadd.f32 v55, v2  }
0x20e: {  	v57 =	vadd.f32 v53, v52;
	v3 =	vadd.f32 v3, v54  }
0x20f: {  	v0 =	vpack.i.f32.bf16 v56, v0  }
0x210: {  	v58 =	vpack.i.f32.bf16 v3, v57;
	[tilespmem:s12+$0xFFFFFF20] =	vst v0  }
0x211: {  	[tilespmem:s12+$0xFFFFFF60] =	vst v58  }
0x212: {  	v0 =	vld [tilespmem:s3+$0xFFFFF540]  }
0x213: {  	v1 =	vld [tilespmem:s17+$0xFFFFF540]  }
0x214: {  	v59 =	vld [tilespmem:s3+$0xFFFFFF40]  }
0x215: {  	v60 =	vld [tilespmem:s17+$0xFFFFFF40];
	_ =	sdelay $0x2  }
0x216: {  	v61 =	vunpack.i.u.bf16.f32 v0  }
0x217: {  	v0 =	vunpack.i.l.bf16.f32 v0;
	v62 =	vunpack.i.u.bf16.f32 v1;
	v1 =	vunpack.i.l.bf16.f32 v1  }
0x218: {  	v63 =	vunpack.i.u.bf16.f32 v59;
	v2 =	vunpack.i.l.bf16.f32 v59;
	v9 =	vunpack.i.l.bf16.f32 v60  }
0x219: {  	v3 =	vunpack.i.u.bf16.f32 v60;
	v0 =	vadd.f32 v1, v0;
	v10 =	vadd.f32 v9, v2  }
0x21a: {  	v11 =	vadd.f32 v62, v61;
	v3 =	vadd.f32 v3, v63  }
0x21b: {  	v0 =	vpack.i.f32.bf16 v10, v0  }
0x21c: {  	v12 =	vpack.i.f32.bf16 v3, v11;
	[tilespmem:s12+$0xFFFFFF30] =	vst v0  }
0x21d: {  	[tilespmem:s12+$0xFFFFFF70] =	vst v12  }
0x21e: {  	v0 =	vld [tilespmem:s3+$0xFFFFF550]  }
0x21f: {  	v1 =	vld [tilespmem:s17+$0xFFFFF550]  }
0x220: {  	v13 =	vld [tilespmem:s3+$0xFFFFFF50]  }
0x221: {  	v14 =	vld [tilespmem:s17+$0xFFFFFF50];
	_ =	sdelay $0x2  }
0x222: {  	v15 =	vunpack.i.u.bf16.f32 v0  }
0x223: {  	v0 =	vunpack.i.l.bf16.f32 v0;
	v16 =	vunpack.i.u.bf16.f32 v1;
	v1 =	vunpack.i.l.bf16.f32 v1  }
0x224: {  	v17 =	vunpack.i.u.bf16.f32 v13;
	v2 =	vunpack.i.l.bf16.f32 v13;
	v18 =	vunpack.i.l.bf16.f32 v14  }
0x225: {  	v3 =	vunpack.i.u.bf16.f32 v14;
	v0 =	vadd.f32 v1, v0;
	v19 =	vadd.f32 v18, v2  }
0x226: {  	v20 =	vadd.f32 v16, v15;
	v3 =	vadd.f32 v3, v17  }
0x227: {  	v0 =	vpack.i.f32.bf16 v19, v0  }
0x228: {  	v21 =	vpack.i.f32.bf16 v3, v20;
	[tilespmem:s12+$0xFFFFFF80] =	vst v0  }
0x229: {  	[tilespmem:s12+$0xFFFFFFC0] =	vst v21  }
0x22a: {  	v0 =	vld [tilespmem:s3+$0xFFFFF560]  }
0x22b: {  	v1 =	vld [tilespmem:s17+$0xFFFFF560]  }
0x22c: {  	v22 =	vld [tilespmem:s3+$0xFFFFFF60]  }
0x22d: {  	v23 =	vld [tilespmem:s17+$0xFFFFFF60];
	_ =	sdelay $0x2  }
0x22e: {  	v24 =	vunpack.i.u.bf16.f32 v0  }
0x22f: {  	v0 =	vunpack.i.l.bf16.f32 v0;
	v25 =	vunpack.i.u.bf16.f32 v1;
	v1 =	vunpack.i.l.bf16.f32 v1  }
0x230: {  	v26 =	vunpack.i.u.bf16.f32 v22;
	v2 =	vunpack.i.l.bf16.f32 v22;
	v27 =	vunpack.i.l.bf16.f32 v23  }
0x231: {  	v3 =	vunpack.i.u.bf16.f32 v23;
	v0 =	vadd.f32 v1, v0;
	v28 =	vadd.f32 v27, v2  }
0x232: {  	v29 =	vadd.f32 v25, v24;
	v3 =	vadd.f32 v3, v26  }
0x233: {  	v0 =	vpack.i.f32.bf16 v28, v0  }
0x234: {  	v30 =	vpack.i.f32.bf16 v3, v29;
	[tilespmem:s12+$0xFFFFFF90] =	vst v0  }
0x235: {  	[tilespmem:s12+$0xFFFFFFD0] =	vst v30  }
0x236: {  	v0 =	vld [tilespmem:s3+$0xFFFFF570]  }
0x237: {  	v1 =	vld [tilespmem:s17+$0xFFFFF570]  }
0x238: {  	v31 =	vld [tilespmem:s3+$0xFFFFFF70]  }
0x239: {  	v32 =	vld [tilespmem:s17+$0xFFFFFF70];
	_ =	sdelay $0x2  }
0x23a: {  	v33 =	vunpack.i.u.bf16.f32 v0  }
0x23b: {  	v0 =	vunpack.i.l.bf16.f32 v0;
	v34 =	vunpack.i.u.bf16.f32 v1;
	v1 =	vunpack.i.l.bf16.f32 v1  }
0x23c: {  	v35 =	vunpack.i.u.bf16.f32 v31;
	v2 =	vunpack.i.l.bf16.f32 v31;
	v36 =	vunpack.i.l.bf16.f32 v32  }
0x23d: {  	v3 =	vunpack.i.u.bf16.f32 v32;
	v0 =	vadd.f32 v1, v0;
	v37 =	vadd.f32 v36, v2  }
0x23e: {  	v38 =	vadd.f32 v34, v33;
	v3 =	vadd.f32 v3, v35  }
0x23f: {  	v0 =	vpack.i.f32.bf16 v37, v0  }
0x240: {  	v39 =	vpack.i.f32.bf16 v3, v38;
	[tilespmem:s12+$0xFFFFFFA0] =	vst v0  }
0x241: {  	[tilespmem:s12+$0xFFFFFFE0] =	vst v39  }
0x242: {  	v0 =	vld [tilespmem:s3+$0xFFFFF580]  }
0x243: {  	v1 =	vld [tilespmem:s17+$0xFFFFF580]  }
0x244: {  	v40 =	vld [tilespmem:s3+$0xFFFFFF80]  }
0x245: {  	v41 =	vld [tilespmem:s17+$0xFFFFFF80];
	_ =	sdelay $0x2  }
0x246: {  	v42 =	vunpack.i.u.bf16.f32 v0  }
0x247: {  	v0 =	vunpack.i.l.bf16.f32 v0;
	v43 =	vunpack.i.u.bf16.f32 v1;
	v1 =	vunpack.i.l.bf16.f32 v1  }
0x248: {  	v44 =	vunpack.i.u.bf16.f32 v40;
	v2 =	vunpack.i.l.bf16.f32 v40;
	v45 =	vunpack.i.l.bf16.f32 v41  }
0x249: {  	v3 =	vunpack.i.u.bf16.f32 v41;
	v0 =	vadd.f32 v1, v0;
	v46 =	vadd.f32 v45, v2  }
0x24a: {  	v47 =	vadd.f32 v43, v42;
	v3 =	vadd.f32 v3, v44  }
0x24b: {  	v0 =	vpack.i.f32.bf16 v46, v0  }
0x24c: {  	v48 =	vpack.i.f32.bf16 v3, v47;
	[tilespmem:s12+$0xFFFFFFB0] =	vst v0  }
0x24d: {  	[tilespmem:s12+$0xFFFFFFF0] =	vst v48  }
0x24e: {  	v0 =	vld [tilespmem:s3+$0xFFFFF590]  }
0x24f: {  	v1 =	vld [tilespmem:s17+$0xFFFFF590]  }
0x250: {  	v49 =	vld [tilespmem:s3+$0xFFFFFF90]  }
0x251: {  	v50 =	vld [tilespmem:s17+$0xFFFFFF90];
	_ =	sdelay $0x2  }
0x252: {  	v51 =	vunpack.i.u.bf16.f32 v0  }
0x253: {  	v0 =	vunpack.i.l.bf16.f32 v0;
	v52 =	vunpack.i.u.bf16.f32 v1;
	v1 =	vunpack.i.l.bf16.f32 v1  }
0x254: {  	v53 =	vunpack.i.u.bf16.f32 v49;
	v2 =	vunpack.i.l.bf16.f32 v49;
	v54 =	vunpack.i.l.bf16.f32 v50  }
0x255: {  	v3 =	vunpack.i.u.bf16.f32 v50;
	v0 =	vadd.f32 v1, v0;
	v55 =	vadd.f32 v54, v2  }
0x256: {  	v56 =	vadd.f32 v52, v51;
	v3 =	vadd.f32 v3, v53  }
0x257: {  	v0 =	vpack.i.f32.bf16 v55, v0  }
0x258: {  	v57 =	vpack.i.f32.bf16 v3, v56;
	[tilespmem:s12+$0x0] =	vst v0  }
0x259: {  	[tilespmem:s12+$0x40] =	vst v57  }
0x25a: {  	v0 =	vld [tilespmem:s3+$0xFFFFF5A0]  }
0x25b: {  	v1 =	vld [tilespmem:s17+$0xFFFFF5A0]  }
0x25c: {  	v58 =	vld [tilespmem:s3+$0xFFFFFFA0]  }
0x25d: {  	v59 =	vld [tilespmem:s17+$0xFFFFFFA0];
	_ =	sdelay $0x2  }
0x25e: {  	v60 =	vunpack.i.u.bf16.f32 v0  }
0x25f: {  	v0 =	vunpack.i.l.bf16.f32 v0;
	v61 =	vunpack.i.u.bf16.f32 v1;
	v1 =	vunpack.i.l.bf16.f32 v1  }
0x260: {  	v62 =	vunpack.i.u.bf16.f32 v58;
	v2 =	vunpack.i.l.bf16.f32 v58;
	v63 =	vunpack.i.l.bf16.f32 v59  }
0x261: {  	v3 =	vunpack.i.u.bf16.f32 v59;
	v0 =	vadd.f32 v1, v0;
	v7 =	vadd.f32 v63, v2  }
0x262: {  	v8 =	vadd.f32 v61, v60;
	v3 =	vadd.f32 v3, v62  }
0x263: {  	v0 =	vpack.i.f32.bf16 v7, v0  }
0x264: {  	v9 =	vpack.i.f32.bf16 v3, v8;
	[tilespmem:s12+$0x10] =	vst v0  }
0x265: {  	[tilespmem:s12+$0x50] =	vst v9  }
0x266: {  	v0 =	vld [tilespmem:s3+$0xFFFFF5B0]  }
0x267: {  	v1 =	vld [tilespmem:s17+$0xFFFFF5B0]  }
0x268: {  	v10 =	vld [tilespmem:s3+$0xFFFFFFB0]  }
0x269: {  	v11 =	vld [tilespmem:s17+$0xFFFFFFB0];
	_ =	sdelay $0x2  }
0x26a: {  	v12 =	vunpack.i.u.bf16.f32 v0  }
0x26b: {  	v0 =	vunpack.i.l.bf16.f32 v0;
	v13 =	vunpack.i.u.bf16.f32 v1;
	v1 =	vunpack.i.l.bf16.f32 v1  }
0x26c: {  	v14 =	vunpack.i.u.bf16.f32 v10;
	v2 =	vunpack.i.l.bf16.f32 v10;
	v15 =	vunpack.i.l.bf16.f32 v11  }
0x26d: {  	v3 =	vunpack.i.u.bf16.f32 v11;
	v0 =	vadd.f32 v1, v0;
	v16 =	vadd.f32 v15, v2  }
0x26e: {  	v17 =	vadd.f32 v13, v12;
	v3 =	vadd.f32 v3, v14  }
0x26f: {  	v0 =	vpack.i.f32.bf16 v16, v0  }
0x270: {  	v18 =	vpack.i.f32.bf16 v3, v17;
	[tilespmem:s12+$0x20] =	vst v0  }
0x271: {  	[tilespmem:s12+$0x60] =	vst v18  }
0x272: {  	v0 =	vld [tilespmem:s3+$0xFFFFF5C0]  }
0x273: {  	v1 =	vld [tilespmem:s17+$0xFFFFF5C0]  }
0x274: {  	v19 =	vld [tilespmem:s3+$0xFFFFFFC0]  }
0x275: {  	v20 =	vld [tilespmem:s17+$0xFFFFFFC0];
	_ =	sdelay $0x2  }
0x276: {  	v21 =	vunpack.i.u.bf16.f32 v0  }
0x277: {  	v0 =	vunpack.i.l.bf16.f32 v0;
	v22 =	vunpack.i.u.bf16.f32 v1;
	v1 =	vunpack.i.l.bf16.f32 v1  }
0x278: {  	v23 =	vunpack.i.u.bf16.f32 v19;
	v2 =	vunpack.i.l.bf16.f32 v19;
	v24 =	vunpack.i.l.bf16.f32 v20  }
0x279: {  	v3 =	vunpack.i.u.bf16.f32 v20;
	v0 =	vadd.f32 v1, v0;
	v25 =	vadd.f32 v24, v2  }
0x27a: {  	v26 =	vadd.f32 v22, v21;
	v3 =	vadd.f32 v3, v23  }
0x27b: {  	v0 =	vpack.i.f32.bf16 v25, v0  }
0x27c: {  	v27 =	vpack.i.f32.bf16 v3, v26;
	[tilespmem:s12+$0x30] =	vst v0  }
0x27d: {  	[tilespmem:s12+$0x70] =	vst v27  }
0x27e: {  	v0 =	vld [tilespmem:s3+$0xFFFFF5D0]  }
0x27f: {  	v1 =	vld [tilespmem:s17+$0xFFFFF5D0]  }
0x280: {  	v28 =	vld [tilespmem:s3+$0xFFFFFFD0]  }
0x281: {  	v29 =	vld [tilespmem:s17+$0xFFFFFFD0];
	_ =	sdelay $0x2  }
0x282: {  	v30 =	vunpack.i.u.bf16.f32 v0  }
0x283: {  	v0 =	vunpack.i.l.bf16.f32 v0;
	v31 =	vunpack.i.u.bf16.f32 v1;
	v1 =	vunpack.i.l.bf16.f32 v1  }
0x284: {  	v32 =	vunpack.i.u.bf16.f32 v28;
	v2 =	vunpack.i.l.bf16.f32 v28;
	v33 =	vunpack.i.l.bf16.f32 v29  }
0x285: {  	v3 =	vunpack.i.u.bf16.f32 v29;
	v0 =	vadd.f32 v1, v0;
	v34 =	vadd.f32 v33, v2  }
0x286: {  	v35 =	vadd.f32 v31, v30;
	v3 =	vadd.f32 v3, v32  }
0x287: {  	v0 =	vpack.i.f32.bf16 v34, v0  }
0x288: {  	v36 =	vpack.i.f32.bf16 v3, v35;
	[tilespmem:s12+$0x80] =	vst v0  }
0x289: {  	[tilespmem:s12+$0xC0] =	vst v36  }
0x28a: {  	v0 =	vld [tilespmem:s3+$0xFFFFF5E0]  }
0x28b: {  	v1 =	vld [tilespmem:s17+$0xFFFFF5E0]  }
0x28c: {  	v37 =	vld [tilespmem:s3+$0xFFFFFFE0]  }
0x28d: {  	v38 =	vld [tilespmem:s17+$0xFFFFFFE0];
	_ =	sdelay $0x2  }
0x28e: {  	v39 =	vunpack.i.u.bf16.f32 v0  }
0x28f: {  	v0 =	vunpack.i.l.bf16.f32 v0;
	v40 =	vunpack.i.u.bf16.f32 v1;
	v1 =	vunpack.i.l.bf16.f32 v1  }
0x290: {  	v41 =	vunpack.i.u.bf16.f32 v37;
	v2 =	vunpack.i.l.bf16.f32 v37;
	v42 =	vunpack.i.l.bf16.f32 v38  }
0x291: {  	v3 =	vunpack.i.u.bf16.f32 v38;
	v0 =	vadd.f32 v1, v0;
	v43 =	vadd.f32 v42, v2  }
0x292: {  	v44 =	vadd.f32 v40, v39;
	v3 =	vadd.f32 v3, v41  }
0x293: {  	v0 =	vpack.i.f32.bf16 v43, v0  }
0x294: {  	v45 =	vpack.i.f32.bf16 v3, v44;
	[tilespmem:s12+$0x90] =	vst v0  }
0x295: {  	[tilespmem:s12+$0xD0] =	vst v45  }
0x296: {  	v0 =	vld [tilespmem:s3+$0xFFFFF5F0]  }
0x297: {  	v1 =	vld [tilespmem:s17+$0xFFFFF5F0]  }
0x298: {  	v46 =	vld [tilespmem:s3+$0xFFFFFFF0]  }
0x299: {  	v47 =	vld [tilespmem:s17+$0xFFFFFFF0];
	_ =	sdelay $0x2  }
0x29a: {  	v48 =	vunpack.i.u.bf16.f32 v0  }
0x29b: {  	v0 =	vunpack.i.l.bf16.f32 v0;
	v49 =	vunpack.i.u.bf16.f32 v1;
	v1 =	vunpack.i.l.bf16.f32 v1  }
0x29c: {  	v50 =	vunpack.i.u.bf16.f32 v46;
	v2 =	vunpack.i.l.bf16.f32 v46;
	v51 =	vunpack.i.l.bf16.f32 v47  }
0x29d: {  	v3 =	vunpack.i.u.bf16.f32 v47;
	v0 =	vadd.f32 v1, v0;
	v52 =	vadd.f32 v51, v2  }
0x29e: {  	v53 =	vadd.f32 v49, v48;
	v3 =	vadd.f32 v3, v50  }
0x29f: {  	v0 =	vpack.i.f32.bf16 v52, v0  }
0x2a0: {  	v54 =	vpack.i.f32.bf16 v3, v53;
	[tilespmem:s12+$0xA0] =	vst v0  }
0x2a1: {  	[tilespmem:s12+$0xE0] =	vst v54  }
0x2a2: {  	v0 =	vld [tilespmem:s3+$0xFFFFF600]  }
0x2a3: {  	v1 =	vld [tilespmem:s17+$0xFFFFF600]  }
0x2a4: {  	v55 =	vld [tilespmem:s3+$0x0]  }
0x2a5: {  	v56 =	vld [tilespmem:s17+$0x0];
	_ =	sdelay $0x2  }
0x2a6: {  	v57 =	vunpack.i.u.bf16.f32 v0  }
0x2a7: {  	s0 =	sadd.s32 $0x4, s0;
	v0 =	vunpack.i.l.bf16.f32 v0;
	v58 =	vunpack.i.u.bf16.f32 v1;
	v1 =	vunpack.i.l.bf16.f32 v1  }
0x2a8: {  	p0 =	slt.u32 s0, $0x24;
	v59 =	vunpack.i.u.bf16.f32 v55;
	v2 =	vunpack.i.l.bf16.f32 v55;
	v60 =	vunpack.i.l.bf16.f32 v56  }
.Ltmp8:
0x2a9: {  	v3 =	vunpack.i.u.bf16.f32 v56;
	v0 =	vadd.f32 v1, v0;
	v61 =	vadd.f32 v60, v2;
	(pc) =	sbr.rel @p0 .LBB2_17-.Ltmp8, $4  }
0x2aa: {  	v62 =	vadd.f32 v58, v57;
	v3 =	vadd.f32 v3, v59  }
0x2ab: {  	v0 =	vpack.i.f32.bf16 v61, v0  }
0x2ac: {  	v63 =	vpack.i.f32.bf16 v3, v62;
	[tilespmem:s12+$0xB0] =	vst v0  }
0x2ad: {  	s3 =	sadd.s32 $0x100, s3;
	s17 =	sadd.s32 $0x100, s17;
	[tilespmem:s12+$0xF0] =	vst v63;
	s12 =	sadd.s32 $0x200, s12  }
0x2ae: {  	s0 =	rddreg [dreg:$0x5];
	s29 =	sadd.s32 $0x1, s29  }
0x2af: {  	[hbm4b:s0+s4] =	stream.linear.scatter [tilespmem:s23], [sflag:$0x3], $0x1400, $0x38;
	[tilespmem:$0xC620] =	vst v63  }
0x2b0: {  	p0 =	sne.s32 s29, s13;
	_ =	swait.ge [sflag:s26], $0x1400  }
.Ltmp9:
0x2b1: {  	[sflag:s26] =	ssyncset.done $0x0;
	(pc) =	sbr.rel @p0 .LBB2_1-.Ltmp9, $4  }
0x2b2: {  	[sflag:s26] =	ssyncadd.s32 $0xFFFFEC00  }
0x2b3: {  	_ =	swait.ge [sflag:s28], $0x1400  }
0x2b4: {  	[sflag:s28] =	ssyncset.done $0x0  }
0x2b5: {  	[sflag:s28] =	ssyncadd.s32 $0xFFFFEC00  }
0x2b6: {  	_ =	sfence.sel $0x180000  }
0x2b7: {  	[bflag:$0x0] =	sbarrier.arrive $0xFFFF  }
0x2b8: {  	_ =	strace $0x90000047  }
0x2b9: {  	s0 =	stileid.u32;
	[bflag:$0x2] =	sbarrier.arrive $0xFFFF  }
0x2ba: {  	p0 =	sne.s32 s0, $0x0;
	s0 =	rddreg [dreg:$0x4]  }
0x2bb: {  	s0 =	sadd.s32 @!p0 $0x100000, s0  }
0x2bc: {  	[sflag:s0] =	ssyncadd.tile.s32 @!p0 $0x1;
	_ =	shalt  }
.Lfunc_end2:
_tile_overlayer_lowered:
.L_overlay_start_2:
0x2bd: {  	(tag) =	ssettag $0x2  }
0x2be: {  	s0 =	rddreg [dreg:$0x0];
	s2 =	stileid.u32  }
0x2bf: {  	s1 =	rddreg [dreg:$0x1];
	p0 =	sne.s32 s2, $0x0  }
0x2c0: {  	s3 =	rddreg [dreg:$0x2];
	[bflag:$0x3] =	sbarrier.arrive $0xFFFF;
	s2 =	simm.s32 @!p0 $0x1C05  }
0x2c1: {  	[timem:s3], [sflag:s2] =	dma.local @!p0 [hbm:s0], s1  }
0x2c2: {  	s0 =	simm.s32 @!p0 $0x5  }
0x2c3: {  	_ =	swait.ge @!p0 [sflag:s0], s1  }
0x2c4: {  	s1 =	ssub.s32 @!p0 $0x0, s1;
	[sflag:s0] =	ssyncset.done @!p0 $0x0  }
0x2c5: {  	[sflag:s0] =	ssyncadd.s32 @!p0 s1  }
0x2c6: {  	[bflag:$0x3] =	sbarrier.arrive $0xFFFF  }
0x2c7: {  	_ =	shalt  }

</sc_bundles>
